<compile_context>
chip_gen: v7x
topology: tpu7x:2x2x1
jax: 0.10.2.dev20260603
libtpu: 0.0.44.dev20260713+nightly
codegen_flags: <defaults>
</compile_context>

<pallas_src>
import functools

import jax
import jax.numpy as jnp
from jax import lax
from jax.experimental import pallas as pl
from jax.experimental.pallas import tpu as pltpu
from jax.experimental.pallas import tpu_sc as plsc

_EULER_GAMMA = 0.5772156649015329
_EPS_VOL = 1e-23
_TINY = 1e-13
_CLAMP = 10.0

_B, _N, _D, _LE, _LN = 128, 32, 512, 64, 64
_NC, _NS, _NL = 2, 16, 16
_BPW = _B // (_NC * _NS)



_LN2 = 0.6931471805599453


def _l1pe(x):
    return jnp.log(1.0 + jnp.exp(-jnp.abs(x)))


def _log2_vol_terms(x):
    sp = jnp.maximum(x, 0.0) + _l1pe(x)
    return jnp.log2(sp + _EPS_VOL)


def _log_vol(l, r):
    return _LN2 * jnp.sum(_log2_vol_terms(r - l - 2.0 * _EULER_GAMMA), axis=-1)


def _pred_body(e_ref, nb_ref, out_ref):
    el = e_ref[:, 0, :]
    er = e_ref[:, 1, :]
    nl = nb_ref[:, :, 0, :]
    nr = nb_ref[:, :, 1, :]
    el_b = el[:, None, :]
    er_b = er[:, None, :]
    il = jnp.maximum(el_b, nl) + _l1pe(el_b - nl)
    ir = jnp.minimum(er_b, nr) - _l1pe(er_b - nr)
    log_int = _log_vol(il, ir)
    log_ent = _log_vol(el, er)[:, None]
    log_neigh = _log_vol(nl, nr)
    log_sum = jnp.maximum(log_ent, log_neigh) + _l1pe(log_ent - log_neigh)
    d = jnp.minimum(log_int - log_sum, -1e-7)
    log_union = log_sum + jnp.log1p(-jnp.exp(d))
    log_pred = log_int - log_union
    out_ref[:, :] = jnp.exp(jnp.clip(log_pred, -_CLAMP, _CLAMP))


def _pred_pallas(entity_boxes, neighbor_boxes):
    bb = 32
    grid = (_B // bb,)
    return pl.pallas_call(
        _pred_body,
        grid=grid,
        in_specs=[
            pl.BlockSpec((bb, 2, _D), lambda i: (i, 0, 0)),
            pl.BlockSpec((bb, _N, 2, _D), lambda i: (i, 0, 0, 0)),
        ],
        out_specs=pl.BlockSpec((bb, _N), lambda i: (i, 0)),
        out_shape=jax.ShapeDtypeStruct((_B, _N), jnp.float32),
    )(entity_boxes, neighbor_boxes)



def _sc_target(ent_rels, ent_lens, neigh_rels, neigh_lens):
    mesh = plsc.VectorSubcoreMesh(core_axis_name="c", subcore_axis_name="s")

    @functools.partial(
        pl.kernel,
        out_type=(jax.ShapeDtypeStruct((_B, _N), jnp.float32),
                  jax.ShapeDtypeStruct((_B, _N), jnp.float32)),
        mesh=mesh,
        compiler_params=pltpu.CompilerParams(needs_layout_passes=False),
        scratch_types=[
            pltpu.VMEM((_BPW, _LE), jnp.int32),
            pltpu.VMEM((_B,), jnp.int32),
            pltpu.VMEM((_BPW, _N, _LN), jnp.int32),
            pltpu.VMEM((_BPW, _N), jnp.int32),
            pltpu.VMEM((512,), jnp.int32),
            pltpu.VMEM((_BPW, _N), jnp.float32),
            pltpu.VMEM((_BPW, _N), jnp.float32),
        ],
    )
    def body(er_hbm, elen_hbm, nr_hbm, nlen_hbm, tgt_hbm, msk_hbm,
             ev, elv, nv, nlv, hist, tl, ml):
        wid = lax.axis_index("s") * _NC + lax.axis_index("c")
        b0 = wid * _BPW
        pltpu.sync_copy(er_hbm.at[pl.ds(b0, _BPW)], ev)
        pltpu.sync_copy(elen_hbm, elv)
        pltpu.sync_copy(nr_hbm.at[pl.ds(b0, _BPW)], nv)
        pltpu.sync_copy(nlen_hbm.at[pl.ds(b0, _BPW)], nlv)
        lanes = lax.broadcasted_iota(jnp.int32, (_NL,), 0)
        for k in range(512 // _NL):
            hist[pl.ds(k * _NL, _NL)] = jnp.zeros((_NL,), jnp.int32)
        for j in range(_BPW):
            jf = jnp.full((_NL,), j, jnp.int32)
            le_vec = plsc.load_gather(elv, [jnp.full((_NL,), b0 + j, jnp.int32)])
            le_f = le_vec.astype(jnp.float32)
            evs, ems, ecnts, elasts = [], [], [], []
            for k in range(_LE // _NL):
                v = ev[j, pl.ds(k * _NL, _NL)]
                m = (lanes + k * _NL) < le_vec
                cnt, last = plsc.scan_count(v, m)
                plsc.addupdate_scatter(hist, [v], cnt, mask=last)
                evs.append(v); ems.append(m); ecnts.append(cnt); elasts.append(last)
            for h in range(2):
                def nbody(i, carry, h=h, jf=jf, le_vec=le_vec, le_f=le_f,
                          evs=evs, ems=ems):
                    t_out, m_out = carry
                    n = h * _NL + i
                    nf = jnp.full((_NL,), n, jnp.int32)
                    ln_vec = plsc.load_gather(nlv, [jf, nf])
                    nvs, nms, ncnts, nlasts = [], [], [], []
                    for k in range(_LN // _NL):
                        vv = plsc.load_gather(nv, [jf, nf, lanes + k * _NL])
                        mm = (lanes + k * _NL) < ln_vec
                        cnt, last = plsc.scan_count(vv, mm)
                        plsc.addupdate_scatter(hist, [vv], cnt, mask=last)
                        nvs.append(vv); nms.append(mm); ncnts.append(cnt); nlasts.append(last)
                    acc = jnp.zeros((_NL,), jnp.float32)
                    for v, m in zip(evs + nvs, ems + nms):
                        occ = plsc.load_gather(hist, [v], mask=m)
                        occ_f = occ.astype(jnp.float32)
                        acc = acc + jnp.where(m & (occ >= 2), 1.0 / occ_f, 0.0)
                    for k in range(_LN // _NL):
                        plsc.addupdate_scatter(hist, [nvs[k]], -ncnts[k], mask=nlasts[k])
                    inter = jnp.full((_NL,), jnp.sum(acc), jnp.float32)
                    t_vec = inter / (le_f + ln_vec.astype(jnp.float32) + _TINY)
                    m_vec = jnp.where((le_vec >= 1) & (ln_vec >= 1), 1.0, 0.0)
                    sel = lanes == i
                    return (jnp.where(sel, t_vec, t_out),
                            jnp.where(sel, m_vec, m_out))
                z = jnp.zeros((_NL,), jnp.float32)
                t_out, m_out = lax.fori_loop(0, _NL, nbody, (z, z))
                tl[j, pl.ds(h * _NL, _NL)] = t_out
                ml[j, pl.ds(h * _NL, _NL)] = m_out
            for k in range(_LE // _NL):
                plsc.addupdate_scatter(hist, [evs[k]], -ecnts[k], mask=elasts[k])
        pltpu.sync_copy(tl, tgt_hbm.at[pl.ds(b0, _BPW)])
        pltpu.sync_copy(ml, msk_hbm.at[pl.ds(b0, _BPW)])

    return body(ent_rels, ent_lens, neigh_rels, neigh_lens)



def _combine_body(pred_ref, tgt_ref, msk_ref, out_ref):
    pred = pred_ref[...]
    tgt = tgt_ref[...]
    msk = msk_ref[...]
    loss = msk * (pred - tgt) ** 2
    out_ref[0, 0] = jnp.sum(loss) / float(_B * _N)


def _combine_pallas(pred, tgt_t, msk_t):
    return pl.pallas_call(
        _combine_body,
        in_specs=[
            pl.BlockSpec(memory_space=pltpu.VMEM),
            pl.BlockSpec(memory_space=pltpu.VMEM),
            pl.BlockSpec(memory_space=pltpu.VMEM),
        ],
        out_specs=pl.BlockSpec(memory_space=pltpu.SMEM),
        out_shape=jax.ShapeDtypeStruct((1, 1), jnp.float32),
    )(pred, tgt_t, msk_t)


def kernel(entity_boxes, neighbor_boxes, entity_relations, entity_rel_lens,
           neighbor_relations, neighbor_rel_lens):
    tgt_t, msk_t = _sc_target(entity_relations, entity_rel_lens,
                              neighbor_relations, neighbor_rel_lens)
    pred = _pred_pallas(entity_boxes, neighbor_boxes)
    out = _combine_pallas(pred, tgt_t, msk_t)
    return out[0, 0]

# --- scband reference (transcript-rebuilt; emitter-appended) ---
"""Pipeline reference for scband-duck-jaccard-loss-29772713296370 (READ-ONLY COPY).

The authoritative reference and input builder live on the scoring server;
editing this copy changes nothing except your own understanding.
"""

import jax, jax.numpy as jnp
import numpy as np

IT = 1.0
VT = 1.0
EULER_GAMMA = 0.5772156649015329
EPS_VOL = 1e-23
TINY = 1e-13
REL_THRESHOLD = 1
CLAMP = 10.0


def _log_volume(l, r):
    # Bessel-approx soft volume in log space (box_embeddings convention)
    return jnp.sum(jnp.log(VT * jax.nn.softplus((r - l - 2.0 * EULER_GAMMA * IT) / VT) + EPS_VOL), axis=-1)


def _gumbel_intersection(l1, r1, l2, r2):
    l = IT * jnp.logaddexp(l1 / IT, l2 / IT)
    r = -IT * jnp.logaddexp(-r1 / IT, -r2 / IT)
    return l, r


def _logsubexp(a, b):
    d = jnp.minimum(b - a, -1e-7)
    return a + jnp.log1p(-jnp.exp(d))


def _log_box_jaccard(entity_boxes, neighbor_boxes):
    el, er = entity_boxes[:, 0, :], entity_boxes[:, 1, :]
    nl, nr = neighbor_boxes[:, :, 0, :], neighbor_boxes[:, :, 1, :]
    el_b = jnp.broadcast_to(el[:, None, :], nl.shape)
    er_b = jnp.broadcast_to(er[:, None, :], nr.shape)
    il, ir = _gumbel_intersection(el_b, er_b, nl, nr)
    log_intersection = _log_volume(il, ir)
    log_ent = _log_volume(el_b, er_b)
    log_neigh = _log_volume(nl, nr)
    log_sum = jnp.logaddexp(log_ent, log_neigh)
    log_union = _logsubexp(log_sum, log_intersection)
    return log_intersection - log_union


def _target(ent_rels, ent_lens, neigh_rels, neigh_lens):
    # Faithful vectorization of: concat ragged sets, unique counts, sum(counts > 1)
    b, Le = ent_rels.shape
    n, Ln = neigh_rels.shape[1], neigh_rels.shape[2]
    BASE = 1000000
    pos_e = jnp.arange(Le)
    pos_n = jnp.arange(Ln)
    ent_valid = pos_e[None, :] < ent_lens[:, None]
    neigh_valid = pos_n[None, None, :] < neigh_lens[:, :, None]
    # padding slots get globally-unique sentinel values so they never collide
    ent_vals = jnp.where(ent_valid, ent_rels, BASE + pos_e[None, :])
    neigh_vals = jnp.where(neigh_valid, neigh_rels, BASE + Le + pos_n[None, None, :])
    ent_bc = jnp.broadcast_to(ent_vals[:, None, :], (b, n, Le))
    c = jnp.concatenate([ent_bc, neigh_vals], axis=-1)
    L = Le + Ln
    eq = c[..., :, None] == c[..., None, :]
    occ = eq.sum(-1)
    lower = jnp.tril(jnp.ones((L, L), dtype=bool), k=-1)
    earlier = (eq & lower[None, None]).sum(-1)
    first = earlier == 0  # first occurrence of each distinct value
    intersection = (first & (occ > 1)).sum(-1).astype(jnp.float32)
    union = (ent_lens[:, None] + neigh_lens).astype(jnp.float32)
    return jnp.where(union > 0, intersection / (union + TINY), 0.0)


def reference(entity_boxes, neighbor_boxes, entity_relations, entity_rel_lens, neighbor_relations, neighbor_rel_lens):
    log_pred = _log_box_jaccard(entity_boxes, neighbor_boxes)
    target = _target(entity_relations, entity_rel_lens, neighbor_relations, neighbor_rel_lens)
    # concrete criterion: squared error between predicted (clamped) jaccard and target jaccard
    loss = (jnp.exp(jnp.clip(log_pred, -CLAMP, CLAMP)) - target) ** 2
    # mask_loss: zero out pairs/entities whose relation set is smaller than rel_threshold
    loss = jnp.where(neighbor_rel_lens < REL_THRESHOLD, 0.0, loss)
    loss = jnp.where(entity_rel_lens[:, None] < REL_THRESHOLD, 0.0, loss)
    return jnp.mean(loss)


def setup_inputs(seed: int = 0):
    key = jax.random.key(seed)
    ks = jax.random.split(key, 6)
    b, n, d, Le, Ln = 128, 32, 512, 64, 64
    entity_boxes = jax.random.normal(ks[0], (b, 2, d), dtype=jnp.float32)
    neighbor_boxes = jax.random.normal(ks[1], (b, n, 2, d), dtype=jnp.float32)
    entity_relations = jax.random.randint(ks[2], (b, Le), 0, 500, dtype=jnp.int32)
    entity_rel_lens = jax.random.randint(ks[3], (b,), 0, 65, dtype=jnp.int32)
    neighbor_relations = jax.random.randint(ks[4], (b, n, Ln), 0, 500, dtype=jnp.int32)
    neighbor_rel_lens = jax.random.randint(ks[5], (b, n), 0, 65, dtype=jnp.int32)
    return {
        'entity_boxes': entity_boxes,
        'neighbor_boxes': neighbor_boxes,
        'entity_relations': entity_relations,
        'entity_rel_lens': entity_rel_lens,
        'neighbor_relations': neighbor_relations,
        'neighbor_rel_lens': neighbor_rel_lens,
    }

if __name__ == "__main__":
    import jax
    _d = setup_inputs()
    print(jax.jit(kernel)(*tuple(_d.values())))

</pallas_src>

<mosaic_0001>
#map = affine_map<(d0, d1) -> (0, 0)>
#map1 = affine_map<(d0, d1) -> (0)>
#map2 = affine_map<(d0, d1) -> (0, 0, 0)>
module attributes {stable_mosaic.version = 14 : i64} {
  func.func @body(%arg0: i32, %arg1: i32, %arg2: memref<128x64xi32, #tpu.memory_space<hbm>>, %arg3: memref<128xi32, #tpu.memory_space<hbm>>, %arg4: memref<128x32x64xi32, #tpu.memory_space<hbm>>, %arg5: memref<128x32xi32, #tpu.memory_space<hbm>>, %arg6: memref<128x32xf32, #tpu.memory_space<hbm>>, %arg7: memref<128x32xf32, #tpu.memory_space<hbm>>, %arg8: memref<4x64xi32, #tpu.memory_space<vmem>>, %arg9: memref<128xi32, #tpu.memory_space<vmem>>, %arg10: memref<4x32x64xi32, #tpu.memory_space<vmem>>, %arg11: memref<4x32xi32, #tpu.memory_space<vmem>>, %arg12: memref<512xi32, #tpu.memory_space<vmem>>, %arg13: memref<4x32xf32, #tpu.memory_space<vmem>>, %arg14: memref<4x32xf32, #tpu.memory_space<vmem>>) attributes {dimension_semantics = [#tpu.dimension_semantics<core_parallel>, #tpu.dimension_semantics<subcore_parallel>], iteration_bounds = array<i64: 2, 16>, scalar_prefetch = 0 : i64, scratch_operands = 7 : i64, tpu.core_type = #tpu.core_type<sc_vector_subcore>, window_params = [{transform_indices = #map}, {transform_indices = #map1}, {transform_indices = #map2}, {transform_indices = #map}, {transform_indices = #map}, {transform_indices = #map}]} {
    %mul3A = arith.constant 2 : i32
    %mul3A_0 = arith.muli %arg1, %mul3A : i32
    %add3A = arith.addi %mul3A_0, %arg0 : i32
    %mul3A_1 = arith.constant 4 : i32
    %mul3A_2 = arith.muli %add3A, %mul3A_1 : i32
    "tpu.region"() ({
      %run_scoped3A = tpu.sem_alloc : memref<!tpu.dma_semaphore, #tpu.memory_space<semaphore_mem>>
      %dma_start3A = arith.constant 0 : i32
      %dma_start3A_486 = tpu.memref_slice %arg2[%mul3A_2, %dma_start3A] : memref<128x64xi32, #tpu.memory_space<hbm>> -> memref<4x64xi32, #tpu.memory_space<hbm>>
      %dma_start3A_487 = arith.constant 0 : i32
      %dma_start3A_488 = tpu.memref_slice %arg2[%mul3A_2, %dma_start3A_487] : memref<128x64xi32, #tpu.memory_space<hbm>> -> memref<4x64xi32, #tpu.memory_space<hbm>>
      tpu.enqueue_dma source(%dma_start3A_488 : memref<4x64xi32, #tpu.memory_space<hbm>>) target(%arg8 : memref<4x64xi32, #tpu.memory_space<vmem>>) target_semaphore(%run_scoped3A : memref<!tpu.dma_semaphore, #tpu.memory_space<semaphore_mem>>)
      %dma_wait3A = arith.constant 0 : i32
      %dma_wait3A_489 = tpu.memref_slice %arg2[%mul3A_2, %dma_wait3A] : memref<128x64xi32, #tpu.memory_space<hbm>> -> memref<4x64xi32, #tpu.memory_space<hbm>>
      %dma_wait3A_490 = arith.constant 0 : i32
      %dma_wait3A_491 = tpu.memref_slice %arg2[%mul3A_2, %dma_wait3A_490] : memref<128x64xi32, #tpu.memory_space<hbm>> -> memref<4x64xi32, #tpu.memory_space<hbm>>
      tpu.wait_dma2 semaphore(%run_scoped3A : memref<!tpu.dma_semaphore, #tpu.memory_space<semaphore_mem>>) src(%dma_wait3A_491 : memref<4x64xi32, #tpu.memory_space<hbm>>) dst(%arg8 : memref<4x64xi32, #tpu.memory_space<vmem>>)
      tpu.yield
    }) : () -> ()
    "tpu.region"() ({
      %run_scoped3A = tpu.sem_alloc : memref<!tpu.dma_semaphore, #tpu.memory_space<semaphore_mem>>
      tpu.enqueue_dma source(%arg3 : memref<128xi32, #tpu.memory_space<hbm>>) target(%arg9 : memref<128xi32, #tpu.memory_space<vmem>>) target_semaphore(%run_scoped3A : memref<!tpu.dma_semaphore, #tpu.memory_space<semaphore_mem>>)
      tpu.wait_dma2 semaphore(%run_scoped3A : memref<!tpu.dma_semaphore, #tpu.memory_space<semaphore_mem>>) src(%arg3 : memref<128xi32, #tpu.memory_space<hbm>>) dst(%arg9 : memref<128xi32, #tpu.memory_space<vmem>>)
      tpu.yield
    }) : () -> ()
    "tpu.region"() ({
      %run_scoped3A = tpu.sem_alloc : memref<!tpu.dma_semaphore, #tpu.memory_space<semaphore_mem>>
      %dma_start3A = arith.constant 0 : i32
      %dma_start3A_486 = arith.constant 0 : i32
      %dma_start3A_487 = tpu.memref_slice %arg4[%mul3A_2, %dma_start3A, %dma_start3A_486] : memref<128x32x64xi32, #tpu.memory_space<hbm>> -> memref<4x32x64xi32, #tpu.memory_space<hbm>>
      %dma_start3A_488 = arith.constant 0 : i32
      %dma_start3A_489 = arith.constant 0 : i32
      %dma_start3A_490 = tpu.memref_slice %arg4[%mul3A_2, %dma_start3A_488, %dma_start3A_489] : memref<128x32x64xi32, #tpu.memory_space<hbm>> -> memref<4x32x64xi32, #tpu.memory_space<hbm>>
      tpu.enqueue_dma source(%dma_start3A_490 : memref<4x32x64xi32, #tpu.memory_space<hbm>>) target(%arg10 : memref<4x32x64xi32, #tpu.memory_space<vmem>>) target_semaphore(%run_scoped3A : memref<!tpu.dma_semaphore, #tpu.memory_space<semaphore_mem>>)
      %dma_wait3A = arith.constant 0 : i32
      %dma_wait3A_491 = arith.constant 0 : i32
      %dma_wait3A_492 = tpu.memref_slice %arg4[%mul3A_2, %dma_wait3A, %dma_wait3A_491] : memref<128x32x64xi32, #tpu.memory_space<hbm>> -> memref<4x32x64xi32, #tpu.memory_space<hbm>>
      %dma_wait3A_493 = arith.constant 0 : i32
      %dma_wait3A_494 = arith.constant 0 : i32
      %dma_wait3A_495 = tpu.memref_slice %arg4[%mul3A_2, %dma_wait3A_493, %dma_wait3A_494] : memref<128x32x64xi32, #tpu.memory_space<hbm>> -> memref<4x32x64xi32, #tpu.memory_space<hbm>>
      tpu.wait_dma2 semaphore(%run_scoped3A : memref<!tpu.dma_semaphore, #tpu.memory_space<semaphore_mem>>) src(%dma_wait3A_495 : memref<4x32x64xi32, #tpu.memory_space<hbm>>) dst(%arg10 : memref<4x32x64xi32, #tpu.memory_space<vmem>>)
      tpu.yield
    }) : () -> ()
    "tpu.region"() ({
      %run_scoped3A = tpu.sem_alloc : memref<!tpu.dma_semaphore, #tpu.memory_space<semaphore_mem>>
      %dma_start3A = arith.constant 0 : i32
      %dma_start3A_486 = tpu.memref_slice %arg5[%mul3A_2, %dma_start3A] : memref<128x32xi32, #tpu.memory_space<hbm>> -> memref<4x32xi32, #tpu.memory_space<hbm>>
      %dma_start3A_487 = arith.constant 0 : i32
      %dma_start3A_488 = tpu.memref_slice %arg5[%mul3A_2, %dma_start3A_487] : memref<128x32xi32, #tpu.memory_space<hbm>> -> memref<4x32xi32, #tpu.memory_space<hbm>>
      tpu.enqueue_dma source(%dma_start3A_488 : memref<4x32xi32, #tpu.memory_space<hbm>>) target(%arg11 : memref<4x32xi32, #tpu.memory_space<vmem>>) target_semaphore(%run_scoped3A : memref<!tpu.dma_semaphore, #tpu.memory_space<semaphore_mem>>)
      %dma_wait3A = arith.constant 0 : i32
      %dma_wait3A_489 = tpu.memref_slice %arg5[%mul3A_2, %dma_wait3A] : memref<128x32xi32, #tpu.memory_space<hbm>> -> memref<4x32xi32, #tpu.memory_space<hbm>>
      %dma_wait3A_490 = arith.constant 0 : i32
      %dma_wait3A_491 = tpu.memref_slice %arg5[%mul3A_2, %dma_wait3A_490] : memref<128x32xi32, #tpu.memory_space<hbm>> -> memref<4x32xi32, #tpu.memory_space<hbm>>
      tpu.wait_dma2 semaphore(%run_scoped3A : memref<!tpu.dma_semaphore, #tpu.memory_space<semaphore_mem>>) src(%dma_wait3A_491 : memref<4x32xi32, #tpu.memory_space<hbm>>) dst(%arg11 : memref<4x32xi32, #tpu.memory_space<vmem>>)
      tpu.yield
    }) : () -> ()
    %iota3A = tpu.iota {dimensions = array<i32: 0>} : vector<16xi32>
    %broadcast_in_dim3A = arith.constant 0 : i32
    %broadcast_in_dim3A_3 = vector.broadcast %broadcast_in_dim3A : i32 to vector<16xi32>
    %swap3A = arith.constant 0 : index
    %swap3A_4 = tpu.vector_load %arg12[%swap3A] {strides = array<i32>} : memref<512xi32, #tpu.memory_space<vmem>>, vector<16xi32>,
    tpu.vector_store %arg12[%swap3A], %broadcast_in_dim3A_3 {strides = array<i32>} : memref<512xi32, #tpu.memory_space<vmem>>, vector<16xi32>,
    %broadcast_in_dim3A_5 = arith.constant 0 : i32
    %broadcast_in_dim3A_6 = vector.broadcast %broadcast_in_dim3A_5 : i32 to vector<16xi32>
    %swap3A_7 = arith.constant 16 : index
    %swap3A_8 = tpu.vector_load %arg12[%swap3A_7] {strides = array<i32>} : memref<512xi32, #tpu.memory_space<vmem>>, vector<16xi32>,
    tpu.vector_store %arg12[%swap3A_7], %broadcast_in_dim3A_6 {strides = array<i32>} : memref<512xi32, #tpu.memory_space<vmem>>, vector<16xi32>,
    %broadcast_in_dim3A_9 = arith.constant 0 : i32
    %broadcast_in_dim3A_10 = vector.broadcast %broadcast_in_dim3A_9 : i32 to vector<16xi32>
    %swap3A_11 = arith.constant 32 : index
    %swap3A_12 = tpu.vector_load %arg12[%swap3A_11] {strides = array<i32>} : memref<512xi32, #tpu.memory_space<vmem>>, vector<16xi32>,
    tpu.vector_store %arg12[%swap3A_11], %broadcast_in_dim3A_10 {strides = array<i32>} : memref<512xi32, #tpu.memory_space<vmem>>, vector<16xi32>,
    %broadcast_in_dim3A_13 = arith.constant 0 : i32
    %broadcast_in_dim3A_14 = vector.broadcast %broadcast_in_dim3A_13 : i32 to vector<16xi32>
    %swap3A_15 = arith.constant 48 : index
    %swap3A_16 = tpu.vector_load %arg12[%swap3A_15] {strides = array<i32>} : memref<512xi32, #tpu.memory_space<vmem>>, vector<16xi32>,
    tpu.vector_store %arg12[%swap3A_15], %broadcast_in_dim3A_14 {strides = array<i32>} : memref<512xi32, #tpu.memory_space<vmem>>, vector<16xi32>,
    %broadcast_in_dim3A_17 = arith.constant 0 : i32
    %broadcast_in_dim3A_18 = vector.broadcast %broadcast_in_dim3A_17 : i32 to vector<16xi32>
    %swap3A_19 = arith.constant 64 : index
    %swap3A_20 = tpu.vector_load %arg12[%swap3A_19] {strides = array<i32>} : memref<512xi32, #tpu.memory_space<vmem>>, vector<16xi32>,
    tpu.vector_store %arg12[%swap3A_19], %broadcast_in_dim3A_18 {strides = array<i32>} : memref<512xi32, #tpu.memory_space<vmem>>, vector<16xi32>,
    %broadcast_in_dim3A_21 = arith.constant 0 : i32
    %broadcast_in_dim3A_22 = vector.broadcast %broadcast_in_dim3A_21 : i32 to vector<16xi32>
    %swap3A_23 = arith.constant 80 : index
    %swap3A_24 = tpu.vector_load %arg12[%swap3A_23] {strides = array<i32>} : memref<512xi32, #tpu.memory_space<vmem>>, vector<16xi32>,
    tpu.vector_store %arg12[%swap3A_23], %broadcast_in_dim3A_22 {strides = array<i32>} : memref<512xi32, #tpu.memory_space<vmem>>, vector<16xi32>,
    %broadcast_in_dim3A_25 = arith.constant 0 : i32
    %broadcast_in_dim3A_26 = vector.broadcast %broadcast_in_dim3A_25 : i32 to vector<16xi32>
    %swap3A_27 = arith.constant 96 : index
    %swap3A_28 = tpu.vector_load %arg12[%swap3A_27] {strides = array<i32>} : memref<512xi32, #tpu.memory_space<vmem>>, vector<16xi32>,
    tpu.vector_store %arg12[%swap3A_27], %broadcast_in_dim3A_26 {strides = array<i32>} : memref<512xi32, #tpu.memory_space<vmem>>, vector<16xi32>,
    %broadcast_in_dim3A_29 = arith.constant 0 : i32
    %broadcast_in_dim3A_30 = vector.broadcast %broadcast_in_dim3A_29 : i32 to vector<16xi32>
    %swap3A_31 = arith.constant 112 : index
    %swap3A_32 = tpu.vector_load %arg12[%swap3A_31] {strides = array<i32>} : memref<512xi32, #tpu.memory_space<vmem>>, vector<16xi32>,
    tpu.vector_store %arg12[%swap3A_31], %broadcast_in_dim3A_30 {strides = array<i32>} : memref<512xi32, #tpu.memory_space<vmem>>, vector<16xi32>,
    %broadcast_in_dim3A_33 = arith.constant 0 : i32
    %broadcast_in_dim3A_34 = vector.broadcast %broadcast_in_dim3A_33 : i32 to vector<16xi32>
    %swap3A_35 = arith.constant 128 : index
    %swap3A_36 = tpu.vector_load %arg12[%swap3A_35] {strides = array<i32>} : memref<512xi32, #tpu.memory_space<vmem>>, vector<16xi32>,
    tpu.vector_store %arg12[%swap3A_35], %broadcast_in_dim3A_34 {strides = array<i32>} : memref<512xi32, #tpu.memory_space<vmem>>, vector<16xi32>,
    %broadcast_in_dim3A_37 = arith.constant 0 : i32
    %broadcast_in_dim3A_38 = vector.broadcast %broadcast_in_dim3A_37 : i32 to vector<16xi32>
    %swap3A_39 = arith.constant 144 : index
    %swap3A_40 = tpu.vector_load %arg12[%swap3A_39] {strides = array<i32>} : memref<512xi32, #tpu.memory_space<vmem>>, vector<16xi32>,
    tpu.vector_store %arg12[%swap3A_39], %broadcast_in_dim3A_38 {strides = array<i32>} : memref<512xi32, #tpu.memory_space<vmem>>, vector<16xi32>,
    %broadcast_in_dim3A_41 = arith.constant 0 : i32
    %broadcast_in_dim3A_42 = vector.broadcast %broadcast_in_dim3A_41 : i32 to vector<16xi32>
    %swap3A_43 = arith.constant 160 : index
    %swap3A_44 = tpu.vector_load %arg12[%swap3A_43] {strides = array<i32>} : memref<512xi32, #tpu.memory_space<vmem>>, vector<16xi32>,
    tpu.vector_store %arg12[%swap3A_43], %broadcast_in_dim3A_42 {strides = array<i32>} : memref<512xi32, #tpu.memory_space<vmem>>, vector<16xi32>,
    %broadcast_in_dim3A_45 = arith.constant 0 : i32
    %broadcast_in_dim3A_46 = vector.broadcast %broadcast_in_dim3A_45 : i32 to vector<16xi32>
    %swap3A_47 = arith.constant 176 : index
    %swap3A_48 = tpu.vector_load %arg12[%swap3A_47] {strides = array<i32>} : memref<512xi32, #tpu.memory_space<vmem>>, vector<16xi32>,
    tpu.vector_store %arg12[%swap3A_47], %broadcast_in_dim3A_46 {strides = array<i32>} : memref<512xi32, #tpu.memory_space<vmem>>, vector<16xi32>,
    %broadcast_in_dim3A_49 = arith.constant 0 : i32
    %broadcast_in_dim3A_50 = vector.broadcast %broadcast_in_dim3A_49 : i32 to vector<16xi32>
    %swap3A_51 = arith.constant 192 : index
    %swap3A_52 = tpu.vector_load %arg12[%swap3A_51] {strides = array<i32>} : memref<512xi32, #tpu.memory_space<vmem>>, vector<16xi32>,
    tpu.vector_store %arg12[%swap3A_51], %broadcast_in_dim3A_50 {strides = array<i32>} : memref<512xi32, #tpu.memory_space<vmem>>, vector<16xi32>,
    %broadcast_in_dim3A_53 = arith.constant 0 : i32
    %broadcast_in_dim3A_54 = vector.broadcast %broadcast_in_dim3A_53 : i32 to vector<16xi32>
    %swap3A_55 = arith.constant 208 : index
    %swap3A_56 = tpu.vector_load %arg12[%swap3A_55] {strides = array<i32>} : memref<512xi32, #tpu.memory_space<vmem>>, vector<16xi32>,
    tpu.vector_store %arg12[%swap3A_55], %broadcast_in_dim3A_54 {strides = array<i32>} : memref<512xi32, #tpu.memory_space<vmem>>, vector<16xi32>,
    %broadcast_in_dim3A_57 = arith.constant 0 : i32
    %broadcast_in_dim3A_58 = vector.broadcast %broadcast_in_dim3A_57 : i32 to vector<16xi32>
    %swap3A_59 = arith.constant 224 : index
    %swap3A_60 = tpu.vector_load %arg12[%swap3A_59] {strides = array<i32>} : memref<512xi32, #tpu.memory_space<vmem>>, vector<16xi32>,
    tpu.vector_store %arg12[%swap3A_59], %broadcast_in_dim3A_58 {strides = array<i32>} : memref<512xi32, #tpu.memory_space<vmem>>, vector<16xi32>,
    %broadcast_in_dim3A_61 = arith.constant 0 : i32
    %broadcast_in_dim3A_62 = vector.broadcast %broadcast_in_dim3A_61 : i32 to vector<16xi32>
    %swap3A_63 = arith.constant 240 : index
    %swap3A_64 = tpu.vector_load %arg12[%swap3A_63] {strides = array<i32>} : memref<512xi32, #tpu.memory_space<vmem>>, vector<16xi32>,
    tpu.vector_store %arg12[%swap3A_63], %broadcast_in_dim3A_62 {strides = array<i32>} : memref<512xi32, #tpu.memory_space<vmem>>, vector<16xi32>,
    %broadcast_in_dim3A_65 = arith.constant 0 : i32
    %broadcast_in_dim3A_66 = vector.broadcast %broadcast_in_dim3A_65 : i32 to vector<16xi32>
    %swap3A_67 = arith.constant 256 : index
    %swap3A_68 = tpu.vector_load %arg12[%swap3A_67] {strides = array<i32>} : memref<512xi32, #tpu.memory_space<vmem>>, vector<16xi32>,
    tpu.vector_store %arg12[%swap3A_67], %broadcast_in_dim3A_66 {strides = array<i32>} : memref<512xi32, #tpu.memory_space<vmem>>, vector<16xi32>,
    %broadcast_in_dim3A_69 = arith.constant 0 : i32
    %broadcast_in_dim3A_70 = vector.broadcast %broadcast_in_dim3A_69 : i32 to vector<16xi32>
    %swap3A_71 = arith.constant 272 : index
    %swap3A_72 = tpu.vector_load %arg12[%swap3A_71] {strides = array<i32>} : memref<512xi32, #tpu.memory_space<vmem>>, vector<16xi32>,
    tpu.vector_store %arg12[%swap3A_71], %broadcast_in_dim3A_70 {strides = array<i32>} : memref<512xi32, #tpu.memory_space<vmem>>, vector<16xi32>,
    %broadcast_in_dim3A_73 = arith.constant 0 : i32
    %broadcast_in_dim3A_74 = vector.broadcast %broadcast_in_dim3A_73 : i32 to vector<16xi32>
    %swap3A_75 = arith.constant 288 : index
    %swap3A_76 = tpu.vector_load %arg12[%swap3A_75] {strides = array<i32>} : memref<512xi32, #tpu.memory_space<vmem>>, vector<16xi32>,
    tpu.vector_store %arg12[%swap3A_75], %broadcast_in_dim3A_74 {strides = array<i32>} : memref<512xi32, #tpu.memory_space<vmem>>, vector<16xi32>,
    %broadcast_in_dim3A_77 = arith.constant 0 : i32
    %broadcast_in_dim3A_78 = vector.broadcast %broadcast_in_dim3A_77 : i32 to vector<16xi32>
    %swap3A_79 = arith.constant 304 : index
    %swap3A_80 = tpu.vector_load %arg12[%swap3A_79] {strides = array<i32>} : memref<512xi32, #tpu.memory_space<vmem>>, vector<16xi32>,
    tpu.vector_store %arg12[%swap3A_79], %broadcast_in_dim3A_78 {strides = array<i32>} : memref<512xi32, #tpu.memory_space<vmem>>, vector<16xi32>,
    %broadcast_in_dim3A_81 = arith.constant 0 : i32
    %broadcast_in_dim3A_82 = vector.broadcast %broadcast_in_dim3A_81 : i32 to vector<16xi32>
    %swap3A_83 = arith.constant 320 : index
    %swap3A_84 = tpu.vector_load %arg12[%swap3A_83] {strides = array<i32>} : memref<512xi32, #tpu.memory_space<vmem>>, vector<16xi32>,
    tpu.vector_store %arg12[%swap3A_83], %broadcast_in_dim3A_82 {strides = array<i32>} : memref<512xi32, #tpu.memory_space<vmem>>, vector<16xi32>,
    %broadcast_in_dim3A_85 = arith.constant 0 : i32
    %broadcast_in_dim3A_86 = vector.broadcast %broadcast_in_dim3A_85 : i32 to vector<16xi32>
    %swap3A_87 = arith.constant 336 : index
    %swap3A_88 = tpu.vector_load %arg12[%swap3A_87] {strides = array<i32>} : memref<512xi32, #tpu.memory_space<vmem>>, vector<16xi32>,
    tpu.vector_store %arg12[%swap3A_87], %broadcast_in_dim3A_86 {strides = array<i32>} : memref<512xi32, #tpu.memory_space<vmem>>, vector<16xi32>,
    %broadcast_in_dim3A_89 = arith.constant 0 : i32
    %broadcast_in_dim3A_90 = vector.broadcast %broadcast_in_dim3A_89 : i32 to vector<16xi32>
    %swap3A_91 = arith.constant 352 : index
    %swap3A_92 = tpu.vector_load %arg12[%swap3A_91] {strides = array<i32>} : memref<512xi32, #tpu.memory_space<vmem>>, vector<16xi32>,
    tpu.vector_store %arg12[%swap3A_91], %broadcast_in_dim3A_90 {strides = array<i32>} : memref<512xi32, #tpu.memory_space<vmem>>, vector<16xi32>,
    %broadcast_in_dim3A_93 = arith.constant 0 : i32
    %broadcast_in_dim3A_94 = vector.broadcast %broadcast_in_dim3A_93 : i32 to vector<16xi32>
    %swap3A_95 = arith.constant 368 : index
    %swap3A_96 = tpu.vector_load %arg12[%swap3A_95] {strides = array<i32>} : memref<512xi32, #tpu.memory_space<vmem>>, vector<16xi32>,
    tpu.vector_store %arg12[%swap3A_95], %broadcast_in_dim3A_94 {strides = array<i32>} : memref<512xi32, #tpu.memory_space<vmem>>, vector<16xi32>,
    %broadcast_in_dim3A_97 = arith.constant 0 : i32
    %broadcast_in_dim3A_98 = vector.broadcast %broadcast_in_dim3A_97 : i32 to vector<16xi32>
    %swap3A_99 = arith.constant 384 : index
    %swap3A_100 = tpu.vector_load %arg12[%swap3A_99] {strides = array<i32>} : memref<512xi32, #tpu.memory_space<vmem>>, vector<16xi32>,
    tpu.vector_store %arg12[%swap3A_99], %broadcast_in_dim3A_98 {strides = array<i32>} : memref<512xi32, #tpu.memory_space<vmem>>, vector<16xi32>,
    %broadcast_in_dim3A_101 = arith.constant 0 : i32
    %broadcast_in_dim3A_102 = vector.broadcast %broadcast_in_dim3A_101 : i32 to vector<16xi32>
    %swap3A_103 = arith.constant 400 : index
    %swap3A_104 = tpu.vector_load %arg12[%swap3A_103] {strides = array<i32>} : memref<512xi32, #tpu.memory_space<vmem>>, vector<16xi32>,
    tpu.vector_store %arg12[%swap3A_103], %broadcast_in_dim3A_102 {strides = array<i32>} : memref<512xi32, #tpu.memory_space<vmem>>, vector<16xi32>,
    %broadcast_in_dim3A_105 = arith.constant 0 : i32
    %broadcast_in_dim3A_106 = vector.broadcast %broadcast_in_dim3A_105 : i32 to vector<16xi32>
    %swap3A_107 = arith.constant 416 : index
    %swap3A_108 = tpu.vector_load %arg12[%swap3A_107] {strides = array<i32>} : memref<512xi32, #tpu.memory_space<vmem>>, vector<16xi32>,
    tpu.vector_store %arg12[%swap3A_107], %broadcast_in_dim3A_106 {strides = array<i32>} : memref<512xi32, #tpu.memory_space<vmem>>, vector<16xi32>,
    %broadcast_in_dim3A_109 = arith.constant 0 : i32
    %broadcast_in_dim3A_110 = vector.broadcast %broadcast_in_dim3A_109 : i32 to vector<16xi32>
    %swap3A_111 = arith.constant 432 : index
    %swap3A_112 = tpu.vector_load %arg12[%swap3A_111] {strides = array<i32>} : memref<512xi32, #tpu.memory_space<vmem>>, vector<16xi32>,
    tpu.vector_store %arg12[%swap3A_111], %broadcast_in_dim3A_110 {strides = array<i32>} : memref<512xi32, #tpu.memory_space<vmem>>, vector<16xi32>,
    %broadcast_in_dim3A_113 = arith.constant 0 : i32
    %broadcast_in_dim3A_114 = vector.broadcast %broadcast_in_dim3A_113 : i32 to vector<16xi32>
    %swap3A_115 = arith.constant 448 : index
    %swap3A_116 = tpu.vector_load %arg12[%swap3A_115] {strides = array<i32>} : memref<512xi32, #tpu.memory_space<vmem>>, vector<16xi32>,
    tpu.vector_store %arg12[%swap3A_115], %broadcast_in_dim3A_114 {strides = array<i32>} : memref<512xi32, #tpu.memory_space<vmem>>, vector<16xi32>,
    %broadcast_in_dim3A_117 = arith.constant 0 : i32
    %broadcast_in_dim3A_118 = vector.broadcast %broadcast_in_dim3A_117 : i32 to vector<16xi32>
    %swap3A_119 = arith.constant 464 : index
    %swap3A_120 = tpu.vector_load %arg12[%swap3A_119] {strides = array<i32>} : memref<512xi32, #tpu.memory_space<vmem>>, vector<16xi32>,
    tpu.vector_store %arg12[%swap3A_119], %broadcast_in_dim3A_118 {strides = array<i32>} : memref<512xi32, #tpu.memory_space<vmem>>, vector<16xi32>,
    %broadcast_in_dim3A_121 = arith.constant 0 : i32
    %broadcast_in_dim3A_122 = vector.broadcast %broadcast_in_dim3A_121 : i32 to vector<16xi32>
    %swap3A_123 = arith.constant 480 : index
    %swap3A_124 = tpu.vector_load %arg12[%swap3A_123] {strides = array<i32>} : memref<512xi32, #tpu.memory_space<vmem>>, vector<16xi32>,
    tpu.vector_store %arg12[%swap3A_123], %broadcast_in_dim3A_122 {strides = array<i32>} : memref<512xi32, #tpu.memory_space<vmem>>, vector<16xi32>,
    %broadcast_in_dim3A_125 = arith.constant 0 : i32
    %broadcast_in_dim3A_126 = vector.broadcast %broadcast_in_dim3A_125 : i32 to vector<16xi32>
    %swap3A_127 = arith.constant 496 : index
    %swap3A_128 = tpu.vector_load %arg12[%swap3A_127] {strides = array<i32>} : memref<512xi32, #tpu.memory_space<vmem>>, vector<16xi32>,
    tpu.vector_store %arg12[%swap3A_127], %broadcast_in_dim3A_126 {strides = array<i32>} : memref<512xi32, #tpu.memory_space<vmem>>, vector<16xi32>,
    %broadcast_in_dim3A_129 = arith.constant 0 : i32
    %broadcast_in_dim3A_130 = vector.broadcast %broadcast_in_dim3A_129 : i32 to vector<16xi32>
    %add3A_131 = arith.constant 0 : i32
    %add3A_132 = arith.addi %mul3A_2, %add3A_131 : i32
    %broadcast_in_dim3A_133 = vector.broadcast %add3A_132 : i32 to vector<16xi32>
    %gather3A = tpu.vector_load_idx %arg9[%broadcast_in_dim3A_133] : memref<128xi32, #tpu.memory_space<vmem>>[vector<16xi32>], vector<16xi32>,
    %convert_element_type3A = arith.sitofp %gather3A : vector<16xi32> to vector<16xf32>
    %get3A = arith.constant 0 : i32
    %get3A_134 = arith.index_cast %get3A : i32 to index
    %get3A_135 = arith.constant 0 : index
    %get3A_136 = tpu.vector_load %arg8[%get3A_134, %get3A_135] {strides = array<i32>} : memref<4x64xi32, #tpu.memory_space<vmem>>, vector<16xi32>,
    %add3A_137 = arith.constant 0 : i32
    %add3A_138 = vector.broadcast %add3A_137 : i32 to vector<16xi32>
    %add3A_139 = arith.addi %iota3A, %add3A_138 : vector<16xi32>
    %lt3A = arith.cmpi slt, %add3A_139, %gather3A : vector<16xi32>
    %unique3A, %unique3A_140 = tpu.scan_count mask(%lt3A : vector<16xi1>) value(%get3A_136 : vector<16xi32>) : vector<16xi1>, vector<16xi32>
    tpu.vector_store_idx %arg12[%get3A_136], %unique3A_140 masked %unique3A {add = true} : memref<512xi32, #tpu.memory_space<vmem>>[vector<16xi32>], vector<16xi32>, vector<16xi1>
    %get3A_141 = arith.constant 0 : i32
    %get3A_142 = arith.index_cast %get3A_141 : i32 to index
    %get3A_143 = arith.constant 16 : index
    %get3A_144 = tpu.vector_load %arg8[%get3A_142, %get3A_143] {strides = array<i32>} : memref<4x64xi32, #tpu.memory_space<vmem>>, vector<16xi32>,
    %add3A_145 = arith.constant 16 : i32
    %add3A_146 = vector.broadcast %add3A_145 : i32 to vector<16xi32>
    %add3A_147 = arith.addi %iota3A, %add3A_146 : vector<16xi32>
    %lt3A_148 = arith.cmpi slt, %add3A_147, %gather3A : vector<16xi32>
    %unique3A_149, %unique3A_150 = tpu.scan_count mask(%lt3A_148 : vector<16xi1>) value(%get3A_144 : vector<16xi32>) : vector<16xi1>, vector<16xi32>
    tpu.vector_store_idx %arg12[%get3A_144], %unique3A_150 masked %unique3A_149 {add = true} : memref<512xi32, #tpu.memory_space<vmem>>[vector<16xi32>], vector<16xi32>, vector<16xi1>
    %get3A_151 = arith.constant 0 : i32
    %get3A_152 = arith.index_cast %get3A_151 : i32 to index
    %get3A_153 = arith.constant 32 : index
    %get3A_154 = tpu.vector_load %arg8[%get3A_152, %get3A_153] {strides = array<i32>} : memref<4x64xi32, #tpu.memory_space<vmem>>, vector<16xi32>,
    %add3A_155 = arith.constant 32 : i32
    %add3A_156 = vector.broadcast %add3A_155 : i32 to vector<16xi32>
    %add3A_157 = arith.addi %iota3A, %add3A_156 : vector<16xi32>
    %lt3A_158 = arith.cmpi slt, %add3A_157, %gather3A : vector<16xi32>
    %unique3A_159, %unique3A_160 = tpu.scan_count mask(%lt3A_158 : vector<16xi1>) value(%get3A_154 : vector<16xi32>) : vector<16xi1>, vector<16xi32>
    tpu.vector_store_idx %arg12[%get3A_154], %unique3A_160 masked %unique3A_159 {add = true} : memref<512xi32, #tpu.memory_space<vmem>>[vector<16xi32>], vector<16xi32>, vector<16xi1>
    %get3A_161 = arith.constant 0 : i32
    %get3A_162 = arith.index_cast %get3A_161 : i32 to index
    %get3A_163 = arith.constant 48 : index
    %get3A_164 = tpu.vector_load %arg8[%get3A_162, %get3A_163] {strides = array<i32>} : memref<4x64xi32, #tpu.memory_space<vmem>>, vector<16xi32>,
    %add3A_165 = arith.constant 48 : i32
    %add3A_166 = vector.broadcast %add3A_165 : i32 to vector<16xi32>
    %add3A_167 = arith.addi %iota3A, %add3A_166 : vector<16xi32>
    %lt3A_168 = arith.cmpi slt, %add3A_167, %gather3A : vector<16xi32>
    %unique3A_169, %unique3A_170 = tpu.scan_count mask(%lt3A_168 : vector<16xi1>) value(%get3A_164 : vector<16xi32>) : vector<16xi1>, vector<16xi32>
    tpu.vector_store_idx %arg12[%get3A_164], %unique3A_170 masked %unique3A_169 {add = true} : memref<512xi32, #tpu.memory_space<vmem>>[vector<16xi32>], vector<16xi32>, vector<16xi1>
    %broadcast_in_dim3A_171 = arith.constant 0.000000e+00 : f32
    %broadcast_in_dim3A_172 = vector.broadcast %broadcast_in_dim3A_171 : f32 to vector<16xf32>
    %scan3A = arith.constant 0 : i32
    %scan3A_173 = arith.constant 16 : i32
    %scan3A_174 = arith.addi %scan3A, %scan3A_173 : i32
    %scan3A_175 = arith.constant 1 : i32
    %scan3A_176:2 = scf.for %scan3A_486 = %scan3A to %scan3A_174 step %scan3A_175 iter_args(%scan3A_487 = %broadcast_in_dim3A_172, %scan3A_488 = %broadcast_in_dim3A_172) -> (vector<16xf32>, vector<16xf32>)  : i32 {
      %add3A_489 = arith.constant 0 : i32
      %add3A_490 = arith.addi %add3A_489, %scan3A_486 : i32
      %broadcast_in_dim3A_491 = vector.broadcast %add3A_490 : i32 to vector<16xi32>
      %gather3A_492 = tpu.vector_load_idx %arg11[%broadcast_in_dim3A_130, %broadcast_in_dim3A_491] : memref<4x32xi32, #tpu.memory_space<vmem>>[vector<16xi32>, vector<16xi32>], vector<16xi32>,
      %add3A_493 = arith.constant 0 : i32
      %add3A_494 = vector.broadcast %add3A_493 : i32 to vector<16xi32>
      %add3A_495 = arith.addi %iota3A, %add3A_494 : vector<16xi32>
      %gather3A_496 = tpu.vector_load_idx %arg10[%broadcast_in_dim3A_130, %broadcast_in_dim3A_491, %add3A_495] : memref<4x32x64xi32, #tpu.memory_space<vmem>>[vector<16xi32>, vector<16xi32>, vector<16xi32>], vector<16xi32>,
      %add3A_497 = arith.constant 0 : i32
      %add3A_498 = vector.broadcast %add3A_497 : i32 to vector<16xi32>
      %add3A_499 = arith.addi %iota3A, %add3A_498 : vector<16xi32>
      %lt3A_500 = arith.cmpi slt, %add3A_499, %gather3A_492 : vector<16xi32>
      %unique3A_501, %unique3A_502 = tpu.scan_count mask(%lt3A_500 : vector<16xi1>) value(%gather3A_496 : vector<16xi32>) : vector<16xi1>, vector<16xi32>
      tpu.vector_store_idx %arg12[%gather3A_496], %unique3A_502 masked %unique3A_501 {add = true} : memref<512xi32, #tpu.memory_space<vmem>>[vector<16xi32>], vector<16xi32>, vector<16xi1>
      %add3A_503 = arith.constant 16 : i32
      %add3A_504 = vector.broadcast %add3A_503 : i32 to vector<16xi32>
      %add3A_505 = arith.addi %iota3A, %add3A_504 : vector<16xi32>
      %gather3A_506 = tpu.vector_load_idx %arg10[%broadcast_in_dim3A_130, %broadcast_in_dim3A_491, %add3A_505] : memref<4x32x64xi32, #tpu.memory_space<vmem>>[vector<16xi32>, vector<16xi32>, vector<16xi32>], vector<16xi32>,
      %add3A_507 = arith.constant 16 : i32
      %add3A_508 = vector.broadcast %add3A_507 : i32 to vector<16xi32>
      %add3A_509 = arith.addi %iota3A, %add3A_508 : vector<16xi32>
      %lt3A_510 = arith.cmpi slt, %add3A_509, %gather3A_492 : vector<16xi32>
      %unique3A_511, %unique3A_512 = tpu.scan_count mask(%lt3A_510 : vector<16xi1>) value(%gather3A_506 : vector<16xi32>) : vector<16xi1>, vector<16xi32>
      tpu.vector_store_idx %arg12[%gather3A_506], %unique3A_512 masked %unique3A_511 {add = true} : memref<512xi32, #tpu.memory_space<vmem>>[vector<16xi32>], vector<16xi32>, vector<16xi1>
      %add3A_513 = arith.constant 32 : i32
      %add3A_514 = vector.broadcast %add3A_513 : i32 to vector<16xi32>
      %add3A_515 = arith.addi %iota3A, %add3A_514 : vector<16xi32>
      %gather3A_516 = tpu.vector_load_idx %arg10[%broadcast_in_dim3A_130, %broadcast_in_dim3A_491, %add3A_515] : memref<4x32x64xi32, #tpu.memory_space<vmem>>[vector<16xi32>, vector<16xi32>, vector<16xi32>], vector<16xi32>,
      %add3A_517 = arith.constant 32 : i32
      %add3A_518 = vector.broadcast %add3A_517 : i32 to vector<16xi32>
      %add3A_519 = arith.addi %iota3A, %add3A_518 : vector<16xi32>
      %lt3A_520 = arith.cmpi slt, %add3A_519, %gather3A_492 : vector<16xi32>
      %unique3A_521, %unique3A_522 = tpu.scan_count mask(%lt3A_520 : vector<16xi1>) value(%gather3A_516 : vector<16xi32>) : vector<16xi1>, vector<16xi32>
      tpu.vector_store_idx %arg12[%gather3A_516], %unique3A_522 masked %unique3A_521 {add = true} : memref<512xi32, #tpu.memory_space<vmem>>[vector<16xi32>], vector<16xi32>, vector<16xi1>
      %add3A_523 = arith.constant 48 : i32
      %add3A_524 = vector.broadcast %add3A_523 : i32 to vector<16xi32>
      %add3A_525 = arith.addi %iota3A, %add3A_524 : vector<16xi32>
      %gather3A_526 = tpu.vector_load_idx %arg10[%broadcast_in_dim3A_130, %broadcast_in_dim3A_491, %add3A_525] : memref<4x32x64xi32, #tpu.memory_space<vmem>>[vector<16xi32>, vector<16xi32>, vector<16xi32>], vector<16xi32>,
      %add3A_527 = arith.constant 48 : i32
      %add3A_528 = vector.broadcast %add3A_527 : i32 to vector<16xi32>
      %add3A_529 = arith.addi %iota3A, %add3A_528 : vector<16xi32>
      %lt3A_530 = arith.cmpi slt, %add3A_529, %gather3A_492 : vector<16xi32>
      %unique3A_531, %unique3A_532 = tpu.scan_count mask(%lt3A_530 : vector<16xi1>) value(%gather3A_526 : vector<16xi32>) : vector<16xi1>, vector<16xi32>
      tpu.vector_store_idx %arg12[%gather3A_526], %unique3A_532 masked %unique3A_531 {add = true} : memref<512xi32, #tpu.memory_space<vmem>>[vector<16xi32>], vector<16xi32>, vector<16xi1>
      %broadcast_in_dim3A_533 = arith.constant 0.000000e+00 : f32
      %broadcast_in_dim3A_534 = vector.broadcast %broadcast_in_dim3A_533 : f32 to vector<16xf32>
      %gather3A_535 = tpu.vector_load_idx %arg12[%get3A_136] masked %lt3A : memref<512xi32, #tpu.memory_space<vmem>>[vector<16xi32>], vector<16xi32>, vector<16xi1>
      %convert_element_type3A_536 = arith.sitofp %gather3A_535 : vector<16xi32> to vector<16xf32>
      %ge3A = arith.constant 2 : i32
      %ge3A_537 = vector.broadcast %ge3A : i32 to vector<16xi32>
      %ge3A_538 = arith.cmpi sge, %gather3A_535, %ge3A_537 : vector<16xi32>
      %and3A = arith.andi %lt3A, %ge3A_538 : vector<16xi1>
      %div3A = arith.constant 1.000000e+00 : f32
      %div3A_539 = vector.broadcast %div3A : f32 to vector<16xf32>
      %div3A_540 = arith.divf %div3A_539, %convert_element_type3A_536 : vector<16xf32>
      %jit3A = arith.constant 0.000000e+00 : f32
      %broadcast_in_dim3A_541 = vector.broadcast %jit3A : f32 to vector<16xf32>
      %select_n3A = arith.select %and3A, %div3A_540, %broadcast_in_dim3A_541 : vector<16xi1>, vector<16xf32>
      %add3A_542 = arith.addf %broadcast_in_dim3A_534, %select_n3A : vector<16xf32>
      %gather3A_543 = tpu.vector_load_idx %arg12[%get3A_144] masked %lt3A_148 : memref<512xi32, #tpu.memory_space<vmem>>[vector<16xi32>], vector<16xi32>, vector<16xi1>
      %convert_element_type3A_544 = arith.sitofp %gather3A_543 : vector<16xi32> to vector<16xf32>
      %ge3A_545 = arith.constant 2 : i32
      %ge3A_546 = vector.broadcast %ge3A_545 : i32 to vector<16xi32>
      %ge3A_547 = arith.cmpi sge, %gather3A_543, %ge3A_546 : vector<16xi32>
      %and3A_548 = arith.andi %lt3A_148, %ge3A_547 : vector<16xi1>
      %div3A_549 = arith.constant 1.000000e+00 : f32
      %div3A_550 = vector.broadcast %div3A_549 : f32 to vector<16xf32>
      %div3A_551 = arith.divf %div3A_550, %convert_element_type3A_544 : vector<16xf32>
      %jit3A_552 = arith.constant 0.000000e+00 : f32
      %broadcast_in_dim3A_553 = vector.broadcast %jit3A_552 : f32 to vector<16xf32>
      %select_n3A_554 = arith.select %and3A_548, %div3A_551, %broadcast_in_dim3A_553 : vector<16xi1>, vector<16xf32>
      %add3A_555 = arith.addf %add3A_542, %select_n3A_554 : vector<16xf32>
      %gather3A_556 = tpu.vector_load_idx %arg12[%get3A_154] masked %lt3A_158 : memref<512xi32, #tpu.memory_space<vmem>>[vector<16xi32>], vector<16xi32>, vector<16xi1>
      %convert_element_type3A_557 = arith.sitofp %gather3A_556 : vector<16xi32> to vector<16xf32>
      %ge3A_558 = arith.constant 2 : i32
      %ge3A_559 = vector.broadcast %ge3A_558 : i32 to vector<16xi32>
      %ge3A_560 = arith.cmpi sge, %gather3A_556, %ge3A_559 : vector<16xi32>
      %and3A_561 = arith.andi %lt3A_158, %ge3A_560 : vector<16xi1>
      %div3A_562 = arith.constant 1.000000e+00 : f32
      %div3A_563 = vector.broadcast %div3A_562 : f32 to vector<16xf32>
      %div3A_564 = arith.divf %div3A_563, %convert_element_type3A_557 : vector<16xf32>
      %jit3A_565 = arith.constant 0.000000e+00 : f32
      %broadcast_in_dim3A_566 = vector.broadcast %jit3A_565 : f32 to vector<16xf32>
      %select_n3A_567 = arith.select %and3A_561, %div3A_564, %broadcast_in_dim3A_566 : vector<16xi1>, vector<16xf32>
      %add3A_568 = arith.addf %add3A_555, %select_n3A_567 : vector<16xf32>
      %gather3A_569 = tpu.vector_load_idx %arg12[%get3A_164] masked %lt3A_168 : memref<512xi32, #tpu.memory_space<vmem>>[vector<16xi32>], vector<16xi32>, vector<16xi1>
      %convert_element_type3A_570 = arith.sitofp %gather3A_569 : vector<16xi32> to vector<16xf32>
      %ge3A_571 = arith.constant 2 : i32
      %ge3A_572 = vector.broadcast %ge3A_571 : i32 to vector<16xi32>
      %ge3A_573 = arith.cmpi sge, %gather3A_569, %ge3A_572 : vector<16xi32>
      %and3A_574 = arith.andi %lt3A_168, %ge3A_573 : vector<16xi1>
      %div3A_575 = arith.constant 1.000000e+00 : f32
      %div3A_576 = vector.broadcast %div3A_575 : f32 to vector<16xf32>
      %div3A_577 = arith.divf %div3A_576, %convert_element_type3A_570 : vector<16xf32>
      %jit3A_578 = arith.constant 0.000000e+00 : f32
      %broadcast_in_dim3A_579 = vector.broadcast %jit3A_578 : f32 to vector<16xf32>
      %select_n3A_580 = arith.select %and3A_574, %div3A_577, %broadcast_in_dim3A_579 : vector<16xi1>, vector<16xf32>
      %add3A_581 = arith.addf %add3A_568, %select_n3A_580 : vector<16xf32>
      %gather3A_582 = tpu.vector_load_idx %arg12[%gather3A_496] masked %lt3A_500 : memref<512xi32, #tpu.memory_space<vmem>>[vector<16xi32>], vector<16xi32>, vector<16xi1>
      %convert_element_type3A_583 = arith.sitofp %gather3A_582 : vector<16xi32> to vector<16xf32>
      %ge3A_584 = arith.constant 2 : i32
      %ge3A_585 = vector.broadcast %ge3A_584 : i32 to vector<16xi32>
      %ge3A_586 = arith.cmpi sge, %gather3A_582, %ge3A_585 : vector<16xi32>
      %and3A_587 = arith.andi %lt3A_500, %ge3A_586 : vector<16xi1>
      %div3A_588 = arith.constant 1.000000e+00 : f32
      %div3A_589 = vector.broadcast %div3A_588 : f32 to vector<16xf32>
      %div3A_590 = arith.divf %div3A_589, %convert_element_type3A_583 : vector<16xf32>
      %jit3A_591 = arith.constant 0.000000e+00 : f32
      %broadcast_in_dim3A_592 = vector.broadcast %jit3A_591 : f32 to vector<16xf32>
      %select_n3A_593 = arith.select %and3A_587, %div3A_590, %broadcast_in_dim3A_592 : vector<16xi1>, vector<16xf32>
      %add3A_594 = arith.addf %add3A_581, %select_n3A_593 : vector<16xf32>
      %gather3A_595 = tpu.vector_load_idx %arg12[%gather3A_506] masked %lt3A_510 : memref<512xi32, #tpu.memory_space<vmem>>[vector<16xi32>], vector<16xi32>, vector<16xi1>
      %convert_element_type3A_596 = arith.sitofp %gather3A_595 : vector<16xi32> to vector<16xf32>
      %ge3A_597 = arith.constant 2 : i32
      %ge3A_598 = vector.broadcast %ge3A_597 : i32 to vector<16xi32>
      %ge3A_599 = arith.cmpi sge, %gather3A_595, %ge3A_598 : vector<16xi32>
      %and3A_600 = arith.andi %lt3A_510, %ge3A_599 : vector<16xi1>
      %div3A_601 = arith.constant 1.000000e+00 : f32
      %div3A_602 = vector.broadcast %div3A_601 : f32 to vector<16xf32>
      %div3A_603 = arith.divf %div3A_602, %convert_element_type3A_596 : vector<16xf32>
      %jit3A_604 = arith.constant 0.000000e+00 : f32
      %broadcast_in_dim3A_605 = vector.broadcast %jit3A_604 : f32 to vector<16xf32>
      %select_n3A_606 = arith.select %and3A_600, %div3A_603, %broadcast_in_dim3A_605 : vector<16xi1>, vector<16xf32>
      %add3A_607 = arith.addf %add3A_594, %select_n3A_606 : vector<16xf32>
      %gather3A_608 = tpu.vector_load_idx %arg12[%gather3A_516] masked %lt3A_520 : memref<512xi32, #tpu.memory_space<vmem>>[vector<16xi32>], vector<16xi32>, vector<16xi1>
      %convert_element_type3A_609 = arith.sitofp %gather3A_608 : vector<16xi32> to vector<16xf32>
      %ge3A_610 = arith.constant 2 : i32
      %ge3A_611 = vector.broadcast %ge3A_610 : i32 to vector<16xi32>
      %ge3A_612 = arith.cmpi sge, %gather3A_608, %ge3A_611 : vector<16xi32>
      %and3A_613 = arith.andi %lt3A_520, %ge3A_612 : vector<16xi1>
      %div3A_614 = arith.constant 1.000000e+00 : f32
      %div3A_615 = vector.broadcast %div3A_614 : f32 to vector<16xf32>
      %div3A_616 = arith.divf %div3A_615, %convert_element_type3A_609 : vector<16xf32>
      %jit3A_617 = arith.constant 0.000000e+00 : f32
      %broadcast_in_dim3A_618 = vector.broadcast %jit3A_617 : f32 to vector<16xf32>
      %select_n3A_619 = arith.select %and3A_613, %div3A_616, %broadcast_in_dim3A_618 : vector<16xi1>, vector<16xf32>
      %add3A_620 = arith.addf %add3A_607, %select_n3A_619 : vector<16xf32>
      %gather3A_621 = tpu.vector_load_idx %arg12[%gather3A_526] masked %lt3A_530 : memref<512xi32, #tpu.memory_space<vmem>>[vector<16xi32>], vector<16xi32>, vector<16xi1>
      %convert_element_type3A_622 = arith.sitofp %gather3A_621 : vector<16xi32> to vector<16xf32>
      %ge3A_623 = arith.constant 2 : i32
      %ge3A_624 = vector.broadcast %ge3A_623 : i32 to vector<16xi32>
      %ge3A_625 = arith.cmpi sge, %gather3A_621, %ge3A_624 : vector<16xi32>
      %and3A_626 = arith.andi %lt3A_530, %ge3A_625 : vector<16xi1>
      %div3A_627 = arith.constant 1.000000e+00 : f32
      %div3A_628 = vector.broadcast %div3A_627 : f32 to vector<16xf32>
      %div3A_629 = arith.divf %div3A_628, %convert_element_type3A_622 : vector<16xf32>
      %jit3A_630 = arith.constant 0.000000e+00 : f32
      %broadcast_in_dim3A_631 = vector.broadcast %jit3A_630 : f32 to vector<16xf32>
      %select_n3A_632 = arith.select %and3A_626, %div3A_629, %broadcast_in_dim3A_631 : vector<16xi1>, vector<16xf32>
      %add3A_633 = arith.addf %add3A_620, %select_n3A_632 : vector<16xf32>
      %neg3A_634 = arith.constant 0 : i32
      %neg3A_635 = vector.broadcast %neg3A_634 : i32 to vector<16xi32>
      %neg3A_636 = arith.subi %neg3A_635, %unique3A_502 : vector<16xi32>
      tpu.vector_store_idx %arg12[%gather3A_496], %neg3A_636 masked %unique3A_501 {add = true} : memref<512xi32, #tpu.memory_space<vmem>>[vector<16xi32>], vector<16xi32>, vector<16xi1>
      %neg3A_637 = arith.constant 0 : i32
      %neg3A_638 = vector.broadcast %neg3A_637 : i32 to vector<16xi32>
      %neg3A_639 = arith.subi %neg3A_638, %unique3A_512 : vector<16xi32>
      tpu.vector_store_idx %arg12[%gather3A_506], %neg3A_639 masked %unique3A_511 {add = true} : memref<512xi32, #tpu.memory_space<vmem>>[vector<16xi32>], vector<16xi32>, vector<16xi1>
      %neg3A_640 = arith.constant 0 : i32
      %neg3A_641 = vector.broadcast %neg3A_640 : i32 to vector<16xi32>
      %neg3A_642 = arith.subi %neg3A_641, %unique3A_522 : vector<16xi32>
      tpu.vector_store_idx %arg12[%gather3A_516], %neg3A_642 masked %unique3A_521 {add = true} : memref<512xi32, #tpu.memory_space<vmem>>[vector<16xi32>], vector<16xi32>, vector<16xi1>
      %neg3A_643 = arith.constant 0 : i32
      %neg3A_644 = vector.broadcast %neg3A_643 : i32 to vector<16xi32>
      %neg3A_645 = arith.subi %neg3A_644, %unique3A_532 : vector<16xi32>
      tpu.vector_store_idx %arg12[%gather3A_526], %neg3A_645 masked %unique3A_531 {add = true} : memref<512xi32, #tpu.memory_space<vmem>>[vector<16xi32>], vector<16xi32>, vector<16xi1>
      %reduce_sum3A = arith.constant true
      %reduce_sum3A_646 = vector.broadcast %reduce_sum3A : i1 to vector<16xi1>
      %reduce_sum3A_647 = tpu.scan <sum>, %add3A_633 masked %reduce_sum3A_646 : vector<16xf32>, vector<16xi1> -> vector<16xf32>
      %reduce_sum3A_648 = vector.extract %reduce_sum3A_647[15] : f32 from vector<16xf32>
      %broadcast_in_dim3A_649 = vector.broadcast %reduce_sum3A_648 : f32 to vector<16xf32>
      %convert_element_type3A_650 = arith.sitofp %gather3A_492 : vector<16xi32> to vector<16xf32>
      %add3A_651 = arith.addf %convert_element_type3A, %convert_element_type3A_650 : vector<16xf32>
      %add3A_652 = arith.constant 9.99999982E-14 : f32
      %add3A_653 = vector.broadcast %add3A_652 : f32 to vector<16xf32>
      %add3A_654 = arith.addf %add3A_651, %add3A_653 : vector<16xf32>
      %div3A_655 = arith.divf %broadcast_in_dim3A_649, %add3A_654 : vector<16xf32>
      %ge3A_656 = arith.constant 1 : i32
      %ge3A_657 = vector.broadcast %ge3A_656 : i32 to vector<16xi32>
      %ge3A_658 = arith.cmpi sge, %gather3A, %ge3A_657 : vector<16xi32>
      %ge3A_659 = arith.constant 1 : i32
      %ge3A_660 = vector.broadcast %ge3A_659 : i32 to vector<16xi32>
      %ge3A_661 = arith.cmpi sge, %gather3A_492, %ge3A_660 : vector<16xi32>
      %and3A_662 = arith.andi %ge3A_658, %ge3A_661 : vector<16xi1>
      %jit3A_663 = arith.constant 1.000000e+00 : f32
      %jit3A_664 = arith.constant 0.000000e+00 : f32
      %broadcast_in_dim3A_665 = vector.broadcast %jit3A_663 : f32 to vector<16xf32>
      %broadcast_in_dim3A_666 = vector.broadcast %jit3A_664 : f32 to vector<16xf32>
      %select_n3A_667 = arith.select %and3A_662, %broadcast_in_dim3A_665, %broadcast_in_dim3A_666 : vector<16xi1>, vector<16xf32>
      %eq3A = vector.broadcast %scan3A_486 : i32 to vector<16xi32>
      %eq3A_668 = arith.cmpi eq, %iota3A, %eq3A : vector<16xi32>
      %select_n3A_669 = arith.select %eq3A_668, %div3A_655, %scan3A_487 : vector<16xi1>, vector<16xf32>
      %select_n3A_670 = arith.select %eq3A_668, %select_n3A_667, %scan3A_488 : vector<16xi1>, vector<16xf32>
      scf.yield %select_n3A_669, %select_n3A_670 : vector<16xf32>, vector<16xf32>
    }
    %scan3A_177 = arith.constant 16 : i32
    %swap3A_178 = arith.constant 0 : i32
    %swap3A_179 = arith.index_cast %swap3A_178 : i32 to index
    %swap3A_180 = arith.constant 0 : index
    %swap3A_181 = tpu.vector_load %arg13[%swap3A_179, %swap3A_180] {strides = array<i32>} : memref<4x32xf32, #tpu.memory_space<vmem>>, vector<16xf32>,
    tpu.vector_store %arg13[%swap3A_179, %swap3A_180], %scan3A_176#0 {strides = array<i32>} : memref<4x32xf32, #tpu.memory_space<vmem>>, vector<16xf32>,
    %swap3A_182 = arith.constant 0 : i32
    %swap3A_183 = arith.index_cast %swap3A_182 : i32 to index
    %swap3A_184 = arith.constant 0 : index
    %swap3A_185 = tpu.vector_load %arg14[%swap3A_183, %swap3A_184] {strides = array<i32>} : memref<4x32xf32, #tpu.memory_space<vmem>>, vector<16xf32>,
    tpu.vector_store %arg14[%swap3A_183, %swap3A_184], %scan3A_176#1 {strides = array<i32>} : memref<4x32xf32, #tpu.memory_space<vmem>>, vector<16xf32>,
    %broadcast_in_dim3A_186 = arith.constant 0.000000e+00 : f32
    %broadcast_in_dim3A_187 = vector.broadcast %broadcast_in_dim3A_186 : f32 to vector<16xf32>
    %scan3A_188 = arith.constant 0 : i32
    %scan3A_189 = arith.constant 16 : i32
    %scan3A_190 = arith.addi %scan3A_188, %scan3A_189 : i32
    %scan3A_191 = arith.constant 1 : i32
    %scan3A_192:2 = scf.for %scan3A_486 = %scan3A_188 to %scan3A_190 step %scan3A_191 iter_args(%scan3A_487 = %broadcast_in_dim3A_187, %scan3A_488 = %broadcast_in_dim3A_187) -> (vector<16xf32>, vector<16xf32>)  : i32 {
      %add3A_489 = arith.constant 16 : i32
      %add3A_490 = arith.addi %add3A_489, %scan3A_486 : i32
      %broadcast_in_dim3A_491 = vector.broadcast %add3A_490 : i32 to vector<16xi32>
      %gather3A_492 = tpu.vector_load_idx %arg11[%broadcast_in_dim3A_130, %broadcast_in_dim3A_491] : memref<4x32xi32, #tpu.memory_space<vmem>>[vector<16xi32>, vector<16xi32>], vector<16xi32>,
      %add3A_493 = arith.constant 0 : i32
      %add3A_494 = vector.broadcast %add3A_493 : i32 to vector<16xi32>
      %add3A_495 = arith.addi %iota3A, %add3A_494 : vector<16xi32>
      %gather3A_496 = tpu.vector_load_idx %arg10[%broadcast_in_dim3A_130, %broadcast_in_dim3A_491, %add3A_495] : memref<4x32x64xi32, #tpu.memory_space<vmem>>[vector<16xi32>, vector<16xi32>, vector<16xi32>], vector<16xi32>,
      %add3A_497 = arith.constant 0 : i32
      %add3A_498 = vector.broadcast %add3A_497 : i32 to vector<16xi32>
      %add3A_499 = arith.addi %iota3A, %add3A_498 : vector<16xi32>
      %lt3A_500 = arith.cmpi slt, %add3A_499, %gather3A_492 : vector<16xi32>
      %unique3A_501, %unique3A_502 = tpu.scan_count mask(%lt3A_500 : vector<16xi1>) value(%gather3A_496 : vector<16xi32>) : vector<16xi1>, vector<16xi32>
      tpu.vector_store_idx %arg12[%gather3A_496], %unique3A_502 masked %unique3A_501 {add = true} : memref<512xi32, #tpu.memory_space<vmem>>[vector<16xi32>], vector<16xi32>, vector<16xi1>
      %add3A_503 = arith.constant 16 : i32
      %add3A_504 = vector.broadcast %add3A_503 : i32 to vector<16xi32>
      %add3A_505 = arith.addi %iota3A, %add3A_504 : vector<16xi32>
      %gather3A_506 = tpu.vector_load_idx %arg10[%broadcast_in_dim3A_130, %broadcast_in_dim3A_491, %add3A_505] : memref<4x32x64xi32, #tpu.memory_space<vmem>>[vector<16xi32>, vector<16xi32>, vector<16xi32>], vector<16xi32>,
      %add3A_507 = arith.constant 16 : i32
      %add3A_508 = vector.broadcast %add3A_507 : i32 to vector<16xi32>
      %add3A_509 = arith.addi %iota3A, %add3A_508 : vector<16xi32>
      %lt3A_510 = arith.cmpi slt, %add3A_509, %gather3A_492 : vector<16xi32>
      %unique3A_511, %unique3A_512 = tpu.scan_count mask(%lt3A_510 : vector<16xi1>) value(%gather3A_506 : vector<16xi32>) : vector<16xi1>, vector<16xi32>
      tpu.vector_store_idx %arg12[%gather3A_506], %unique3A_512 masked %unique3A_511 {add = true} : memref<512xi32, #tpu.memory_space<vmem>>[vector<16xi32>], vector<16xi32>, vector<16xi1>
      %add3A_513 = arith.constant 32 : i32
      %add3A_514 = vector.broadcast %add3A_513 : i32 to vector<16xi32>
      %add3A_515 = arith.addi %iota3A, %add3A_514 : vector<16xi32>
      %gather3A_516 = tpu.vector_load_idx %arg10[%broadcast_in_dim3A_130, %broadcast_in_dim3A_491, %add3A_515] : memref<4x32x64xi32, #tpu.memory_space<vmem>>[vector<16xi32>, vector<16xi32>, vector<16xi32>], vector<16xi32>,
      %add3A_517 = arith.constant 32 : i32
      %add3A_518 = vector.broadcast %add3A_517 : i32 to vector<16xi32>
      %add3A_519 = arith.addi %iota3A, %add3A_518 : vector<16xi32>
      %lt3A_520 = arith.cmpi slt, %add3A_519, %gather3A_492 : vector<16xi32>
      %unique3A_521, %unique3A_522 = tpu.scan_count mask(%lt3A_520 : vector<16xi1>) value(%gather3A_516 : vector<16xi32>) : vector<16xi1>, vector<16xi32>
      tpu.vector_store_idx %arg12[%gather3A_516], %unique3A_522 masked %unique3A_521 {add = true} : memref<512xi32, #tpu.memory_space<vmem>>[vector<16xi32>], vector<16xi32>, vector<16xi1>
      %add3A_523 = arith.constant 48 : i32
      %add3A_524 = vector.broadcast %add3A_523 : i32 to vector<16xi32>
      %add3A_525 = arith.addi %iota3A, %add3A_524 : vector<16xi32>
      %gather3A_526 = tpu.vector_load_idx %arg10[%broadcast_in_dim3A_130, %broadcast_in_dim3A_491, %add3A_525] : memref<4x32x64xi32, #tpu.memory_space<vmem>>[vector<16xi32>, vector<16xi32>, vector<16xi32>], vector<16xi32>,
      %add3A_527 = arith.constant 48 : i32
      %add3A_528 = vector.broadcast %add3A_527 : i32 to vector<16xi32>
      %add3A_529 = arith.addi %iota3A, %add3A_528 : vector<16xi32>
      %lt3A_530 = arith.cmpi slt, %add3A_529, %gather3A_492 : vector<16xi32>
      %unique3A_531, %unique3A_532 = tpu.scan_count mask(%lt3A_530 : vector<16xi1>) value(%gather3A_526 : vector<16xi32>) : vector<16xi1>, vector<16xi32>
      tpu.vector_store_idx %arg12[%gather3A_526], %unique3A_532 masked %unique3A_531 {add = true} : memref<512xi32, #tpu.memory_space<vmem>>[vector<16xi32>], vector<16xi32>, vector<16xi1>
      %broadcast_in_dim3A_533 = arith.constant 0.000000e+00 : f32
      %broadcast_in_dim3A_534 = vector.broadcast %broadcast_in_dim3A_533 : f32 to vector<16xf32>
      %gather3A_535 = tpu.vector_load_idx %arg12[%get3A_136] masked %lt3A : memref<512xi32, #tpu.memory_space<vmem>>[vector<16xi32>], vector<16xi32>, vector<16xi1>
      %convert_element_type3A_536 = arith.sitofp %gather3A_535 : vector<16xi32> to vector<16xf32>
      %ge3A = arith.constant 2 : i32
      %ge3A_537 = vector.broadcast %ge3A : i32 to vector<16xi32>
      %ge3A_538 = arith.cmpi sge, %gather3A_535, %ge3A_537 : vector<16xi32>
      %and3A = arith.andi %lt3A, %ge3A_538 : vector<16xi1>
      %div3A = arith.constant 1.000000e+00 : f32
      %div3A_539 = vector.broadcast %div3A : f32 to vector<16xf32>
      %div3A_540 = arith.divf %div3A_539, %convert_element_type3A_536 : vector<16xf32>
      %jit3A = arith.constant 0.000000e+00 : f32
      %broadcast_in_dim3A_541 = vector.broadcast %jit3A : f32 to vector<16xf32>
      %select_n3A = arith.select %and3A, %div3A_540, %broadcast_in_dim3A_541 : vector<16xi1>, vector<16xf32>
      %add3A_542 = arith.addf %broadcast_in_dim3A_534, %select_n3A : vector<16xf32>
      %gather3A_543 = tpu.vector_load_idx %arg12[%get3A_144] masked %lt3A_148 : memref<512xi32, #tpu.memory_space<vmem>>[vector<16xi32>], vector<16xi32>, vector<16xi1>
      %convert_element_type3A_544 = arith.sitofp %gather3A_543 : vector<16xi32> to vector<16xf32>
      %ge3A_545 = arith.constant 2 : i32
      %ge3A_546 = vector.broadcast %ge3A_545 : i32 to vector<16xi32>
      %ge3A_547 = arith.cmpi sge, %gather3A_543, %ge3A_546 : vector<16xi32>
      %and3A_548 = arith.andi %lt3A_148, %ge3A_547 : vector<16xi1>
      %div3A_549 = arith.constant 1.000000e+00 : f32
      %div3A_550 = vector.broadcast %div3A_549 : f32 to vector<16xf32>
      %div3A_551 = arith.divf %div3A_550, %convert_element_type3A_544 : vector<16xf32>
      %jit3A_552 = arith.constant 0.000000e+00 : f32
      %broadcast_in_dim3A_553 = vector.broadcast %jit3A_552 : f32 to vector<16xf32>
      %select_n3A_554 = arith.select %and3A_548, %div3A_551, %broadcast_in_dim3A_553 : vector<16xi1>, vector<16xf32>
      %add3A_555 = arith.addf %add3A_542, %select_n3A_554 : vector<16xf32>
      %gather3A_556 = tpu.vector_load_idx %arg12[%get3A_154] masked %lt3A_158 : memref<512xi32, #tpu.memory_space<vmem>>[vector<16xi32>], vector<16xi32>, vector<16xi1>
      %convert_element_type3A_557 = arith.sitofp %gather3A_556 : vector<16xi32> to vector<16xf32>
      %ge3A_558 = arith.constant 2 : i32
      %ge3A_559 = vector.broadcast %ge3A_558 : i32 to vector<16xi32>
      %ge3A_560 = arith.cmpi sge, %gather3A_556, %ge3A_559 : vector<16xi32>
      %and3A_561 = arith.andi %lt3A_158, %ge3A_560 : vector<16xi1>
      %div3A_562 = arith.constant 1.000000e+00 : f32
      %div3A_563 = vector.broadcast %div3A_562 : f32 to vector<16xf32>
      %div3A_564 = arith.divf %div3A_563, %convert_element_type3A_557 : vector<16xf32>
      %jit3A_565 = arith.constant 0.000000e+00 : f32
      %broadcast_in_dim3A_566 = vector.broadcast %jit3A_565 : f32 to vector<16xf32>
      %select_n3A_567 = arith.select %and3A_561, %div3A_564, %broadcast_in_dim3A_566 : vector<16xi1>, vector<16xf32>
      %add3A_568 = arith.addf %add3A_555, %select_n3A_567 : vector<16xf32>
      %gather3A_569 = tpu.vector_load_idx %arg12[%get3A_164] masked %lt3A_168 : memref<512xi32, #tpu.memory_space<vmem>>[vector<16xi32>], vector<16xi32>, vector<16xi1>
      %convert_element_type3A_570 = arith.sitofp %gather3A_569 : vector<16xi32> to vector<16xf32>
      %ge3A_571 = arith.constant 2 : i32
      %ge3A_572 = vector.broadcast %ge3A_571 : i32 to vector<16xi32>
      %ge3A_573 = arith.cmpi sge, %gather3A_569, %ge3A_572 : vector<16xi32>
      %and3A_574 = arith.andi %lt3A_168, %ge3A_573 : vector<16xi1>
      %div3A_575 = arith.constant 1.000000e+00 : f32
      %div3A_576 = vector.broadcast %div3A_575 : f32 to vector<16xf32>
      %div3A_577 = arith.divf %div3A_576, %convert_element_type3A_570 : vector<16xf32>
      %jit3A_578 = arith.constant 0.000000e+00 : f32
      %broadcast_in_dim3A_579 = vector.broadcast %jit3A_578 : f32 to vector<16xf32>
      %select_n3A_580 = arith.select %and3A_574, %div3A_577, %broadcast_in_dim3A_579 : vector<16xi1>, vector<16xf32>
      %add3A_581 = arith.addf %add3A_568, %select_n3A_580 : vector<16xf32>
      %gather3A_582 = tpu.vector_load_idx %arg12[%gather3A_496] masked %lt3A_500 : memref<512xi32, #tpu.memory_space<vmem>>[vector<16xi32>], vector<16xi32>, vector<16xi1>
      %convert_element_type3A_583 = arith.sitofp %gather3A_582 : vector<16xi32> to vector<16xf32>
      %ge3A_584 = arith.constant 2 : i32
      %ge3A_585 = vector.broadcast %ge3A_584 : i32 to vector<16xi32>
      %ge3A_586 = arith.cmpi sge, %gather3A_582, %ge3A_585 : vector<16xi32>
      %and3A_587 = arith.andi %lt3A_500, %ge3A_586 : vector<16xi1>
      %div3A_588 = arith.constant 1.000000e+00 : f32
      %div3A_589 = vector.broadcast %div3A_588 : f32 to vector<16xf32>
      %div3A_590 = arith.divf %div3A_589, %convert_element_type3A_583 : vector<16xf32>
      %jit3A_591 = arith.constant 0.000000e+00 : f32
      %broadcast_in_dim3A_592 = vector.broadcast %jit3A_591 : f32 to vector<16xf32>
      %select_n3A_593 = arith.select %and3A_587, %div3A_590, %broadcast_in_dim3A_592 : vector<16xi1>, vector<16xf32>
      %add3A_594 = arith.addf %add3A_581, %select_n3A_593 : vector<16xf32>
      %gather3A_595 = tpu.vector_load_idx %arg12[%gather3A_506] masked %lt3A_510 : memref<512xi32, #tpu.memory_space<vmem>>[vector<16xi32>], vector<16xi32>, vector<16xi1>
      %convert_element_type3A_596 = arith.sitofp %gather3A_595 : vector<16xi32> to vector<16xf32>
      %ge3A_597 = arith.constant 2 : i32
      %ge3A_598 = vector.broadcast %ge3A_597 : i32 to vector<16xi32>
      %ge3A_599 = arith.cmpi sge, %gather3A_595, %ge3A_598 : vector<16xi32>
      %and3A_600 = arith.andi %lt3A_510, %ge3A_599 : vector<16xi1>
      %div3A_601 = arith.constant 1.000000e+00 : f32
      %div3A_602 = vector.broadcast %div3A_601 : f32 to vector<16xf32>
      %div3A_603 = arith.divf %div3A_602, %convert_element_type3A_596 : vector<16xf32>
      %jit3A_604 = arith.constant 0.000000e+00 : f32
      %broadcast_in_dim3A_605 = vector.broadcast %jit3A_604 : f32 to vector<16xf32>
      %select_n3A_606 = arith.select %and3A_600, %div3A_603, %broadcast_in_dim3A_605 : vector<16xi1>, vector<16xf32>
      %add3A_607 = arith.addf %add3A_594, %select_n3A_606 : vector<16xf32>
      %gather3A_608 = tpu.vector_load_idx %arg12[%gather3A_516] masked %lt3A_520 : memref<512xi32, #tpu.memory_space<vmem>>[vector<16xi32>], vector<16xi32>, vector<16xi1>
      %convert_element_type3A_609 = arith.sitofp %gather3A_608 : vector<16xi32> to vector<16xf32>
      %ge3A_610 = arith.constant 2 : i32
      %ge3A_611 = vector.broadcast %ge3A_610 : i32 to vector<16xi32>
      %ge3A_612 = arith.cmpi sge, %gather3A_608, %ge3A_611 : vector<16xi32>
      %and3A_613 = arith.andi %lt3A_520, %ge3A_612 : vector<16xi1>
      %div3A_614 = arith.constant 1.000000e+00 : f32
      %div3A_615 = vector.broadcast %div3A_614 : f32 to vector<16xf32>
      %div3A_616 = arith.divf %div3A_615, %convert_element_type3A_609 : vector<16xf32>
      %jit3A_617 = arith.constant 0.000000e+00 : f32
      %broadcast_in_dim3A_618 = vector.broadcast %jit3A_617 : f32 to vector<16xf32>
      %select_n3A_619 = arith.select %and3A_613, %div3A_616, %broadcast_in_dim3A_618 : vector<16xi1>, vector<16xf32>
      %add3A_620 = arith.addf %add3A_607, %select_n3A_619 : vector<16xf32>
      %gather3A_621 = tpu.vector_load_idx %arg12[%gather3A_526] masked %lt3A_530 : memref<512xi32, #tpu.memory_space<vmem>>[vector<16xi32>], vector<16xi32>, vector<16xi1>
      %convert_element_type3A_622 = arith.sitofp %gather3A_621 : vector<16xi32> to vector<16xf32>
      %ge3A_623 = arith.constant 2 : i32
      %ge3A_624 = vector.broadcast %ge3A_623 : i32 to vector<16xi32>
      %ge3A_625 = arith.cmpi sge, %gather3A_621, %ge3A_624 : vector<16xi32>
      %and3A_626 = arith.andi %lt3A_530, %ge3A_625 : vector<16xi1>
      %div3A_627 = arith.constant 1.000000e+00 : f32
      %div3A_628 = vector.broadcast %div3A_627 : f32 to vector<16xf32>
      %div3A_629 = arith.divf %div3A_628, %convert_element_type3A_622 : vector<16xf32>
      %jit3A_630 = arith.constant 0.000000e+00 : f32
      %broadcast_in_dim3A_631 = vector.broadcast %jit3A_630 : f32 to vector<16xf32>
      %select_n3A_632 = arith.select %and3A_626, %div3A_629, %broadcast_in_dim3A_631 : vector<16xi1>, vector<16xf32>
      %add3A_633 = arith.addf %add3A_620, %select_n3A_632 : vector<16xf32>
      %neg3A_634 = arith.constant 0 : i32
      %neg3A_635 = vector.broadcast %neg3A_634 : i32 to vector<16xi32>
      %neg3A_636 = arith.subi %neg3A_635, %unique3A_502 : vector<16xi32>
      tpu.vector_store_idx %arg12[%gather3A_496], %neg3A_636 masked %unique3A_501 {add = true} : memref<512xi32, #tpu.memory_space<vmem>>[vector<16xi32>], vector<16xi32>, vector<16xi1>
      %neg3A_637 = arith.constant 0 : i32
      %neg3A_638 = vector.broadcast %neg3A_637 : i32 to vector<16xi32>
      %neg3A_639 = arith.subi %neg3A_638, %unique3A_512 : vector<16xi32>
      tpu.vector_store_idx %arg12[%gather3A_506], %neg3A_639 masked %unique3A_511 {add = true} : memref<512xi32, #tpu.memory_space<vmem>>[vector<16xi32>], vector<16xi32>, vector<16xi1>
      %neg3A_640 = arith.constant 0 : i32
      %neg3A_641 = vector.broadcast %neg3A_640 : i32 to vector<16xi32>
      %neg3A_642 = arith.subi %neg3A_641, %unique3A_522 : vector<16xi32>
      tpu.vector_store_idx %arg12[%gather3A_516], %neg3A_642 masked %unique3A_521 {add = true} : memref<512xi32, #tpu.memory_space<vmem>>[vector<16xi32>], vector<16xi32>, vector<16xi1>
      %neg3A_643 = arith.constant 0 : i32
      %neg3A_644 = vector.broadcast %neg3A_643 : i32 to vector<16xi32>
      %neg3A_645 = arith.subi %neg3A_644, %unique3A_532 : vector<16xi32>
      tpu.vector_store_idx %arg12[%gather3A_526], %neg3A_645 masked %unique3A_531 {add = true} : memref<512xi32, #tpu.memory_space<vmem>>[vector<16xi32>], vector<16xi32>, vector<16xi1>
      %reduce_sum3A = arith.constant true
      %reduce_sum3A_646 = vector.broadcast %reduce_sum3A : i1 to vector<16xi1>
      %reduce_sum3A_647 = tpu.scan <sum>, %add3A_633 masked %reduce_sum3A_646 : vector<16xf32>, vector<16xi1> -> vector<16xf32>
      %reduce_sum3A_648 = vector.extract %reduce_sum3A_647[15] : f32 from vector<16xf32>
      %broadcast_in_dim3A_649 = vector.broadcast %reduce_sum3A_648 : f32 to vector<16xf32>
      %convert_element_type3A_650 = arith.sitofp %gather3A_492 : vector<16xi32> to vector<16xf32>
      %add3A_651 = arith.addf %convert_element_type3A, %convert_element_type3A_650 : vector<16xf32>
      %add3A_652 = arith.constant 9.99999982E-14 : f32
      %add3A_653 = vector.broadcast %add3A_652 : f32 to vector<16xf32>
      %add3A_654 = arith.addf %add3A_651, %add3A_653 : vector<16xf32>
      %div3A_655 = arith.divf %broadcast_in_dim3A_649, %add3A_654 : vector<16xf32>
      %ge3A_656 = arith.constant 1 : i32
      %ge3A_657 = vector.broadcast %ge3A_656 : i32 to vector<16xi32>
      %ge3A_658 = arith.cmpi sge, %gather3A, %ge3A_657 : vector<16xi32>
      %ge3A_659 = arith.constant 1 : i32
      %ge3A_660 = vector.broadcast %ge3A_659 : i32 to vector<16xi32>
      %ge3A_661 = arith.cmpi sge, %gather3A_492, %ge3A_660 : vector<16xi32>
      %and3A_662 = arith.andi %ge3A_658, %ge3A_661 : vector<16xi1>
      %jit3A_663 = arith.constant 1.000000e+00 : f32
      %jit3A_664 = arith.constant 0.000000e+00 : f32
      %broadcast_in_dim3A_665 = vector.broadcast %jit3A_663 : f32 to vector<16xf32>
      %broadcast_in_dim3A_666 = vector.broadcast %jit3A_664 : f32 to vector<16xf32>
      %select_n3A_667 = arith.select %and3A_662, %broadcast_in_dim3A_665, %broadcast_in_dim3A_666 : vector<16xi1>, vector<16xf32>
      %eq3A = vector.broadcast %scan3A_486 : i32 to vector<16xi32>
      %eq3A_668 = arith.cmpi eq, %iota3A, %eq3A : vector<16xi32>
      %select_n3A_669 = arith.select %eq3A_668, %div3A_655, %scan3A_487 : vector<16xi1>, vector<16xf32>
      %select_n3A_670 = arith.select %eq3A_668, %select_n3A_667, %scan3A_488 : vector<16xi1>, vector<16xf32>
      scf.yield %select_n3A_669, %select_n3A_670 : vector<16xf32>, vector<16xf32>
    }
    %scan3A_193 = arith.constant 16 : i32
    %swap3A_194 = arith.constant 0 : i32
    %swap3A_195 = arith.index_cast %swap3A_194 : i32 to index
    %swap3A_196 = arith.constant 16 : index
    %swap3A_197 = tpu.vector_load %arg13[%swap3A_195, %swap3A_196] {strides = array<i32>} : memref<4x32xf32, #tpu.memory_space<vmem>>, vector<16xf32>,
    tpu.vector_store %arg13[%swap3A_195, %swap3A_196], %scan3A_192#0 {strides = array<i32>} : memref<4x32xf32, #tpu.memory_space<vmem>>, vector<16xf32>,
    %swap3A_198 = arith.constant 0 : i32
    %swap3A_199 = arith.index_cast %swap3A_198 : i32 to index
    %swap3A_200 = arith.constant 16 : index
    %swap3A_201 = tpu.vector_load %arg14[%swap3A_199, %swap3A_200] {strides = array<i32>} : memref<4x32xf32, #tpu.memory_space<vmem>>, vector<16xf32>,
    tpu.vector_store %arg14[%swap3A_199, %swap3A_200], %scan3A_192#1 {strides = array<i32>} : memref<4x32xf32, #tpu.memory_space<vmem>>, vector<16xf32>,
    %neg3A = arith.constant 0 : i32
    %neg3A_202 = vector.broadcast %neg3A : i32 to vector<16xi32>
    %neg3A_203 = arith.subi %neg3A_202, %unique3A_140 : vector<16xi32>
    tpu.vector_store_idx %arg12[%get3A_136], %neg3A_203 masked %unique3A {add = true} : memref<512xi32, #tpu.memory_space<vmem>>[vector<16xi32>], vector<16xi32>, vector<16xi1>
    %neg3A_204 = arith.constant 0 : i32
    %neg3A_205 = vector.broadcast %neg3A_204 : i32 to vector<16xi32>
    %neg3A_206 = arith.subi %neg3A_205, %unique3A_150 : vector<16xi32>
    tpu.vector_store_idx %arg12[%get3A_144], %neg3A_206 masked %unique3A_149 {add = true} : memref<512xi32, #tpu.memory_space<vmem>>[vector<16xi32>], vector<16xi32>, vector<16xi1>
    %neg3A_207 = arith.constant 0 : i32
    %neg3A_208 = vector.broadcast %neg3A_207 : i32 to vector<16xi32>
    %neg3A_209 = arith.subi %neg3A_208, %unique3A_160 : vector<16xi32>
    tpu.vector_store_idx %arg12[%get3A_154], %neg3A_209 masked %unique3A_159 {add = true} : memref<512xi32, #tpu.memory_space<vmem>>[vector<16xi32>], vector<16xi32>, vector<16xi1>
    %neg3A_210 = arith.constant 0 : i32
    %neg3A_211 = vector.broadcast %neg3A_210 : i32 to vector<16xi32>
    %neg3A_212 = arith.subi %neg3A_211, %unique3A_170 : vector<16xi32>
    tpu.vector_store_idx %arg12[%get3A_164], %neg3A_212 masked %unique3A_169 {add = true} : memref<512xi32, #tpu.memory_space<vmem>>[vector<16xi32>], vector<16xi32>, vector<16xi1>
    %broadcast_in_dim3A_213 = arith.constant 1 : i32
    %broadcast_in_dim3A_214 = vector.broadcast %broadcast_in_dim3A_213 : i32 to vector<16xi32>
    %add3A_215 = arith.constant 1 : i32
    %add3A_216 = arith.addi %mul3A_2, %add3A_215 : i32
    %broadcast_in_dim3A_217 = vector.broadcast %add3A_216 : i32 to vector<16xi32>
    %gather3A_218 = tpu.vector_load_idx %arg9[%broadcast_in_dim3A_217] : memref<128xi32, #tpu.memory_space<vmem>>[vector<16xi32>], vector<16xi32>,
    %convert_element_type3A_219 = arith.sitofp %gather3A_218 : vector<16xi32> to vector<16xf32>
    %get3A_220 = arith.constant 1 : i32
    %get3A_221 = arith.index_cast %get3A_220 : i32 to index
    %get3A_222 = arith.constant 0 : index
    %get3A_223 = tpu.vector_load %arg8[%get3A_221, %get3A_222] {strides = array<i32>} : memref<4x64xi32, #tpu.memory_space<vmem>>, vector<16xi32>,
    %add3A_224 = arith.constant 0 : i32
    %add3A_225 = vector.broadcast %add3A_224 : i32 to vector<16xi32>
    %add3A_226 = arith.addi %iota3A, %add3A_225 : vector<16xi32>
    %lt3A_227 = arith.cmpi slt, %add3A_226, %gather3A_218 : vector<16xi32>
    %unique3A_228, %unique3A_229 = tpu.scan_count mask(%lt3A_227 : vector<16xi1>) value(%get3A_223 : vector<16xi32>) : vector<16xi1>, vector<16xi32>
    tpu.vector_store_idx %arg12[%get3A_223], %unique3A_229 masked %unique3A_228 {add = true} : memref<512xi32, #tpu.memory_space<vmem>>[vector<16xi32>], vector<16xi32>, vector<16xi1>
    %get3A_230 = arith.constant 1 : i32
    %get3A_231 = arith.index_cast %get3A_230 : i32 to index
    %get3A_232 = arith.constant 16 : index
    %get3A_233 = tpu.vector_load %arg8[%get3A_231, %get3A_232] {strides = array<i32>} : memref<4x64xi32, #tpu.memory_space<vmem>>, vector<16xi32>,
    %add3A_234 = arith.constant 16 : i32
    %add3A_235 = vector.broadcast %add3A_234 : i32 to vector<16xi32>
    %add3A_236 = arith.addi %iota3A, %add3A_235 : vector<16xi32>
    %lt3A_237 = arith.cmpi slt, %add3A_236, %gather3A_218 : vector<16xi32>
    %unique3A_238, %unique3A_239 = tpu.scan_count mask(%lt3A_237 : vector<16xi1>) value(%get3A_233 : vector<16xi32>) : vector<16xi1>, vector<16xi32>
    tpu.vector_store_idx %arg12[%get3A_233], %unique3A_239 masked %unique3A_238 {add = true} : memref<512xi32, #tpu.memory_space<vmem>>[vector<16xi32>], vector<16xi32>, vector<16xi1>
    %get3A_240 = arith.constant 1 : i32
    %get3A_241 = arith.index_cast %get3A_240 : i32 to index
    %get3A_242 = arith.constant 32 : index
    %get3A_243 = tpu.vector_load %arg8[%get3A_241, %get3A_242] {strides = array<i32>} : memref<4x64xi32, #tpu.memory_space<vmem>>, vector<16xi32>,
    %add3A_244 = arith.constant 32 : i32
    %add3A_245 = vector.broadcast %add3A_244 : i32 to vector<16xi32>
    %add3A_246 = arith.addi %iota3A, %add3A_245 : vector<16xi32>
    %lt3A_247 = arith.cmpi slt, %add3A_246, %gather3A_218 : vector<16xi32>
    %unique3A_248, %unique3A_249 = tpu.scan_count mask(%lt3A_247 : vector<16xi1>) value(%get3A_243 : vector<16xi32>) : vector<16xi1>, vector<16xi32>
    tpu.vector_store_idx %arg12[%get3A_243], %unique3A_249 masked %unique3A_248 {add = true} : memref<512xi32, #tpu.memory_space<vmem>>[vector<16xi32>], vector<16xi32>, vector<16xi1>
    %get3A_250 = arith.constant 1 : i32
    %get3A_251 = arith.index_cast %get3A_250 : i32 to index
    %get3A_252 = arith.constant 48 : index
    %get3A_253 = tpu.vector_load %arg8[%get3A_251, %get3A_252] {strides = array<i32>} : memref<4x64xi32, #tpu.memory_space<vmem>>, vector<16xi32>,
    %add3A_254 = arith.constant 48 : i32
    %add3A_255 = vector.broadcast %add3A_254 : i32 to vector<16xi32>
    %add3A_256 = arith.addi %iota3A, %add3A_255 : vector<16xi32>
    %lt3A_257 = arith.cmpi slt, %add3A_256, %gather3A_218 : vector<16xi32>
    %unique3A_258, %unique3A_259 = tpu.scan_count mask(%lt3A_257 : vector<16xi1>) value(%get3A_253 : vector<16xi32>) : vector<16xi1>, vector<16xi32>
    tpu.vector_store_idx %arg12[%get3A_253], %unique3A_259 masked %unique3A_258 {add = true} : memref<512xi32, #tpu.memory_space<vmem>>[vector<16xi32>], vector<16xi32>, vector<16xi1>
    %broadcast_in_dim3A_260 = arith.constant 0.000000e+00 : f32
    %broadcast_in_dim3A_261 = vector.broadcast %broadcast_in_dim3A_260 : f32 to vector<16xf32>
    %scan3A_262 = arith.constant 0 : i32
    %scan3A_263 = arith.constant 16 : i32
    %scan3A_264 = arith.addi %scan3A_262, %scan3A_263 : i32
    %scan3A_265 = arith.constant 1 : i32
    %scan3A_266:2 = scf.for %scan3A_486 = %scan3A_262 to %scan3A_264 step %scan3A_265 iter_args(%scan3A_487 = %broadcast_in_dim3A_261, %scan3A_488 = %broadcast_in_dim3A_261) -> (vector<16xf32>, vector<16xf32>)  : i32 {
      %add3A_489 = arith.constant 0 : i32
      %add3A_490 = arith.addi %add3A_489, %scan3A_486 : i32
      %broadcast_in_dim3A_491 = vector.broadcast %add3A_490 : i32 to vector<16xi32>
      %gather3A_492 = tpu.vector_load_idx %arg11[%broadcast_in_dim3A_214, %broadcast_in_dim3A_491] : memref<4x32xi32, #tpu.memory_space<vmem>>[vector<16xi32>, vector<16xi32>], vector<16xi32>,
      %add3A_493 = arith.constant 0 : i32
      %add3A_494 = vector.broadcast %add3A_493 : i32 to vector<16xi32>
      %add3A_495 = arith.addi %iota3A, %add3A_494 : vector<16xi32>
      %gather3A_496 = tpu.vector_load_idx %arg10[%broadcast_in_dim3A_214, %broadcast_in_dim3A_491, %add3A_495] : memref<4x32x64xi32, #tpu.memory_space<vmem>>[vector<16xi32>, vector<16xi32>, vector<16xi32>], vector<16xi32>,
      %add3A_497 = arith.constant 0 : i32
      %add3A_498 = vector.broadcast %add3A_497 : i32 to vector<16xi32>
      %add3A_499 = arith.addi %iota3A, %add3A_498 : vector<16xi32>
      %lt3A_500 = arith.cmpi slt, %add3A_499, %gather3A_492 : vector<16xi32>
      %unique3A_501, %unique3A_502 = tpu.scan_count mask(%lt3A_500 : vector<16xi1>) value(%gather3A_496 : vector<16xi32>) : vector<16xi1>, vector<16xi32>
      tpu.vector_store_idx %arg12[%gather3A_496], %unique3A_502 masked %unique3A_501 {add = true} : memref<512xi32, #tpu.memory_space<vmem>>[vector<16xi32>], vector<16xi32>, vector<16xi1>
      %add3A_503 = arith.constant 16 : i32
      %add3A_504 = vector.broadcast %add3A_503 : i32 to vector<16xi32>
      %add3A_505 = arith.addi %iota3A, %add3A_504 : vector<16xi32>
      %gather3A_506 = tpu.vector_load_idx %arg10[%broadcast_in_dim3A_214, %broadcast_in_dim3A_491, %add3A_505] : memref<4x32x64xi32, #tpu.memory_space<vmem>>[vector<16xi32>, vector<16xi32>, vector<16xi32>], vector<16xi32>,
      %add3A_507 = arith.constant 16 : i32
      %add3A_508 = vector.broadcast %add3A_507 : i32 to vector<16xi32>
      %add3A_509 = arith.addi %iota3A, %add3A_508 : vector<16xi32>
      %lt3A_510 = arith.cmpi slt, %add3A_509, %gather3A_492 : vector<16xi32>
      %unique3A_511, %unique3A_512 = tpu.scan_count mask(%lt3A_510 : vector<16xi1>) value(%gather3A_506 : vector<16xi32>) : vector<16xi1>, vector<16xi32>
      tpu.vector_store_idx %arg12[%gather3A_506], %unique3A_512 masked %unique3A_511 {add = true} : memref<512xi32, #tpu.memory_space<vmem>>[vector<16xi32>], vector<16xi32>, vector<16xi1>
      %add3A_513 = arith.constant 32 : i32
      %add3A_514 = vector.broadcast %add3A_513 : i32 to vector<16xi32>
      %add3A_515 = arith.addi %iota3A, %add3A_514 : vector<16xi32>
      %gather3A_516 = tpu.vector_load_idx %arg10[%broadcast_in_dim3A_214, %broadcast_in_dim3A_491, %add3A_515] : memref<4x32x64xi32, #tpu.memory_space<vmem>>[vector<16xi32>, vector<16xi32>, vector<16xi32>], vector<16xi32>,
      %add3A_517 = arith.constant 32 : i32
      %add3A_518 = vector.broadcast %add3A_517 : i32 to vector<16xi32>
      %add3A_519 = arith.addi %iota3A, %add3A_518 : vector<16xi32>
      %lt3A_520 = arith.cmpi slt, %add3A_519, %gather3A_492 : vector<16xi32>
      %unique3A_521, %unique3A_522 = tpu.scan_count mask(%lt3A_520 : vector<16xi1>) value(%gather3A_516 : vector<16xi32>) : vector<16xi1>, vector<16xi32>
      tpu.vector_store_idx %arg12[%gather3A_516], %unique3A_522 masked %unique3A_521 {add = true} : memref<512xi32, #tpu.memory_space<vmem>>[vector<16xi32>], vector<16xi32>, vector<16xi1>
      %add3A_523 = arith.constant 48 : i32
      %add3A_524 = vector.broadcast %add3A_523 : i32 to vector<16xi32>
      %add3A_525 = arith.addi %iota3A, %add3A_524 : vector<16xi32>
      %gather3A_526 = tpu.vector_load_idx %arg10[%broadcast_in_dim3A_214, %broadcast_in_dim3A_491, %add3A_525] : memref<4x32x64xi32, #tpu.memory_space<vmem>>[vector<16xi32>, vector<16xi32>, vector<16xi32>], vector<16xi32>,
      %add3A_527 = arith.constant 48 : i32
      %add3A_528 = vector.broadcast %add3A_527 : i32 to vector<16xi32>
      %add3A_529 = arith.addi %iota3A, %add3A_528 : vector<16xi32>
      %lt3A_530 = arith.cmpi slt, %add3A_529, %gather3A_492 : vector<16xi32>
      %unique3A_531, %unique3A_532 = tpu.scan_count mask(%lt3A_530 : vector<16xi1>) value(%gather3A_526 : vector<16xi32>) : vector<16xi1>, vector<16xi32>
      tpu.vector_store_idx %arg12[%gather3A_526], %unique3A_532 masked %unique3A_531 {add = true} : memref<512xi32, #tpu.memory_space<vmem>>[vector<16xi32>], vector<16xi32>, vector<16xi1>
      %broadcast_in_dim3A_533 = arith.constant 0.000000e+00 : f32
      %broadcast_in_dim3A_534 = vector.broadcast %broadcast_in_dim3A_533 : f32 to vector<16xf32>
      %gather3A_535 = tpu.vector_load_idx %arg12[%get3A_223] masked %lt3A_227 : memref<512xi32, #tpu.memory_space<vmem>>[vector<16xi32>], vector<16xi32>, vector<16xi1>
      %convert_element_type3A_536 = arith.sitofp %gather3A_535 : vector<16xi32> to vector<16xf32>
      %ge3A = arith.constant 2 : i32
      %ge3A_537 = vector.broadcast %ge3A : i32 to vector<16xi32>
      %ge3A_538 = arith.cmpi sge, %gather3A_535, %ge3A_537 : vector<16xi32>
      %and3A = arith.andi %lt3A_227, %ge3A_538 : vector<16xi1>
      %div3A = arith.constant 1.000000e+00 : f32
      %div3A_539 = vector.broadcast %div3A : f32 to vector<16xf32>
      %div3A_540 = arith.divf %div3A_539, %convert_element_type3A_536 : vector<16xf32>
      %jit3A = arith.constant 0.000000e+00 : f32
      %broadcast_in_dim3A_541 = vector.broadcast %jit3A : f32 to vector<16xf32>
      %select_n3A = arith.select %and3A, %div3A_540, %broadcast_in_dim3A_541 : vector<16xi1>, vector<16xf32>
      %add3A_542 = arith.addf %broadcast_in_dim3A_534, %select_n3A : vector<16xf32>
      %gather3A_543 = tpu.vector_load_idx %arg12[%get3A_233] masked %lt3A_237 : memref<512xi32, #tpu.memory_space<vmem>>[vector<16xi32>], vector<16xi32>, vector<16xi1>
      %convert_element_type3A_544 = arith.sitofp %gather3A_543 : vector<16xi32> to vector<16xf32>
      %ge3A_545 = arith.constant 2 : i32
      %ge3A_546 = vector.broadcast %ge3A_545 : i32 to vector<16xi32>
      %ge3A_547 = arith.cmpi sge, %gather3A_543, %ge3A_546 : vector<16xi32>
      %and3A_548 = arith.andi %lt3A_237, %ge3A_547 : vector<16xi1>
      %div3A_549 = arith.constant 1.000000e+00 : f32
      %div3A_550 = vector.broadcast %div3A_549 : f32 to vector<16xf32>
      %div3A_551 = arith.divf %div3A_550, %convert_element_type3A_544 : vector<16xf32>
      %jit3A_552 = arith.constant 0.000000e+00 : f32
      %broadcast_in_dim3A_553 = vector.broadcast %jit3A_552 : f32 to vector<16xf32>
      %select_n3A_554 = arith.select %and3A_548, %div3A_551, %broadcast_in_dim3A_553 : vector<16xi1>, vector<16xf32>
      %add3A_555 = arith.addf %add3A_542, %select_n3A_554 : vector<16xf32>
      %gather3A_556 = tpu.vector_load_idx %arg12[%get3A_243] masked %lt3A_247 : memref<512xi32, #tpu.memory_space<vmem>>[vector<16xi32>], vector<16xi32>, vector<16xi1>
      %convert_element_type3A_557 = arith.sitofp %gather3A_556 : vector<16xi32> to vector<16xf32>
      %ge3A_558 = arith.constant 2 : i32
      %ge3A_559 = vector.broadcast %ge3A_558 : i32 to vector<16xi32>
      %ge3A_560 = arith.cmpi sge, %gather3A_556, %ge3A_559 : vector<16xi32>
      %and3A_561 = arith.andi %lt3A_247, %ge3A_560 : vector<16xi1>
      %div3A_562 = arith.constant 1.000000e+00 : f32
      %div3A_563 = vector.broadcast %div3A_562 : f32 to vector<16xf32>
      %div3A_564 = arith.divf %div3A_563, %convert_element_type3A_557 : vector<16xf32>
      %jit3A_565 = arith.constant 0.000000e+00 : f32
      %broadcast_in_dim3A_566 = vector.broadcast %jit3A_565 : f32 to vector<16xf32>
      %select_n3A_567 = arith.select %and3A_561, %div3A_564, %broadcast_in_dim3A_566 : vector<16xi1>, vector<16xf32>
      %add3A_568 = arith.addf %add3A_555, %select_n3A_567 : vector<16xf32>
      %gather3A_569 = tpu.vector_load_idx %arg12[%get3A_253] masked %lt3A_257 : memref<512xi32, #tpu.memory_space<vmem>>[vector<16xi32>], vector<16xi32>, vector<16xi1>
      %convert_element_type3A_570 = arith.sitofp %gather3A_569 : vector<16xi32> to vector<16xf32>
      %ge3A_571 = arith.constant 2 : i32
      %ge3A_572 = vector.broadcast %ge3A_571 : i32 to vector<16xi32>
      %ge3A_573 = arith.cmpi sge, %gather3A_569, %ge3A_572 : vector<16xi32>
      %and3A_574 = arith.andi %lt3A_257, %ge3A_573 : vector<16xi1>
      %div3A_575 = arith.constant 1.000000e+00 : f32
      %div3A_576 = vector.broadcast %div3A_575 : f32 to vector<16xf32>
      %div3A_577 = arith.divf %div3A_576, %convert_element_type3A_570 : vector<16xf32>
      %jit3A_578 = arith.constant 0.000000e+00 : f32
      %broadcast_in_dim3A_579 = vector.broadcast %jit3A_578 : f32 to vector<16xf32>
      %select_n3A_580 = arith.select %and3A_574, %div3A_577, %broadcast_in_dim3A_579 : vector<16xi1>, vector<16xf32>
      %add3A_581 = arith.addf %add3A_568, %select_n3A_580 : vector<16xf32>
      %gather3A_582 = tpu.vector_load_idx %arg12[%gather3A_496] masked %lt3A_500 : memref<512xi32, #tpu.memory_space<vmem>>[vector<16xi32>], vector<16xi32>, vector<16xi1>
      %convert_element_type3A_583 = arith.sitofp %gather3A_582 : vector<16xi32> to vector<16xf32>
      %ge3A_584 = arith.constant 2 : i32
      %ge3A_585 = vector.broadcast %ge3A_584 : i32 to vector<16xi32>
      %ge3A_586 = arith.cmpi sge, %gather3A_582, %ge3A_585 : vector<16xi32>
      %and3A_587 = arith.andi %lt3A_500, %ge3A_586 : vector<16xi1>
      %div3A_588 = arith.constant 1.000000e+00 : f32
      %div3A_589 = vector.broadcast %div3A_588 : f32 to vector<16xf32>
      %div3A_590 = arith.divf %div3A_589, %convert_element_type3A_583 : vector<16xf32>
      %jit3A_591 = arith.constant 0.000000e+00 : f32
      %broadcast_in_dim3A_592 = vector.broadcast %jit3A_591 : f32 to vector<16xf32>
      %select_n3A_593 = arith.select %and3A_587, %div3A_590, %broadcast_in_dim3A_592 : vector<16xi1>, vector<16xf32>
      %add3A_594 = arith.addf %add3A_581, %select_n3A_593 : vector<16xf32>
      %gather3A_595 = tpu.vector_load_idx %arg12[%gather3A_506] masked %lt3A_510 : memref<512xi32, #tpu.memory_space<vmem>>[vector<16xi32>], vector<16xi32>, vector<16xi1>
      %convert_element_type3A_596 = arith.sitofp %gather3A_595 : vector<16xi32> to vector<16xf32>
      %ge3A_597 = arith.constant 2 : i32
      %ge3A_598 = vector.broadcast %ge3A_597 : i32 to vector<16xi32>
      %ge3A_599 = arith.cmpi sge, %gather3A_595, %ge3A_598 : vector<16xi32>
      %and3A_600 = arith.andi %lt3A_510, %ge3A_599 : vector<16xi1>
      %div3A_601 = arith.constant 1.000000e+00 : f32
      %div3A_602 = vector.broadcast %div3A_601 : f32 to vector<16xf32>
      %div3A_603 = arith.divf %div3A_602, %convert_element_type3A_596 : vector<16xf32>
      %jit3A_604 = arith.constant 0.000000e+00 : f32
      %broadcast_in_dim3A_605 = vector.broadcast %jit3A_604 : f32 to vector<16xf32>
      %select_n3A_606 = arith.select %and3A_600, %div3A_603, %broadcast_in_dim3A_605 : vector<16xi1>, vector<16xf32>
      %add3A_607 = arith.addf %add3A_594, %select_n3A_606 : vector<16xf32>
      %gather3A_608 = tpu.vector_load_idx %arg12[%gather3A_516] masked %lt3A_520 : memref<512xi32, #tpu.memory_space<vmem>>[vector<16xi32>], vector<16xi32>, vector<16xi1>
      %convert_element_type3A_609 = arith.sitofp %gather3A_608 : vector<16xi32> to vector<16xf32>
      %ge3A_610 = arith.constant 2 : i32
      %ge3A_611 = vector.broadcast %ge3A_610 : i32 to vector<16xi32>
      %ge3A_612 = arith.cmpi sge, %gather3A_608, %ge3A_611 : vector<16xi32>
      %and3A_613 = arith.andi %lt3A_520, %ge3A_612 : vector<16xi1>
      %div3A_614 = arith.constant 1.000000e+00 : f32
      %div3A_615 = vector.broadcast %div3A_614 : f32 to vector<16xf32>
      %div3A_616 = arith.divf %div3A_615, %convert_element_type3A_609 : vector<16xf32>
      %jit3A_617 = arith.constant 0.000000e+00 : f32
      %broadcast_in_dim3A_618 = vector.broadcast %jit3A_617 : f32 to vector<16xf32>
      %select_n3A_619 = arith.select %and3A_613, %div3A_616, %broadcast_in_dim3A_618 : vector<16xi1>, vector<16xf32>
      %add3A_620 = arith.addf %add3A_607, %select_n3A_619 : vector<16xf32>
      %gather3A_621 = tpu.vector_load_idx %arg12[%gather3A_526] masked %lt3A_530 : memref<512xi32, #tpu.memory_space<vmem>>[vector<16xi32>], vector<16xi32>, vector<16xi1>
      %convert_element_type3A_622 = arith.sitofp %gather3A_621 : vector<16xi32> to vector<16xf32>
      %ge3A_623 = arith.constant 2 : i32
      %ge3A_624 = vector.broadcast %ge3A_623 : i32 to vector<16xi32>
      %ge3A_625 = arith.cmpi sge, %gather3A_621, %ge3A_624 : vector<16xi32>
      %and3A_626 = arith.andi %lt3A_530, %ge3A_625 : vector<16xi1>
      %div3A_627 = arith.constant 1.000000e+00 : f32
      %div3A_628 = vector.broadcast %div3A_627 : f32 to vector<16xf32>
      %div3A_629 = arith.divf %div3A_628, %convert_element_type3A_622 : vector<16xf32>
      %jit3A_630 = arith.constant 0.000000e+00 : f32
      %broadcast_in_dim3A_631 = vector.broadcast %jit3A_630 : f32 to vector<16xf32>
      %select_n3A_632 = arith.select %and3A_626, %div3A_629, %broadcast_in_dim3A_631 : vector<16xi1>, vector<16xf32>
      %add3A_633 = arith.addf %add3A_620, %select_n3A_632 : vector<16xf32>
      %neg3A_634 = arith.constant 0 : i32
      %neg3A_635 = vector.broadcast %neg3A_634 : i32 to vector<16xi32>
      %neg3A_636 = arith.subi %neg3A_635, %unique3A_502 : vector<16xi32>
      tpu.vector_store_idx %arg12[%gather3A_496], %neg3A_636 masked %unique3A_501 {add = true} : memref<512xi32, #tpu.memory_space<vmem>>[vector<16xi32>], vector<16xi32>, vector<16xi1>
      %neg3A_637 = arith.constant 0 : i32
      %neg3A_638 = vector.broadcast %neg3A_637 : i32 to vector<16xi32>
      %neg3A_639 = arith.subi %neg3A_638, %unique3A_512 : vector<16xi32>
      tpu.vector_store_idx %arg12[%gather3A_506], %neg3A_639 masked %unique3A_511 {add = true} : memref<512xi32, #tpu.memory_space<vmem>>[vector<16xi32>], vector<16xi32>, vector<16xi1>
      %neg3A_640 = arith.constant 0 : i32
      %neg3A_641 = vector.broadcast %neg3A_640 : i32 to vector<16xi32>
      %neg3A_642 = arith.subi %neg3A_641, %unique3A_522 : vector<16xi32>
      tpu.vector_store_idx %arg12[%gather3A_516], %neg3A_642 masked %unique3A_521 {add = true} : memref<512xi32, #tpu.memory_space<vmem>>[vector<16xi32>], vector<16xi32>, vector<16xi1>
      %neg3A_643 = arith.constant 0 : i32
      %neg3A_644 = vector.broadcast %neg3A_643 : i32 to vector<16xi32>
      %neg3A_645 = arith.subi %neg3A_644, %unique3A_532 : vector<16xi32>
      tpu.vector_store_idx %arg12[%gather3A_526], %neg3A_645 masked %unique3A_531 {add = true} : memref<512xi32, #tpu.memory_space<vmem>>[vector<16xi32>], vector<16xi32>, vector<16xi1>
      %reduce_sum3A = arith.constant true
      %reduce_sum3A_646 = vector.broadcast %reduce_sum3A : i1 to vector<16xi1>
      %reduce_sum3A_647 = tpu.scan <sum>, %add3A_633 masked %reduce_sum3A_646 : vector<16xf32>, vector<16xi1> -> vector<16xf32>
      %reduce_sum3A_648 = vector.extract %reduce_sum3A_647[15] : f32 from vector<16xf32>
      %broadcast_in_dim3A_649 = vector.broadcast %reduce_sum3A_648 : f32 to vector<16xf32>
      %convert_element_type3A_650 = arith.sitofp %gather3A_492 : vector<16xi32> to vector<16xf32>
      %add3A_651 = arith.addf %convert_element_type3A_219, %convert_element_type3A_650 : vector<16xf32>
      %add3A_652 = arith.constant 9.99999982E-14 : f32
      %add3A_653 = vector.broadcast %add3A_652 : f32 to vector<16xf32>
      %add3A_654 = arith.addf %add3A_651, %add3A_653 : vector<16xf32>
      %div3A_655 = arith.divf %broadcast_in_dim3A_649, %add3A_654 : vector<16xf32>
      %ge3A_656 = arith.constant 1 : i32
      %ge3A_657 = vector.broadcast %ge3A_656 : i32 to vector<16xi32>
      %ge3A_658 = arith.cmpi sge, %gather3A_218, %ge3A_657 : vector<16xi32>
      %ge3A_659 = arith.constant 1 : i32
      %ge3A_660 = vector.broadcast %ge3A_659 : i32 to vector<16xi32>
      %ge3A_661 = arith.cmpi sge, %gather3A_492, %ge3A_660 : vector<16xi32>
      %and3A_662 = arith.andi %ge3A_658, %ge3A_661 : vector<16xi1>
      %jit3A_663 = arith.constant 1.000000e+00 : f32
      %jit3A_664 = arith.constant 0.000000e+00 : f32
      %broadcast_in_dim3A_665 = vector.broadcast %jit3A_663 : f32 to vector<16xf32>
      %broadcast_in_dim3A_666 = vector.broadcast %jit3A_664 : f32 to vector<16xf32>
      %select_n3A_667 = arith.select %and3A_662, %broadcast_in_dim3A_665, %broadcast_in_dim3A_666 : vector<16xi1>, vector<16xf32>
      %eq3A = vector.broadcast %scan3A_486 : i32 to vector<16xi32>
      %eq3A_668 = arith.cmpi eq, %iota3A, %eq3A : vector<16xi32>
      %select_n3A_669 = arith.select %eq3A_668, %div3A_655, %scan3A_487 : vector<16xi1>, vector<16xf32>
      %select_n3A_670 = arith.select %eq3A_668, %select_n3A_667, %scan3A_488 : vector<16xi1>, vector<16xf32>
      scf.yield %select_n3A_669, %select_n3A_670 : vector<16xf32>, vector<16xf32>
    }
    %scan3A_267 = arith.constant 16 : i32
    %swap3A_268 = arith.constant 1 : i32
    %swap3A_269 = arith.index_cast %swap3A_268 : i32 to index
    %swap3A_270 = arith.constant 0 : index
    %swap3A_271 = tpu.vector_load %arg13[%swap3A_269, %swap3A_270] {strides = array<i32>} : memref<4x32xf32, #tpu.memory_space<vmem>>, vector<16xf32>,
    tpu.vector_store %arg13[%swap3A_269, %swap3A_270], %scan3A_266#0 {strides = array<i32>} : memref<4x32xf32, #tpu.memory_space<vmem>>, vector<16xf32>,
    %swap3A_272 = arith.constant 1 : i32
    %swap3A_273 = arith.index_cast %swap3A_272 : i32 to index
    %swap3A_274 = arith.constant 0 : index
    %swap3A_275 = tpu.vector_load %arg14[%swap3A_273, %swap3A_274] {strides = array<i32>} : memref<4x32xf32, #tpu.memory_space<vmem>>, vector<16xf32>,
    tpu.vector_store %arg14[%swap3A_273, %swap3A_274], %scan3A_266#1 {strides = array<i32>} : memref<4x32xf32, #tpu.memory_space<vmem>>, vector<16xf32>,
    %broadcast_in_dim3A_276 = arith.constant 0.000000e+00 : f32
    %broadcast_in_dim3A_277 = vector.broadcast %broadcast_in_dim3A_276 : f32 to vector<16xf32>
    %scan3A_278 = arith.constant 0 : i32
    %scan3A_279 = arith.constant 16 : i32
    %scan3A_280 = arith.addi %scan3A_278, %scan3A_279 : i32
    %scan3A_281 = arith.constant 1 : i32
    %scan3A_282:2 = scf.for %scan3A_486 = %scan3A_278 to %scan3A_280 step %scan3A_281 iter_args(%scan3A_487 = %broadcast_in_dim3A_277, %scan3A_488 = %broadcast_in_dim3A_277) -> (vector<16xf32>, vector<16xf32>)  : i32 {
      %add3A_489 = arith.constant 16 : i32
      %add3A_490 = arith.addi %add3A_489, %scan3A_486 : i32
      %broadcast_in_dim3A_491 = vector.broadcast %add3A_490 : i32 to vector<16xi32>
      %gather3A_492 = tpu.vector_load_idx %arg11[%broadcast_in_dim3A_214, %broadcast_in_dim3A_491] : memref<4x32xi32, #tpu.memory_space<vmem>>[vector<16xi32>, vector<16xi32>], vector<16xi32>,
      %add3A_493 = arith.constant 0 : i32
      %add3A_494 = vector.broadcast %add3A_493 : i32 to vector<16xi32>
      %add3A_495 = arith.addi %iota3A, %add3A_494 : vector<16xi32>
      %gather3A_496 = tpu.vector_load_idx %arg10[%broadcast_in_dim3A_214, %broadcast_in_dim3A_491, %add3A_495] : memref<4x32x64xi32, #tpu.memory_space<vmem>>[vector<16xi32>, vector<16xi32>, vector<16xi32>], vector<16xi32>,
      %add3A_497 = arith.constant 0 : i32
      %add3A_498 = vector.broadcast %add3A_497 : i32 to vector<16xi32>
      %add3A_499 = arith.addi %iota3A, %add3A_498 : vector<16xi32>
      %lt3A_500 = arith.cmpi slt, %add3A_499, %gather3A_492 : vector<16xi32>
      %unique3A_501, %unique3A_502 = tpu.scan_count mask(%lt3A_500 : vector<16xi1>) value(%gather3A_496 : vector<16xi32>) : vector<16xi1>, vector<16xi32>
      tpu.vector_store_idx %arg12[%gather3A_496], %unique3A_502 masked %unique3A_501 {add = true} : memref<512xi32, #tpu.memory_space<vmem>>[vector<16xi32>], vector<16xi32>, vector<16xi1>
      %add3A_503 = arith.constant 16 : i32
      %add3A_504 = vector.broadcast %add3A_503 : i32 to vector<16xi32>
      %add3A_505 = arith.addi %iota3A, %add3A_504 : vector<16xi32>
      %gather3A_506 = tpu.vector_load_idx %arg10[%broadcast_in_dim3A_214, %broadcast_in_dim3A_491, %add3A_505] : memref<4x32x64xi32, #tpu.memory_space<vmem>>[vector<16xi32>, vector<16xi32>, vector<16xi32>], vector<16xi32>,
      %add3A_507 = arith.constant 16 : i32
      %add3A_508 = vector.broadcast %add3A_507 : i32 to vector<16xi32>
      %add3A_509 = arith.addi %iota3A, %add3A_508 : vector<16xi32>
      %lt3A_510 = arith.cmpi slt, %add3A_509, %gather3A_492 : vector<16xi32>
      %unique3A_511, %unique3A_512 = tpu.scan_count mask(%lt3A_510 : vector<16xi1>) value(%gather3A_506 : vector<16xi32>) : vector<16xi1>, vector<16xi32>
      tpu.vector_store_idx %arg12[%gather3A_506], %unique3A_512 masked %unique3A_511 {add = true} : memref<512xi32, #tpu.memory_space<vmem>>[vector<16xi32>], vector<16xi32>, vector<16xi1>
      %add3A_513 = arith.constant 32 : i32
      %add3A_514 = vector.broadcast %add3A_513 : i32 to vector<16xi32>
      %add3A_515 = arith.addi %iota3A, %add3A_514 : vector<16xi32>
      %gather3A_516 = tpu.vector_load_idx %arg10[%broadcast_in_dim3A_214, %broadcast_in_dim3A_491, %add3A_515] : memref<4x32x64xi32, #tpu.memory_space<vmem>>[vector<16xi32>, vector<16xi32>, vector<16xi32>], vector<16xi32>,
      %add3A_517 = arith.constant 32 : i32
      %add3A_518 = vector.broadcast %add3A_517 : i32 to vector<16xi32>
      %add3A_519 = arith.addi %iota3A, %add3A_518 : vector<16xi32>
      %lt3A_520 = arith.cmpi slt, %add3A_519, %gather3A_492 : vector<16xi32>
      %unique3A_521, %unique3A_522 = tpu.scan_count mask(%lt3A_520 : vector<16xi1>) value(%gather3A_516 : vector<16xi32>) : vector<16xi1>, vector<16xi32>
      tpu.vector_store_idx %arg12[%gather3A_516], %unique3A_522 masked %unique3A_521 {add = true} : memref<512xi32, #tpu.memory_space<vmem>>[vector<16xi32>], vector<16xi32>, vector<16xi1>
      %add3A_523 = arith.constant 48 : i32
      %add3A_524 = vector.broadcast %add3A_523 : i32 to vector<16xi32>
      %add3A_525 = arith.addi %iota3A, %add3A_524 : vector<16xi32>
      %gather3A_526 = tpu.vector_load_idx %arg10[%broadcast_in_dim3A_214, %broadcast_in_dim3A_491, %add3A_525] : memref<4x32x64xi32, #tpu.memory_space<vmem>>[vector<16xi32>, vector<16xi32>, vector<16xi32>], vector<16xi32>,
      %add3A_527 = arith.constant 48 : i32
      %add3A_528 = vector.broadcast %add3A_527 : i32 to vector<16xi32>
      %add3A_529 = arith.addi %iota3A, %add3A_528 : vector<16xi32>
      %lt3A_530 = arith.cmpi slt, %add3A_529, %gather3A_492 : vector<16xi32>
      %unique3A_531, %unique3A_532 = tpu.scan_count mask(%lt3A_530 : vector<16xi1>) value(%gather3A_526 : vector<16xi32>) : vector<16xi1>, vector<16xi32>
      tpu.vector_store_idx %arg12[%gather3A_526], %unique3A_532 masked %unique3A_531 {add = true} : memref<512xi32, #tpu.memory_space<vmem>>[vector<16xi32>], vector<16xi32>, vector<16xi1>
      %broadcast_in_dim3A_533 = arith.constant 0.000000e+00 : f32
      %broadcast_in_dim3A_534 = vector.broadcast %broadcast_in_dim3A_533 : f32 to vector<16xf32>
      %gather3A_535 = tpu.vector_load_idx %arg12[%get3A_223] masked %lt3A_227 : memref<512xi32, #tpu.memory_space<vmem>>[vector<16xi32>], vector<16xi32>, vector<16xi1>
      %convert_element_type3A_536 = arith.sitofp %gather3A_535 : vector<16xi32> to vector<16xf32>
      %ge3A = arith.constant 2 : i32
      %ge3A_537 = vector.broadcast %ge3A : i32 to vector<16xi32>
      %ge3A_538 = arith.cmpi sge, %gather3A_535, %ge3A_537 : vector<16xi32>
      %and3A = arith.andi %lt3A_227, %ge3A_538 : vector<16xi1>
      %div3A = arith.constant 1.000000e+00 : f32
      %div3A_539 = vector.broadcast %div3A : f32 to vector<16xf32>
      %div3A_540 = arith.divf %div3A_539, %convert_element_type3A_536 : vector<16xf32>
      %jit3A = arith.constant 0.000000e+00 : f32
      %broadcast_in_dim3A_541 = vector.broadcast %jit3A : f32 to vector<16xf32>
      %select_n3A = arith.select %and3A, %div3A_540, %broadcast_in_dim3A_541 : vector<16xi1>, vector<16xf32>
      %add3A_542 = arith.addf %broadcast_in_dim3A_534, %select_n3A : vector<16xf32>
      %gather3A_543 = tpu.vector_load_idx %arg12[%get3A_233] masked %lt3A_237 : memref<512xi32, #tpu.memory_space<vmem>>[vector<16xi32>], vector<16xi32>, vector<16xi1>
      %convert_element_type3A_544 = arith.sitofp %gather3A_543 : vector<16xi32> to vector<16xf32>
      %ge3A_545 = arith.constant 2 : i32
      %ge3A_546 = vector.broadcast %ge3A_545 : i32 to vector<16xi32>
      %ge3A_547 = arith.cmpi sge, %gather3A_543, %ge3A_546 : vector<16xi32>
      %and3A_548 = arith.andi %lt3A_237, %ge3A_547 : vector<16xi1>
      %div3A_549 = arith.constant 1.000000e+00 : f32
      %div3A_550 = vector.broadcast %div3A_549 : f32 to vector<16xf32>
      %div3A_551 = arith.divf %div3A_550, %convert_element_type3A_544 : vector<16xf32>
      %jit3A_552 = arith.constant 0.000000e+00 : f32
      %broadcast_in_dim3A_553 = vector.broadcast %jit3A_552 : f32 to vector<16xf32>
      %select_n3A_554 = arith.select %and3A_548, %div3A_551, %broadcast_in_dim3A_553 : vector<16xi1>, vector<16xf32>
      %add3A_555 = arith.addf %add3A_542, %select_n3A_554 : vector<16xf32>
      %gather3A_556 = tpu.vector_load_idx %arg12[%get3A_243] masked %lt3A_247 : memref<512xi32, #tpu.memory_space<vmem>>[vector<16xi32>], vector<16xi32>, vector<16xi1>
      %convert_element_type3A_557 = arith.sitofp %gather3A_556 : vector<16xi32> to vector<16xf32>
      %ge3A_558 = arith.constant 2 : i32
      %ge3A_559 = vector.broadcast %ge3A_558 : i32 to vector<16xi32>
      %ge3A_560 = arith.cmpi sge, %gather3A_556, %ge3A_559 : vector<16xi32>
      %and3A_561 = arith.andi %lt3A_247, %ge3A_560 : vector<16xi1>
      %div3A_562 = arith.constant 1.000000e+00 : f32
      %div3A_563 = vector.broadcast %div3A_562 : f32 to vector<16xf32>
      %div3A_564 = arith.divf %div3A_563, %convert_element_type3A_557 : vector<16xf32>
      %jit3A_565 = arith.constant 0.000000e+00 : f32
      %broadcast_in_dim3A_566 = vector.broadcast %jit3A_565 : f32 to vector<16xf32>
      %select_n3A_567 = arith.select %and3A_561, %div3A_564, %broadcast_in_dim3A_566 : vector<16xi1>, vector<16xf32>
      %add3A_568 = arith.addf %add3A_555, %select_n3A_567 : vector<16xf32>
      %gather3A_569 = tpu.vector_load_idx %arg12[%get3A_253] masked %lt3A_257 : memref<512xi32, #tpu.memory_space<vmem>>[vector<16xi32>], vector<16xi32>, vector<16xi1>
      %convert_element_type3A_570 = arith.sitofp %gather3A_569 : vector<16xi32> to vector<16xf32>
      %ge3A_571 = arith.constant 2 : i32
      %ge3A_572 = vector.broadcast %ge3A_571 : i32 to vector<16xi32>
      %ge3A_573 = arith.cmpi sge, %gather3A_569, %ge3A_572 : vector<16xi32>
      %and3A_574 = arith.andi %lt3A_257, %ge3A_573 : vector<16xi1>
      %div3A_575 = arith.constant 1.000000e+00 : f32
      %div3A_576 = vector.broadcast %div3A_575 : f32 to vector<16xf32>
      %div3A_577 = arith.divf %div3A_576, %convert_element_type3A_570 : vector<16xf32>
      %jit3A_578 = arith.constant 0.000000e+00 : f32
      %broadcast_in_dim3A_579 = vector.broadcast %jit3A_578 : f32 to vector<16xf32>
      %select_n3A_580 = arith.select %and3A_574, %div3A_577, %broadcast_in_dim3A_579 : vector<16xi1>, vector<16xf32>
      %add3A_581 = arith.addf %add3A_568, %select_n3A_580 : vector<16xf32>
      %gather3A_582 = tpu.vector_load_idx %arg12[%gather3A_496] masked %lt3A_500 : memref<512xi32, #tpu.memory_space<vmem>>[vector<16xi32>], vector<16xi32>, vector<16xi1>
      %convert_element_type3A_583 = arith.sitofp %gather3A_582 : vector<16xi32> to vector<16xf32>
      %ge3A_584 = arith.constant 2 : i32
      %ge3A_585 = vector.broadcast %ge3A_584 : i32 to vector<16xi32>
      %ge3A_586 = arith.cmpi sge, %gather3A_582, %ge3A_585 : vector<16xi32>
      %and3A_587 = arith.andi %lt3A_500, %ge3A_586 : vector<16xi1>
      %div3A_588 = arith.constant 1.000000e+00 : f32
      %div3A_589 = vector.broadcast %div3A_588 : f32 to vector<16xf32>
      %div3A_590 = arith.divf %div3A_589, %convert_element_type3A_583 : vector<16xf32>
      %jit3A_591 = arith.constant 0.000000e+00 : f32
      %broadcast_in_dim3A_592 = vector.broadcast %jit3A_591 : f32 to vector<16xf32>
      %select_n3A_593 = arith.select %and3A_587, %div3A_590, %broadcast_in_dim3A_592 : vector<16xi1>, vector<16xf32>
      %add3A_594 = arith.addf %add3A_581, %select_n3A_593 : vector<16xf32>
      %gather3A_595 = tpu.vector_load_idx %arg12[%gather3A_506] masked %lt3A_510 : memref<512xi32, #tpu.memory_space<vmem>>[vector<16xi32>], vector<16xi32>, vector<16xi1>
      %convert_element_type3A_596 = arith.sitofp %gather3A_595 : vector<16xi32> to vector<16xf32>
      %ge3A_597 = arith.constant 2 : i32
      %ge3A_598 = vector.broadcast %ge3A_597 : i32 to vector<16xi32>
      %ge3A_599 = arith.cmpi sge, %gather3A_595, %ge3A_598 : vector<16xi32>
      %and3A_600 = arith.andi %lt3A_510, %ge3A_599 : vector<16xi1>
      %div3A_601 = arith.constant 1.000000e+00 : f32
      %div3A_602 = vector.broadcast %div3A_601 : f32 to vector<16xf32>
      %div3A_603 = arith.divf %div3A_602, %convert_element_type3A_596 : vector<16xf32>
      %jit3A_604 = arith.constant 0.000000e+00 : f32
      %broadcast_in_dim3A_605 = vector.broadcast %jit3A_604 : f32 to vector<16xf32>
      %select_n3A_606 = arith.select %and3A_600, %div3A_603, %broadcast_in_dim3A_605 : vector<16xi1>, vector<16xf32>
      %add3A_607 = arith.addf %add3A_594, %select_n3A_606 : vector<16xf32>
      %gather3A_608 = tpu.vector_load_idx %arg12[%gather3A_516] masked %lt3A_520 : memref<512xi32, #tpu.memory_space<vmem>>[vector<16xi32>], vector<16xi32>, vector<16xi1>
      %convert_element_type3A_609 = arith.sitofp %gather3A_608 : vector<16xi32> to vector<16xf32>
      %ge3A_610 = arith.constant 2 : i32
      %ge3A_611 = vector.broadcast %ge3A_610 : i32 to vector<16xi32>
      %ge3A_612 = arith.cmpi sge, %gather3A_608, %ge3A_611 : vector<16xi32>
      %and3A_613 = arith.andi %lt3A_520, %ge3A_612 : vector<16xi1>
      %div3A_614 = arith.constant 1.000000e+00 : f32
      %div3A_615 = vector.broadcast %div3A_614 : f32 to vector<16xf32>
      %div3A_616 = arith.divf %div3A_615, %convert_element_type3A_609 : vector<16xf32>
      %jit3A_617 = arith.constant 0.000000e+00 : f32
      %broadcast_in_dim3A_618 = vector.broadcast %jit3A_617 : f32 to vector<16xf32>
      %select_n3A_619 = arith.select %and3A_613, %div3A_616, %broadcast_in_dim3A_618 : vector<16xi1>, vector<16xf32>
      %add3A_620 = arith.addf %add3A_607, %select_n3A_619 : vector<16xf32>
      %gather3A_621 = tpu.vector_load_idx %arg12[%gather3A_526] masked %lt3A_530 : memref<512xi32, #tpu.memory_space<vmem>>[vector<16xi32>], vector<16xi32>, vector<16xi1>
      %convert_element_type3A_622 = arith.sitofp %gather3A_621 : vector<16xi32> to vector<16xf32>
      %ge3A_623 = arith.constant 2 : i32
      %ge3A_624 = vector.broadcast %ge3A_623 : i32 to vector<16xi32>
      %ge3A_625 = arith.cmpi sge, %gather3A_621, %ge3A_624 : vector<16xi32>
      %and3A_626 = arith.andi %lt3A_530, %ge3A_625 : vector<16xi1>
      %div3A_627 = arith.constant 1.000000e+00 : f32
      %div3A_628 = vector.broadcast %div3A_627 : f32 to vector<16xf32>
      %div3A_629 = arith.divf %div3A_628, %convert_element_type3A_622 : vector<16xf32>
      %jit3A_630 = arith.constant 0.000000e+00 : f32
      %broadcast_in_dim3A_631 = vector.broadcast %jit3A_630 : f32 to vector<16xf32>
      %select_n3A_632 = arith.select %and3A_626, %div3A_629, %broadcast_in_dim3A_631 : vector<16xi1>, vector<16xf32>
      %add3A_633 = arith.addf %add3A_620, %select_n3A_632 : vector<16xf32>
      %neg3A_634 = arith.constant 0 : i32
      %neg3A_635 = vector.broadcast %neg3A_634 : i32 to vector<16xi32>
      %neg3A_636 = arith.subi %neg3A_635, %unique3A_502 : vector<16xi32>
      tpu.vector_store_idx %arg12[%gather3A_496], %neg3A_636 masked %unique3A_501 {add = true} : memref<512xi32, #tpu.memory_space<vmem>>[vector<16xi32>], vector<16xi32>, vector<16xi1>
      %neg3A_637 = arith.constant 0 : i32
      %neg3A_638 = vector.broadcast %neg3A_637 : i32 to vector<16xi32>
      %neg3A_639 = arith.subi %neg3A_638, %unique3A_512 : vector<16xi32>
      tpu.vector_store_idx %arg12[%gather3A_506], %neg3A_639 masked %unique3A_511 {add = true} : memref<512xi32, #tpu.memory_space<vmem>>[vector<16xi32>], vector<16xi32>, vector<16xi1>
      %neg3A_640 = arith.constant 0 : i32
      %neg3A_641 = vector.broadcast %neg3A_640 : i32 to vector<16xi32>
      %neg3A_642 = arith.subi %neg3A_641, %unique3A_522 : vector<16xi32>
      tpu.vector_store_idx %arg12[%gather3A_516], %neg3A_642 masked %unique3A_521 {add = true} : memref<512xi32, #tpu.memory_space<vmem>>[vector<16xi32>], vector<16xi32>, vector<16xi1>
      %neg3A_643 = arith.constant 0 : i32
      %neg3A_644 = vector.broadcast %neg3A_643 : i32 to vector<16xi32>
      %neg3A_645 = arith.subi %neg3A_644, %unique3A_532 : vector<16xi32>
      tpu.vector_store_idx %arg12[%gather3A_526], %neg3A_645 masked %unique3A_531 {add = true} : memref<512xi32, #tpu.memory_space<vmem>>[vector<16xi32>], vector<16xi32>, vector<16xi1>
      %reduce_sum3A = arith.constant true
      %reduce_sum3A_646 = vector.broadcast %reduce_sum3A : i1 to vector<16xi1>
      %reduce_sum3A_647 = tpu.scan <sum>, %add3A_633 masked %reduce_sum3A_646 : vector<16xf32>, vector<16xi1> -> vector<16xf32>
      %reduce_sum3A_648 = vector.extract %reduce_sum3A_647[15] : f32 from vector<16xf32>
      %broadcast_in_dim3A_649 = vector.broadcast %reduce_sum3A_648 : f32 to vector<16xf32>
      %convert_element_type3A_650 = arith.sitofp %gather3A_492 : vector<16xi32> to vector<16xf32>
      %add3A_651 = arith.addf %convert_element_type3A_219, %convert_element_type3A_650 : vector<16xf32>
      %add3A_652 = arith.constant 9.99999982E-14 : f32
      %add3A_653 = vector.broadcast %add3A_652 : f32 to vector<16xf32>
      %add3A_654 = arith.addf %add3A_651, %add3A_653 : vector<16xf32>
      %div3A_655 = arith.divf %broadcast_in_dim3A_649, %add3A_654 : vector<16xf32>
      %ge3A_656 = arith.constant 1 : i32
      %ge3A_657 = vector.broadcast %ge3A_656 : i32 to vector<16xi32>
      %ge3A_658 = arith.cmpi sge, %gather3A_218, %ge3A_657 : vector<16xi32>
      %ge3A_659 = arith.constant 1 : i32
      %ge3A_660 = vector.broadcast %ge3A_659 : i32 to vector<16xi32>
      %ge3A_661 = arith.cmpi sge, %gather3A_492, %ge3A_660 : vector<16xi32>
      %and3A_662 = arith.andi %ge3A_658, %ge3A_661 : vector<16xi1>
      %jit3A_663 = arith.constant 1.000000e+00 : f32
      %jit3A_664 = arith.constant 0.000000e+00 : f32
      %broadcast_in_dim3A_665 = vector.broadcast %jit3A_663 : f32 to vector<16xf32>
      %broadcast_in_dim3A_666 = vector.broadcast %jit3A_664 : f32 to vector<16xf32>
      %select_n3A_667 = arith.select %and3A_662, %broadcast_in_dim3A_665, %broadcast_in_dim3A_666 : vector<16xi1>, vector<16xf32>
      %eq3A = vector.broadcast %scan3A_486 : i32 to vector<16xi32>
      %eq3A_668 = arith.cmpi eq, %iota3A, %eq3A : vector<16xi32>
      %select_n3A_669 = arith.select %eq3A_668, %div3A_655, %scan3A_487 : vector<16xi1>, vector<16xf32>
      %select_n3A_670 = arith.select %eq3A_668, %select_n3A_667, %scan3A_488 : vector<16xi1>, vector<16xf32>
      scf.yield %select_n3A_669, %select_n3A_670 : vector<16xf32>, vector<16xf32>
    }
    %scan3A_283 = arith.constant 16 : i32
    %swap3A_284 = arith.constant 1 : i32
    %swap3A_285 = arith.index_cast %swap3A_284 : i32 to index
    %swap3A_286 = arith.constant 16 : index
    %swap3A_287 = tpu.vector_load %arg13[%swap3A_285, %swap3A_286] {strides = array<i32>} : memref<4x32xf32, #tpu.memory_space<vmem>>, vector<16xf32>,
    tpu.vector_store %arg13[%swap3A_285, %swap3A_286], %scan3A_282#0 {strides = array<i32>} : memref<4x32xf32, #tpu.memory_space<vmem>>, vector<16xf32>,
    %swap3A_288 = arith.constant 1 : i32
    %swap3A_289 = arith.index_cast %swap3A_288 : i32 to index
    %swap3A_290 = arith.constant 16 : index
    %swap3A_291 = tpu.vector_load %arg14[%swap3A_289, %swap3A_290] {strides = array<i32>} : memref<4x32xf32, #tpu.memory_space<vmem>>, vector<16xf32>,
    tpu.vector_store %arg14[%swap3A_289, %swap3A_290], %scan3A_282#1 {strides = array<i32>} : memref<4x32xf32, #tpu.memory_space<vmem>>, vector<16xf32>,
    %neg3A_292 = arith.constant 0 : i32
    %neg3A_293 = vector.broadcast %neg3A_292 : i32 to vector<16xi32>
    %neg3A_294 = arith.subi %neg3A_293, %unique3A_229 : vector<16xi32>
    tpu.vector_store_idx %arg12[%get3A_223], %neg3A_294 masked %unique3A_228 {add = true} : memref<512xi32, #tpu.memory_space<vmem>>[vector<16xi32>], vector<16xi32>, vector<16xi1>
    %neg3A_295 = arith.constant 0 : i32
    %neg3A_296 = vector.broadcast %neg3A_295 : i32 to vector<16xi32>
    %neg3A_297 = arith.subi %neg3A_296, %unique3A_239 : vector<16xi32>
    tpu.vector_store_idx %arg12[%get3A_233], %neg3A_297 masked %unique3A_238 {add = true} : memref<512xi32, #tpu.memory_space<vmem>>[vector<16xi32>], vector<16xi32>, vector<16xi1>
    %neg3A_298 = arith.constant 0 : i32
    %neg3A_299 = vector.broadcast %neg3A_298 : i32 to vector<16xi32>
    %neg3A_300 = arith.subi %neg3A_299, %unique3A_249 : vector<16xi32>
    tpu.vector_store_idx %arg12[%get3A_243], %neg3A_300 masked %unique3A_248 {add = true} : memref<512xi32, #tpu.memory_space<vmem>>[vector<16xi32>], vector<16xi32>, vector<16xi1>
    %neg3A_301 = arith.constant 0 : i32
    %neg3A_302 = vector.broadcast %neg3A_301 : i32 to vector<16xi32>
    %neg3A_303 = arith.subi %neg3A_302, %unique3A_259 : vector<16xi32>
    tpu.vector_store_idx %arg12[%get3A_253], %neg3A_303 masked %unique3A_258 {add = true} : memref<512xi32, #tpu.memory_space<vmem>>[vector<16xi32>], vector<16xi32>, vector<16xi1>
    %broadcast_in_dim3A_304 = arith.constant 2 : i32
    %broadcast_in_dim3A_305 = vector.broadcast %broadcast_in_dim3A_304 : i32 to vector<16xi32>
    %add3A_306 = arith.constant 2 : i32
    %add3A_307 = arith.addi %mul3A_2, %add3A_306 : i32
    %broadcast_in_dim3A_308 = vector.broadcast %add3A_307 : i32 to vector<16xi32>
    %gather3A_309 = tpu.vector_load_idx %arg9[%broadcast_in_dim3A_308] : memref<128xi32, #tpu.memory_space<vmem>>[vector<16xi32>], vector<16xi32>,
    %convert_element_type3A_310 = arith.sitofp %gather3A_309 : vector<16xi32> to vector<16xf32>
    %get3A_311 = arith.constant 2 : i32
    %get3A_312 = arith.index_cast %get3A_311 : i32 to index
    %get3A_313 = arith.constant 0 : index
    %get3A_314 = tpu.vector_load %arg8[%get3A_312, %get3A_313] {strides = array<i32>} : memref<4x64xi32, #tpu.memory_space<vmem>>, vector<16xi32>,
    %add3A_315 = arith.constant 0 : i32
    %add3A_316 = vector.broadcast %add3A_315 : i32 to vector<16xi32>
    %add3A_317 = arith.addi %iota3A, %add3A_316 : vector<16xi32>
    %lt3A_318 = arith.cmpi slt, %add3A_317, %gather3A_309 : vector<16xi32>
    %unique3A_319, %unique3A_320 = tpu.scan_count mask(%lt3A_318 : vector<16xi1>) value(%get3A_314 : vector<16xi32>) : vector<16xi1>, vector<16xi32>
    tpu.vector_store_idx %arg12[%get3A_314], %unique3A_320 masked %unique3A_319 {add = true} : memref<512xi32, #tpu.memory_space<vmem>>[vector<16xi32>], vector<16xi32>, vector<16xi1>
    %get3A_321 = arith.constant 2 : i32
    %get3A_322 = arith.index_cast %get3A_321 : i32 to index
    %get3A_323 = arith.constant 16 : index
    %get3A_324 = tpu.vector_load %arg8[%get3A_322, %get3A_323] {strides = array<i32>} : memref<4x64xi32, #tpu.memory_space<vmem>>, vector<16xi32>,
    %add3A_325 = arith.constant 16 : i32
    %add3A_326 = vector.broadcast %add3A_325 : i32 to vector<16xi32>
    %add3A_327 = arith.addi %iota3A, %add3A_326 : vector<16xi32>
    %lt3A_328 = arith.cmpi slt, %add3A_327, %gather3A_309 : vector<16xi32>
    %unique3A_329, %unique3A_330 = tpu.scan_count mask(%lt3A_328 : vector<16xi1>) value(%get3A_324 : vector<16xi32>) : vector<16xi1>, vector<16xi32>
    tpu.vector_store_idx %arg12[%get3A_324], %unique3A_330 masked %unique3A_329 {add = true} : memref<512xi32, #tpu.memory_space<vmem>>[vector<16xi32>], vector<16xi32>, vector<16xi1>
    %get3A_331 = arith.constant 2 : i32
    %get3A_332 = arith.index_cast %get3A_331 : i32 to index
    %get3A_333 = arith.constant 32 : index
    %get3A_334 = tpu.vector_load %arg8[%get3A_332, %get3A_333] {strides = array<i32>} : memref<4x64xi32, #tpu.memory_space<vmem>>, vector<16xi32>,
    %add3A_335 = arith.constant 32 : i32
    %add3A_336 = vector.broadcast %add3A_335 : i32 to vector<16xi32>
    %add3A_337 = arith.addi %iota3A, %add3A_336 : vector<16xi32>
    %lt3A_338 = arith.cmpi slt, %add3A_337, %gather3A_309 : vector<16xi32>
    %unique3A_339, %unique3A_340 = tpu.scan_count mask(%lt3A_338 : vector<16xi1>) value(%get3A_334 : vector<16xi32>) : vector<16xi1>, vector<16xi32>
    tpu.vector_store_idx %arg12[%get3A_334], %unique3A_340 masked %unique3A_339 {add = true} : memref<512xi32, #tpu.memory_space<vmem>>[vector<16xi32>], vector<16xi32>, vector<16xi1>
    %get3A_341 = arith.constant 2 : i32
    %get3A_342 = arith.index_cast %get3A_341 : i32 to index
    %get3A_343 = arith.constant 48 : index
    %get3A_344 = tpu.vector_load %arg8[%get3A_342, %get3A_343] {strides = array<i32>} : memref<4x64xi32, #tpu.memory_space<vmem>>, vector<16xi32>,
    %add3A_345 = arith.constant 48 : i32
    %add3A_346 = vector.broadcast %add3A_345 : i32 to vector<16xi32>
    %add3A_347 = arith.addi %iota3A, %add3A_346 : vector<16xi32>
    %lt3A_348 = arith.cmpi slt, %add3A_347, %gather3A_309 : vector<16xi32>
    %unique3A_349, %unique3A_350 = tpu.scan_count mask(%lt3A_348 : vector<16xi1>) value(%get3A_344 : vector<16xi32>) : vector<16xi1>, vector<16xi32>
    tpu.vector_store_idx %arg12[%get3A_344], %unique3A_350 masked %unique3A_349 {add = true} : memref<512xi32, #tpu.memory_space<vmem>>[vector<16xi32>], vector<16xi32>, vector<16xi1>
    %broadcast_in_dim3A_351 = arith.constant 0.000000e+00 : f32
    %broadcast_in_dim3A_352 = vector.broadcast %broadcast_in_dim3A_351 : f32 to vector<16xf32>
    %scan3A_353 = arith.constant 0 : i32
    %scan3A_354 = arith.constant 16 : i32
    %scan3A_355 = arith.addi %scan3A_353, %scan3A_354 : i32
    %scan3A_356 = arith.constant 1 : i32
    %scan3A_357:2 = scf.for %scan3A_486 = %scan3A_353 to %scan3A_355 step %scan3A_356 iter_args(%scan3A_487 = %broadcast_in_dim3A_352, %scan3A_488 = %broadcast_in_dim3A_352) -> (vector<16xf32>, vector<16xf32>)  : i32 {
      %add3A_489 = arith.constant 0 : i32
      %add3A_490 = arith.addi %add3A_489, %scan3A_486 : i32
      %broadcast_in_dim3A_491 = vector.broadcast %add3A_490 : i32 to vector<16xi32>
      %gather3A_492 = tpu.vector_load_idx %arg11[%broadcast_in_dim3A_305, %broadcast_in_dim3A_491] : memref<4x32xi32, #tpu.memory_space<vmem>>[vector<16xi32>, vector<16xi32>], vector<16xi32>,
      %add3A_493 = arith.constant 0 : i32
      %add3A_494 = vector.broadcast %add3A_493 : i32 to vector<16xi32>
      %add3A_495 = arith.addi %iota3A, %add3A_494 : vector<16xi32>
      %gather3A_496 = tpu.vector_load_idx %arg10[%broadcast_in_dim3A_305, %broadcast_in_dim3A_491, %add3A_495] : memref<4x32x64xi32, #tpu.memory_space<vmem>>[vector<16xi32>, vector<16xi32>, vector<16xi32>], vector<16xi32>,
      %add3A_497 = arith.constant 0 : i32
      %add3A_498 = vector.broadcast %add3A_497 : i32 to vector<16xi32>
      %add3A_499 = arith.addi %iota3A, %add3A_498 : vector<16xi32>
      %lt3A_500 = arith.cmpi slt, %add3A_499, %gather3A_492 : vector<16xi32>
      %unique3A_501, %unique3A_502 = tpu.scan_count mask(%lt3A_500 : vector<16xi1>) value(%gather3A_496 : vector<16xi32>) : vector<16xi1>, vector<16xi32>
      tpu.vector_store_idx %arg12[%gather3A_496], %unique3A_502 masked %unique3A_501 {add = true} : memref<512xi32, #tpu.memory_space<vmem>>[vector<16xi32>], vector<16xi32>, vector<16xi1>
      %add3A_503 = arith.constant 16 : i32
      %add3A_504 = vector.broadcast %add3A_503 : i32 to vector<16xi32>
      %add3A_505 = arith.addi %iota3A, %add3A_504 : vector<16xi32>
      %gather3A_506 = tpu.vector_load_idx %arg10[%broadcast_in_dim3A_305, %broadcast_in_dim3A_491, %add3A_505] : memref<4x32x64xi32, #tpu.memory_space<vmem>>[vector<16xi32>, vector<16xi32>, vector<16xi32>], vector<16xi32>,
      %add3A_507 = arith.constant 16 : i32
      %add3A_508 = vector.broadcast %add3A_507 : i32 to vector<16xi32>
      %add3A_509 = arith.addi %iota3A, %add3A_508 : vector<16xi32>
      %lt3A_510 = arith.cmpi slt, %add3A_509, %gather3A_492 : vector<16xi32>
      %unique3A_511, %unique3A_512 = tpu.scan_count mask(%lt3A_510 : vector<16xi1>) value(%gather3A_506 : vector<16xi32>) : vector<16xi1>, vector<16xi32>
      tpu.vector_store_idx %arg12[%gather3A_506], %unique3A_512 masked %unique3A_511 {add = true} : memref<512xi32, #tpu.memory_space<vmem>>[vector<16xi32>], vector<16xi32>, vector<16xi1>
      %add3A_513 = arith.constant 32 : i32
      %add3A_514 = vector.broadcast %add3A_513 : i32 to vector<16xi32>
      %add3A_515 = arith.addi %iota3A, %add3A_514 : vector<16xi32>
      %gather3A_516 = tpu.vector_load_idx %arg10[%broadcast_in_dim3A_305, %broadcast_in_dim3A_491, %add3A_515] : memref<4x32x64xi32, #tpu.memory_space<vmem>>[vector<16xi32>, vector<16xi32>, vector<16xi32>], vector<16xi32>,
      %add3A_517 = arith.constant 32 : i32
      %add3A_518 = vector.broadcast %add3A_517 : i32 to vector<16xi32>
      %add3A_519 = arith.addi %iota3A, %add3A_518 : vector<16xi32>
      %lt3A_520 = arith.cmpi slt, %add3A_519, %gather3A_492 : vector<16xi32>
      %unique3A_521, %unique3A_522 = tpu.scan_count mask(%lt3A_520 : vector<16xi1>) value(%gather3A_516 : vector<16xi32>) : vector<16xi1>, vector<16xi32>
      tpu.vector_store_idx %arg12[%gather3A_516], %unique3A_522 masked %unique3A_521 {add = true} : memref<512xi32, #tpu.memory_space<vmem>>[vector<16xi32>], vector<16xi32>, vector<16xi1>
      %add3A_523 = arith.constant 48 : i32
      %add3A_524 = vector.broadcast %add3A_523 : i32 to vector<16xi32>
      %add3A_525 = arith.addi %iota3A, %add3A_524 : vector<16xi32>
      %gather3A_526 = tpu.vector_load_idx %arg10[%broadcast_in_dim3A_305, %broadcast_in_dim3A_491, %add3A_525] : memref<4x32x64xi32, #tpu.memory_space<vmem>>[vector<16xi32>, vector<16xi32>, vector<16xi32>], vector<16xi32>,
      %add3A_527 = arith.constant 48 : i32
      %add3A_528 = vector.broadcast %add3A_527 : i32 to vector<16xi32>
      %add3A_529 = arith.addi %iota3A, %add3A_528 : vector<16xi32>
      %lt3A_530 = arith.cmpi slt, %add3A_529, %gather3A_492 : vector<16xi32>
      %unique3A_531, %unique3A_532 = tpu.scan_count mask(%lt3A_530 : vector<16xi1>) value(%gather3A_526 : vector<16xi32>) : vector<16xi1>, vector<16xi32>
      tpu.vector_store_idx %arg12[%gather3A_526], %unique3A_532 masked %unique3A_531 {add = true} : memref<512xi32, #tpu.memory_space<vmem>>[vector<16xi32>], vector<16xi32>, vector<16xi1>
      %broadcast_in_dim3A_533 = arith.constant 0.000000e+00 : f32
      %broadcast_in_dim3A_534 = vector.broadcast %broadcast_in_dim3A_533 : f32 to vector<16xf32>
      %gather3A_535 = tpu.vector_load_idx %arg12[%get3A_314] masked %lt3A_318 : memref<512xi32, #tpu.memory_space<vmem>>[vector<16xi32>], vector<16xi32>, vector<16xi1>
      %convert_element_type3A_536 = arith.sitofp %gather3A_535 : vector<16xi32> to vector<16xf32>
      %ge3A = arith.constant 2 : i32
      %ge3A_537 = vector.broadcast %ge3A : i32 to vector<16xi32>
      %ge3A_538 = arith.cmpi sge, %gather3A_535, %ge3A_537 : vector<16xi32>
      %and3A = arith.andi %lt3A_318, %ge3A_538 : vector<16xi1>
      %div3A = arith.constant 1.000000e+00 : f32
      %div3A_539 = vector.broadcast %div3A : f32 to vector<16xf32>
      %div3A_540 = arith.divf %div3A_539, %convert_element_type3A_536 : vector<16xf32>
      %jit3A = arith.constant 0.000000e+00 : f32
      %broadcast_in_dim3A_541 = vector.broadcast %jit3A : f32 to vector<16xf32>
      %select_n3A = arith.select %and3A, %div3A_540, %broadcast_in_dim3A_541 : vector<16xi1>, vector<16xf32>
      %add3A_542 = arith.addf %broadcast_in_dim3A_534, %select_n3A : vector<16xf32>
      %gather3A_543 = tpu.vector_load_idx %arg12[%get3A_324] masked %lt3A_328 : memref<512xi32, #tpu.memory_space<vmem>>[vector<16xi32>], vector<16xi32>, vector<16xi1>
      %convert_element_type3A_544 = arith.sitofp %gather3A_543 : vector<16xi32> to vector<16xf32>
      %ge3A_545 = arith.constant 2 : i32
      %ge3A_546 = vector.broadcast %ge3A_545 : i32 to vector<16xi32>
      %ge3A_547 = arith.cmpi sge, %gather3A_543, %ge3A_546 : vector<16xi32>
      %and3A_548 = arith.andi %lt3A_328, %ge3A_547 : vector<16xi1>
      %div3A_549 = arith.constant 1.000000e+00 : f32
      %div3A_550 = vector.broadcast %div3A_549 : f32 to vector<16xf32>
      %div3A_551 = arith.divf %div3A_550, %convert_element_type3A_544 : vector<16xf32>
      %jit3A_552 = arith.constant 0.000000e+00 : f32
      %broadcast_in_dim3A_553 = vector.broadcast %jit3A_552 : f32 to vector<16xf32>
      %select_n3A_554 = arith.select %and3A_548, %div3A_551, %broadcast_in_dim3A_553 : vector<16xi1>, vector<16xf32>
      %add3A_555 = arith.addf %add3A_542, %select_n3A_554 : vector<16xf32>
      %gather3A_556 = tpu.vector_load_idx %arg12[%get3A_334] masked %lt3A_338 : memref<512xi32, #tpu.memory_space<vmem>>[vector<16xi32>], vector<16xi32>, vector<16xi1>
      %convert_element_type3A_557 = arith.sitofp %gather3A_556 : vector<16xi32> to vector<16xf32>
      %ge3A_558 = arith.constant 2 : i32
      %ge3A_559 = vector.broadcast %ge3A_558 : i32 to vector<16xi32>
      %ge3A_560 = arith.cmpi sge, %gather3A_556, %ge3A_559 : vector<16xi32>
      %and3A_561 = arith.andi %lt3A_338, %ge3A_560 : vector<16xi1>
      %div3A_562 = arith.constant 1.000000e+00 : f32
      %div3A_563 = vector.broadcast %div3A_562 : f32 to vector<16xf32>
      %div3A_564 = arith.divf %div3A_563, %convert_element_type3A_557 : vector<16xf32>
      %jit3A_565 = arith.constant 0.000000e+00 : f32
      %broadcast_in_dim3A_566 = vector.broadcast %jit3A_565 : f32 to vector<16xf32>
      %select_n3A_567 = arith.select %and3A_561, %div3A_564, %broadcast_in_dim3A_566 : vector<16xi1>, vector<16xf32>
      %add3A_568 = arith.addf %add3A_555, %select_n3A_567 : vector<16xf32>
      %gather3A_569 = tpu.vector_load_idx %arg12[%get3A_344] masked %lt3A_348 : memref<512xi32, #tpu.memory_space<vmem>>[vector<16xi32>], vector<16xi32>, vector<16xi1>
      %convert_element_type3A_570 = arith.sitofp %gather3A_569 : vector<16xi32> to vector<16xf32>
      %ge3A_571 = arith.constant 2 : i32
      %ge3A_572 = vector.broadcast %ge3A_571 : i32 to vector<16xi32>
      %ge3A_573 = arith.cmpi sge, %gather3A_569, %ge3A_572 : vector<16xi32>
      %and3A_574 = arith.andi %lt3A_348, %ge3A_573 : vector<16xi1>
      %div3A_575 = arith.constant 1.000000e+00 : f32
      %div3A_576 = vector.broadcast %div3A_575 : f32 to vector<16xf32>
      %div3A_577 = arith.divf %div3A_576, %convert_element_type3A_570 : vector<16xf32>
      %jit3A_578 = arith.constant 0.000000e+00 : f32
      %broadcast_in_dim3A_579 = vector.broadcast %jit3A_578 : f32 to vector<16xf32>
      %select_n3A_580 = arith.select %and3A_574, %div3A_577, %broadcast_in_dim3A_579 : vector<16xi1>, vector<16xf32>
      %add3A_581 = arith.addf %add3A_568, %select_n3A_580 : vector<16xf32>
      %gather3A_582 = tpu.vector_load_idx %arg12[%gather3A_496] masked %lt3A_500 : memref<512xi32, #tpu.memory_space<vmem>>[vector<16xi32>], vector<16xi32>, vector<16xi1>
      %convert_element_type3A_583 = arith.sitofp %gather3A_582 : vector<16xi32> to vector<16xf32>
      %ge3A_584 = arith.constant 2 : i32
      %ge3A_585 = vector.broadcast %ge3A_584 : i32 to vector<16xi32>
      %ge3A_586 = arith.cmpi sge, %gather3A_582, %ge3A_585 : vector<16xi32>
      %and3A_587 = arith.andi %lt3A_500, %ge3A_586 : vector<16xi1>
      %div3A_588 = arith.constant 1.000000e+00 : f32
      %div3A_589 = vector.broadcast %div3A_588 : f32 to vector<16xf32>
      %div3A_590 = arith.divf %div3A_589, %convert_element_type3A_583 : vector<16xf32>
      %jit3A_591 = arith.constant 0.000000e+00 : f32
      %broadcast_in_dim3A_592 = vector.broadcast %jit3A_591 : f32 to vector<16xf32>
      %select_n3A_593 = arith.select %and3A_587, %div3A_590, %broadcast_in_dim3A_592 : vector<16xi1>, vector<16xf32>
      %add3A_594 = arith.addf %add3A_581, %select_n3A_593 : vector<16xf32>
      %gather3A_595 = tpu.vector_load_idx %arg12[%gather3A_506] masked %lt3A_510 : memref<512xi32, #tpu.memory_space<vmem>>[vector<16xi32>], vector<16xi32>, vector<16xi1>
      %convert_element_type3A_596 = arith.sitofp %gather3A_595 : vector<16xi32> to vector<16xf32>
      %ge3A_597 = arith.constant 2 : i32
      %ge3A_598 = vector.broadcast %ge3A_597 : i32 to vector<16xi32>
      %ge3A_599 = arith.cmpi sge, %gather3A_595, %ge3A_598 : vector<16xi32>
      %and3A_600 = arith.andi %lt3A_510, %ge3A_599 : vector<16xi1>
      %div3A_601 = arith.constant 1.000000e+00 : f32
      %div3A_602 = vector.broadcast %div3A_601 : f32 to vector<16xf32>
      %div3A_603 = arith.divf %div3A_602, %convert_element_type3A_596 : vector<16xf32>
      %jit3A_604 = arith.constant 0.000000e+00 : f32
      %broadcast_in_dim3A_605 = vector.broadcast %jit3A_604 : f32 to vector<16xf32>
      %select_n3A_606 = arith.select %and3A_600, %div3A_603, %broadcast_in_dim3A_605 : vector<16xi1>, vector<16xf32>
      %add3A_607 = arith.addf %add3A_594, %select_n3A_606 : vector<16xf32>
      %gather3A_608 = tpu.vector_load_idx %arg12[%gather3A_516] masked %lt3A_520 : memref<512xi32, #tpu.memory_space<vmem>>[vector<16xi32>], vector<16xi32>, vector<16xi1>
      %convert_element_type3A_609 = arith.sitofp %gather3A_608 : vector<16xi32> to vector<16xf32>
      %ge3A_610 = arith.constant 2 : i32
      %ge3A_611 = vector.broadcast %ge3A_610 : i32 to vector<16xi32>
      %ge3A_612 = arith.cmpi sge, %gather3A_608, %ge3A_611 : vector<16xi32>
      %and3A_613 = arith.andi %lt3A_520, %ge3A_612 : vector<16xi1>
      %div3A_614 = arith.constant 1.000000e+00 : f32
      %div3A_615 = vector.broadcast %div3A_614 : f32 to vector<16xf32>
      %div3A_616 = arith.divf %div3A_615, %convert_element_type3A_609 : vector<16xf32>
      %jit3A_617 = arith.constant 0.000000e+00 : f32
      %broadcast_in_dim3A_618 = vector.broadcast %jit3A_617 : f32 to vector<16xf32>
      %select_n3A_619 = arith.select %and3A_613, %div3A_616, %broadcast_in_dim3A_618 : vector<16xi1>, vector<16xf32>
      %add3A_620 = arith.addf %add3A_607, %select_n3A_619 : vector<16xf32>
      %gather3A_621 = tpu.vector_load_idx %arg12[%gather3A_526] masked %lt3A_530 : memref<512xi32, #tpu.memory_space<vmem>>[vector<16xi32>], vector<16xi32>, vector<16xi1>
      %convert_element_type3A_622 = arith.sitofp %gather3A_621 : vector<16xi32> to vector<16xf32>
      %ge3A_623 = arith.constant 2 : i32
      %ge3A_624 = vector.broadcast %ge3A_623 : i32 to vector<16xi32>
      %ge3A_625 = arith.cmpi sge, %gather3A_621, %ge3A_624 : vector<16xi32>
      %and3A_626 = arith.andi %lt3A_530, %ge3A_625 : vector<16xi1>
      %div3A_627 = arith.constant 1.000000e+00 : f32
      %div3A_628 = vector.broadcast %div3A_627 : f32 to vector<16xf32>
      %div3A_629 = arith.divf %div3A_628, %convert_element_type3A_622 : vector<16xf32>
      %jit3A_630 = arith.constant 0.000000e+00 : f32
      %broadcast_in_dim3A_631 = vector.broadcast %jit3A_630 : f32 to vector<16xf32>
      %select_n3A_632 = arith.select %and3A_626, %div3A_629, %broadcast_in_dim3A_631 : vector<16xi1>, vector<16xf32>
      %add3A_633 = arith.addf %add3A_620, %select_n3A_632 : vector<16xf32>
      %neg3A_634 = arith.constant 0 : i32
      %neg3A_635 = vector.broadcast %neg3A_634 : i32 to vector<16xi32>
      %neg3A_636 = arith.subi %neg3A_635, %unique3A_502 : vector<16xi32>
      tpu.vector_store_idx %arg12[%gather3A_496], %neg3A_636 masked %unique3A_501 {add = true} : memref<512xi32, #tpu.memory_space<vmem>>[vector<16xi32>], vector<16xi32>, vector<16xi1>
      %neg3A_637 = arith.constant 0 : i32
      %neg3A_638 = vector.broadcast %neg3A_637 : i32 to vector<16xi32>
      %neg3A_639 = arith.subi %neg3A_638, %unique3A_512 : vector<16xi32>
      tpu.vector_store_idx %arg12[%gather3A_506], %neg3A_639 masked %unique3A_511 {add = true} : memref<512xi32, #tpu.memory_space<vmem>>[vector<16xi32>], vector<16xi32>, vector<16xi1>
      %neg3A_640 = arith.constant 0 : i32
      %neg3A_641 = vector.broadcast %neg3A_640 : i32 to vector<16xi32>
      %neg3A_642 = arith.subi %neg3A_641, %unique3A_522 : vector<16xi32>
      tpu.vector_store_idx %arg12[%gather3A_516], %neg3A_642 masked %unique3A_521 {add = true} : memref<512xi32, #tpu.memory_space<vmem>>[vector<16xi32>], vector<16xi32>, vector<16xi1>
      %neg3A_643 = arith.constant 0 : i32
      %neg3A_644 = vector.broadcast %neg3A_643 : i32 to vector<16xi32>
      %neg3A_645 = arith.subi %neg3A_644, %unique3A_532 : vector<16xi32>
      tpu.vector_store_idx %arg12[%gather3A_526], %neg3A_645 masked %unique3A_531 {add = true} : memref<512xi32, #tpu.memory_space<vmem>>[vector<16xi32>], vector<16xi32>, vector<16xi1>
      %reduce_sum3A = arith.constant true
      %reduce_sum3A_646 = vector.broadcast %reduce_sum3A : i1 to vector<16xi1>
      %reduce_sum3A_647 = tpu.scan <sum>, %add3A_633 masked %reduce_sum3A_646 : vector<16xf32>, vector<16xi1> -> vector<16xf32>
      %reduce_sum3A_648 = vector.extract %reduce_sum3A_647[15] : f32 from vector<16xf32>
      %broadcast_in_dim3A_649 = vector.broadcast %reduce_sum3A_648 : f32 to vector<16xf32>
      %convert_element_type3A_650 = arith.sitofp %gather3A_492 : vector<16xi32> to vector<16xf32>
      %add3A_651 = arith.addf %convert_element_type3A_310, %convert_element_type3A_650 : vector<16xf32>
      %add3A_652 = arith.constant 9.99999982E-14 : f32
      %add3A_653 = vector.broadcast %add3A_652 : f32 to vector<16xf32>
      %add3A_654 = arith.addf %add3A_651, %add3A_653 : vector<16xf32>
      %div3A_655 = arith.divf %broadcast_in_dim3A_649, %add3A_654 : vector<16xf32>
      %ge3A_656 = arith.constant 1 : i32
      %ge3A_657 = vector.broadcast %ge3A_656 : i32 to vector<16xi32>
      %ge3A_658 = arith.cmpi sge, %gather3A_309, %ge3A_657 : vector<16xi32>
      %ge3A_659 = arith.constant 1 : i32
      %ge3A_660 = vector.broadcast %ge3A_659 : i32 to vector<16xi32>
      %ge3A_661 = arith.cmpi sge, %gather3A_492, %ge3A_660 : vector<16xi32>
      %and3A_662 = arith.andi %ge3A_658, %ge3A_661 : vector<16xi1>
      %jit3A_663 = arith.constant 1.000000e+00 : f32
      %jit3A_664 = arith.constant 0.000000e+00 : f32
      %broadcast_in_dim3A_665 = vector.broadcast %jit3A_663 : f32 to vector<16xf32>
      %broadcast_in_dim3A_666 = vector.broadcast %jit3A_664 : f32 to vector<16xf32>
      %select_n3A_667 = arith.select %and3A_662, %broadcast_in_dim3A_665, %broadcast_in_dim3A_666 : vector<16xi1>, vector<16xf32>
      %eq3A = vector.broadcast %scan3A_486 : i32 to vector<16xi32>
      %eq3A_668 = arith.cmpi eq, %iota3A, %eq3A : vector<16xi32>
      %select_n3A_669 = arith.select %eq3A_668, %div3A_655, %scan3A_487 : vector<16xi1>, vector<16xf32>
      %select_n3A_670 = arith.select %eq3A_668, %select_n3A_667, %scan3A_488 : vector<16xi1>, vector<16xf32>
      scf.yield %select_n3A_669, %select_n3A_670 : vector<16xf32>, vector<16xf32>
    }
    %scan3A_358 = arith.constant 16 : i32
    %swap3A_359 = arith.constant 2 : i32
    %swap3A_360 = arith.index_cast %swap3A_359 : i32 to index
    %swap3A_361 = arith.constant 0 : index
    %swap3A_362 = tpu.vector_load %arg13[%swap3A_360, %swap3A_361] {strides = array<i32>} : memref<4x32xf32, #tpu.memory_space<vmem>>, vector<16xf32>,
    tpu.vector_store %arg13[%swap3A_360, %swap3A_361], %scan3A_357#0 {strides = array<i32>} : memref<4x32xf32, #tpu.memory_space<vmem>>, vector<16xf32>,
    %swap3A_363 = arith.constant 2 : i32
    %swap3A_364 = arith.index_cast %swap3A_363 : i32 to index
    %swap3A_365 = arith.constant 0 : index
    %swap3A_366 = tpu.vector_load %arg14[%swap3A_364, %swap3A_365] {strides = array<i32>} : memref<4x32xf32, #tpu.memory_space<vmem>>, vector<16xf32>,
    tpu.vector_store %arg14[%swap3A_364, %swap3A_365], %scan3A_357#1 {strides = array<i32>} : memref<4x32xf32, #tpu.memory_space<vmem>>, vector<16xf32>,
    %broadcast_in_dim3A_367 = arith.constant 0.000000e+00 : f32
    %broadcast_in_dim3A_368 = vector.broadcast %broadcast_in_dim3A_367 : f32 to vector<16xf32>
    %scan3A_369 = arith.constant 0 : i32
    %scan3A_370 = arith.constant 16 : i32
    %scan3A_371 = arith.addi %scan3A_369, %scan3A_370 : i32
    %scan3A_372 = arith.constant 1 : i32
    %scan3A_373:2 = scf.for %scan3A_486 = %scan3A_369 to %scan3A_371 step %scan3A_372 iter_args(%scan3A_487 = %broadcast_in_dim3A_368, %scan3A_488 = %broadcast_in_dim3A_368) -> (vector<16xf32>, vector<16xf32>)  : i32 {
      %add3A_489 = arith.constant 16 : i32
      %add3A_490 = arith.addi %add3A_489, %scan3A_486 : i32
      %broadcast_in_dim3A_491 = vector.broadcast %add3A_490 : i32 to vector<16xi32>
      %gather3A_492 = tpu.vector_load_idx %arg11[%broadcast_in_dim3A_305, %broadcast_in_dim3A_491] : memref<4x32xi32, #tpu.memory_space<vmem>>[vector<16xi32>, vector<16xi32>], vector<16xi32>,
      %add3A_493 = arith.constant 0 : i32
      %add3A_494 = vector.broadcast %add3A_493 : i32 to vector<16xi32>
      %add3A_495 = arith.addi %iota3A, %add3A_494 : vector<16xi32>
      %gather3A_496 = tpu.vector_load_idx %arg10[%broadcast_in_dim3A_305, %broadcast_in_dim3A_491, %add3A_495] : memref<4x32x64xi32, #tpu.memory_space<vmem>>[vector<16xi32>, vector<16xi32>, vector<16xi32>], vector<16xi32>,
      %add3A_497 = arith.constant 0 : i32
      %add3A_498 = vector.broadcast %add3A_497 : i32 to vector<16xi32>
      %add3A_499 = arith.addi %iota3A, %add3A_498 : vector<16xi32>
      %lt3A_500 = arith.cmpi slt, %add3A_499, %gather3A_492 : vector<16xi32>
      %unique3A_501, %unique3A_502 = tpu.scan_count mask(%lt3A_500 : vector<16xi1>) value(%gather3A_496 : vector<16xi32>) : vector<16xi1>, vector<16xi32>
      tpu.vector_store_idx %arg12[%gather3A_496], %unique3A_502 masked %unique3A_501 {add = true} : memref<512xi32, #tpu.memory_space<vmem>>[vector<16xi32>], vector<16xi32>, vector<16xi1>
      %add3A_503 = arith.constant 16 : i32
      %add3A_504 = vector.broadcast %add3A_503 : i32 to vector<16xi32>
      %add3A_505 = arith.addi %iota3A, %add3A_504 : vector<16xi32>
      %gather3A_506 = tpu.vector_load_idx %arg10[%broadcast_in_dim3A_305, %broadcast_in_dim3A_491, %add3A_505] : memref<4x32x64xi32, #tpu.memory_space<vmem>>[vector<16xi32>, vector<16xi32>, vector<16xi32>], vector<16xi32>,
      %add3A_507 = arith.constant 16 : i32
      %add3A_508 = vector.broadcast %add3A_507 : i32 to vector<16xi32>
      %add3A_509 = arith.addi %iota3A, %add3A_508 : vector<16xi32>
      %lt3A_510 = arith.cmpi slt, %add3A_509, %gather3A_492 : vector<16xi32>
      %unique3A_511, %unique3A_512 = tpu.scan_count mask(%lt3A_510 : vector<16xi1>) value(%gather3A_506 : vector<16xi32>) : vector<16xi1>, vector<16xi32>
      tpu.vector_store_idx %arg12[%gather3A_506], %unique3A_512 masked %unique3A_511 {add = true} : memref<512xi32, #tpu.memory_space<vmem>>[vector<16xi32>], vector<16xi32>, vector<16xi1>
      %add3A_513 = arith.constant 32 : i32
      %add3A_514 = vector.broadcast %add3A_513 : i32 to vector<16xi32>
      %add3A_515 = arith.addi %iota3A, %add3A_514 : vector<16xi32>
      %gather3A_516 = tpu.vector_load_idx %arg10[%broadcast_in_dim3A_305, %broadcast_in_dim3A_491, %add3A_515] : memref<4x32x64xi32, #tpu.memory_space<vmem>>[vector<16xi32>, vector<16xi32>, vector<16xi32>], vector<16xi32>,
      %add3A_517 = arith.constant 32 : i32
      %add3A_518 = vector.broadcast %add3A_517 : i32 to vector<16xi32>
      %add3A_519 = arith.addi %iota3A, %add3A_518 : vector<16xi32>
      %lt3A_520 = arith.cmpi slt, %add3A_519, %gather3A_492 : vector<16xi32>
      %unique3A_521, %unique3A_522 = tpu.scan_count mask(%lt3A_520 : vector<16xi1>) value(%gather3A_516 : vector<16xi32>) : vector<16xi1>, vector<16xi32>
      tpu.vector_store_idx %arg12[%gather3A_516], %unique3A_522 masked %unique3A_521 {add = true} : memref<512xi32, #tpu.memory_space<vmem>>[vector<16xi32>], vector<16xi32>, vector<16xi1>
      %add3A_523 = arith.constant 48 : i32
      %add3A_524 = vector.broadcast %add3A_523 : i32 to vector<16xi32>
      %add3A_525 = arith.addi %iota3A, %add3A_524 : vector<16xi32>
      %gather3A_526 = tpu.vector_load_idx %arg10[%broadcast_in_dim3A_305, %broadcast_in_dim3A_491, %add3A_525] : memref<4x32x64xi32, #tpu.memory_space<vmem>>[vector<16xi32>, vector<16xi32>, vector<16xi32>], vector<16xi32>,
      %add3A_527 = arith.constant 48 : i32
      %add3A_528 = vector.broadcast %add3A_527 : i32 to vector<16xi32>
      %add3A_529 = arith.addi %iota3A, %add3A_528 : vector<16xi32>
      %lt3A_530 = arith.cmpi slt, %add3A_529, %gather3A_492 : vector<16xi32>
      %unique3A_531, %unique3A_532 = tpu.scan_count mask(%lt3A_530 : vector<16xi1>) value(%gather3A_526 : vector<16xi32>) : vector<16xi1>, vector<16xi32>
      tpu.vector_store_idx %arg12[%gather3A_526], %unique3A_532 masked %unique3A_531 {add = true} : memref<512xi32, #tpu.memory_space<vmem>>[vector<16xi32>], vector<16xi32>, vector<16xi1>
      %broadcast_in_dim3A_533 = arith.constant 0.000000e+00 : f32
      %broadcast_in_dim3A_534 = vector.broadcast %broadcast_in_dim3A_533 : f32 to vector<16xf32>
      %gather3A_535 = tpu.vector_load_idx %arg12[%get3A_314] masked %lt3A_318 : memref<512xi32, #tpu.memory_space<vmem>>[vector<16xi32>], vector<16xi32>, vector<16xi1>
      %convert_element_type3A_536 = arith.sitofp %gather3A_535 : vector<16xi32> to vector<16xf32>
      %ge3A = arith.constant 2 : i32
      %ge3A_537 = vector.broadcast %ge3A : i32 to vector<16xi32>
      %ge3A_538 = arith.cmpi sge, %gather3A_535, %ge3A_537 : vector<16xi32>
      %and3A = arith.andi %lt3A_318, %ge3A_538 : vector<16xi1>
      %div3A = arith.constant 1.000000e+00 : f32
      %div3A_539 = vector.broadcast %div3A : f32 to vector<16xf32>
      %div3A_540 = arith.divf %div3A_539, %convert_element_type3A_536 : vector<16xf32>
      %jit3A = arith.constant 0.000000e+00 : f32
      %broadcast_in_dim3A_541 = vector.broadcast %jit3A : f32 to vector<16xf32>
      %select_n3A = arith.select %and3A, %div3A_540, %broadcast_in_dim3A_541 : vector<16xi1>, vector<16xf32>
      %add3A_542 = arith.addf %broadcast_in_dim3A_534, %select_n3A : vector<16xf32>
      %gather3A_543 = tpu.vector_load_idx %arg12[%get3A_324] masked %lt3A_328 : memref<512xi32, #tpu.memory_space<vmem>>[vector<16xi32>], vector<16xi32>, vector<16xi1>
      %convert_element_type3A_544 = arith.sitofp %gather3A_543 : vector<16xi32> to vector<16xf32>
      %ge3A_545 = arith.constant 2 : i32
      %ge3A_546 = vector.broadcast %ge3A_545 : i32 to vector<16xi32>
      %ge3A_547 = arith.cmpi sge, %gather3A_543, %ge3A_546 : vector<16xi32>
      %and3A_548 = arith.andi %lt3A_328, %ge3A_547 : vector<16xi1>
      %div3A_549 = arith.constant 1.000000e+00 : f32
      %div3A_550 = vector.broadcast %div3A_549 : f32 to vector<16xf32>
      %div3A_551 = arith.divf %div3A_550, %convert_element_type3A_544 : vector<16xf32>
      %jit3A_552 = arith.constant 0.000000e+00 : f32
      %broadcast_in_dim3A_553 = vector.broadcast %jit3A_552 : f32 to vector<16xf32>
      %select_n3A_554 = arith.select %and3A_548, %div3A_551, %broadcast_in_dim3A_553 : vector<16xi1>, vector<16xf32>
      %add3A_555 = arith.addf %add3A_542, %select_n3A_554 : vector<16xf32>
      %gather3A_556 = tpu.vector_load_idx %arg12[%get3A_334] masked %lt3A_338 : memref<512xi32, #tpu.memory_space<vmem>>[vector<16xi32>], vector<16xi32>, vector<16xi1>
      %convert_element_type3A_557 = arith.sitofp %gather3A_556 : vector<16xi32> to vector<16xf32>
      %ge3A_558 = arith.constant 2 : i32
      %ge3A_559 = vector.broadcast %ge3A_558 : i32 to vector<16xi32>
      %ge3A_560 = arith.cmpi sge, %gather3A_556, %ge3A_559 : vector<16xi32>
      %and3A_561 = arith.andi %lt3A_338, %ge3A_560 : vector<16xi1>
      %div3A_562 = arith.constant 1.000000e+00 : f32
      %div3A_563 = vector.broadcast %div3A_562 : f32 to vector<16xf32>
      %div3A_564 = arith.divf %div3A_563, %convert_element_type3A_557 : vector<16xf32>
      %jit3A_565 = arith.constant 0.000000e+00 : f32
      %broadcast_in_dim3A_566 = vector.broadcast %jit3A_565 : f32 to vector<16xf32>
      %select_n3A_567 = arith.select %and3A_561, %div3A_564, %broadcast_in_dim3A_566 : vector<16xi1>, vector<16xf32>
      %add3A_568 = arith.addf %add3A_555, %select_n3A_567 : vector<16xf32>
      %gather3A_569 = tpu.vector_load_idx %arg12[%get3A_344] masked %lt3A_348 : memref<512xi32, #tpu.memory_space<vmem>>[vector<16xi32>], vector<16xi32>, vector<16xi1>
      %convert_element_type3A_570 = arith.sitofp %gather3A_569 : vector<16xi32> to vector<16xf32>
      %ge3A_571 = arith.constant 2 : i32
      %ge3A_572 = vector.broadcast %ge3A_571 : i32 to vector<16xi32>
      %ge3A_573 = arith.cmpi sge, %gather3A_569, %ge3A_572 : vector<16xi32>
      %and3A_574 = arith.andi %lt3A_348, %ge3A_573 : vector<16xi1>
      %div3A_575 = arith.constant 1.000000e+00 : f32
      %div3A_576 = vector.broadcast %div3A_575 : f32 to vector<16xf32>
      %div3A_577 = arith.divf %div3A_576, %convert_element_type3A_570 : vector<16xf32>
      %jit3A_578 = arith.constant 0.000000e+00 : f32
      %broadcast_in_dim3A_579 = vector.broadcast %jit3A_578 : f32 to vector<16xf32>
      %select_n3A_580 = arith.select %and3A_574, %div3A_577, %broadcast_in_dim3A_579 : vector<16xi1>, vector<16xf32>
      %add3A_581 = arith.addf %add3A_568, %select_n3A_580 : vector<16xf32>
      %gather3A_582 = tpu.vector_load_idx %arg12[%gather3A_496] masked %lt3A_500 : memref<512xi32, #tpu.memory_space<vmem>>[vector<16xi32>], vector<16xi32>, vector<16xi1>
      %convert_element_type3A_583 = arith.sitofp %gather3A_582 : vector<16xi32> to vector<16xf32>
      %ge3A_584 = arith.constant 2 : i32
      %ge3A_585 = vector.broadcast %ge3A_584 : i32 to vector<16xi32>
      %ge3A_586 = arith.cmpi sge, %gather3A_582, %ge3A_585 : vector<16xi32>
      %and3A_587 = arith.andi %lt3A_500, %ge3A_586 : vector<16xi1>
      %div3A_588 = arith.constant 1.000000e+00 : f32
      %div3A_589 = vector.broadcast %div3A_588 : f32 to vector<16xf32>
      %div3A_590 = arith.divf %div3A_589, %convert_element_type3A_583 : vector<16xf32>
      %jit3A_591 = arith.constant 0.000000e+00 : f32
      %broadcast_in_dim3A_592 = vector.broadcast %jit3A_591 : f32 to vector<16xf32>
      %select_n3A_593 = arith.select %and3A_587, %div3A_590, %broadcast_in_dim3A_592 : vector<16xi1>, vector<16xf32>
      %add3A_594 = arith.addf %add3A_581, %select_n3A_593 : vector<16xf32>
      %gather3A_595 = tpu.vector_load_idx %arg12[%gather3A_506] masked %lt3A_510 : memref<512xi32, #tpu.memory_space<vmem>>[vector<16xi32>], vector<16xi32>, vector<16xi1>
      %convert_element_type3A_596 = arith.sitofp %gather3A_595 : vector<16xi32> to vector<16xf32>
      %ge3A_597 = arith.constant 2 : i32
      %ge3A_598 = vector.broadcast %ge3A_597 : i32 to vector<16xi32>
      %ge3A_599 = arith.cmpi sge, %gather3A_595, %ge3A_598 : vector<16xi32>
      %and3A_600 = arith.andi %lt3A_510, %ge3A_599 : vector<16xi1>
      %div3A_601 = arith.constant 1.000000e+00 : f32
      %div3A_602 = vector.broadcast %div3A_601 : f32 to vector<16xf32>
      %div3A_603 = arith.divf %div3A_602, %convert_element_type3A_596 : vector<16xf32>
      %jit3A_604 = arith.constant 0.000000e+00 : f32
      %broadcast_in_dim3A_605 = vector.broadcast %jit3A_604 : f32 to vector<16xf32>
      %select_n3A_606 = arith.select %and3A_600, %div3A_603, %broadcast_in_dim3A_605 : vector<16xi1>, vector<16xf32>
      %add3A_607 = arith.addf %add3A_594, %select_n3A_606 : vector<16xf32>
      %gather3A_608 = tpu.vector_load_idx %arg12[%gather3A_516] masked %lt3A_520 : memref<512xi32, #tpu.memory_space<vmem>>[vector<16xi32>], vector<16xi32>, vector<16xi1>
      %convert_element_type3A_609 = arith.sitofp %gather3A_608 : vector<16xi32> to vector<16xf32>
      %ge3A_610 = arith.constant 2 : i32
      %ge3A_611 = vector.broadcast %ge3A_610 : i32 to vector<16xi32>
      %ge3A_612 = arith.cmpi sge, %gather3A_608, %ge3A_611 : vector<16xi32>
      %and3A_613 = arith.andi %lt3A_520, %ge3A_612 : vector<16xi1>
      %div3A_614 = arith.constant 1.000000e+00 : f32
      %div3A_615 = vector.broadcast %div3A_614 : f32 to vector<16xf32>
      %div3A_616 = arith.divf %div3A_615, %convert_element_type3A_609 : vector<16xf32>
      %jit3A_617 = arith.constant 0.000000e+00 : f32
      %broadcast_in_dim3A_618 = vector.broadcast %jit3A_617 : f32 to vector<16xf32>
      %select_n3A_619 = arith.select %and3A_613, %div3A_616, %broadcast_in_dim3A_618 : vector<16xi1>, vector<16xf32>
      %add3A_620 = arith.addf %add3A_607, %select_n3A_619 : vector<16xf32>
      %gather3A_621 = tpu.vector_load_idx %arg12[%gather3A_526] masked %lt3A_530 : memref<512xi32, #tpu.memory_space<vmem>>[vector<16xi32>], vector<16xi32>, vector<16xi1>
      %convert_element_type3A_622 = arith.sitofp %gather3A_621 : vector<16xi32> to vector<16xf32>
      %ge3A_623 = arith.constant 2 : i32
      %ge3A_624 = vector.broadcast %ge3A_623 : i32 to vector<16xi32>
      %ge3A_625 = arith.cmpi sge, %gather3A_621, %ge3A_624 : vector<16xi32>
      %and3A_626 = arith.andi %lt3A_530, %ge3A_625 : vector<16xi1>
      %div3A_627 = arith.constant 1.000000e+00 : f32
      %div3A_628 = vector.broadcast %div3A_627 : f32 to vector<16xf32>
      %div3A_629 = arith.divf %div3A_628, %convert_element_type3A_622 : vector<16xf32>
      %jit3A_630 = arith.constant 0.000000e+00 : f32
      %broadcast_in_dim3A_631 = vector.broadcast %jit3A_630 : f32 to vector<16xf32>
      %select_n3A_632 = arith.select %and3A_626, %div3A_629, %broadcast_in_dim3A_631 : vector<16xi1>, vector<16xf32>
      %add3A_633 = arith.addf %add3A_620, %select_n3A_632 : vector<16xf32>
      %neg3A_634 = arith.constant 0 : i32
      %neg3A_635 = vector.broadcast %neg3A_634 : i32 to vector<16xi32>
      %neg3A_636 = arith.subi %neg3A_635, %unique3A_502 : vector<16xi32>
      tpu.vector_store_idx %arg12[%gather3A_496], %neg3A_636 masked %unique3A_501 {add = true} : memref<512xi32, #tpu.memory_space<vmem>>[vector<16xi32>], vector<16xi32>, vector<16xi1>
      %neg3A_637 = arith.constant 0 : i32
      %neg3A_638 = vector.broadcast %neg3A_637 : i32 to vector<16xi32>
      %neg3A_639 = arith.subi %neg3A_638, %unique3A_512 : vector<16xi32>
      tpu.vector_store_idx %arg12[%gather3A_506], %neg3A_639 masked %unique3A_511 {add = true} : memref<512xi32, #tpu.memory_space<vmem>>[vector<16xi32>], vector<16xi32>, vector<16xi1>
      %neg3A_640 = arith.constant 0 : i32
      %neg3A_641 = vector.broadcast %neg3A_640 : i32 to vector<16xi32>
      %neg3A_642 = arith.subi %neg3A_641, %unique3A_522 : vector<16xi32>
      tpu.vector_store_idx %arg12[%gather3A_516], %neg3A_642 masked %unique3A_521 {add = true} : memref<512xi32, #tpu.memory_space<vmem>>[vector<16xi32>], vector<16xi32>, vector<16xi1>
      %neg3A_643 = arith.constant 0 : i32
      %neg3A_644 = vector.broadcast %neg3A_643 : i32 to vector<16xi32>
      %neg3A_645 = arith.subi %neg3A_644, %unique3A_532 : vector<16xi32>
      tpu.vector_store_idx %arg12[%gather3A_526], %neg3A_645 masked %unique3A_531 {add = true} : memref<512xi32, #tpu.memory_space<vmem>>[vector<16xi32>], vector<16xi32>, vector<16xi1>
      %reduce_sum3A = arith.constant true
      %reduce_sum3A_646 = vector.broadcast %reduce_sum3A : i1 to vector<16xi1>
      %reduce_sum3A_647 = tpu.scan <sum>, %add3A_633 masked %reduce_sum3A_646 : vector<16xf32>, vector<16xi1> -> vector<16xf32>
      %reduce_sum3A_648 = vector.extract %reduce_sum3A_647[15] : f32 from vector<16xf32>
      %broadcast_in_dim3A_649 = vector.broadcast %reduce_sum3A_648 : f32 to vector<16xf32>
      %convert_element_type3A_650 = arith.sitofp %gather3A_492 : vector<16xi32> to vector<16xf32>
      %add3A_651 = arith.addf %convert_element_type3A_310, %convert_element_type3A_650 : vector<16xf32>
      %add3A_652 = arith.constant 9.99999982E-14 : f32
      %add3A_653 = vector.broadcast %add3A_652 : f32 to vector<16xf32>
      %add3A_654 = arith.addf %add3A_651, %add3A_653 : vector<16xf32>
      %div3A_655 = arith.divf %broadcast_in_dim3A_649, %add3A_654 : vector<16xf32>
      %ge3A_656 = arith.constant 1 : i32
      %ge3A_657 = vector.broadcast %ge3A_656 : i32 to vector<16xi32>
      %ge3A_658 = arith.cmpi sge, %gather3A_309, %ge3A_657 : vector<16xi32>
      %ge3A_659 = arith.constant 1 : i32
      %ge3A_660 = vector.broadcast %ge3A_659 : i32 to vector<16xi32>
      %ge3A_661 = arith.cmpi sge, %gather3A_492, %ge3A_660 : vector<16xi32>
      %and3A_662 = arith.andi %ge3A_658, %ge3A_661 : vector<16xi1>
      %jit3A_663 = arith.constant 1.000000e+00 : f32
      %jit3A_664 = arith.constant 0.000000e+00 : f32
      %broadcast_in_dim3A_665 = vector.broadcast %jit3A_663 : f32 to vector<16xf32>
      %broadcast_in_dim3A_666 = vector.broadcast %jit3A_664 : f32 to vector<16xf32>
      %select_n3A_667 = arith.select %and3A_662, %broadcast_in_dim3A_665, %broadcast_in_dim3A_666 : vector<16xi1>, vector<16xf32>
      %eq3A = vector.broadcast %scan3A_486 : i32 to vector<16xi32>
      %eq3A_668 = arith.cmpi eq, %iota3A, %eq3A : vector<16xi32>
      %select_n3A_669 = arith.select %eq3A_668, %div3A_655, %scan3A_487 : vector<16xi1>, vector<16xf32>
      %select_n3A_670 = arith.select %eq3A_668, %select_n3A_667, %scan3A_488 : vector<16xi1>, vector<16xf32>
      scf.yield %select_n3A_669, %select_n3A_670 : vector<16xf32>, vector<16xf32>
    }
    %scan3A_374 = arith.constant 16 : i32
    %swap3A_375 = arith.constant 2 : i32
    %swap3A_376 = arith.index_cast %swap3A_375 : i32 to index
    %swap3A_377 = arith.constant 16 : index
    %swap3A_378 = tpu.vector_load %arg13[%swap3A_376, %swap3A_377] {strides = array<i32>} : memref<4x32xf32, #tpu.memory_space<vmem>>, vector<16xf32>,
    tpu.vector_store %arg13[%swap3A_376, %swap3A_377], %scan3A_373#0 {strides = array<i32>} : memref<4x32xf32, #tpu.memory_space<vmem>>, vector<16xf32>,
    %swap3A_379 = arith.constant 2 : i32
    %swap3A_380 = arith.index_cast %swap3A_379 : i32 to index
    %swap3A_381 = arith.constant 16 : index
    %swap3A_382 = tpu.vector_load %arg14[%swap3A_380, %swap3A_381] {strides = array<i32>} : memref<4x32xf32, #tpu.memory_space<vmem>>, vector<16xf32>,
    tpu.vector_store %arg14[%swap3A_380, %swap3A_381], %scan3A_373#1 {strides = array<i32>} : memref<4x32xf32, #tpu.memory_space<vmem>>, vector<16xf32>,
    %neg3A_383 = arith.constant 0 : i32
    %neg3A_384 = vector.broadcast %neg3A_383 : i32 to vector<16xi32>
    %neg3A_385 = arith.subi %neg3A_384, %unique3A_320 : vector<16xi32>
    tpu.vector_store_idx %arg12[%get3A_314], %neg3A_385 masked %unique3A_319 {add = true} : memref<512xi32, #tpu.memory_space<vmem>>[vector<16xi32>], vector<16xi32>, vector<16xi1>
    %neg3A_386 = arith.constant 0 : i32
    %neg3A_387 = vector.broadcast %neg3A_386 : i32 to vector<16xi32>
    %neg3A_388 = arith.subi %neg3A_387, %unique3A_330 : vector<16xi32>
    tpu.vector_store_idx %arg12[%get3A_324], %neg3A_388 masked %unique3A_329 {add = true} : memref<512xi32, #tpu.memory_space<vmem>>[vector<16xi32>], vector<16xi32>, vector<16xi1>
    %neg3A_389 = arith.constant 0 : i32
    %neg3A_390 = vector.broadcast %neg3A_389 : i32 to vector<16xi32>
    %neg3A_391 = arith.subi %neg3A_390, %unique3A_340 : vector<16xi32>
    tpu.vector_store_idx %arg12[%get3A_334], %neg3A_391 masked %unique3A_339 {add = true} : memref<512xi32, #tpu.memory_space<vmem>>[vector<16xi32>], vector<16xi32>, vector<16xi1>
    %neg3A_392 = arith.constant 0 : i32
    %neg3A_393 = vector.broadcast %neg3A_392 : i32 to vector<16xi32>
    %neg3A_394 = arith.subi %neg3A_393, %unique3A_350 : vector<16xi32>
    tpu.vector_store_idx %arg12[%get3A_344], %neg3A_394 masked %unique3A_349 {add = true} : memref<512xi32, #tpu.memory_space<vmem>>[vector<16xi32>], vector<16xi32>, vector<16xi1>
    %broadcast_in_dim3A_395 = arith.constant 3 : i32
    %broadcast_in_dim3A_396 = vector.broadcast %broadcast_in_dim3A_395 : i32 to vector<16xi32>
    %add3A_397 = arith.constant 3 : i32
    %add3A_398 = arith.addi %mul3A_2, %add3A_397 : i32
    %broadcast_in_dim3A_399 = vector.broadcast %add3A_398 : i32 to vector<16xi32>
    %gather3A_400 = tpu.vector_load_idx %arg9[%broadcast_in_dim3A_399] : memref<128xi32, #tpu.memory_space<vmem>>[vector<16xi32>], vector<16xi32>,
    %convert_element_type3A_401 = arith.sitofp %gather3A_400 : vector<16xi32> to vector<16xf32>
    %get3A_402 = arith.constant 3 : i32
    %get3A_403 = arith.index_cast %get3A_402 : i32 to index
    %get3A_404 = arith.constant 0 : index
    %get3A_405 = tpu.vector_load %arg8[%get3A_403, %get3A_404] {strides = array<i32>} : memref<4x64xi32, #tpu.memory_space<vmem>>, vector<16xi32>,
    %add3A_406 = arith.constant 0 : i32
    %add3A_407 = vector.broadcast %add3A_406 : i32 to vector<16xi32>
    %add3A_408 = arith.addi %iota3A, %add3A_407 : vector<16xi32>
    %lt3A_409 = arith.cmpi slt, %add3A_408, %gather3A_400 : vector<16xi32>
    %unique3A_410, %unique3A_411 = tpu.scan_count mask(%lt3A_409 : vector<16xi1>) value(%get3A_405 : vector<16xi32>) : vector<16xi1>, vector<16xi32>
    tpu.vector_store_idx %arg12[%get3A_405], %unique3A_411 masked %unique3A_410 {add = true} : memref<512xi32, #tpu.memory_space<vmem>>[vector<16xi32>], vector<16xi32>, vector<16xi1>
    %get3A_412 = arith.constant 3 : i32
    %get3A_413 = arith.index_cast %get3A_412 : i32 to index
    %get3A_414 = arith.constant 16 : index
    %get3A_415 = tpu.vector_load %arg8[%get3A_413, %get3A_414] {strides = array<i32>} : memref<4x64xi32, #tpu.memory_space<vmem>>, vector<16xi32>,
    %add3A_416 = arith.constant 16 : i32
    %add3A_417 = vector.broadcast %add3A_416 : i32 to vector<16xi32>
    %add3A_418 = arith.addi %iota3A, %add3A_417 : vector<16xi32>
    %lt3A_419 = arith.cmpi slt, %add3A_418, %gather3A_400 : vector<16xi32>
    %unique3A_420, %unique3A_421 = tpu.scan_count mask(%lt3A_419 : vector<16xi1>) value(%get3A_415 : vector<16xi32>) : vector<16xi1>, vector<16xi32>
    tpu.vector_store_idx %arg12[%get3A_415], %unique3A_421 masked %unique3A_420 {add = true} : memref<512xi32, #tpu.memory_space<vmem>>[vector<16xi32>], vector<16xi32>, vector<16xi1>
    %get3A_422 = arith.constant 3 : i32
    %get3A_423 = arith.index_cast %get3A_422 : i32 to index
    %get3A_424 = arith.constant 32 : index
    %get3A_425 = tpu.vector_load %arg8[%get3A_423, %get3A_424] {strides = array<i32>} : memref<4x64xi32, #tpu.memory_space<vmem>>, vector<16xi32>,
    %add3A_426 = arith.constant 32 : i32
    %add3A_427 = vector.broadcast %add3A_426 : i32 to vector<16xi32>
    %add3A_428 = arith.addi %iota3A, %add3A_427 : vector<16xi32>
    %lt3A_429 = arith.cmpi slt, %add3A_428, %gather3A_400 : vector<16xi32>
    %unique3A_430, %unique3A_431 = tpu.scan_count mask(%lt3A_429 : vector<16xi1>) value(%get3A_425 : vector<16xi32>) : vector<16xi1>, vector<16xi32>
    tpu.vector_store_idx %arg12[%get3A_425], %unique3A_431 masked %unique3A_430 {add = true} : memref<512xi32, #tpu.memory_space<vmem>>[vector<16xi32>], vector<16xi32>, vector<16xi1>
    %get3A_432 = arith.constant 3 : i32
    %get3A_433 = arith.index_cast %get3A_432 : i32 to index
    %get3A_434 = arith.constant 48 : index
    %get3A_435 = tpu.vector_load %arg8[%get3A_433, %get3A_434] {strides = array<i32>} : memref<4x64xi32, #tpu.memory_space<vmem>>, vector<16xi32>,
    %add3A_436 = arith.constant 48 : i32
    %add3A_437 = vector.broadcast %add3A_436 : i32 to vector<16xi32>
    %add3A_438 = arith.addi %iota3A, %add3A_437 : vector<16xi32>
    %lt3A_439 = arith.cmpi slt, %add3A_438, %gather3A_400 : vector<16xi32>
    %unique3A_440, %unique3A_441 = tpu.scan_count mask(%lt3A_439 : vector<16xi1>) value(%get3A_435 : vector<16xi32>) : vector<16xi1>, vector<16xi32>
    tpu.vector_store_idx %arg12[%get3A_435], %unique3A_441 masked %unique3A_440 {add = true} : memref<512xi32, #tpu.memory_space<vmem>>[vector<16xi32>], vector<16xi32>, vector<16xi1>
    %broadcast_in_dim3A_442 = arith.constant 0.000000e+00 : f32
    %broadcast_in_dim3A_443 = vector.broadcast %broadcast_in_dim3A_442 : f32 to vector<16xf32>
    %scan3A_444 = arith.constant 0 : i32
    %scan3A_445 = arith.constant 16 : i32
    %scan3A_446 = arith.addi %scan3A_444, %scan3A_445 : i32
    %scan3A_447 = arith.constant 1 : i32
    %scan3A_448:2 = scf.for %scan3A_486 = %scan3A_444 to %scan3A_446 step %scan3A_447 iter_args(%scan3A_487 = %broadcast_in_dim3A_443, %scan3A_488 = %broadcast_in_dim3A_443) -> (vector<16xf32>, vector<16xf32>)  : i32 {
      %add3A_489 = arith.constant 0 : i32
      %add3A_490 = arith.addi %add3A_489, %scan3A_486 : i32
      %broadcast_in_dim3A_491 = vector.broadcast %add3A_490 : i32 to vector<16xi32>
      %gather3A_492 = tpu.vector_load_idx %arg11[%broadcast_in_dim3A_396, %broadcast_in_dim3A_491] : memref<4x32xi32, #tpu.memory_space<vmem>>[vector<16xi32>, vector<16xi32>], vector<16xi32>,
      %add3A_493 = arith.constant 0 : i32
      %add3A_494 = vector.broadcast %add3A_493 : i32 to vector<16xi32>
      %add3A_495 = arith.addi %iota3A, %add3A_494 : vector<16xi32>
      %gather3A_496 = tpu.vector_load_idx %arg10[%broadcast_in_dim3A_396, %broadcast_in_dim3A_491, %add3A_495] : memref<4x32x64xi32, #tpu.memory_space<vmem>>[vector<16xi32>, vector<16xi32>, vector<16xi32>], vector<16xi32>,
      %add3A_497 = arith.constant 0 : i32
      %add3A_498 = vector.broadcast %add3A_497 : i32 to vector<16xi32>
      %add3A_499 = arith.addi %iota3A, %add3A_498 : vector<16xi32>
      %lt3A_500 = arith.cmpi slt, %add3A_499, %gather3A_492 : vector<16xi32>
      %unique3A_501, %unique3A_502 = tpu.scan_count mask(%lt3A_500 : vector<16xi1>) value(%gather3A_496 : vector<16xi32>) : vector<16xi1>, vector<16xi32>
      tpu.vector_store_idx %arg12[%gather3A_496], %unique3A_502 masked %unique3A_501 {add = true} : memref<512xi32, #tpu.memory_space<vmem>>[vector<16xi32>], vector<16xi32>, vector<16xi1>
      %add3A_503 = arith.constant 16 : i32
      %add3A_504 = vector.broadcast %add3A_503 : i32 to vector<16xi32>
      %add3A_505 = arith.addi %iota3A, %add3A_504 : vector<16xi32>
      %gather3A_506 = tpu.vector_load_idx %arg10[%broadcast_in_dim3A_396, %broadcast_in_dim3A_491, %add3A_505] : memref<4x32x64xi32, #tpu.memory_space<vmem>>[vector<16xi32>, vector<16xi32>, vector<16xi32>], vector<16xi32>,
      %add3A_507 = arith.constant 16 : i32
      %add3A_508 = vector.broadcast %add3A_507 : i32 to vector<16xi32>
      %add3A_509 = arith.addi %iota3A, %add3A_508 : vector<16xi32>
      %lt3A_510 = arith.cmpi slt, %add3A_509, %gather3A_492 : vector<16xi32>
      %unique3A_511, %unique3A_512 = tpu.scan_count mask(%lt3A_510 : vector<16xi1>) value(%gather3A_506 : vector<16xi32>) : vector<16xi1>, vector<16xi32>
      tpu.vector_store_idx %arg12[%gather3A_506], %unique3A_512 masked %unique3A_511 {add = true} : memref<512xi32, #tpu.memory_space<vmem>>[vector<16xi32>], vector<16xi32>, vector<16xi1>
      %add3A_513 = arith.constant 32 : i32
      %add3A_514 = vector.broadcast %add3A_513 : i32 to vector<16xi32>
      %add3A_515 = arith.addi %iota3A, %add3A_514 : vector<16xi32>
      %gather3A_516 = tpu.vector_load_idx %arg10[%broadcast_in_dim3A_396, %broadcast_in_dim3A_491, %add3A_515] : memref<4x32x64xi32, #tpu.memory_space<vmem>>[vector<16xi32>, vector<16xi32>, vector<16xi32>], vector<16xi32>,
      %add3A_517 = arith.constant 32 : i32
      %add3A_518 = vector.broadcast %add3A_517 : i32 to vector<16xi32>
      %add3A_519 = arith.addi %iota3A, %add3A_518 : vector<16xi32>
      %lt3A_520 = arith.cmpi slt, %add3A_519, %gather3A_492 : vector<16xi32>
      %unique3A_521, %unique3A_522 = tpu.scan_count mask(%lt3A_520 : vector<16xi1>) value(%gather3A_516 : vector<16xi32>) : vector<16xi1>, vector<16xi32>
      tpu.vector_store_idx %arg12[%gather3A_516], %unique3A_522 masked %unique3A_521 {add = true} : memref<512xi32, #tpu.memory_space<vmem>>[vector<16xi32>], vector<16xi32>, vector<16xi1>
      %add3A_523 = arith.constant 48 : i32
      %add3A_524 = vector.broadcast %add3A_523 : i32 to vector<16xi32>
      %add3A_525 = arith.addi %iota3A, %add3A_524 : vector<16xi32>
      %gather3A_526 = tpu.vector_load_idx %arg10[%broadcast_in_dim3A_396, %broadcast_in_dim3A_491, %add3A_525] : memref<4x32x64xi32, #tpu.memory_space<vmem>>[vector<16xi32>, vector<16xi32>, vector<16xi32>], vector<16xi32>,
      %add3A_527 = arith.constant 48 : i32
      %add3A_528 = vector.broadcast %add3A_527 : i32 to vector<16xi32>
      %add3A_529 = arith.addi %iota3A, %add3A_528 : vector<16xi32>
      %lt3A_530 = arith.cmpi slt, %add3A_529, %gather3A_492 : vector<16xi32>
      %unique3A_531, %unique3A_532 = tpu.scan_count mask(%lt3A_530 : vector<16xi1>) value(%gather3A_526 : vector<16xi32>) : vector<16xi1>, vector<16xi32>
      tpu.vector_store_idx %arg12[%gather3A_526], %unique3A_532 masked %unique3A_531 {add = true} : memref<512xi32, #tpu.memory_space<vmem>>[vector<16xi32>], vector<16xi32>, vector<16xi1>
      %broadcast_in_dim3A_533 = arith.constant 0.000000e+00 : f32
      %broadcast_in_dim3A_534 = vector.broadcast %broadcast_in_dim3A_533 : f32 to vector<16xf32>
      %gather3A_535 = tpu.vector_load_idx %arg12[%get3A_405] masked %lt3A_409 : memref<512xi32, #tpu.memory_space<vmem>>[vector<16xi32>], vector<16xi32>, vector<16xi1>
      %convert_element_type3A_536 = arith.sitofp %gather3A_535 : vector<16xi32> to vector<16xf32>
      %ge3A = arith.constant 2 : i32
      %ge3A_537 = vector.broadcast %ge3A : i32 to vector<16xi32>
      %ge3A_538 = arith.cmpi sge, %gather3A_535, %ge3A_537 : vector<16xi32>
      %and3A = arith.andi %lt3A_409, %ge3A_538 : vector<16xi1>
      %div3A = arith.constant 1.000000e+00 : f32
      %div3A_539 = vector.broadcast %div3A : f32 to vector<16xf32>
      %div3A_540 = arith.divf %div3A_539, %convert_element_type3A_536 : vector<16xf32>
      %jit3A = arith.constant 0.000000e+00 : f32
      %broadcast_in_dim3A_541 = vector.broadcast %jit3A : f32 to vector<16xf32>
      %select_n3A = arith.select %and3A, %div3A_540, %broadcast_in_dim3A_541 : vector<16xi1>, vector<16xf32>
      %add3A_542 = arith.addf %broadcast_in_dim3A_534, %select_n3A : vector<16xf32>
      %gather3A_543 = tpu.vector_load_idx %arg12[%get3A_415] masked %lt3A_419 : memref<512xi32, #tpu.memory_space<vmem>>[vector<16xi32>], vector<16xi32>, vector<16xi1>
      %convert_element_type3A_544 = arith.sitofp %gather3A_543 : vector<16xi32> to vector<16xf32>
      %ge3A_545 = arith.constant 2 : i32
      %ge3A_546 = vector.broadcast %ge3A_545 : i32 to vector<16xi32>
      %ge3A_547 = arith.cmpi sge, %gather3A_543, %ge3A_546 : vector<16xi32>
      %and3A_548 = arith.andi %lt3A_419, %ge3A_547 : vector<16xi1>
      %div3A_549 = arith.constant 1.000000e+00 : f32
      %div3A_550 = vector.broadcast %div3A_549 : f32 to vector<16xf32>
      %div3A_551 = arith.divf %div3A_550, %convert_element_type3A_544 : vector<16xf32>
      %jit3A_552 = arith.constant 0.000000e+00 : f32
      %broadcast_in_dim3A_553 = vector.broadcast %jit3A_552 : f32 to vector<16xf32>
      %select_n3A_554 = arith.select %and3A_548, %div3A_551, %broadcast_in_dim3A_553 : vector<16xi1>, vector<16xf32>
      %add3A_555 = arith.addf %add3A_542, %select_n3A_554 : vector<16xf32>
      %gather3A_556 = tpu.vector_load_idx %arg12[%get3A_425] masked %lt3A_429 : memref<512xi32, #tpu.memory_space<vmem>>[vector<16xi32>], vector<16xi32>, vector<16xi1>
      %convert_element_type3A_557 = arith.sitofp %gather3A_556 : vector<16xi32> to vector<16xf32>
      %ge3A_558 = arith.constant 2 : i32
      %ge3A_559 = vector.broadcast %ge3A_558 : i32 to vector<16xi32>
      %ge3A_560 = arith.cmpi sge, %gather3A_556, %ge3A_559 : vector<16xi32>
      %and3A_561 = arith.andi %lt3A_429, %ge3A_560 : vector<16xi1>
      %div3A_562 = arith.constant 1.000000e+00 : f32
      %div3A_563 = vector.broadcast %div3A_562 : f32 to vector<16xf32>
      %div3A_564 = arith.divf %div3A_563, %convert_element_type3A_557 : vector<16xf32>
      %jit3A_565 = arith.constant 0.000000e+00 : f32
      %broadcast_in_dim3A_566 = vector.broadcast %jit3A_565 : f32 to vector<16xf32>
      %select_n3A_567 = arith.select %and3A_561, %div3A_564, %broadcast_in_dim3A_566 : vector<16xi1>, vector<16xf32>
      %add3A_568 = arith.addf %add3A_555, %select_n3A_567 : vector<16xf32>
      %gather3A_569 = tpu.vector_load_idx %arg12[%get3A_435] masked %lt3A_439 : memref<512xi32, #tpu.memory_space<vmem>>[vector<16xi32>], vector<16xi32>, vector<16xi1>
      %convert_element_type3A_570 = arith.sitofp %gather3A_569 : vector<16xi32> to vector<16xf32>
      %ge3A_571 = arith.constant 2 : i32
      %ge3A_572 = vector.broadcast %ge3A_571 : i32 to vector<16xi32>
      %ge3A_573 = arith.cmpi sge, %gather3A_569, %ge3A_572 : vector<16xi32>
      %and3A_574 = arith.andi %lt3A_439, %ge3A_573 : vector<16xi1>
      %div3A_575 = arith.constant 1.000000e+00 : f32
      %div3A_576 = vector.broadcast %div3A_575 : f32 to vector<16xf32>
      %div3A_577 = arith.divf %div3A_576, %convert_element_type3A_570 : vector<16xf32>
      %jit3A_578 = arith.constant 0.000000e+00 : f32
      %broadcast_in_dim3A_579 = vector.broadcast %jit3A_578 : f32 to vector<16xf32>
      %select_n3A_580 = arith.select %and3A_574, %div3A_577, %broadcast_in_dim3A_579 : vector<16xi1>, vector<16xf32>
      %add3A_581 = arith.addf %add3A_568, %select_n3A_580 : vector<16xf32>
      %gather3A_582 = tpu.vector_load_idx %arg12[%gather3A_496] masked %lt3A_500 : memref<512xi32, #tpu.memory_space<vmem>>[vector<16xi32>], vector<16xi32>, vector<16xi1>
      %convert_element_type3A_583 = arith.sitofp %gather3A_582 : vector<16xi32> to vector<16xf32>
      %ge3A_584 = arith.constant 2 : i32
      %ge3A_585 = vector.broadcast %ge3A_584 : i32 to vector<16xi32>
      %ge3A_586 = arith.cmpi sge, %gather3A_582, %ge3A_585 : vector<16xi32>
      %and3A_587 = arith.andi %lt3A_500, %ge3A_586 : vector<16xi1>
      %div3A_588 = arith.constant 1.000000e+00 : f32
      %div3A_589 = vector.broadcast %div3A_588 : f32 to vector<16xf32>
      %div3A_590 = arith.divf %div3A_589, %convert_element_type3A_583 : vector<16xf32>
      %jit3A_591 = arith.constant 0.000000e+00 : f32
      %broadcast_in_dim3A_592 = vector.broadcast %jit3A_591 : f32 to vector<16xf32>
      %select_n3A_593 = arith.select %and3A_587, %div3A_590, %broadcast_in_dim3A_592 : vector<16xi1>, vector<16xf32>
      %add3A_594 = arith.addf %add3A_581, %select_n3A_593 : vector<16xf32>
      %gather3A_595 = tpu.vector_load_idx %arg12[%gather3A_506] masked %lt3A_510 : memref<512xi32, #tpu.memory_space<vmem>>[vector<16xi32>], vector<16xi32>, vector<16xi1>
      %convert_element_type3A_596 = arith.sitofp %gather3A_595 : vector<16xi32> to vector<16xf32>
      %ge3A_597 = arith.constant 2 : i32
      %ge3A_598 = vector.broadcast %ge3A_597 : i32 to vector<16xi32>
      %ge3A_599 = arith.cmpi sge, %gather3A_595, %ge3A_598 : vector<16xi32>
      %and3A_600 = arith.andi %lt3A_510, %ge3A_599 : vector<16xi1>
      %div3A_601 = arith.constant 1.000000e+00 : f32
      %div3A_602 = vector.broadcast %div3A_601 : f32 to vector<16xf32>
      %div3A_603 = arith.divf %div3A_602, %convert_element_type3A_596 : vector<16xf32>
      %jit3A_604 = arith.constant 0.000000e+00 : f32
      %broadcast_in_dim3A_605 = vector.broadcast %jit3A_604 : f32 to vector<16xf32>
      %select_n3A_606 = arith.select %and3A_600, %div3A_603, %broadcast_in_dim3A_605 : vector<16xi1>, vector<16xf32>
      %add3A_607 = arith.addf %add3A_594, %select_n3A_606 : vector<16xf32>
      %gather3A_608 = tpu.vector_load_idx %arg12[%gather3A_516] masked %lt3A_520 : memref<512xi32, #tpu.memory_space<vmem>>[vector<16xi32>], vector<16xi32>, vector<16xi1>
      %convert_element_type3A_609 = arith.sitofp %gather3A_608 : vector<16xi32> to vector<16xf32>
      %ge3A_610 = arith.constant 2 : i32
      %ge3A_611 = vector.broadcast %ge3A_610 : i32 to vector<16xi32>
      %ge3A_612 = arith.cmpi sge, %gather3A_608, %ge3A_611 : vector<16xi32>
      %and3A_613 = arith.andi %lt3A_520, %ge3A_612 : vector<16xi1>
      %div3A_614 = arith.constant 1.000000e+00 : f32
      %div3A_615 = vector.broadcast %div3A_614 : f32 to vector<16xf32>
      %div3A_616 = arith.divf %div3A_615, %convert_element_type3A_609 : vector<16xf32>
      %jit3A_617 = arith.constant 0.000000e+00 : f32
      %broadcast_in_dim3A_618 = vector.broadcast %jit3A_617 : f32 to vector<16xf32>
      %select_n3A_619 = arith.select %and3A_613, %div3A_616, %broadcast_in_dim3A_618 : vector<16xi1>, vector<16xf32>
      %add3A_620 = arith.addf %add3A_607, %select_n3A_619 : vector<16xf32>
      %gather3A_621 = tpu.vector_load_idx %arg12[%gather3A_526] masked %lt3A_530 : memref<512xi32, #tpu.memory_space<vmem>>[vector<16xi32>], vector<16xi32>, vector<16xi1>
      %convert_element_type3A_622 = arith.sitofp %gather3A_621 : vector<16xi32> to vector<16xf32>
      %ge3A_623 = arith.constant 2 : i32
      %ge3A_624 = vector.broadcast %ge3A_623 : i32 to vector<16xi32>
      %ge3A_625 = arith.cmpi sge, %gather3A_621, %ge3A_624 : vector<16xi32>
      %and3A_626 = arith.andi %lt3A_530, %ge3A_625 : vector<16xi1>
      %div3A_627 = arith.constant 1.000000e+00 : f32
      %div3A_628 = vector.broadcast %div3A_627 : f32 to vector<16xf32>
      %div3A_629 = arith.divf %div3A_628, %convert_element_type3A_622 : vector<16xf32>
      %jit3A_630 = arith.constant 0.000000e+00 : f32
      %broadcast_in_dim3A_631 = vector.broadcast %jit3A_630 : f32 to vector<16xf32>
      %select_n3A_632 = arith.select %and3A_626, %div3A_629, %broadcast_in_dim3A_631 : vector<16xi1>, vector<16xf32>
      %add3A_633 = arith.addf %add3A_620, %select_n3A_632 : vector<16xf32>
      %neg3A_634 = arith.constant 0 : i32
      %neg3A_635 = vector.broadcast %neg3A_634 : i32 to vector<16xi32>
      %neg3A_636 = arith.subi %neg3A_635, %unique3A_502 : vector<16xi32>
      tpu.vector_store_idx %arg12[%gather3A_496], %neg3A_636 masked %unique3A_501 {add = true} : memref<512xi32, #tpu.memory_space<vmem>>[vector<16xi32>], vector<16xi32>, vector<16xi1>
      %neg3A_637 = arith.constant 0 : i32
      %neg3A_638 = vector.broadcast %neg3A_637 : i32 to vector<16xi32>
      %neg3A_639 = arith.subi %neg3A_638, %unique3A_512 : vector<16xi32>
      tpu.vector_store_idx %arg12[%gather3A_506], %neg3A_639 masked %unique3A_511 {add = true} : memref<512xi32, #tpu.memory_space<vmem>>[vector<16xi32>], vector<16xi32>, vector<16xi1>
      %neg3A_640 = arith.constant 0 : i32
      %neg3A_641 = vector.broadcast %neg3A_640 : i32 to vector<16xi32>
      %neg3A_642 = arith.subi %neg3A_641, %unique3A_522 : vector<16xi32>
      tpu.vector_store_idx %arg12[%gather3A_516], %neg3A_642 masked %unique3A_521 {add = true} : memref<512xi32, #tpu.memory_space<vmem>>[vector<16xi32>], vector<16xi32>, vector<16xi1>
      %neg3A_643 = arith.constant 0 : i32
      %neg3A_644 = vector.broadcast %neg3A_643 : i32 to vector<16xi32>
      %neg3A_645 = arith.subi %neg3A_644, %unique3A_532 : vector<16xi32>
      tpu.vector_store_idx %arg12[%gather3A_526], %neg3A_645 masked %unique3A_531 {add = true} : memref<512xi32, #tpu.memory_space<vmem>>[vector<16xi32>], vector<16xi32>, vector<16xi1>
      %reduce_sum3A = arith.constant true
      %reduce_sum3A_646 = vector.broadcast %reduce_sum3A : i1 to vector<16xi1>
      %reduce_sum3A_647 = tpu.scan <sum>, %add3A_633 masked %reduce_sum3A_646 : vector<16xf32>, vector<16xi1> -> vector<16xf32>
      %reduce_sum3A_648 = vector.extract %reduce_sum3A_647[15] : f32 from vector<16xf32>
      %broadcast_in_dim3A_649 = vector.broadcast %reduce_sum3A_648 : f32 to vector<16xf32>
      %convert_element_type3A_650 = arith.sitofp %gather3A_492 : vector<16xi32> to vector<16xf32>
      %add3A_651 = arith.addf %convert_element_type3A_401, %convert_element_type3A_650 : vector<16xf32>
      %add3A_652 = arith.constant 9.99999982E-14 : f32
      %add3A_653 = vector.broadcast %add3A_652 : f32 to vector<16xf32>
      %add3A_654 = arith.addf %add3A_651, %add3A_653 : vector<16xf32>
      %div3A_655 = arith.divf %broadcast_in_dim3A_649, %add3A_654 : vector<16xf32>
      %ge3A_656 = arith.constant 1 : i32
      %ge3A_657 = vector.broadcast %ge3A_656 : i32 to vector<16xi32>
      %ge3A_658 = arith.cmpi sge, %gather3A_400, %ge3A_657 : vector<16xi32>
      %ge3A_659 = arith.constant 1 : i32
      %ge3A_660 = vector.broadcast %ge3A_659 : i32 to vector<16xi32>
      %ge3A_661 = arith.cmpi sge, %gather3A_492, %ge3A_660 : vector<16xi32>
      %and3A_662 = arith.andi %ge3A_658, %ge3A_661 : vector<16xi1>
      %jit3A_663 = arith.constant 1.000000e+00 : f32
      %jit3A_664 = arith.constant 0.000000e+00 : f32
      %broadcast_in_dim3A_665 = vector.broadcast %jit3A_663 : f32 to vector<16xf32>
      %broadcast_in_dim3A_666 = vector.broadcast %jit3A_664 : f32 to vector<16xf32>
      %select_n3A_667 = arith.select %and3A_662, %broadcast_in_dim3A_665, %broadcast_in_dim3A_666 : vector<16xi1>, vector<16xf32>
      %eq3A = vector.broadcast %scan3A_486 : i32 to vector<16xi32>
      %eq3A_668 = arith.cmpi eq, %iota3A, %eq3A : vector<16xi32>
      %select_n3A_669 = arith.select %eq3A_668, %div3A_655, %scan3A_487 : vector<16xi1>, vector<16xf32>
      %select_n3A_670 = arith.select %eq3A_668, %select_n3A_667, %scan3A_488 : vector<16xi1>, vector<16xf32>
      scf.yield %select_n3A_669, %select_n3A_670 : vector<16xf32>, vector<16xf32>
    }
    %scan3A_449 = arith.constant 16 : i32
    %swap3A_450 = arith.constant 3 : i32
    %swap3A_451 = arith.index_cast %swap3A_450 : i32 to index
    %swap3A_452 = arith.constant 0 : index
    %swap3A_453 = tpu.vector_load %arg13[%swap3A_451, %swap3A_452] {strides = array<i32>} : memref<4x32xf32, #tpu.memory_space<vmem>>, vector<16xf32>,
    tpu.vector_store %arg13[%swap3A_451, %swap3A_452], %scan3A_448#0 {strides = array<i32>} : memref<4x32xf32, #tpu.memory_space<vmem>>, vector<16xf32>,
    %swap3A_454 = arith.constant 3 : i32
    %swap3A_455 = arith.index_cast %swap3A_454 : i32 to index
    %swap3A_456 = arith.constant 0 : index
    %swap3A_457 = tpu.vector_load %arg14[%swap3A_455, %swap3A_456] {strides = array<i32>} : memref<4x32xf32, #tpu.memory_space<vmem>>, vector<16xf32>,
    tpu.vector_store %arg14[%swap3A_455, %swap3A_456], %scan3A_448#1 {strides = array<i32>} : memref<4x32xf32, #tpu.memory_space<vmem>>, vector<16xf32>,
    %broadcast_in_dim3A_458 = arith.constant 0.000000e+00 : f32
    %broadcast_in_dim3A_459 = vector.broadcast %broadcast_in_dim3A_458 : f32 to vector<16xf32>
    %scan3A_460 = arith.constant 0 : i32
    %scan3A_461 = arith.constant 16 : i32
    %scan3A_462 = arith.addi %scan3A_460, %scan3A_461 : i32
    %scan3A_463 = arith.constant 1 : i32
    %scan3A_464:2 = scf.for %scan3A_486 = %scan3A_460 to %scan3A_462 step %scan3A_463 iter_args(%scan3A_487 = %broadcast_in_dim3A_459, %scan3A_488 = %broadcast_in_dim3A_459) -> (vector<16xf32>, vector<16xf32>)  : i32 {
      %add3A_489 = arith.constant 16 : i32
      %add3A_490 = arith.addi %add3A_489, %scan3A_486 : i32
      %broadcast_in_dim3A_491 = vector.broadcast %add3A_490 : i32 to vector<16xi32>
      %gather3A_492 = tpu.vector_load_idx %arg11[%broadcast_in_dim3A_396, %broadcast_in_dim3A_491] : memref<4x32xi32, #tpu.memory_space<vmem>>[vector<16xi32>, vector<16xi32>], vector<16xi32>,
      %add3A_493 = arith.constant 0 : i32
      %add3A_494 = vector.broadcast %add3A_493 : i32 to vector<16xi32>
      %add3A_495 = arith.addi %iota3A, %add3A_494 : vector<16xi32>
      %gather3A_496 = tpu.vector_load_idx %arg10[%broadcast_in_dim3A_396, %broadcast_in_dim3A_491, %add3A_495] : memref<4x32x64xi32, #tpu.memory_space<vmem>>[vector<16xi32>, vector<16xi32>, vector<16xi32>], vector<16xi32>,
      %add3A_497 = arith.constant 0 : i32
      %add3A_498 = vector.broadcast %add3A_497 : i32 to vector<16xi32>
      %add3A_499 = arith.addi %iota3A, %add3A_498 : vector<16xi32>
      %lt3A_500 = arith.cmpi slt, %add3A_499, %gather3A_492 : vector<16xi32>
      %unique3A_501, %unique3A_502 = tpu.scan_count mask(%lt3A_500 : vector<16xi1>) value(%gather3A_496 : vector<16xi32>) : vector<16xi1>, vector<16xi32>
      tpu.vector_store_idx %arg12[%gather3A_496], %unique3A_502 masked %unique3A_501 {add = true} : memref<512xi32, #tpu.memory_space<vmem>>[vector<16xi32>], vector<16xi32>, vector<16xi1>
      %add3A_503 = arith.constant 16 : i32
      %add3A_504 = vector.broadcast %add3A_503 : i32 to vector<16xi32>
      %add3A_505 = arith.addi %iota3A, %add3A_504 : vector<16xi32>
      %gather3A_506 = tpu.vector_load_idx %arg10[%broadcast_in_dim3A_396, %broadcast_in_dim3A_491, %add3A_505] : memref<4x32x64xi32, #tpu.memory_space<vmem>>[vector<16xi32>, vector<16xi32>, vector<16xi32>], vector<16xi32>,
      %add3A_507 = arith.constant 16 : i32
      %add3A_508 = vector.broadcast %add3A_507 : i32 to vector<16xi32>
      %add3A_509 = arith.addi %iota3A, %add3A_508 : vector<16xi32>
      %lt3A_510 = arith.cmpi slt, %add3A_509, %gather3A_492 : vector<16xi32>
      %unique3A_511, %unique3A_512 = tpu.scan_count mask(%lt3A_510 : vector<16xi1>) value(%gather3A_506 : vector<16xi32>) : vector<16xi1>, vector<16xi32>
      tpu.vector_store_idx %arg12[%gather3A_506], %unique3A_512 masked %unique3A_511 {add = true} : memref<512xi32, #tpu.memory_space<vmem>>[vector<16xi32>], vector<16xi32>, vector<16xi1>
      %add3A_513 = arith.constant 32 : i32
      %add3A_514 = vector.broadcast %add3A_513 : i32 to vector<16xi32>
      %add3A_515 = arith.addi %iota3A, %add3A_514 : vector<16xi32>
      %gather3A_516 = tpu.vector_load_idx %arg10[%broadcast_in_dim3A_396, %broadcast_in_dim3A_491, %add3A_515] : memref<4x32x64xi32, #tpu.memory_space<vmem>>[vector<16xi32>, vector<16xi32>, vector<16xi32>], vector<16xi32>,
      %add3A_517 = arith.constant 32 : i32
      %add3A_518 = vector.broadcast %add3A_517 : i32 to vector<16xi32>
      %add3A_519 = arith.addi %iota3A, %add3A_518 : vector<16xi32>
      %lt3A_520 = arith.cmpi slt, %add3A_519, %gather3A_492 : vector<16xi32>
      %unique3A_521, %unique3A_522 = tpu.scan_count mask(%lt3A_520 : vector<16xi1>) value(%gather3A_516 : vector<16xi32>) : vector<16xi1>, vector<16xi32>
      tpu.vector_store_idx %arg12[%gather3A_516], %unique3A_522 masked %unique3A_521 {add = true} : memref<512xi32, #tpu.memory_space<vmem>>[vector<16xi32>], vector<16xi32>, vector<16xi1>
      %add3A_523 = arith.constant 48 : i32
      %add3A_524 = vector.broadcast %add3A_523 : i32 to vector<16xi32>
      %add3A_525 = arith.addi %iota3A, %add3A_524 : vector<16xi32>
      %gather3A_526 = tpu.vector_load_idx %arg10[%broadcast_in_dim3A_396, %broadcast_in_dim3A_491, %add3A_525] : memref<4x32x64xi32, #tpu.memory_space<vmem>>[vector<16xi32>, vector<16xi32>, vector<16xi32>], vector<16xi32>,
      %add3A_527 = arith.constant 48 : i32
      %add3A_528 = vector.broadcast %add3A_527 : i32 to vector<16xi32>
      %add3A_529 = arith.addi %iota3A, %add3A_528 : vector<16xi32>
      %lt3A_530 = arith.cmpi slt, %add3A_529, %gather3A_492 : vector<16xi32>
      %unique3A_531, %unique3A_532 = tpu.scan_count mask(%lt3A_530 : vector<16xi1>) value(%gather3A_526 : vector<16xi32>) : vector<16xi1>, vector<16xi32>
      tpu.vector_store_idx %arg12[%gather3A_526], %unique3A_532 masked %unique3A_531 {add = true} : memref<512xi32, #tpu.memory_space<vmem>>[vector<16xi32>], vector<16xi32>, vector<16xi1>
      %broadcast_in_dim3A_533 = arith.constant 0.000000e+00 : f32
      %broadcast_in_dim3A_534 = vector.broadcast %broadcast_in_dim3A_533 : f32 to vector<16xf32>
      %gather3A_535 = tpu.vector_load_idx %arg12[%get3A_405] masked %lt3A_409 : memref<512xi32, #tpu.memory_space<vmem>>[vector<16xi32>], vector<16xi32>, vector<16xi1>
      %convert_element_type3A_536 = arith.sitofp %gather3A_535 : vector<16xi32> to vector<16xf32>
      %ge3A = arith.constant 2 : i32
      %ge3A_537 = vector.broadcast %ge3A : i32 to vector<16xi32>
      %ge3A_538 = arith.cmpi sge, %gather3A_535, %ge3A_537 : vector<16xi32>
      %and3A = arith.andi %lt3A_409, %ge3A_538 : vector<16xi1>
      %div3A = arith.constant 1.000000e+00 : f32
      %div3A_539 = vector.broadcast %div3A : f32 to vector<16xf32>
      %div3A_540 = arith.divf %div3A_539, %convert_element_type3A_536 : vector<16xf32>
      %jit3A = arith.constant 0.000000e+00 : f32
      %broadcast_in_dim3A_541 = vector.broadcast %jit3A : f32 to vector<16xf32>
      %select_n3A = arith.select %and3A, %div3A_540, %broadcast_in_dim3A_541 : vector<16xi1>, vector<16xf32>
      %add3A_542 = arith.addf %broadcast_in_dim3A_534, %select_n3A : vector<16xf32>
      %gather3A_543 = tpu.vector_load_idx %arg12[%get3A_415] masked %lt3A_419 : memref<512xi32, #tpu.memory_space<vmem>>[vector<16xi32>], vector<16xi32>, vector<16xi1>
      %convert_element_type3A_544 = arith.sitofp %gather3A_543 : vector<16xi32> to vector<16xf32>
      %ge3A_545 = arith.constant 2 : i32
      %ge3A_546 = vector.broadcast %ge3A_545 : i32 to vector<16xi32>
      %ge3A_547 = arith.cmpi sge, %gather3A_543, %ge3A_546 : vector<16xi32>
      %and3A_548 = arith.andi %lt3A_419, %ge3A_547 : vector<16xi1>
      %div3A_549 = arith.constant 1.000000e+00 : f32
      %div3A_550 = vector.broadcast %div3A_549 : f32 to vector<16xf32>
      %div3A_551 = arith.divf %div3A_550, %convert_element_type3A_544 : vector<16xf32>
      %jit3A_552 = arith.constant 0.000000e+00 : f32
      %broadcast_in_dim3A_553 = vector.broadcast %jit3A_552 : f32 to vector<16xf32>
      %select_n3A_554 = arith.select %and3A_548, %div3A_551, %broadcast_in_dim3A_553 : vector<16xi1>, vector<16xf32>
      %add3A_555 = arith.addf %add3A_542, %select_n3A_554 : vector<16xf32>
      %gather3A_556 = tpu.vector_load_idx %arg12[%get3A_425] masked %lt3A_429 : memref<512xi32, #tpu.memory_space<vmem>>[vector<16xi32>], vector<16xi32>, vector<16xi1>
      %convert_element_type3A_557 = arith.sitofp %gather3A_556 : vector<16xi32> to vector<16xf32>
      %ge3A_558 = arith.constant 2 : i32
      %ge3A_559 = vector.broadcast %ge3A_558 : i32 to vector<16xi32>
      %ge3A_560 = arith.cmpi sge, %gather3A_556, %ge3A_559 : vector<16xi32>
      %and3A_561 = arith.andi %lt3A_429, %ge3A_560 : vector<16xi1>
      %div3A_562 = arith.constant 1.000000e+00 : f32
      %div3A_563 = vector.broadcast %div3A_562 : f32 to vector<16xf32>
      %div3A_564 = arith.divf %div3A_563, %convert_element_type3A_557 : vector<16xf32>
      %jit3A_565 = arith.constant 0.000000e+00 : f32
      %broadcast_in_dim3A_566 = vector.broadcast %jit3A_565 : f32 to vector<16xf32>
      %select_n3A_567 = arith.select %and3A_561, %div3A_564, %broadcast_in_dim3A_566 : vector<16xi1>, vector<16xf32>
      %add3A_568 = arith.addf %add3A_555, %select_n3A_567 : vector<16xf32>
      %gather3A_569 = tpu.vector_load_idx %arg12[%get3A_435] masked %lt3A_439 : memref<512xi32, #tpu.memory_space<vmem>>[vector<16xi32>], vector<16xi32>, vector<16xi1>
      %convert_element_type3A_570 = arith.sitofp %gather3A_569 : vector<16xi32> to vector<16xf32>
      %ge3A_571 = arith.constant 2 : i32
      %ge3A_572 = vector.broadcast %ge3A_571 : i32 to vector<16xi32>
      %ge3A_573 = arith.cmpi sge, %gather3A_569, %ge3A_572 : vector<16xi32>
      %and3A_574 = arith.andi %lt3A_439, %ge3A_573 : vector<16xi1>
      %div3A_575 = arith.constant 1.000000e+00 : f32
      %div3A_576 = vector.broadcast %div3A_575 : f32 to vector<16xf32>
      %div3A_577 = arith.divf %div3A_576, %convert_element_type3A_570 : vector<16xf32>
      %jit3A_578 = arith.constant 0.000000e+00 : f32
      %broadcast_in_dim3A_579 = vector.broadcast %jit3A_578 : f32 to vector<16xf32>
      %select_n3A_580 = arith.select %and3A_574, %div3A_577, %broadcast_in_dim3A_579 : vector<16xi1>, vector<16xf32>
      %add3A_581 = arith.addf %add3A_568, %select_n3A_580 : vector<16xf32>
      %gather3A_582 = tpu.vector_load_idx %arg12[%gather3A_496] masked %lt3A_500 : memref<512xi32, #tpu.memory_space<vmem>>[vector<16xi32>], vector<16xi32>, vector<16xi1>
      %convert_element_type3A_583 = arith.sitofp %gather3A_582 : vector<16xi32> to vector<16xf32>
      %ge3A_584 = arith.constant 2 : i32
      %ge3A_585 = vector.broadcast %ge3A_584 : i32 to vector<16xi32>
      %ge3A_586 = arith.cmpi sge, %gather3A_582, %ge3A_585 : vector<16xi32>
      %and3A_587 = arith.andi %lt3A_500, %ge3A_586 : vector<16xi1>
      %div3A_588 = arith.constant 1.000000e+00 : f32
      %div3A_589 = vector.broadcast %div3A_588 : f32 to vector<16xf32>
      %div3A_590 = arith.divf %div3A_589, %convert_element_type3A_583 : vector<16xf32>
      %jit3A_591 = arith.constant 0.000000e+00 : f32
      %broadcast_in_dim3A_592 = vector.broadcast %jit3A_591 : f32 to vector<16xf32>
      %select_n3A_593 = arith.select %and3A_587, %div3A_590, %broadcast_in_dim3A_592 : vector<16xi1>, vector<16xf32>
      %add3A_594 = arith.addf %add3A_581, %select_n3A_593 : vector<16xf32>
      %gather3A_595 = tpu.vector_load_idx %arg12[%gather3A_506] masked %lt3A_510 : memref<512xi32, #tpu.memory_space<vmem>>[vector<16xi32>], vector<16xi32>, vector<16xi1>
      %convert_element_type3A_596 = arith.sitofp %gather3A_595 : vector<16xi32> to vector<16xf32>
      %ge3A_597 = arith.constant 2 : i32
      %ge3A_598 = vector.broadcast %ge3A_597 : i32 to vector<16xi32>
      %ge3A_599 = arith.cmpi sge, %gather3A_595, %ge3A_598 : vector<16xi32>
      %and3A_600 = arith.andi %lt3A_510, %ge3A_599 : vector<16xi1>
      %div3A_601 = arith.constant 1.000000e+00 : f32
      %div3A_602 = vector.broadcast %div3A_601 : f32 to vector<16xf32>
      %div3A_603 = arith.divf %div3A_602, %convert_element_type3A_596 : vector<16xf32>
      %jit3A_604 = arith.constant 0.000000e+00 : f32
      %broadcast_in_dim3A_605 = vector.broadcast %jit3A_604 : f32 to vector<16xf32>
      %select_n3A_606 = arith.select %and3A_600, %div3A_603, %broadcast_in_dim3A_605 : vector<16xi1>, vector<16xf32>
      %add3A_607 = arith.addf %add3A_594, %select_n3A_606 : vector<16xf32>
      %gather3A_608 = tpu.vector_load_idx %arg12[%gather3A_516] masked %lt3A_520 : memref<512xi32, #tpu.memory_space<vmem>>[vector<16xi32>], vector<16xi32>, vector<16xi1>
      %convert_element_type3A_609 = arith.sitofp %gather3A_608 : vector<16xi32> to vector<16xf32>
      %ge3A_610 = arith.constant 2 : i32
      %ge3A_611 = vector.broadcast %ge3A_610 : i32 to vector<16xi32>
      %ge3A_612 = arith.cmpi sge, %gather3A_608, %ge3A_611 : vector<16xi32>
      %and3A_613 = arith.andi %lt3A_520, %ge3A_612 : vector<16xi1>
      %div3A_614 = arith.constant 1.000000e+00 : f32
      %div3A_615 = vector.broadcast %div3A_614 : f32 to vector<16xf32>
      %div3A_616 = arith.divf %div3A_615, %convert_element_type3A_609 : vector<16xf32>
      %jit3A_617 = arith.constant 0.000000e+00 : f32
      %broadcast_in_dim3A_618 = vector.broadcast %jit3A_617 : f32 to vector<16xf32>
      %select_n3A_619 = arith.select %and3A_613, %div3A_616, %broadcast_in_dim3A_618 : vector<16xi1>, vector<16xf32>
      %add3A_620 = arith.addf %add3A_607, %select_n3A_619 : vector<16xf32>
      %gather3A_621 = tpu.vector_load_idx %arg12[%gather3A_526] masked %lt3A_530 : memref<512xi32, #tpu.memory_space<vmem>>[vector<16xi32>], vector<16xi32>, vector<16xi1>
      %convert_element_type3A_622 = arith.sitofp %gather3A_621 : vector<16xi32> to vector<16xf32>
      %ge3A_623 = arith.constant 2 : i32
      %ge3A_624 = vector.broadcast %ge3A_623 : i32 to vector<16xi32>
      %ge3A_625 = arith.cmpi sge, %gather3A_621, %ge3A_624 : vector<16xi32>
      %and3A_626 = arith.andi %lt3A_530, %ge3A_625 : vector<16xi1>
      %div3A_627 = arith.constant 1.000000e+00 : f32
      %div3A_628 = vector.broadcast %div3A_627 : f32 to vector<16xf32>
      %div3A_629 = arith.divf %div3A_628, %convert_element_type3A_622 : vector<16xf32>
      %jit3A_630 = arith.constant 0.000000e+00 : f32
      %broadcast_in_dim3A_631 = vector.broadcast %jit3A_630 : f32 to vector<16xf32>
      %select_n3A_632 = arith.select %and3A_626, %div3A_629, %broadcast_in_dim3A_631 : vector<16xi1>, vector<16xf32>
      %add3A_633 = arith.addf %add3A_620, %select_n3A_632 : vector<16xf32>
      %neg3A_634 = arith.constant 0 : i32
      %neg3A_635 = vector.broadcast %neg3A_634 : i32 to vector<16xi32>
      %neg3A_636 = arith.subi %neg3A_635, %unique3A_502 : vector<16xi32>
      tpu.vector_store_idx %arg12[%gather3A_496], %neg3A_636 masked %unique3A_501 {add = true} : memref<512xi32, #tpu.memory_space<vmem>>[vector<16xi32>], vector<16xi32>, vector<16xi1>
      %neg3A_637 = arith.constant 0 : i32
      %neg3A_638 = vector.broadcast %neg3A_637 : i32 to vector<16xi32>
      %neg3A_639 = arith.subi %neg3A_638, %unique3A_512 : vector<16xi32>
      tpu.vector_store_idx %arg12[%gather3A_506], %neg3A_639 masked %unique3A_511 {add = true} : memref<512xi32, #tpu.memory_space<vmem>>[vector<16xi32>], vector<16xi32>, vector<16xi1>
      %neg3A_640 = arith.constant 0 : i32
      %neg3A_641 = vector.broadcast %neg3A_640 : i32 to vector<16xi32>
      %neg3A_642 = arith.subi %neg3A_641, %unique3A_522 : vector<16xi32>
      tpu.vector_store_idx %arg12[%gather3A_516], %neg3A_642 masked %unique3A_521 {add = true} : memref<512xi32, #tpu.memory_space<vmem>>[vector<16xi32>], vector<16xi32>, vector<16xi1>
      %neg3A_643 = arith.constant 0 : i32
      %neg3A_644 = vector.broadcast %neg3A_643 : i32 to vector<16xi32>
      %neg3A_645 = arith.subi %neg3A_644, %unique3A_532 : vector<16xi32>
      tpu.vector_store_idx %arg12[%gather3A_526], %neg3A_645 masked %unique3A_531 {add = true} : memref<512xi32, #tpu.memory_space<vmem>>[vector<16xi32>], vector<16xi32>, vector<16xi1>
      %reduce_sum3A = arith.constant true
      %reduce_sum3A_646 = vector.broadcast %reduce_sum3A : i1 to vector<16xi1>
      %reduce_sum3A_647 = tpu.scan <sum>, %add3A_633 masked %reduce_sum3A_646 : vector<16xf32>, vector<16xi1> -> vector<16xf32>
      %reduce_sum3A_648 = vector.extract %reduce_sum3A_647[15] : f32 from vector<16xf32>
      %broadcast_in_dim3A_649 = vector.broadcast %reduce_sum3A_648 : f32 to vector<16xf32>
      %convert_element_type3A_650 = arith.sitofp %gather3A_492 : vector<16xi32> to vector<16xf32>
      %add3A_651 = arith.addf %convert_element_type3A_401, %convert_element_type3A_650 : vector<16xf32>
      %add3A_652 = arith.constant 9.99999982E-14 : f32
      %add3A_653 = vector.broadcast %add3A_652 : f32 to vector<16xf32>
      %add3A_654 = arith.addf %add3A_651, %add3A_653 : vector<16xf32>
      %div3A_655 = arith.divf %broadcast_in_dim3A_649, %add3A_654 : vector<16xf32>
      %ge3A_656 = arith.constant 1 : i32
      %ge3A_657 = vector.broadcast %ge3A_656 : i32 to vector<16xi32>
      %ge3A_658 = arith.cmpi sge, %gather3A_400, %ge3A_657 : vector<16xi32>
      %ge3A_659 = arith.constant 1 : i32
      %ge3A_660 = vector.broadcast %ge3A_659 : i32 to vector<16xi32>
      %ge3A_661 = arith.cmpi sge, %gather3A_492, %ge3A_660 : vector<16xi32>
      %and3A_662 = arith.andi %ge3A_658, %ge3A_661 : vector<16xi1>
      %jit3A_663 = arith.constant 1.000000e+00 : f32
      %jit3A_664 = arith.constant 0.000000e+00 : f32
      %broadcast_in_dim3A_665 = vector.broadcast %jit3A_663 : f32 to vector<16xf32>
      %broadcast_in_dim3A_666 = vector.broadcast %jit3A_664 : f32 to vector<16xf32>
      %select_n3A_667 = arith.select %and3A_662, %broadcast_in_dim3A_665, %broadcast_in_dim3A_666 : vector<16xi1>, vector<16xf32>
      %eq3A = vector.broadcast %scan3A_486 : i32 to vector<16xi32>
      %eq3A_668 = arith.cmpi eq, %iota3A, %eq3A : vector<16xi32>
      %select_n3A_669 = arith.select %eq3A_668, %div3A_655, %scan3A_487 : vector<16xi1>, vector<16xf32>
      %select_n3A_670 = arith.select %eq3A_668, %select_n3A_667, %scan3A_488 : vector<16xi1>, vector<16xf32>
      scf.yield %select_n3A_669, %select_n3A_670 : vector<16xf32>, vector<16xf32>
    }
    %scan3A_465 = arith.constant 16 : i32
    %swap3A_466 = arith.constant 3 : i32
    %swap3A_467 = arith.index_cast %swap3A_466 : i32 to index
    %swap3A_468 = arith.constant 16 : index
    %swap3A_469 = tpu.vector_load %arg13[%swap3A_467, %swap3A_468] {strides = array<i32>} : memref<4x32xf32, #tpu.memory_space<vmem>>, vector<16xf32>,
    tpu.vector_store %arg13[%swap3A_467, %swap3A_468], %scan3A_464#0 {strides = array<i32>} : memref<4x32xf32, #tpu.memory_space<vmem>>, vector<16xf32>,
    %swap3A_470 = arith.constant 3 : i32
    %swap3A_471 = arith.index_cast %swap3A_470 : i32 to index
    %swap3A_472 = arith.constant 16 : index
    %swap3A_473 = tpu.vector_load %arg14[%swap3A_471, %swap3A_472] {strides = array<i32>} : memref<4x32xf32, #tpu.memory_space<vmem>>, vector<16xf32>,
    tpu.vector_store %arg14[%swap3A_471, %swap3A_472], %scan3A_464#1 {strides = array<i32>} : memref<4x32xf32, #tpu.memory_space<vmem>>, vector<16xf32>,
    %neg3A_474 = arith.constant 0 : i32
    %neg3A_475 = vector.broadcast %neg3A_474 : i32 to vector<16xi32>
    %neg3A_476 = arith.subi %neg3A_475, %unique3A_411 : vector<16xi32>
    tpu.vector_store_idx %arg12[%get3A_405], %neg3A_476 masked %unique3A_410 {add = true} : memref<512xi32, #tpu.memory_space<vmem>>[vector<16xi32>], vector<16xi32>, vector<16xi1>
    %neg3A_477 = arith.constant 0 : i32
    %neg3A_478 = vector.broadcast %neg3A_477 : i32 to vector<16xi32>
    %neg3A_479 = arith.subi %neg3A_478, %unique3A_421 : vector<16xi32>
    tpu.vector_store_idx %arg12[%get3A_415], %neg3A_479 masked %unique3A_420 {add = true} : memref<512xi32, #tpu.memory_space<vmem>>[vector<16xi32>], vector<16xi32>, vector<16xi1>
    %neg3A_480 = arith.constant 0 : i32
    %neg3A_481 = vector.broadcast %neg3A_480 : i32 to vector<16xi32>
    %neg3A_482 = arith.subi %neg3A_481, %unique3A_431 : vector<16xi32>
    tpu.vector_store_idx %arg12[%get3A_425], %neg3A_482 masked %unique3A_430 {add = true} : memref<512xi32, #tpu.memory_space<vmem>>[vector<16xi32>], vector<16xi32>, vector<16xi1>
    %neg3A_483 = arith.constant 0 : i32
    %neg3A_484 = vector.broadcast %neg3A_483 : i32 to vector<16xi32>
    %neg3A_485 = arith.subi %neg3A_484, %unique3A_441 : vector<16xi32>
    tpu.vector_store_idx %arg12[%get3A_435], %neg3A_485 masked %unique3A_440 {add = true} : memref<512xi32, #tpu.memory_space<vmem>>[vector<16xi32>], vector<16xi32>, vector<16xi1>
    "tpu.region"() ({
      %run_scoped3A = tpu.sem_alloc : memref<!tpu.dma_semaphore, #tpu.memory_space<semaphore_mem>>
      %dma_start3A = arith.constant 0 : i32
      %dma_start3A_486 = tpu.memref_slice %arg6[%mul3A_2, %dma_start3A] : memref<128x32xf32, #tpu.memory_space<hbm>> -> memref<4x32xf32, #tpu.memory_space<hbm>>
      %dma_start3A_487 = arith.constant 0 : i32
      %dma_start3A_488 = tpu.memref_slice %arg6[%mul3A_2, %dma_start3A_487] : memref<128x32xf32, #tpu.memory_space<hbm>> -> memref<4x32xf32, #tpu.memory_space<hbm>>
      tpu.enqueue_dma source(%arg13 : memref<4x32xf32, #tpu.memory_space<vmem>>) target(%dma_start3A_488 : memref<4x32xf32, #tpu.memory_space<hbm>>) target_semaphore(%run_scoped3A : memref<!tpu.dma_semaphore, #tpu.memory_space<semaphore_mem>>)
      %dma_wait3A = arith.constant 0 : i32
      %dma_wait3A_489 = tpu.memref_slice %arg6[%mul3A_2, %dma_wait3A] : memref<128x32xf32, #tpu.memory_space<hbm>> -> memref<4x32xf32, #tpu.memory_space<hbm>>
      %dma_wait3A_490 = arith.constant 0 : i32
      %dma_wait3A_491 = tpu.memref_slice %arg6[%mul3A_2, %dma_wait3A_490] : memref<128x32xf32, #tpu.memory_space<hbm>> -> memref<4x32xf32, #tpu.memory_space<hbm>>
      tpu.wait_dma2 semaphore(%run_scoped3A : memref<!tpu.dma_semaphore, #tpu.memory_space<semaphore_mem>>) src(%arg13 : memref<4x32xf32, #tpu.memory_space<vmem>>) dst(%dma_wait3A_491 : memref<4x32xf32, #tpu.memory_space<hbm>>)
      tpu.yield
    }) : () -> ()
    "tpu.region"() ({
      %run_scoped3A = tpu.sem_alloc : memref<!tpu.dma_semaphore, #tpu.memory_space<semaphore_mem>>
      %dma_start3A = arith.constant 0 : i32
      %dma_start3A_486 = tpu.memref_slice %arg7[%mul3A_2, %dma_start3A] : memref<128x32xf32, #tpu.memory_space<hbm>> -> memref<4x32xf32, #tpu.memory_space<hbm>>
      %dma_start3A_487 = arith.constant 0 : i32
      %dma_start3A_488 = tpu.memref_slice %arg7[%mul3A_2, %dma_start3A_487] : memref<128x32xf32, #tpu.memory_space<hbm>> -> memref<4x32xf32, #tpu.memory_space<hbm>>
      tpu.enqueue_dma source(%arg14 : memref<4x32xf32, #tpu.memory_space<vmem>>) target(%dma_start3A_488 : memref<4x32xf32, #tpu.memory_space<hbm>>) target_semaphore(%run_scoped3A : memref<!tpu.dma_semaphore, #tpu.memory_space<semaphore_mem>>)
      %dma_wait3A = arith.constant 0 : i32
      %dma_wait3A_489 = tpu.memref_slice %arg7[%mul3A_2, %dma_wait3A] : memref<128x32xf32, #tpu.memory_space<hbm>> -> memref<4x32xf32, #tpu.memory_space<hbm>>
      %dma_wait3A_490 = arith.constant 0 : i32
      %dma_wait3A_491 = tpu.memref_slice %arg7[%mul3A_2, %dma_wait3A_490] : memref<128x32xf32, #tpu.memory_space<hbm>> -> memref<4x32xf32, #tpu.memory_space<hbm>>
      tpu.wait_dma2 semaphore(%run_scoped3A : memref<!tpu.dma_semaphore, #tpu.memory_space<semaphore_mem>>) src(%arg14 : memref<4x32xf32, #tpu.memory_space<vmem>>) dst(%dma_wait3A_491 : memref<4x32xf32, #tpu.memory_space<hbm>>)
      tpu.yield
    }) : () -> ()
    return
  }
}

module attributes {stable_mosaic.version = 14 : i64} {
  func.func @_pred_body(%arg0: i32, %arg1: memref<32x2x512xf32, #tpu.memory_space<vmem>>, %arg2: memref<32x32x2x512xf32, #tpu.memory_space<vmem>>, %arg3: memref<32x32xf32, #tpu.memory_space<vmem>>) attributes {dimension_semantics = [#tpu.dimension_semantics<arbitrary>], iteration_bounds = array<i64: 4>, scalar_prefetch = 0 : i64, scratch_operands = 0 : i64, tpu.core_type = #tpu.core_type<tc>, window_params = [{transform_indices = @transform_0, window_bounds = array<i64: 32, 2, 512>}, {transform_indices = @transform_1, window_bounds = array<i64: 32, 32, 2, 512>}, {transform_indices = @transform_2, window_bounds = array<i64: 32, 32>}]} {
    %get3A = arith.constant 0 : index
    %get3A_0 = arith.constant 0 : index
    %get3A_1 = arith.constant 0 : index
    %get3A_2 = vector.load %arg1[%get3A, %get3A_0, %get3A_1] : memref<32x2x512xf32, #tpu.memory_space<vmem>>, vector<32x1x512xf32>
    %get3A_3 = vector.shape_cast %get3A_2 : vector<32x1x512xf32> to vector<32x512xf32>
    %get3A_4 = arith.constant 0 : index
    %get3A_5 = arith.constant 1 : index
    %get3A_6 = arith.constant 0 : index
    %get3A_7 = vector.load %arg1[%get3A_4, %get3A_5, %get3A_6] : memref<32x2x512xf32, #tpu.memory_space<vmem>>, vector<32x1x512xf32>
    %get3A_8 = vector.shape_cast %get3A_7 : vector<32x1x512xf32> to vector<32x512xf32>
    %get3A_9 = arith.constant 0 : index
    %get3A_10 = arith.constant 0 : index
    %get3A_11 = arith.constant 0 : index
    %get3A_12 = arith.constant 0 : index
    %get3A_13 = vector.load %arg2[%get3A_9, %get3A_10, %get3A_11, %get3A_12] : memref<32x32x2x512xf32, #tpu.memory_space<vmem>>, vector<32x32x1x512xf32>
    %get3A_14 = vector.shape_cast %get3A_13 : vector<32x32x1x512xf32> to vector<32x32x512xf32>
    %get3A_15 = arith.constant 0 : index
    %get3A_16 = arith.constant 0 : index
    %get3A_17 = arith.constant 1 : index
    %get3A_18 = arith.constant 0 : index
    %get3A_19 = vector.load %arg2[%get3A_15, %get3A_16, %get3A_17, %get3A_18] : memref<32x32x2x512xf32, #tpu.memory_space<vmem>>, vector<32x32x1x512xf32>
    %get3A_20 = vector.shape_cast %get3A_19 : vector<32x32x1x512xf32> to vector<32x32x512xf32>
    %broadcast_in_dim3A = vector.shape_cast %get3A_3 : vector<32x512xf32> to vector<32x1x512xf32>
    %broadcast_in_dim3A_21 = vector.shape_cast %get3A_8 : vector<32x512xf32> to vector<32x1x512xf32>
    %max3A = vector.broadcast %broadcast_in_dim3A : vector<32x1x512xf32> to vector<32x32x512xf32>
    %max3A_22 = arith.maximumf %max3A, %get3A_14 : vector<32x32x512xf32>
    %sub3A = vector.broadcast %broadcast_in_dim3A : vector<32x1x512xf32> to vector<32x32x512xf32>
    %sub3A_23 = arith.subf %sub3A, %get3A_14 : vector<32x32x512xf32>
    %abs3A = math.absf %sub3A_23 : vector<32x32x512xf32>
    %neg3A = arith.constant 0.000000e+00 : f32
    %neg3A_24 = vector.broadcast %neg3A : f32 to vector<32x32x512xf32>
    %neg3A_25 = arith.subf %neg3A_24, %abs3A : vector<32x32x512xf32>
    %exp3A = math.exp %neg3A_25 : vector<32x32x512xf32>
    %add3A = arith.constant 1.000000e+00 : f32
    %add3A_26 = vector.broadcast %add3A : f32 to vector<32x32x512xf32>
    %add3A_27 = arith.addf %add3A_26, %exp3A : vector<32x32x512xf32>
    %log3A = math.log %add3A_27 : vector<32x32x512xf32>
    %add3A_28 = arith.addf %max3A_22, %log3A : vector<32x32x512xf32>
    %min3A = vector.broadcast %broadcast_in_dim3A_21 : vector<32x1x512xf32> to vector<32x32x512xf32>
    %min3A_29 = arith.minimumf %min3A, %get3A_20 : vector<32x32x512xf32>
    %sub3A_30 = vector.broadcast %broadcast_in_dim3A_21 : vector<32x1x512xf32> to vector<32x32x512xf32>
    %sub3A_31 = arith.subf %sub3A_30, %get3A_20 : vector<32x32x512xf32>
    %abs3A_32 = math.absf %sub3A_31 : vector<32x32x512xf32>
    %neg3A_33 = arith.constant 0.000000e+00 : f32
    %neg3A_34 = vector.broadcast %neg3A_33 : f32 to vector<32x32x512xf32>
    %neg3A_35 = arith.subf %neg3A_34, %abs3A_32 : vector<32x32x512xf32>
    %exp3A_36 = math.exp %neg3A_35 : vector<32x32x512xf32>
    %add3A_37 = arith.constant 1.000000e+00 : f32
    %add3A_38 = vector.broadcast %add3A_37 : f32 to vector<32x32x512xf32>
    %add3A_39 = arith.addf %add3A_38, %exp3A_36 : vector<32x32x512xf32>
    %log3A_40 = math.log %add3A_39 : vector<32x32x512xf32>
    %sub3A_41 = arith.subf %min3A_29, %log3A_40 : vector<32x32x512xf32>
    %sub3A_42 = arith.subf %sub3A_41, %add3A_28 : vector<32x32x512xf32>
    %sub3A_43 = arith.constant 1.15443134 : f32
    %sub3A_44 = vector.broadcast %sub3A_43 : f32 to vector<32x32x512xf32>
    %sub3A_45 = arith.subf %sub3A_42, %sub3A_44 : vector<32x32x512xf32>
    %max3A_46 = arith.constant 0.000000e+00 : f32
    %max3A_47 = vector.broadcast %max3A_46 : f32 to vector<32x32x512xf32>
    %max3A_48 = arith.maximumf %sub3A_45, %max3A_47 : vector<32x32x512xf32>
    %abs3A_49 = math.absf %sub3A_45 : vector<32x32x512xf32>
    %neg3A_50 = arith.constant 0.000000e+00 : f32
    %neg3A_51 = vector.broadcast %neg3A_50 : f32 to vector<32x32x512xf32>
    %neg3A_52 = arith.subf %neg3A_51, %abs3A_49 : vector<32x32x512xf32>
    %exp3A_53 = math.exp %neg3A_52 : vector<32x32x512xf32>
    %add3A_54 = arith.constant 1.000000e+00 : f32
    %add3A_55 = vector.broadcast %add3A_54 : f32 to vector<32x32x512xf32>
    %add3A_56 = arith.addf %add3A_55, %exp3A_53 : vector<32x32x512xf32>
    %log3A_57 = math.log %add3A_56 : vector<32x32x512xf32>
    %add3A_58 = arith.addf %max3A_48, %log3A_57 : vector<32x32x512xf32>
    %add3A_59 = arith.constant 9.99999999E-24 : f32
    %add3A_60 = vector.broadcast %add3A_59 : f32 to vector<32x32x512xf32>
    %add3A_61 = arith.addf %add3A_58, %add3A_60 : vector<32x32x512xf32>
    %log3A_62 = math.log %add3A_61 : vector<32x32x512xf32>
    %log3A_63 = arith.constant 2.000000e+00 : f32
    %log3A_64 = math.log %log3A_63 : f32
    %div3A = vector.broadcast %log3A_64 : f32 to vector<32x32x512xf32>
    %div3A_65 = arith.divf %log3A_62, %div3A : vector<32x32x512xf32>
    %reduce_sum3A = arith.constant dense<0.000000e+00> : vector<32x32xf32>
    %reduce_sum3A_66 = vector.multi_reduction <add>, %div3A_65, %reduce_sum3A [2] : vector<32x32x512xf32> to vector<32x32xf32>
    %mul3A = arith.constant 0.693147182 : f32
    %mul3A_67 = vector.broadcast %mul3A : f32 to vector<32x32xf32>
    %mul3A_68 = arith.mulf %mul3A_67, %reduce_sum3A_66 : vector<32x32xf32>
    %sub3A_69 = arith.subf %get3A_8, %get3A_3 : vector<32x512xf32>
    %sub3A_70 = arith.constant 1.15443134 : f32
    %sub3A_71 = vector.broadcast %sub3A_70 : f32 to vector<32x512xf32>
    %sub3A_72 = arith.subf %sub3A_69, %sub3A_71 : vector<32x512xf32>
    %max3A_73 = arith.constant 0.000000e+00 : f32
    %max3A_74 = vector.broadcast %max3A_73 : f32 to vector<32x512xf32>
    %max3A_75 = arith.maximumf %sub3A_72, %max3A_74 : vector<32x512xf32>
    %abs3A_76 = math.absf %sub3A_72 : vector<32x512xf32>
    %neg3A_77 = arith.constant 0.000000e+00 : f32
    %neg3A_78 = vector.broadcast %neg3A_77 : f32 to vector<32x512xf32>
    %neg3A_79 = arith.subf %neg3A_78, %abs3A_76 : vector<32x512xf32>
    %exp3A_80 = math.exp %neg3A_79 : vector<32x512xf32>
    %add3A_81 = arith.constant 1.000000e+00 : f32
    %add3A_82 = vector.broadcast %add3A_81 : f32 to vector<32x512xf32>
    %add3A_83 = arith.addf %add3A_82, %exp3A_80 : vector<32x512xf32>
    %log3A_84 = math.log %add3A_83 : vector<32x512xf32>
    %add3A_85 = arith.addf %max3A_75, %log3A_84 : vector<32x512xf32>
    %add3A_86 = arith.constant 9.99999999E-24 : f32
    %add3A_87 = vector.broadcast %add3A_86 : f32 to vector<32x512xf32>
    %add3A_88 = arith.addf %add3A_85, %add3A_87 : vector<32x512xf32>
    %log3A_89 = math.log %add3A_88 : vector<32x512xf32>
    %log3A_90 = arith.constant 2.000000e+00 : f32
    %log3A_91 = math.log %log3A_90 : f32
    %div3A_92 = vector.broadcast %log3A_91 : f32 to vector<32x512xf32>
    %div3A_93 = arith.divf %log3A_89, %div3A_92 : vector<32x512xf32>
    %reduce_sum3A_94 = arith.constant dense<0.000000e+00> : vector<32xf32>
    %reduce_sum3A_95 = vector.multi_reduction <add>, %div3A_93, %reduce_sum3A_94 [1] : vector<32x512xf32> to vector<32xf32>
    %mul3A_96 = arith.constant 0.693147182 : f32
    %mul3A_97 = vector.broadcast %mul3A_96 : f32 to vector<32xf32>
    %mul3A_98 = arith.mulf %mul3A_97, %reduce_sum3A_95 : vector<32xf32>
    %broadcast_in_dim3A_99 = vector.shape_cast %mul3A_98 : vector<32xf32> to vector<32x1xf32>
    %sub3A_100 = arith.subf %get3A_20, %get3A_14 : vector<32x32x512xf32>
    %sub3A_101 = arith.constant 1.15443134 : f32
    %sub3A_102 = vector.broadcast %sub3A_101 : f32 to vector<32x32x512xf32>
    %sub3A_103 = arith.subf %sub3A_100, %sub3A_102 : vector<32x32x512xf32>
    %max3A_104 = arith.constant 0.000000e+00 : f32
    %max3A_105 = vector.broadcast %max3A_104 : f32 to vector<32x32x512xf32>
    %max3A_106 = arith.maximumf %sub3A_103, %max3A_105 : vector<32x32x512xf32>
    %abs3A_107 = math.absf %sub3A_103 : vector<32x32x512xf32>
    %neg3A_108 = arith.constant 0.000000e+00 : f32
    %neg3A_109 = vector.broadcast %neg3A_108 : f32 to vector<32x32x512xf32>
    %neg3A_110 = arith.subf %neg3A_109, %abs3A_107 : vector<32x32x512xf32>
    %exp3A_111 = math.exp %neg3A_110 : vector<32x32x512xf32>
    %add3A_112 = arith.constant 1.000000e+00 : f32
    %add3A_113 = vector.broadcast %add3A_112 : f32 to vector<32x32x512xf32>
    %add3A_114 = arith.addf %add3A_113, %exp3A_111 : vector<32x32x512xf32>
    %log3A_115 = math.log %add3A_114 : vector<32x32x512xf32>
    %add3A_116 = arith.addf %max3A_106, %log3A_115 : vector<32x32x512xf32>
    %add3A_117 = arith.constant 9.99999999E-24 : f32
    %add3A_118 = vector.broadcast %add3A_117 : f32 to vector<32x32x512xf32>
    %add3A_119 = arith.addf %add3A_116, %add3A_118 : vector<32x32x512xf32>
    %log3A_120 = math.log %add3A_119 : vector<32x32x512xf32>
    %log3A_121 = arith.constant 2.000000e+00 : f32
    %log3A_122 = math.log %log3A_121 : f32
    %div3A_123 = vector.broadcast %log3A_122 : f32 to vector<32x32x512xf32>
    %div3A_124 = arith.divf %log3A_120, %div3A_123 : vector<32x32x512xf32>
    %reduce_sum3A_125 = arith.constant dense<0.000000e+00> : vector<32x32xf32>
    %reduce_sum3A_126 = vector.multi_reduction <add>, %div3A_124, %reduce_sum3A_125 [2] : vector<32x32x512xf32> to vector<32x32xf32>
    %mul3A_127 = arith.constant 0.693147182 : f32
    %mul3A_128 = vector.broadcast %mul3A_127 : f32 to vector<32x32xf32>
    %mul3A_129 = arith.mulf %mul3A_128, %reduce_sum3A_126 : vector<32x32xf32>
    %max3A_130 = vector.broadcast %broadcast_in_dim3A_99 : vector<32x1xf32> to vector<32x32xf32>
    %max3A_131 = arith.maximumf %max3A_130, %mul3A_129 : vector<32x32xf32>
    %sub3A_132 = vector.broadcast %broadcast_in_dim3A_99 : vector<32x1xf32> to vector<32x32xf32>
    %sub3A_133 = arith.subf %sub3A_132, %mul3A_129 : vector<32x32xf32>
    %abs3A_134 = math.absf %sub3A_133 : vector<32x32xf32>
    %neg3A_135 = arith.constant 0.000000e+00 : f32
    %neg3A_136 = vector.broadcast %neg3A_135 : f32 to vector<32x32xf32>
    %neg3A_137 = arith.subf %neg3A_136, %abs3A_134 : vector<32x32xf32>
    %exp3A_138 = math.exp %neg3A_137 : vector<32x32xf32>
    %add3A_139 = arith.constant 1.000000e+00 : f32
    %add3A_140 = vector.broadcast %add3A_139 : f32 to vector<32x32xf32>
    %add3A_141 = arith.addf %add3A_140, %exp3A_138 : vector<32x32xf32>
    %log3A_142 = math.log %add3A_141 : vector<32x32xf32>
    %add3A_143 = arith.addf %max3A_131, %log3A_142 : vector<32x32xf32>
    %sub3A_144 = arith.subf %mul3A_68, %add3A_143 : vector<32x32xf32>
    %min3A_145 = arith.constant -1.000000e-07 : f32
    %min3A_146 = vector.broadcast %min3A_145 : f32 to vector<32x32xf32>
    %min3A_147 = arith.minimumf %sub3A_144, %min3A_146 : vector<32x32xf32>
    %exp3A_148 = math.exp %min3A_147 : vector<32x32xf32>
    %neg3A_149 = arith.constant 0.000000e+00 : f32
    %neg3A_150 = vector.broadcast %neg3A_149 : f32 to vector<32x32xf32>
    %neg3A_151 = arith.subf %neg3A_150, %exp3A_148 : vector<32x32xf32>
    %log1p3A = math.log1p %neg3A_151 : vector<32x32xf32>
    %add3A_152 = arith.addf %add3A_143, %log1p3A : vector<32x32xf32>
    %sub3A_153 = arith.subf %mul3A_68, %add3A_152 : vector<32x32xf32>
    %jit3A = arith.constant -1.000000e+01 : f32
    %jit3A_154 = arith.constant 1.000000e+01 : f32
    %max3A_155 = vector.broadcast %jit3A : f32 to vector<32x32xf32>
    %max3A_156 = arith.maximumf %max3A_155, %sub3A_153 : vector<32x32xf32>
    %min3A_157 = vector.broadcast %jit3A_154 : f32 to vector<32x32xf32>
    %min3A_158 = arith.minimumf %min3A_157, %max3A_156 : vector<32x32xf32>
    %exp3A_159 = math.exp %min3A_158 : vector<32x32xf32>
    %swap3A = arith.constant 0 : index
    %swap3A_160 = arith.constant 0 : index
    %swap3A_161 = vector.load %arg3[%swap3A, %swap3A_160] : memref<32x32xf32, #tpu.memory_space<vmem>>, vector<32x32xf32>
    tpu.vector_store %arg3[%swap3A, %swap3A_160], %exp3A_159 {strides = array<i32>} : memref<32x32xf32, #tpu.memory_space<vmem>>, vector<32x32xf32>,
    return
  }
  func.func @transform_0(%arg0: i32) -> (i32, i32, i32) {
    %c0_i32 = arith.constant 0 : i32
    %c0_i32_0 = arith.constant 0 : i32
    %c0_i32_1 = arith.constant 0 : i32
    return %arg0, %c0_i32, %c0_i32_0 : i32, i32, i32
  }
  func.func @transform_1(%arg0: i32) -> (i32, i32, i32, i32) {
    %c0_i32 = arith.constant 0 : i32
    %c0_i32_0 = arith.constant 0 : i32
    %c0_i32_1 = arith.constant 0 : i32
    %c0_i32_2 = arith.constant 0 : i32
    return %arg0, %c0_i32, %c0_i32_0, %c0_i32_1 : i32, i32, i32, i32
  }
  func.func @transform_2(%arg0: i32) -> (i32, i32) {
    %c0_i32 = arith.constant 0 : i32
    %c0_i32_0 = arith.constant 0 : i32
    return %arg0, %c0_i32 : i32, i32
  }
}

module attributes {stable_mosaic.version = 14 : i64} {
  func.func @_combine_body(%arg0: memref<128x32xf32, #tpu.memory_space<vmem>>, %arg1: memref<128x32xf32, #tpu.memory_space<vmem>>, %arg2: memref<128x32xf32, #tpu.memory_space<vmem>>, %arg3: memref<1x1xf32, #tpu.memory_space<smem>>) attributes {dimension_semantics = [], scalar_prefetch = 0 : i64, scratch_operands = 0 : i64, tpu.core_type = #tpu.core_type<tc>} {
    %get3A = arith.constant 0 : index
    %get3A_0 = arith.constant 0 : index
    %get3A_1 = vector.load %arg0[%get3A, %get3A_0] : memref<128x32xf32, #tpu.memory_space<vmem>>, vector<128x32xf32>
    %get3A_2 = arith.constant 0 : index
    %get3A_3 = arith.constant 0 : index
    %get3A_4 = vector.load %arg1[%get3A_2, %get3A_3] : memref<128x32xf32, #tpu.memory_space<vmem>>, vector<128x32xf32>
    %get3A_5 = arith.constant 0 : index
    %get3A_6 = arith.constant 0 : index
    %get3A_7 = vector.load %arg2[%get3A_5, %get3A_6] : memref<128x32xf32, #tpu.memory_space<vmem>>, vector<128x32xf32>
    %sub3A = arith.subf %get3A_1, %get3A_4 : vector<128x32xf32>
    %integer_pow3A = arith.mulf %sub3A, %sub3A : vector<128x32xf32>
    %mul3A = arith.mulf %get3A_7, %integer_pow3A : vector<128x32xf32>
    %reduce_sum3A = vector.shape_cast %mul3A : vector<128x32xf32> to vector<1x128x32xf32>
    %reduce_sum3A_8 = arith.constant dense<0.000000e+00> : vector<1xf32>
    %reduce_sum3A_9 = vector.multi_reduction <add>, %reduce_sum3A, %reduce_sum3A_8 [1, 2] : vector<1x128x32xf32> to vector<1xf32>
    %reduce_sum3A_10 = vector.shape_cast %reduce_sum3A_9 : vector<1xf32> to vector<1x1x1xf32>
    %reduce_sum3A_11 = vector.extract %reduce_sum3A_10[0, 0, 0] : f32 from vector<1x1x1xf32>
    %div3A = arith.constant 4.096000e+03 : f32
    %div3A_12 = arith.divf %reduce_sum3A_11, %div3A : f32
    %swap3A = arith.constant 0 : index
    %swap3A_13 = arith.constant 0 : index
    %swap3A_14 = memref.load %arg3[%swap3A, %swap3A_13] : memref<1x1xf32, #tpu.memory_space<smem>>
    memref.store %div3A_12, %arg3[%swap3A, %swap3A_13] : memref<1x1xf32, #tpu.memory_space<smem>>
    return
  }
}

</mosaic_0001>

<sc_bundles>
// kernel: kernel.5.cloned.1.call-start
scs
__scs_entry_jumppad:
0x0: {  	(pc) =	sbr.rel $0x88, $3  }
0x1: {  	(tag) =	ssettag $0x0;
	lr =	simm.s32 $0x1  }
0x2: {  	[smem:$0x3F9B] =	sst lr;
	_ =	strace $0xD0000000  }
0x3: {  	_ = 	snop  }
0x4: {  	_ = 	snop  }
0x5: {  	_ = 	snop  }
0x6: {  	_ = 	snop  }
0x7: {  	_ = 	snop  }
__scs_overlays_trampoline_lowered:
0x8: {  	[smem:$0x3FAA] =	sst s0  }
0x9: {  	[smem:$0x3FAB] =	sst s1  }
0xa: {  	[smem:$0x3FAC] =	sst s2  }
0xb: {  	[smem:$0x3FAD] =	sst s3  }
0xc: {  	[smem:$0x3FAE] =	sst s4  }
0xd: {  	[smem:$0x3FAF] =	sst s5  }
0xe: {  	[smem:$0x3FB0] =	sst s6  }
0xf: {  	[smem:$0x3FB1] =	sst s7  }
0x10: {  	[smem:$0x3FB2] =	sst s8  }
0x11: {  	[smem:$0x3FB3] =	sst s9;
	s0 =	simm.s32 @!p0 $0x0  }
0x12: {  	s1 =	sld [smem:$0x3F99];
	s0 =	simm.s32 @p0 $0x1  }
0x13: {  	[smem:$0x3FB4] =	sst s0;
	s0 =	simm.s32 @!p1 $0x0  }
0x14: {  	s2 =	sld [smem:$0x3F98];
	s0 =	simm.s32 @p1 $0x1  }
0x15: {  	[smem:$0x3FB5] =	sst s0;
	s0 =	simm.s32 @!p2 $0x0  }
0x16: {  	s3 =	sld [smem:$0x3FDB];
	s0 =	simm.s32 @p2 $0x1  }
0x17: {  	s4 =	simm.s32 $0x1BF5;
	[smem:$0x3FB7] =	sst s0  }
0x18: {  	s0 =	sld [smem:$0x3F9A];
	_ =	swait.ge [sflag:s4], $0x0  }
0x19: {  	s7 =	sld [smem:$0x3F9B]  }
0x1a: {  	s8 =	sadd.s32 $0xFFFFE003, lr  }
0x1b: {  	s9 =	sadd.s32 $0xFFFFFEF7, lr;
	s5 =	simm.s32 $0xFFFFFFFF;
	p2 =	slt.u32 s8, $0xFFFFF086  }
0x1c: {  	p1 =	slt.u32 s9, $0xF7A;
	s5 =	simm.s32 @!p2 $0x0  }
0x1d: {  	s5 =	simm.s32 @p1 $0x1;
	p0 =	seq.s32 s7, s2  }
0x1e: {  	s7 =	smul.u32 @!p0 $0xF7A, s2;
	p2 =	seq.s32 @!p0 s5, $0x0  }
0x1f: {  	s9 =	smul.u32 $0xF7A, s1;
	s8 =	simm.s32 @!p0 $0x1BF5;
	p2 =	por !p2, p0  }
0x20: {  	[sflag:s8] =	ssyncset.s32 @!p0 $0xFFFFF086;
	s6 =	sadd.s32 @!p0 s3, s7;
	s7 =	simm.s32 @!p0 $0x108  }
0x21: {  	s3 =	sadd.s32 s3, s9;
	s6 =	sadd.s32 @!p0 $0x88, s6;
	s7 =	simm.s32 @p2 $0x1082  }
0x22: {  	[simem:s7], [sflag:s8] =	dma.local @!p0 [hbm:s6], $0xF7A  }
0x23: {  	s9 =	sor.u32 $0xD0000000, s2;
	s6 =	simm.s32 $0x108;
	_ =	swait.ge @!p0 [sflag:s8], $0x0  }
0x24: {  	s3 =	sadd.s32 $0x88, s3;
	s6 =	simm.s32 @!p1 $0x1082;
	[sflag:s4] =	ssyncset.s32 $0xFFFFF086  }
0x25: {  	[simem:s6], [sflag:s4] =	dma.local [hbm:s3], $0xF7A  }
0x26: {  	[smem:$0x3F9B] =	sst s1;
	(tag) =	ssettag s2;
	_ =	strace s9  }
0x27: {  	s1 =	sld [smem:$0x3FAB]  }
0x28: {  	s2 =	sld [smem:$0x3FAC]  }
0x29: {  	s4 =	sld [smem:$0x3FAE]  }
0x2a: {  	p0 =	seq.s32 s5, $0x0;
	s5 =	sld [smem:$0x3FAF]  }
0x2b: {  	s6 =	sld [smem:$0x3FB0]  }
0x2c: {  	s7 =	sld [smem:$0x3FB1]  }
0x2d: {  	s3 =	simm.s32 $0x108;
	s8 =	sld [smem:$0x3FB2]  }
0x2e: {  	s3 =	simm.s32 @!p0 $0x1082;
	s9 =	sld [smem:$0x3FB3]  }
0x2f: {  	lr =	sadd.s32 s0, s3;
	s0 =	sld [smem:$0x3FAA]  }
0x30: {  	s3 =	sld [smem:$0x3FAD]  }
0x31: {  	[smem:$0x3FB6] =	sst s10  }
0x32: {  	s10 =	sld [smem:$0x3FB4];
	_ =	sdelay $0x3  }
0x33: {  	p0 =	seq.s32 s10, $0x1;
	s10 =	sld [smem:$0x3FB6];
	_ =	sdelay $0x3  }
0x34: {  	[smem:$0x3FB6] =	sst s10  }
0x35: {  	s10 =	sld [smem:$0x3FB5];
	_ =	sdelay $0x3  }
0x36: {  	p1 =	seq.s32 s10, $0x1;
	s10 =	sld [smem:$0x3FB6];
	_ =	sdelay $0x3  }
0x37: {  	[smem:$0x3FB6] =	sst s10  }
0x38: {  	s10 =	sld [smem:$0x3FB7]  }
0x39: {  	_ = 	snop;
	(pc) =	sbr.ind lr, $3  }
0x3a: {  	_ = 	snop  }
0x3b: {  	_ = 	snop  }
0x3c: {  	p2 =	seq.s32 s10, $0x1;
	s10 =	sld [smem:$0x3FB6]  }
0x3d: {  	_ =	shalt  }
0x3e: {  	_ =	shalt  }
0x3f: {  	_ =	shalt  }
0x40: {  	_ =	shalt  }
0x41: {  	_ =	shalt  }
0x42: {  	_ =	shalt  }
0x43: {  	_ =	shalt  }
0x44: {  	_ =	shalt  }
0x45: {  	_ =	shalt  }
0x46: {  	_ =	shalt  }
0x47: {  	_ =	shalt  }
0x48: {  	_ =	shalt  }
0x49: {  	_ =	shalt  }
0x4a: {  	_ =	shalt  }
0x4b: {  	_ =	shalt  }
0x4c: {  	_ =	shalt  }
0x4d: {  	_ =	shalt  }
0x4e: {  	_ =	shalt  }
0x4f: {  	_ =	shalt  }
0x50: {  	_ =	shalt  }
0x51: {  	_ =	shalt  }
0x52: {  	_ =	shalt  }
0x53: {  	_ =	shalt  }
0x54: {  	_ =	shalt  }
0x55: {  	_ =	shalt  }
0x56: {  	_ =	shalt  }
0x57: {  	_ =	shalt  }
0x58: {  	_ =	shalt  }
0x59: {  	_ =	shalt  }
0x5a: {  	_ =	shalt  }
0x5b: {  	_ =	shalt  }
0x5c: {  	_ =	shalt  }
0x5d: {  	_ =	shalt  }
0x5e: {  	_ =	shalt  }
0x5f: {  	_ =	shalt  }
0x60: {  	_ =	shalt  }
0x61: {  	_ =	shalt  }
0x62: {  	_ =	shalt  }
0x63: {  	_ =	shalt  }
0x64: {  	_ =	shalt  }
0x65: {  	_ =	shalt  }
0x66: {  	_ =	shalt  }
0x67: {  	_ =	shalt  }
0x68: {  	_ =	shalt  }
0x69: {  	_ =	shalt  }
0x6a: {  	_ =	shalt  }
0x6b: {  	_ =	shalt  }
0x6c: {  	_ =	shalt  }
0x6d: {  	_ =	shalt  }
0x6e: {  	_ =	shalt  }
0x6f: {  	_ =	shalt  }
0x70: {  	_ =	shalt  }
0x71: {  	_ =	shalt  }
0x72: {  	_ =	shalt  }
0x73: {  	_ =	shalt  }
0x74: {  	_ =	shalt  }
0x75: {  	_ =	shalt  }
0x76: {  	_ =	shalt  }
0x77: {  	_ =	shalt  }
0x78: {  	_ =	shalt  }
0x79: {  	_ =	shalt  }
0x7a: {  	_ =	shalt  }
0x7b: {  	_ =	shalt  }
0x7c: {  	_ =	shalt  }
0x7d: {  	_ =	shalt  }
0x7e: {  	_ =	shalt  }
0x7f: {  	_ =	shalt  }
0x80: {  	_ =	shalt  }
0x81: {  	_ =	shalt  }
0x82: {  	_ =	shalt  }
0x83: {  	_ =	shalt  }
0x84: {  	_ =	shalt  }
0x85: {  	_ =	shalt  }
0x86: {  	_ =	shalt  }
0x87: {  	_ =	shalt  }
.Lfunc_end0:
.L_simem_size_0:
called_computation_lowered:
.L_overlay_start_0:
0x88: {  	s2 =	sld [smem:$0x3FD9]  }
0x89: {  	s3 =	sld [smem:$0x3FFE];
	_ =	sdelay $0x1  }
0x8a: {  	s1 =	srdreg.scid  }
0x8b: {  	s0 =	sand.u32 $0x1, s1  }
0x8c: {  	s17 =	sshll.u32 s0, $0xA;
	s2 =	sadd.s32 s3, s2  }
0x8d: {  	s2 =	sadd.s32 s2, s17  }
0x8e: {  	[smem:$0x3FC2] =	sst s2  }
0x8f: {  	_ = 	snop  }
0x90: {  	s2 =	sld [smem:$0x3FC6];
	(tm) =	ssettm $0x1  }
0x91: {  	s18 =	sld [smem:$0x3FFB];
	_ =	sdelay $0x3  }
0x92: {  	_ =	strace s18  }
0x93: {  	s3 =	sld [smem:$0x3FFC];
	_ =	sdelay $0x3  }
0x94: {  	_ =	strace s3  }
0x95: {  	s3 =	sld [smem:$0x3FFD];
	_ =	sdelay $0x3  }
0x96: {  	_ =	strace s3  }
0x97: {  	_ =	strace $0x8FFFFFFF  }
0x98: {  	s19 =	sld [smem:$0x3FDB];
	_ =	sdelay $0x1  }
0x99: {  	s4 =	simm.s32 $_scs_section_size  }
0x9a: {  	s5 =	simm.s32 $_size__tile_overlayer_lowered;
	s6 =	simm.s32 $_tile_overlayer_lowered  }
0x9b: {  	s22 =	simm.s32 $0x1BFF;
	s21 =	sshll.u32 s6, $0x1;
	s3 =	sadd.s32 s4, s19  }
0x9c: {  	s7 =	simm.s32 $0x0;
	s20 =	sshll.u32 s5, $0x1;
	s5 =	sadd.s32 s21, s3  }
0x9d: {  	[timem:s7], [sflag:s22] =	dma.local [hbm:s5], s20  }
0x9e: {  	_ =	swait.ge [sflag:s22], s20  }
0x9f: {  	s4 =	ssub.s32 $0x0, s20;
	[sflag:s22] =	ssyncset.done $0x0  }
0xa0: {  	[sflag:s22] =	ssyncadd.s32 s4;
	_ =	sdelay $0x1  }
0xa1: {  	s23 =	simm.s32 $0x1B8B  }
0xa2: {  	_ =	swait.ge [sflag:s23], $0x1  }
0xa3: {  	[sflag:s23] =	ssyncset.done $0x0  }
0xa4: {  	s25 =	simm.s32 $0x1B8E;
	s24 =	sld [smem:$0x3FFE];
	[sflag:s23] =	ssyncadd.s32 $0xFFFFFFFF  }
0xa5: {  	s26 =	simm.s32 $execute0_lowered;
	[smem:$0x3FD2] =	sst s25  }
0xa6: {  	s5 =	sshll.u32 s26, $0x1;
	_ =	strace $0x80000046;
	[dreg:$0x1] =	wrdreg $0xFFFFFFFF  }
0xa7: {  	s28 =	simm.s32 $_size_execute0_lowered;
	s3 =	sadd.s32 s3, s5;
	[dreg:$0x0] =	wrdreg $0x0  }
0xa8: {  	s5 =	sshll.u32 s28, $0x1;
	[dreg:$0x2] =	wrdreg s3  }
0xa9: {  	[dreg:$0x3] =	wrdreg s5  }
0xaa: {  	[dreg:$0x4] =	wrdreg $0xC0  }
0xab: {  	_ =	task [dreg:s7], $0x5FFFF  }
0xac: {  	[dreg:$0x1] =	wrdreg $0xFFFFFFFF  }
0xad: {  	[dreg:$0x0] =	wrdreg $0x60  }
0xae: {  	[dreg:$0x2] =	wrdreg s24  }
0xaf: {  	[dreg:$0x3] =	wrdreg s2  }
0xb0: {  	[dreg:$0x4] =	wrdreg $0x9  }
0xb1: {  	_ =	task.clear_ibuf [dreg:s7], $0x5FFFF;
	_ =	strace $0x90000046  }
0xb2: {  	s29 =	simm.s32 $0x9;
	_ =	strace $0x80000048  }
0xb3: {  	_ =	swait.ge [sflag:s29], $0x1  }
0xb4: {  	[sflag:s29] =	ssyncadd.s32 $0xFFFFFFFF  }
0xb5: {  	_ =	strace $0x90000048  }
0xb6: {  	_ =	sfence  }
0xb7: {  	s30 =	sld [smem:$0x0];
	_ =	sdelay $0x2  }
0xb8: {  	s31 =	sshll.u32 s1, $0xD;
	s1 =	sshrl.u32 s1, $0x2  }
0xb9: {  	s3 =	sand.u32 $0x4000, s31;
	s1 =	sadd.s32 s1, s30  }
0xba: {  	s0 =	sor.u32 s3, s0;
	s1 =	sshll.u32 s1, $0x11  }
0xbb: {  	s0 =	sor.u32 s1, s0  }
0xbc: {  	s0 =	sadd.s32 $0x8F2B, s0  }
0xbd: {  	[sflag:s0] =	ssyncadd.remote.s32 $0x1  }
0xbe: {  	_ =	sfence.sel $0xFFFF  }
0xbf: {  	[dreg:$0x0] =	wrdreg $0xFFFFFFFF;
	(pc) =	sbr.abs _section_cstart, $3  }
0xc0: {  	[dreg:$0x1] =	wrdreg $0xFFFFFFFF  }
0xc1: {  	_ =	task.clear_ibuf [dreg:s7], $0x2FFFF;
	_ =	strace $0x9FFFFFFF  }
0xc2: {  	(tm) =	ssettm $0x7FFFFFFF  }
0xc3: {  	_ =	shalt  }
tec
execute0_lowered:
.L_overlay_start_1:
0x0: {  	(tag) =	ssettag $0x1  }
0x1: {  	s4 =	rddreg [dreg:$0x0]  }
0x2: {  	s1 =	rddreg [dreg:$0x1]  }
0x3: {  	s0 =	rddreg [dreg:$0x2];
	s3 =	simm.s32 $0x0;
	s5 =	srdreg.scid  }
0x4: {  	s2 =	stileid.u32;
	s13 =	simm.s32 $0x4280;
	s14 =	simm.s32 $0x4480  }
0x5: {  	s15 =	simm.s32 $0x4680;
	s16 =	simm.s32 $0x4880;
	s17 =	simm.s32 $0x0  }
0x6: {  	[smem:$0x7FF] =	sst s3;
	s5 =	sand.u32 $0x1, s5;
	s6 =	sshll.u32 s2, $0x3  }
0x7: {  	s26 =	sshll.u32 s2, $0x7;
	_ =	strace $0x80000047;
	s7 =	sshll.u32 s5, $0x2  }
0x8: {  	s8 =	sshll.u32 s5, $0x6;
	s5 =	ssub.s32 $0x2, s5;
	s7 =	sor.u32 s7, s6  }
0x9: {  	s6 =	sor.u32 s8, s26;
	s30 =	sshrl.u32 s5, $0x1;
	s9 =	sshll.u32 s7, $0x9  }
0xa: {  	v3 =	vlaneseq.u32;
	s29 =	sadd.s32 s6, s4;
	s10 =	ssub.s32 s5, s30;
	s31 =	sor.u32 $0x1, s7  }
0xb: {  	v5 =	vimm.s32 $0x0;
	v9 =	vimm.f32 $0.0e+00;
	v6 =	vor.u32 $0x10, v3;
	s11 =	sor.u32 $0x2, s7;
	s12 =	sor.u32 $0x3, s7;
	s28 =	sadd.s32 s9, s4  }
0xc: {  	v7 =	vor.u32 $0x20, v3;
	v8 =	vor.u32 $0x30, v3;
	v0 =	vmov s7;
	s4 =	sadd.s32 $0x11000, s29;
	s6 =	sadd.s32 $0x11800, s29;
	s7 =	sadd.s32 $0x12000, s29  }
0xd: {  	v0 =	vbroadcast v0, $0x0;
	v1 =	vmov s31;
	v2 =	vmov s11;
	s8 =	sadd.s32 $0x12800, s29;
	s9 =	smax.u32 s10, $0x1;
	s10 =	simm.s32 $0x1  }
0xe: {  	s11 =	simm.s32 $0x200;
	v4 =	vmov s12;
	s12 =	simm.s32 $0x280;
	s5 =	sadd.s32 $0x1000, s28;
	v1 =	vbroadcast v1, $0x0;
	v2 =	vbroadcast v2, $0x0  }
.LBB2_1:
0xf: {  	[tilespmem:s3], [sflag:$0x1] =	stream.linear.gather [hbm4b:s4+s3], $0x200, $0x38;
	[tilespmem:$0x4A80] =	vst v63  }
0x10: {  	_ =	swait.ge [sflag:s10], $0x200  }
0x11: {  	[sflag:s10] =	ssyncset.done $0x0  }
0x12: {  	[sflag:s10] =	ssyncadd.s32 $0xFFFFFE00  }
0x13: {  	[tilespmem:s11], [sflag:$0x1] =	stream.linear.gather [hbm4b:s1+s3], $0x80, $0x38;
	[tilespmem:$0x4A80] =	vst v63  }
0x14: {  	_ =	swait.ge [sflag:s10], $0x80  }
0x15: {  	[sflag:s10] =	ssyncset.done $0x0  }
0x16: {  	[sflag:s10] =	ssyncadd.s32 $0xFFFFFF80  }
0x17: {  	[tilespmem:s12], [sflag:$0x1] =	stream.linear.gather [hbm4b:s5+s3], $0x4000, $0x38;
	[tilespmem:$0x4A80] =	vst v63  }
0x18: {  	_ =	swait.ge [sflag:s10], $0x4000  }
0x19: {  	[sflag:s10] =	ssyncset.done $0x0  }
0x1a: {  	[sflag:s10] =	ssyncadd.s32 $0xFFFFC000  }
0x1b: {  	[tilespmem:s13], [sflag:$0x1] =	stream.linear.gather [hbm4b:s6+s3], $0x200, $0x38;
	[tilespmem:$0x4A80] =	vst v63  }
0x1c: {  	_ =	swait.ge [sflag:s10], $0x200  }
0x1d: {  	[sflag:s10] =	ssyncset.done $0x0  }
0x1e: {  	[sflag:s10] =	ssyncadd.s32 $0xFFFFFE00  }
0x1f: {  	[tilespmem:$0x4480] =	vst v5  }
0x20: {  	[tilespmem:$0x4490] =	vst v5  }
0x21: {  	[tilespmem:$0x44A0] =	vst v5  }
0x22: {  	[tilespmem:$0x44B0] =	vst v5  }
0x23: {  	[tilespmem:$0x44C0] =	vst v5  }
0x24: {  	[tilespmem:$0x44D0] =	vst v5  }
0x25: {  	[tilespmem:$0x44E0] =	vst v5  }
0x26: {  	[tilespmem:$0x44F0] =	vst v5  }
0x27: {  	[tilespmem:$0x4500] =	vst v5  }
0x28: {  	[tilespmem:$0x4510] =	vst v5  }
0x29: {  	[tilespmem:$0x4520] =	vst v5  }
0x2a: {  	[tilespmem:$0x4530] =	vst v5  }
0x2b: {  	[tilespmem:$0x4540] =	vst v5  }
0x2c: {  	[tilespmem:$0x4550] =	vst v5  }
0x2d: {  	[tilespmem:$0x4560] =	vst v5  }
0x2e: {  	[tilespmem:$0x4570] =	vst v5  }
0x2f: {  	[tilespmem:$0x4580] =	vst v5  }
0x30: {  	[tilespmem:$0x4590] =	vst v5  }
0x31: {  	[tilespmem:$0x45A0] =	vst v5  }
0x32: {  	[tilespmem:$0x45B0] =	vst v5  }
0x33: {  	[tilespmem:$0x45C0] =	vst v5  }
0x34: {  	[tilespmem:$0x45D0] =	vst v5  }
0x35: {  	[tilespmem:$0x45E0] =	vst v5  }
0x36: {  	[tilespmem:$0x45F0] =	vst v5  }
0x37: {  	[tilespmem:$0x4600] =	vst v5  }
0x38: {  	[tilespmem:$0x4610] =	vst v5  }
0x39: {  	[tilespmem:$0x4620] =	vst v5  }
0x3a: {  	[tilespmem:$0x4630] =	vst v5  }
0x3b: {  	[tilespmem:$0x4640] =	vst v5  }
0x3c: {  	[tilespmem:$0x4650] =	vst v5  }
0x3d: {  	[tilespmem:$0x4660] =	vst v5  }
0x3e: {  	[tilespmem:$0x4670] =	vst v5  }
0x3f: {  	v20 =	vld.idx.msk [tilespmem:v0+s11+$0x0], $0xffff  }
0x40: {  	v10 =	vld [tilespmem:$0x0];
	_ =	sdelay $0x3  }
0x41: {  	vm5 =	vgt.s32 v20, v3  }
0x42: {  	(xrf1) =	vunique.msk.u32 vm5, v10;
	_ =	sdelay $0xd  }
0x43: {  	_, v12, vm0 =	vpop (xrf1);
	_ =	sdelay $0x4  }
0x44: {  	v11 =	vimm.s32 $0x0  }
0x45: {  	v11 =	vsel vm0, $0xFFFFFFFF, v11;
	[tilespmem:v10+s14+$0x0] =	vst.idx.add.s32.msk vm0, v12  }
0x46: {  	[tilespmem:$0x1FF70] =	vst v11;
	v11 =	vld [tilespmem:$0x10];
	_ =	sdelay $0x3  }
0x47: {  	vm11 =	vgt.s32 v20, v6  }
0x48: {  	(xrf1) =	vunique.msk.u32 vm11, v11;
	_ =	sdelay $0xd  }
0x49: {  	_, v14, vm0 =	vpop (xrf1);
	_ =	sdelay $0x4  }
0x4a: {  	v13 =	vimm.s32 $0x0  }
0x4b: {  	v13 =	vsel vm0, $0xFFFFFFFF, v13;
	[tilespmem:v11+s14+$0x0] =	vst.idx.add.s32.msk vm0, v14  }
0x4c: {  	[tilespmem:$0x1FF80] =	vst v13;
	v13 =	vld [tilespmem:$0x20];
	_ =	sdelay $0x3  }
0x4d: {  	vm6 =	vgt.s32 v20, v7  }
0x4e: {  	(xrf1) =	vunique.msk.u32 vm6, v13;
	_ =	sdelay $0xd  }
0x4f: {  	_, v16, vm0 =	vpop (xrf1);
	_ =	sdelay $0x4  }
0x50: {  	v15 =	vimm.s32 $0x0  }
0x51: {  	v15 =	vsel vm0, $0xFFFFFFFF, v15;
	[tilespmem:v13+s14+$0x0] =	vst.idx.add.s32.msk vm0, v16  }
0x52: {  	[tilespmem:$0x1FF90] =	vst v15;
	v15 =	vld [tilespmem:$0x30];
	_ =	sdelay $0x3  }
0x53: {  	vm7 =	vgt.s32 v20, v8  }
0x54: {  	(xrf1) =	vunique.msk.u32 vm7, v15;
	_ =	sdelay $0xd  }
0x55: {  	_, v17, vm0 =	vpop (xrf1)  }
0x56: {  	v21 =	vmov s3  }
0x57: {  	v18 =	vshll.u32 v21, $0x7  }
0x58: {  	v19 =	vor.u32 v3, v18;
	_ =	sdelay $0x1  }
0x59: {  	v22 =	vimm.s32 $0x0  }
0x5a: {  	v22 =	vsel vm0, $0xFFFFFFFF, v22;
	[tilespmem:v15+s14+$0x0] =	vst.idx.add.s32.msk vm0, v17  }
0x5b: {  	[tilespmem:$0x1FFA0] =	vst v22;
	v22 =	vld.idx.msk [tilespmem:v21+s13+$0x0], $0xffff  }
0x5c: {  	v19 =	vld.idx.msk [tilespmem:v19+s12+$0x0], $0xffff;
	_ =	sdelay $0x3  }
0x5d: {  	vm8 =	vgt.s32 v22, v3  }
0x5e: {  	(xrf1) =	vunique.msk.u32 vm8, v19;
	_ =	sdelay $0xd  }
0x5f: {  	_, v23, vm1 =	vpop (xrf1);
	_ =	sdelay $0x1  }
0x60: {  	v24 =	vor.u32 v6, v18;
	_ =	sdelay $0x3  }
0x61: {  	[tilespmem:v19+s14+$0x0] =	vst.idx.add.s32.msk vm1, v23  }
0x62: {  	v24 =	vld.idx.msk [tilespmem:v24+s12+$0x0], $0xffff;
	_ =	sdelay $0x3  }
0x63: {  	vm0 =	vgt.s32 v22, v6  }
0x64: {  	(xrf1) =	vunique.msk.u32 vm0, v24;
	_ =	sdelay $0xd  }
0x65: {  	_, v25, vm2 =	vpop (xrf1);
	_ =	sdelay $0x1  }
0x66: {  	v26 =	vor.u32 v7, v18;
	_ =	sdelay $0x3  }
0x67: {  	[tilespmem:v24+s14+$0x0] =	vst.idx.add.s32.msk vm2, v25  }
0x68: {  	v26 =	vld.idx.msk [tilespmem:v26+s12+$0x0], $0xffff;
	_ =	sdelay $0x3  }
0x69: {  	vm12 =	vgt.s32 v22, v7  }
0x6a: {  	(xrf1) =	vunique.msk.u32 vm12, v26;
	_ =	sdelay $0xd  }
0x6b: {  	_, v27, vm3 =	vpop (xrf1);
	_ =	sdelay $0x1  }
0x6c: {  	v18 =	vor.u32 v8, v18;
	_ =	sdelay $0x3  }
0x6d: {  	[tilespmem:v26+s14+$0x0] =	vst.idx.add.s32.msk vm3, v27  }
0x6e: {  	v18 =	vld.idx.msk [tilespmem:v18+s12+$0x0], $0xffff;
	_ =	sdelay $0x3  }
0x6f: {  	vm9 =	vgt.s32 v22, v8  }
0x70: {  	(xrf1) =	vunique.msk.u32 vm9, v18;
	_ =	sdelay $0xd  }
0x71: {  	_, v28, vm4 =	vpop (xrf1);
	_ =	sdelay $0x5  }
0x72: {  	[tilespmem:v18+s14+$0x0] =	vst.idx.add.s32.msk vm4, v28  }
0x73: {  	v29 =	vld.idx.msk [tilespmem:v19+s14+$0x0], vm8  }
0x74: {  	v30 =	vld.idx.msk [tilespmem:v26+s14+$0x0], vm12  }
0x75: {  	v31 =	vld.idx.msk [tilespmem:v18+s14+$0x0], vm9  }
0x76: {  	v32 =	vld.idx.msk [tilespmem:v24+s14+$0x0], vm0  }
0x77: {  	v33 =	vld.idx.msk [tilespmem:v13+s14+$0x0], vm6  }
0x78: {  	s18 =	simm.s32 $0x1;
	v34 =	vld.idx.msk [tilespmem:v15+s14+$0x0], vm7  }
0x79: {  	v35 =	vmov s18;
	v36 =	vld.idx.msk [tilespmem:v11+s14+$0x0], vm11  }
0x7a: {  	v37 =	vsub.s32 $0x0, v23;
	v23 =	vshll.u32 v35, $0x7;
	v38 =	vld.idx.msk [tilespmem:v10+s14+$0x0], vm5  }
0x7b: {  	v48 =	vor.u32 v3, v23;
	[tilespmem:v19+s14+$0x0] =	vst.idx.add.s32.msk vm1, v37;
	v19 =	vsub.s32 $0x0, v25;
	v25 =	vcvt.s32.f32 v29  }
0x7c: {  	v27 =	vsub.s32 $0x0, v27;
	[tilespmem:v24+s14+$0x0] =	vst.idx.add.s32.msk vm2, v19;
	v39 =	vcvt.s32.f32 v30  }
0x7d: {  	v24 =	vsub.s32 $0x0, v28;
	[tilespmem:v26+s14+$0x0] =	vst.idx.add.s32.msk vm3, v27;
	v19 =	vcvt.s32.f32 v32;
	(erf) = vrcp.f32 v25  }
0x7e: {  	[tilespmem:v18+s14+$0x0] =	vst.idx.add.s32.msk vm4, v24;
	v26 =	vcvt.s32.f32 v33;
	(erf) = vrcp.f32 v39  }
0x7f: {  	v18 =	vcvt.s32.f32 v34;
	v25 =	vld.idx.msk [tilespmem:v35+s13+$0x0], $0xffff;
	(erf) = vrcp.f32 v19  }
0x80: {  	v24 =	vcvt.s32.f32 v36;
	v19 =	vld.idx.msk [tilespmem:v48+s12+$0x0], $0xffff;
	(erf) = vrcp.f32 v26  }
0x81: {  	v26 =	vcvt.s32.f32 v38;
	(erf) = vrcp.f32 v18  }
0x82: {  	(erf) = vrcp.f32 v24  }
0x83: {  	(erf) = vrcp.f32 v26  }
0x84: {  	vm4 =	vgt.s32 v25, v3  }
0x85: {  	(xrf1) =	vunique.msk.u32 vm4, v19  }
0x86: {  	v26 =	vpop (erf)  }
0x87: {  	v27 =	vpop (erf)  }
0x88: {  	v49 =	vpop (erf)  }
0x89: {  	v54 =	vimm.s32 $0x0;
	v24 =	vpop (erf)  }
0x8a: {  	v55 =	vimm.s32 $0x0;
	v58 =	vimm.s32 $0x0;
	vm3 =	vgt.s32 v20, $0x0;
	v50 =	vpop (erf)  }
0x8b: {  	vm1 =	vgt.s32 v36, $0x1;
	vm2 =	vgt.s32 v38, $0x1;
	v53 =	vcvt.s32.f32 v31;
	v18 =	vpop (erf)  }
0x8c: {  	vm2 =	vmand vm5, vm2;
	vm1 =	vmand vm11, vm1;
	v39 =	vsel vm5, $0xFFFFFFFF, v54;
	v51 =	vpop (erf)  }
0x8d: {  	v56 =	vnsel vm1, $0x0, v18;
	vm1 =	vgt.s32 v33, $0x1;
	v52 =	vadd.f32 $0.0e+00, v51  }
0x8e: {  	[tilespmem:$0x1FFB0] =	vst v39;
	v39 =	vsel vm11, $0xFFFFFFFF, v55;
	(erf) = vrcp.f32 v53;
	vm1 =	vmand vm6, vm1  }
0x8f: {  	v24 =	vnsel vm1, $0x0, v24;
	vm1 =	vgt.s32 v29, $0x1;
	v57 =	vnsel vm2, $0x0, v52  }
0x90: {  	vm2 =	vgt.s32 v34, $0x1;
	vm1 =	vmand vm8, vm1;
	v33 =	vadd.f32 v56, v57  }
0x91: {  	v18 =	vcvt.s32.f32 v20;
	vm2 =	vmand vm7, vm2;
	v26 =	vnsel vm1, $0x0, v26  }
0x92: {  	vm1 =	vgt.s32 v32, $0x1;
	v20 =	vnsel vm2, $0x0, v50;
	v60 =	vadd.f32 v24, v33  }
0x93: {  	vm0 =	vmand vm0, vm1;
	vm1 =	vgt.s32 v22, $0x0;
	v22 =	vcvt.s32.f32 v22;
	_, v24, vm11 =	vpop (xrf1)  }
0x94: {  	v59 =	vimm.s32 $0x0;
	vm13 =	veq.s32 v35, v3;
	v20 =	vadd.f32 v20, v60  }
0x95: {  	v61 =	vor.u32 v6, v23;
	v36 =	vsel vm6, $0xFFFFFFFF, v58;
	v22 =	vadd.f32 v22, v18  }
0x96: {  	v28 =	vnsel vm0, $0x0, v49;
	vm0 =	vgt.s32 v30, $0x1;
	v20 =	vadd.f32 v26, v20  }
0x97: {  	vm1 =	vmand vm3, vm1;
	vm0 =	vmand vm12, vm0;
	v63 =	vadd.f32 $9.999999820e-14, v22  }
0x98: {  	v22 =	vimm.s32 $0x0;
	v26 =	vsel vm1, $0x3F800000, v9;
	v20 =	vadd.f32 v28, v20  }
0x99: {  	vm1 =	veq.s32 v21, v3;
	v21 =	vnsel vm0, $0x0, v27;
	vm0 =	vgt.s32 v31, $0x1;
	[tilespmem:v19+s14+$0x0] =	vst.idx.add.s32.msk vm11, v24  }
0x9a: {  	[tilespmem:$0x1FFD0] =	vst v36;
	v62 =	vpop (erf);
	v27 =	vsel vm1, v26, v9;
	vm0 =	vmand vm9, vm0;
	v26 =	vld.idx.msk [tilespmem:v61+s12+$0x0], $0xffff;
	v20 =	vadd.f32 v21, v20  }
0x9b: {  	[tilespmem:$0x1FFC0] =	vst v39;
	v22 =	vsel vm3, $0xFFFFFFFF, v22;
	v28 =	vnsel vm0, $0x0, v62;
	v21 =	vcvt.s32.f32 v25  }
0x9c: {  	v29 =	vsel vm7, $0xFFFFFFFF, v59;
	vm2 =	vgt.s32 v25, $0x0;
	[tilespmem:$0x1FFF0] =	vst v22;
	v22 =	vadd.f32 v28, v20  }
0x9d: {  	[tilespmem:$0x1FFE0] =	vst v29;
	vm12 =	vgt.s32 v25, v6;
	vm0 =	vmand vm3, vm2;
	v21 =	vadd.f32 v21, v18  }
0x9e: {  	vm9 =	vmmov vm1;
	(erf) = vrcp.f32 v63;
	v20 =	vsel vm0, $0x3F800000, v9;
	(xrf2) =	vadd.scan.msk.f32 $0xffff, v22  }
0x9f: {  	s18 =	simm.s32 $0x2;
	v20 =	vsel vm13, v20, v27;
	v22 =	vadd.f32 $9.999999820e-14, v21;
	(xrf1) =	vunique.msk.u32 vm12, v26;
	v21 =	vimm.f32 $0.0e+00  }
.LBB2_2:
0xa0: {  	_ =	sdelay $0x7  }
0xa1: {  	v27, _, _ =	vpop (xrf2)  }
0xa2: {  	v27 =	vbroadcast v27, $0xF  }
0xa3: {  	v28 =	vpop (erf)  }
0xa4: {  	v27 =	vmul.f32 v27, v28;
	_ =	sdelay $0x4  }
0xa5: {  	vm0 =	vmmov vm13;
	v21 =	vsel vm9, v27, v21;
	_, v27, vm13 =	vpop (xrf1);
	_ =	sdelay $0x1  }
0xa6: {  	v46 =	vor.u32 v7, v23;
	_ =	sdelay $0x3  }
0xa7: {  	[tilespmem:v26+s14+$0x0] =	vst.idx.add.s32.msk vm13, v27  }
0xa8: {  	v28 =	vld.idx.msk [tilespmem:v46+s12+$0x0], $0xffff;
	_ =	sdelay $0x3  }
0xa9: {  	vm14 =	vgt.s32 v25, v7  }
0xaa: {  	(xrf1) =	vunique.msk.u32 vm14, v28;
	_ =	sdelay $0xd  }
0xab: {  	_, v47, vm2 =	vpop (xrf1);
	_ =	sdelay $0x1  }
0xac: {  	v23 =	vor.u32 v8, v23;
	_ =	sdelay $0x3  }
0xad: {  	[tilespmem:v28+s14+$0x0] =	vst.idx.add.s32.msk vm2, v47  }
0xae: {  	v30 =	vld.idx.msk [tilespmem:v23+s12+$0x0], $0xffff;
	_ =	sdelay $0x3  }
0xaf: {  	vm15 =	vgt.s32 v25, v8  }
0xb0: {  	(xrf1) =	vunique.msk.u32 vm15, v30;
	_ =	sdelay $0xd  }
0xb1: {  	v34 =	vld [tilespmem:$0x1FFD0];
	_, v25, vm3 =	vpop (xrf1)  }
0xb2: {  	v35 =	vld [tilespmem:$0x1FFE0]  }
0xb3: {  	v37 =	vld [tilespmem:$0x1FFC0]  }
0xb4: {  	v39 =	vld [tilespmem:$0x1FFB0];
	_ =	sdelay $0x1  }
0xb5: {  	vm7 =	vnez.u8 v34  }
0xb6: {  	vm9 =	vnez.u8 v35;
	[tilespmem:v30+s14+$0x0] =	vst.idx.add.s32.msk vm3, v25  }
0xb7: {  	vm10 =	vnez.u8 v37;
	v23 =	vld.idx.msk [tilespmem:v19+s14+$0x0], vm4  }
0xb8: {  	vm6 =	vnez.u8 v39;
	v31 =	vld.idx.msk [tilespmem:v28+s14+$0x0], vm14  }
0xb9: {  	v32 =	vld.idx.msk [tilespmem:v30+s14+$0x0], vm15  }
0xba: {  	v33 =	vld.idx.msk [tilespmem:v26+s14+$0x0], vm12  }
0xbb: {  	v34 =	vld.idx.msk [tilespmem:v13+s14+$0x0], vm7  }
0xbc: {  	v29 =	vimm.s32 $0x0;
	v35 =	vld.idx.msk [tilespmem:v15+s14+$0x0], vm9  }
0xbd: {  	s19 =	smov.u32 s18;
	v24 =	vsub.s32 $0x0, v24;
	v40 =	vimm.s32 $0x0;
	v45 =	vsel vm0, $0xFFFFFFFF, v29;
	v37 =	vld.idx.msk [tilespmem:v11+s14+$0x0], vm10  }
0xbe: {  	v36 =	vmov s19;
	v27 =	vsub.s32 $0x0, v27;
	v29 =	vsub.s32 $0x0, v47;
	v39 =	vld.idx.msk [tilespmem:v10+s14+$0x0], vm6  }
0xbf: {  	[tilespmem:v19+s14+$0x0] =	vst.idx.add.s32.msk vm11, v24;
	v24 =	vimm.s32 $0x0;
	v38 =	vcvt.s32.f32 v23;
	vm0 =	vgt.s32 v23, $0x1  }
0xc0: {  	v23 =	vshll.u32 v36, $0x7;
	v48 =	vcvt.s32.f32 v31;
	vm0 =	vmand vm4, vm0  }
0xc1: {  	[tilespmem:v26+s14+$0x0] =	vst.idx.add.s32.msk vm13, v27;
	v41 =	vor.u32 v3, v23;
	v40 =	vsel vm0, $0xFFFFFFFF, v40;
	vm0 =	vgt.s32 v33, $0x1  }
0xc2: {  	[tilespmem:v28+s14+$0x0] =	vst.idx.add.s32.msk vm2, v29;
	v19 =	vcvt.s32.f32 v33;
	(erf) = vrcp.f32 v38;
	v24 =	vsel vm0, $0xFFFFFFFF, v24  }
0xc3: {  	v25 =	vsub.s32 $0x0, v25;
	(erf) = vrcp.f32 v48;
	[tilespmem:$0x1FF60] =	vst v24;
	v24 =	vcvt.s32.f32 v34  }
0xc4: {  	[tilespmem:v30+s14+$0x0] =	vst.idx.add.s32.msk vm3, v25;
	v26 =	vcvt.s32.f32 v35;
	(erf) = vrcp.f32 v19  }
0xc5: {  	v25 =	vld.idx.msk [tilespmem:v36+s13+$0x0], $0xffff;
	v27 =	vcvt.s32.f32 v37;
	(erf) = vrcp.f32 v24  }
0xc6: {  	v19 =	vld.idx.msk [tilespmem:v41+s12+$0x0], $0xffff;
	v24 =	vcvt.s32.f32 v39;
	(erf) = vrcp.f32 v26  }
0xc7: {  	(erf) = vrcp.f32 v27  }
0xc8: {  	(erf) = vrcp.f32 v24;
	_ =	sdelay $0x1  }
0xc9: {  	vm1 =	vgt.s32 v25, v3  }
0xca: {  	v26 =	vcvt.s32.f32 v25;
	v24 =	vpop (erf);
	(xrf1) =	vunique.msk.u32 vm1, v19  }
0xcb: {  	v27 =	vpop (erf)  }
0xcc: {  	v52 =	vpop (erf)  }
0xcd: {  	v53 =	vpop (erf)  }
0xce: {  	v50 =	vadd.f32 v26, v18;
	v26 =	vpop (erf)  }
0xcf: {  	v55 =	vpop (erf)  }
0xd0: {  	v49 =	vld [tilespmem:$0x1FFF0];
	v42 =	vcvt.s32.f32 v32;
	vm5 =	vgt.s32 v39, $0x1;
	v56 =	vpop (erf)  }
0xd1: {  	vm2 =	vgt.s32 v32, $0x1;
	vm4 =	vgt.s32 v37, $0x1;
	[tilespmem:$0x1FF50] =	vst v40;
	v32 =	vadd.f32 $0.0e+00, v56  }
0xd2: {  	vm8 =	vgt.s32 v34, $0x1;
	vm5 =	vmand vm6, vm5;
	vm4 =	vmand vm10, vm4;
	v59 =	vld [tilespmem:$0x1FF50]  }
0xd3: {  	vm3 =	vgt.s32 v31, $0x1;
	v31 =	vnsel vm4, $0x0, v55;
	v32 =	vnsel vm5, $0x0, v32  }
0xd4: {  	vm11 =	vgt.s32 v35, $0x1;
	vm4 =	vmand vm7, vm8;
	v31 =	vadd.f32 v31, v32  }
0xd5: {  	vm0 =	vnez.u8 v49;
	vm13 =	vgt.s32 v25, $0x0;
	v60 =	vld [tilespmem:$0x1FF60];
	v28 =	vnsel vm4, $0x0, v53  }
0xd6: {  	(erf) = vrcp.f32 v42;
	vm4 =	vmand vm9, vm11;
	v28 =	vadd.f32 v28, v31  }
0xd7: {  	vm13 =	vmand vm0, vm13;
	vm0 =	vnez.u8 v59;
	v26 =	vnsel vm4, $0x0, v26  }
0xd8: {  	v26 =	vadd.f32 v26, v28;
	v28 =	vnsel vm0, $0x0, v24;
	_, v24, vm11 =	vpop (xrf1);
	_ =	sdelay $0x1  }
0xd9: {  	v62 =	vor.u32 v6, v23;
	vm0 =	vnez.u8 v60  }
0xda: {  	vm0 =	vmand vm12, vm0;
	v26 =	vadd.f32 v28, v26  }
0xdb: {  	[tilespmem:$0x1FF40] =	vst v45;
	v61 =	vnsel vm0, $0x0, v52  }
0xdc: {  	v58 =	vld [tilespmem:$0x1FF40];
	vm0 =	vmand vm14, vm3;
	v26 =	vadd.f32 v61, v26  }
0xdd: {  	v27 =	vnsel vm0, $0x0, v27;
	[tilespmem:v19+s14+$0x0] =	vst.idx.add.s32.msk vm11, v24  }
0xde: {  	p0 =	sne.s32 s18, $0xF;
	v57 =	vpop (erf);
	vm0 =	vmand vm15, vm2;
	v27 =	vadd.f32 v27, v26;
	v26 =	vld.idx.msk [tilespmem:v62+s12+$0x0], $0xffff  }
.Ltmp0:
0xdf: {  	v63 =	vnsel vm0, $0x0, v57;
	(pc) =	sbr.rel @p0 .LBB2_2-.Ltmp0, $4  }
0xe0: {  	v27 =	vadd.f32 v63, v27  }
0xe1: {  	v51 =	vsel vm13, $0x3F800000, v9;
	vm13 =	veq.s32 v36, v3;
	v54 =	vadd.f32 $9.999999820e-14, v50  }
0xe2: {  	v20 =	vsel vm13, v51, v20;
	vm12 =	vgt.s32 v25, v6;
	(xrf2) =	vadd.scan.msk.f32 $0xffff, v27  }
0xe3: {  	s18 =	sadd.s32 $0x1, s18;
	vm9 =	vnez.u8 v58;
	(erf) = vrcp.f32 v22;
	v22 =	vmovc v54;
	vm4 =	vmmov vm1;
	(xrf1) =	vunique.msk.u32 vm12, v26  }
0xe4: {  	_ =	sdelay $0xc  }
0xe5: {  	_, v27, vm14 =	vpop (xrf1);
	_ =	sdelay $0x1  }
0xe6: {  	v28 =	vor.u32 v7, v23;
	_ =	sdelay $0x3  }
0xe7: {  	[tilespmem:v26+s14+$0x0] =	vst.idx.add.s32.msk vm14, v27  }
0xe8: {  	v28 =	vld.idx.msk [tilespmem:v28+s12+$0x0], $0xffff;
	_ =	sdelay $0x3  }
0xe9: {  	vm1 =	vgt.s32 v25, v7  }
0xea: {  	(xrf1) =	vunique.msk.u32 vm1, v28;
	_ =	sdelay $0xd  }
0xeb: {  	_, v29, vm15 =	vpop (xrf1);
	_ =	sdelay $0x1  }
0xec: {  	v23 =	vor.u32 v8, v23;
	_ =	sdelay $0x3  }
0xed: {  	[tilespmem:v28+s14+$0x0] =	vst.idx.add.s32.msk vm15, v29  }
0xee: {  	v23 =	vld.idx.msk [tilespmem:v23+s12+$0x0], $0xffff;
	_ =	sdelay $0x3  }
0xef: {  	vm2 =	vgt.s32 v25, v8  }
0xf0: {  	(xrf1) =	vunique.msk.u32 vm2, v23;
	_ =	sdelay $0xc  }
0xf1: {  	v33 =	vld [tilespmem:$0x1FFD0]  }
0xf2: {  	v34 =	vld [tilespmem:$0x1FFE0];
	_, v25, vm0 =	vpop (xrf1)  }
0xf3: {  	v35 =	vld [tilespmem:$0x1FFC0]  }
0xf4: {  	v37 =	vld [tilespmem:$0x1FFB0];
	_ =	sdelay $0x1  }
0xf5: {  	vm6 =	vnez.u8 v33  }
0xf6: {  	vm7 =	vnez.u8 v34  }
0xf7: {  	vm8 =	vnez.u8 v35;
	[tilespmem:v23+s14+$0x0] =	vst.idx.add.s32.msk vm0, v25  }
0xf8: {  	vm5 =	vnez.u8 v37;
	v30 =	vld.idx.msk [tilespmem:v19+s14+$0x0], vm4  }
0xf9: {  	v31 =	vld.idx.msk [tilespmem:v28+s14+$0x0], vm1  }
0xfa: {  	v32 =	vld.idx.msk [tilespmem:v26+s14+$0x0], vm12  }
0xfb: {  	v33 =	vld.idx.msk [tilespmem:v13+s14+$0x0], vm6  }
0xfc: {  	v34 =	vld.idx.msk [tilespmem:v15+s14+$0x0], vm7  }
0xfd: {  	v35 =	vld.idx.msk [tilespmem:v11+s14+$0x0], vm8;
	v36 =	vcvt.s32.f32 v30  }
0xfe: {  	v37 =	vld.idx.msk [tilespmem:v10+s14+$0x0], vm5;
	v38 =	vcvt.s32.f32 v31  }
0xff: {  	v49 =	vcvt.s32.f32 v32;
	(erf) = vrcp.f32 v36  }
0x100: {  	v50 =	vcvt.s32.f32 v33;
	(erf) = vrcp.f32 v38  }
0x101: {  	v39 =	vcvt.s32.f32 v34;
	(erf) = vrcp.f32 v49  }
0x102: {  	v51 =	vcvt.s32.f32 v35;
	(erf) = vrcp.f32 v50  }
0x103: {  	v52 =	vcvt.s32.f32 v37;
	(erf) = vrcp.f32 v39  }
0x104: {  	(erf) = vrcp.f32 v51  }
0x105: {  	(erf) = vrcp.f32 v52;
	_ =	sdelay $0x1  }
0x106: {  	v53 =	vpop (erf)  }
0x107: {  	v54 =	vpop (erf)  }
0x108: {  	v55 =	vpop (erf)  }
0x109: {  	v40 =	vpop (erf)  }
0x10a: {  	v41 =	vpop (erf)  }
0x10b: {  	v42 =	vld.idx.msk [tilespmem:v23+s14+$0x0], vm2;
	v43 =	vpop (erf)  }
0x10c: {  	v44 =	vpop (erf)  }
0x10d: {  	vm10 =	vmmov vm4;
	vm3 =	vgt.s32 v35, $0x1;
	v56 =	vpop (erf)  }
0x10e: {  	vm4 =	vgt.s32 v37, $0x1;
	vm3 =	vmand vm8, vm3;
	v35 =	vadd.f32 $0.0e+00, v56  }
0x10f: {  	v57 =	vnsel vm3, $0x0, v44;
	vm3 =	vmand vm5, vm4  }
0x110: {  	v58 =	vcvt.s32.f32 v42;
	v35 =	vnsel vm3, $0x0, v35;
	vm3 =	vgt.s32 v33, $0x1  }
0x111: {  	v35 =	vadd.f32 v57, v35;
	vm3 =	vmand vm6, vm3  }
0x112: {  	(erf) = vrcp.f32 v58;
	v59 =	vnsel vm3, $0x0, v41;
	vm3 =	vgt.s32 v34, $0x1  }
0x113: {  	vm3 =	vmand vm7, vm3;
	v33 =	vadd.f32 v59, v35  }
0x114: {  	v60 =	vnsel vm3, $0x0, v43;
	vm3 =	vgt.s32 v30, $0x1  }
0x115: {  	vm3 =	vmand vm10, vm3;
	v61 =	vadd.f32 v60, v33  }
0x116: {  	v62 =	vnsel vm3, $0x0, v54;
	vm3 =	vgt.s32 v32, $0x1  }
0x117: {  	vm3 =	vmand vm12, vm3;
	v30 =	vadd.f32 v62, v61  }
0x118: {  	v63 =	vnsel vm3, $0x0, v40;
	vm3 =	vgt.s32 v31, $0x1  }
0x119: {  	vm1 =	vmand vm1, vm3;
	v30 =	vadd.f32 v63, v30  }
0x11a: {  	v37 =	vnsel vm1, $0x0, v55;
	vm1 =	vgt.s32 v42, $0x1  }
0x11b: {  	v38 =	vpop (erf);
	vm1 =	vmand vm2, vm1;
	v30 =	vadd.f32 v37, v30  }
0x11c: {  	v39 =	vnsel vm1, $0x0, v38  }
0x11d: {  	v30 =	vadd.f32 v39, v30;
	_ =	sdelay $0x1  }
0x11e: {  	(xrf2) =	vadd.scan.msk.f32 $0xffff, v30;
	_ =	sdelay $0x2  }
0x11f: {  	(erf) = vrcp.f32 v22;
	_ =	sdelay $0x2  }
0x120: {  	v22, _, _ =	vpop (xrf2)  }
0x121: {  	v22 =	vbroadcast v22, $0xF;
	_ =	sdelay $0x1  }
0x122: {  	v24 =	vsub.s32 $0x0, v24;
	s18 =	simm.s32 $0x10;
	v22 =	vmul.f32 v22, v53  }
0x123: {  	[tilespmem:v19+s14+$0x0] =	vst.idx.add.s32.msk vm11, v24;
	v24 =	vmov s18;
	v30, _, _ =	vpop (xrf2)  }
0x124: {  	v21 =	vsel vm9, v22, v21;
	v22 =	vsub.s32 $0x0, v27;
	v30 =	vbroadcast v30, $0xF  }
0x125: {  	v27 =	vsub.s32 $0x0, v29;
	[tilespmem:v26+s14+$0x0] =	vst.idx.add.s32.msk vm14, v22;
	v22 =	vshll.u32 v24, $0x7;
	v19 =	vpop (erf)  }
0x126: {  	v25 =	vsub.s32 $0x0, v25;
	[tilespmem:v28+s14+$0x0] =	vst.idx.add.s32.msk vm15, v27;
	v26 =	vor.u32 v3, v22;
	v19 =	vmul.f32 v30, v19  }
0x127: {  	[tilespmem:v23+s14+$0x0] =	vst.idx.add.s32.msk vm0, v25;
	vm1 =	vmmov vm13  }
0x128: {  	[tilespmem:$0x4880] =	vst v20;
	v19 =	vsel vm1, v19, v21  }
0x129: {  	[tilespmem:$0x4680] =	vst v19  }
0x12a: {  	v21 =	vld.idx.msk [tilespmem:v24+s13+$0x0], $0xffff  }
0x12b: {  	v19 =	vld.idx.msk [tilespmem:v26+s12+$0x0], $0xffff;
	_ =	sdelay $0x3  }
0x12c: {  	vm0 =	vgt.s32 v21, v3  }
0x12d: {  	(xrf1) =	vunique.msk.u32 vm0, v19;
	_ =	sdelay $0xd  }
0x12e: {  	_, v20, vm1 =	vpop (xrf1);
	_ =	sdelay $0x1  }
0x12f: {  	v23 =	vor.u32 v6, v22;
	_ =	sdelay $0x3  }
0x130: {  	[tilespmem:v19+s14+$0x0] =	vst.idx.add.s32.msk vm1, v20  }
0x131: {  	v24 =	vld.idx.msk [tilespmem:v23+s12+$0x0], $0xffff;
	_ =	sdelay $0x3  }
0x132: {  	vm13 =	vgt.s32 v21, v6  }
0x133: {  	(xrf1) =	vunique.msk.u32 vm13, v24;
	_ =	sdelay $0xd  }
0x134: {  	_, v25, vm2 =	vpop (xrf1);
	_ =	sdelay $0x1  }
0x135: {  	v23 =	vor.u32 v7, v22;
	_ =	sdelay $0x3  }
0x136: {  	[tilespmem:v24+s14+$0x0] =	vst.idx.add.s32.msk vm2, v25  }
0x137: {  	v26 =	vld.idx.msk [tilespmem:v23+s12+$0x0], $0xffff;
	_ =	sdelay $0x3  }
0x138: {  	vm12 =	vgt.s32 v21, v7  }
0x139: {  	(xrf1) =	vunique.msk.u32 vm12, v26;
	_ =	sdelay $0xd  }
0x13a: {  	_, v27, vm3 =	vpop (xrf1);
	_ =	sdelay $0x1  }
0x13b: {  	v22 =	vor.u32 v8, v22;
	_ =	sdelay $0x3  }
0x13c: {  	[tilespmem:v26+s14+$0x0] =	vst.idx.add.s32.msk vm3, v27  }
0x13d: {  	v22 =	vld.idx.msk [tilespmem:v22+s12+$0x0], $0xffff;
	_ =	sdelay $0x3  }
0x13e: {  	vm9 =	vgt.s32 v21, v8  }
0x13f: {  	(xrf1) =	vunique.msk.u32 vm9, v22;
	_ =	sdelay $0xd  }
0x140: {  	_, v40, vm4 =	vpop (xrf1);
	_ =	sdelay $0x5  }
0x141: {  	[tilespmem:v22+s14+$0x0] =	vst.idx.add.s32.msk vm4, v40  }
0x142: {  	v41 =	vld.idx.msk [tilespmem:v19+s14+$0x0], vm0  }
0x143: {  	v42 =	vld.idx.msk [tilespmem:v26+s14+$0x0], vm12  }
0x144: {  	v43 =	vld.idx.msk [tilespmem:v22+s14+$0x0], vm9  }
0x145: {  	v44 =	vld.idx.msk [tilespmem:v24+s14+$0x0], vm13  }
0x146: {  	v45 =	vld.idx.msk [tilespmem:v13+s14+$0x0], vm6  }
0x147: {  	s29 =	simm.s32 $0x11;
	v46 =	vld.idx.msk [tilespmem:v15+s14+$0x0], vm7  }
0x148: {  	v47 =	vmov s29;
	v48 =	vld.idx.msk [tilespmem:v11+s14+$0x0], vm8  }
0x149: {  	v20 =	vsub.s32 $0x0, v20;
	v23 =	vshll.u32 v47, $0x7;
	v49 =	vld.idx.msk [tilespmem:v10+s14+$0x0], vm5  }
0x14a: {  	v50 =	vor.u32 v3, v23;
	[tilespmem:v19+s14+$0x0] =	vst.idx.add.s32.msk vm1, v20;
	v19 =	vsub.s32 $0x0, v25;
	v20 =	vcvt.s32.f32 v41  }
0x14b: {  	v25 =	vsub.s32 $0x0, v27;
	[tilespmem:v24+s14+$0x0] =	vst.idx.add.s32.msk vm2, v19;
	v27 =	vcvt.s32.f32 v42  }
0x14c: {  	[tilespmem:v26+s14+$0x0] =	vst.idx.add.s32.msk vm3, v25;
	v19 =	vcvt.s32.f32 v44;
	(erf) = vrcp.f32 v20;
	v20 =	vsub.s32 $0x0, v40  }
0x14d: {  	v24 =	vcvt.s32.f32 v45;
	(erf) = vrcp.f32 v27;
	[tilespmem:v22+s14+$0x0] =	vst.idx.add.s32.msk vm4, v20  }
0x14e: {  	v20 =	vcvt.s32.f32 v46;
	(erf) = vrcp.f32 v19;
	v25 =	vld.idx.msk [tilespmem:v47+s13+$0x0], $0xffff  }
0x14f: {  	v22 =	vcvt.s32.f32 v48;
	v19 =	vld.idx.msk [tilespmem:v50+s12+$0x0], $0xffff;
	(erf) = vrcp.f32 v24  }
0x150: {  	v24 =	vcvt.s32.f32 v49;
	(erf) = vrcp.f32 v20  }
0x151: {  	(erf) = vrcp.f32 v22  }
0x152: {  	(erf) = vrcp.f32 v24  }
0x153: {  	vm4 =	vgt.s32 v25, v3  }
0x154: {  	(xrf1) =	vunique.msk.u32 vm4, v19  }
0x155: {  	v20 =	vpop (erf)  }
0x156: {  	v22 =	vpop (erf)  }
0x157: {  	v26 =	vpop (erf)  }
0x158: {  	v24 =	vpop (erf)  }
0x159: {  	v27 =	vpop (erf)  }
0x15a: {  	v55 =	vld [tilespmem:$0x1FFF0];
	vm1 =	vgt.s32 v48, $0x1;
	v51 =	vpop (erf)  }
0x15b: {  	vm2 =	vgt.s32 v49, $0x1;
	vm1 =	vmand vm8, vm1;
	v52 =	vpop (erf)  }
0x15c: {  	v28 =	vnsel vm1, $0x0, v51;
	vm1 =	vgt.s32 v45, $0x1;
	v35 =	vadd.f32 $0.0e+00, v52  }
0x15d: {  	vm2 =	vmand vm5, vm2;
	vm1 =	vmand vm6, vm1  }
0x15e: {  	v53 =	vcvt.s32.f32 v43;
	v24 =	vnsel vm1, $0x0, v24;
	v54 =	vnsel vm2, $0x0, v35  }
0x15f: {  	vm3 =	vnez.u8 v55;
	v28 =	vadd.f32 v28, v54  }
0x160: {  	(erf) = vrcp.f32 v53;
	vm1 =	vgt.s32 v46, $0x1;
	vm2 =	vgt.s32 v21, $0x0  }
0x161: {  	vm1 =	vmand vm7, vm1;
	vm2 =	vmand vm3, vm2;
	v28 =	vadd.f32 v24, v28  }
0x162: {  	s30 =	simm.s32 $0x0;
	v27 =	vnsel vm1, $0x0, v27;
	v56 =	vsel vm2, $0x3F800000, v9;
	vm2 =	vgt.s32 v41, $0x1;
	_, v24, vm11 =	vpop (xrf1)  }
0x163: {  	v59 =	vmov s30;
	vm0 =	vmand vm0, vm2;
	v27 =	vadd.f32 v27, v28  }
0x164: {  	v58 =	vor.u32 v6, v23;
	vm1 =	vgt.s32 v44, $0x1;
	v57 =	vnsel vm0, $0x0, v20  }
0x165: {  	s31 =	simm.s32 $0x1;
	v21 =	vcvt.s32.f32 v21;
	vm0 =	vmand vm13, vm1;
	v27 =	vadd.f32 v57, v27  }
0x166: {  	v62 =	vmov s31;
	v26 =	vnsel vm0, $0x0, v26;
	vm0 =	vgt.s32 v42, $0x1  }
0x167: {  	v21 =	vadd.f32 v21, v18;
	vm0 =	vmand vm12, vm0;
	v26 =	vadd.f32 v26, v27  }
0x168: {  	v20 =	vimm.f32 $0.0e+00;
	v22 =	vnsel vm0, $0x0, v22;
	vm0 =	vgt.s32 v43, $0x1;
	[tilespmem:v19+s14+$0x0] =	vst.idx.add.s32.msk vm11, v24  }
0x169: {  	v60 =	vpop (erf);
	vm1 =	veq.s32 v59, v3;
	vm0 =	vmand vm9, vm0;
	v22 =	vadd.f32 v22, v26;
	v26 =	vld.idx.msk [tilespmem:v58+s12+$0x0], $0xffff  }
0x16a: {  	v61 =	vadd.f32 $9.999999820e-14, v21;
	v21 =	vcvt.s32.f32 v25;
	v28 =	vnsel vm0, $0x0, v60  }
0x16b: {  	vm13 =	veq.s32 v62, v3;
	vm0 =	vgt.s32 v25, $0x0;
	v22 =	vadd.f32 v28, v22  }
0x16c: {  	v63 =	vadd.f32 v21, v18;
	vm12 =	vgt.s32 v25, v6;
	vm0 =	vmand vm3, vm0  }
0x16d: {  	(erf) = vrcp.f32 v61;
	v27 =	vsel vm1, v56, v20;
	v21 =	vsel vm0, $0x3F800000, v9;
	(xrf2) =	vadd.scan.msk.f32 $0xffff, v22  }
0x16e: {  	s18 =	simm.s32 $0x2;
	vm9 =	vmmov vm1;
	v21 =	vsel vm13, v21, v27;
	v22 =	vadd.f32 $9.999999820e-14, v63;
	(xrf1) =	vunique.msk.u32 vm12, v26  }
.LBB2_4:
0x16f: {  	_ =	sdelay $0x7  }
0x170: {  	v27, _, _ =	vpop (xrf2)  }
0x171: {  	v27 =	vbroadcast v27, $0xF  }
0x172: {  	v28 =	vpop (erf)  }
0x173: {  	v27 =	vmul.f32 v27, v28;
	_ =	sdelay $0x4  }
0x174: {  	vm0 =	vmmov vm13;
	v20 =	vsel vm9, v27, v20;
	_, v27, vm13 =	vpop (xrf1);
	_ =	sdelay $0x1  }
0x175: {  	v46 =	vor.u32 v7, v23;
	_ =	sdelay $0x3  }
0x176: {  	[tilespmem:v26+s14+$0x0] =	vst.idx.add.s32.msk vm13, v27  }
0x177: {  	v28 =	vld.idx.msk [tilespmem:v46+s12+$0x0], $0xffff;
	_ =	sdelay $0x3  }
0x178: {  	vm14 =	vgt.s32 v25, v7  }
0x179: {  	(xrf1) =	vunique.msk.u32 vm14, v28;
	_ =	sdelay $0xd  }
0x17a: {  	_, v47, vm2 =	vpop (xrf1);
	_ =	sdelay $0x1  }
0x17b: {  	v23 =	vor.u32 v8, v23;
	_ =	sdelay $0x3  }
0x17c: {  	[tilespmem:v28+s14+$0x0] =	vst.idx.add.s32.msk vm2, v47  }
0x17d: {  	v30 =	vld.idx.msk [tilespmem:v23+s12+$0x0], $0xffff;
	_ =	sdelay $0x3  }
0x17e: {  	vm15 =	vgt.s32 v25, v8  }
0x17f: {  	(xrf1) =	vunique.msk.u32 vm15, v30;
	_ =	sdelay $0xd  }
0x180: {  	v34 =	vld [tilespmem:$0x1FFD0];
	_, v25, vm3 =	vpop (xrf1)  }
0x181: {  	v35 =	vld [tilespmem:$0x1FFE0]  }
0x182: {  	v37 =	vld [tilespmem:$0x1FFC0]  }
0x183: {  	v39 =	vld [tilespmem:$0x1FFB0];
	_ =	sdelay $0x1  }
0x184: {  	vm7 =	vnez.u8 v34  }
0x185: {  	vm9 =	vnez.u8 v35;
	[tilespmem:v30+s14+$0x0] =	vst.idx.add.s32.msk vm3, v25  }
0x186: {  	vm10 =	vnez.u8 v37;
	v23 =	vld.idx.msk [tilespmem:v19+s14+$0x0], vm4  }
0x187: {  	vm6 =	vnez.u8 v39;
	v31 =	vld.idx.msk [tilespmem:v28+s14+$0x0], vm14  }
0x188: {  	v32 =	vld.idx.msk [tilespmem:v30+s14+$0x0], vm15  }
0x189: {  	v33 =	vld.idx.msk [tilespmem:v26+s14+$0x0], vm12  }
0x18a: {  	v34 =	vld.idx.msk [tilespmem:v13+s14+$0x0], vm7  }
0x18b: {  	s19 =	smov.u32 s18;
	v29 =	vimm.s32 $0x0;
	v35 =	vld.idx.msk [tilespmem:v15+s14+$0x0], vm9  }
0x18c: {  	v24 =	vsub.s32 $0x0, v24;
	v40 =	vimm.s32 $0x0;
	v45 =	vsel vm0, $0xFFFFFFFF, v29;
	s20 =	sadd.s32 $0x10, s19;
	v37 =	vld.idx.msk [tilespmem:v11+s14+$0x0], vm10  }
0x18d: {  	v36 =	vmov s20;
	v27 =	vsub.s32 $0x0, v27;
	v29 =	vsub.s32 $0x0, v47;
	v39 =	vld.idx.msk [tilespmem:v10+s14+$0x0], vm6  }
0x18e: {  	[tilespmem:v19+s14+$0x0] =	vst.idx.add.s32.msk vm11, v24;
	v24 =	vimm.s32 $0x0;
	v38 =	vcvt.s32.f32 v23;
	vm0 =	vgt.s32 v23, $0x1  }
0x18f: {  	v23 =	vshll.u32 v36, $0x7;
	v48 =	vcvt.s32.f32 v31;
	vm0 =	vmand vm4, vm0  }
0x190: {  	[tilespmem:v26+s14+$0x0] =	vst.idx.add.s32.msk vm13, v27;
	v41 =	vor.u32 v3, v23;
	v40 =	vsel vm0, $0xFFFFFFFF, v40;
	vm0 =	vgt.s32 v33, $0x1  }
0x191: {  	[tilespmem:v28+s14+$0x0] =	vst.idx.add.s32.msk vm2, v29;
	v19 =	vcvt.s32.f32 v33;
	(erf) = vrcp.f32 v38;
	v24 =	vsel vm0, $0xFFFFFFFF, v24  }
0x192: {  	v25 =	vsub.s32 $0x0, v25;
	(erf) = vrcp.f32 v48;
	[tilespmem:$0x1FF30] =	vst v24;
	v24 =	vcvt.s32.f32 v34  }
0x193: {  	[tilespmem:v30+s14+$0x0] =	vst.idx.add.s32.msk vm3, v25;
	v26 =	vcvt.s32.f32 v35;
	(erf) = vrcp.f32 v19  }
0x194: {  	v25 =	vld.idx.msk [tilespmem:v36+s13+$0x0], $0xffff;
	v27 =	vcvt.s32.f32 v37;
	(erf) = vrcp.f32 v24  }
0x195: {  	v19 =	vld.idx.msk [tilespmem:v41+s12+$0x0], $0xffff;
	v24 =	vcvt.s32.f32 v39;
	(erf) = vrcp.f32 v26  }
0x196: {  	(erf) = vrcp.f32 v27  }
0x197: {  	(erf) = vrcp.f32 v24;
	_ =	sdelay $0x1  }
0x198: {  	vm1 =	vgt.s32 v25, v3  }
0x199: {  	v26 =	vcvt.s32.f32 v25;
	v24 =	vpop (erf);
	(xrf1) =	vunique.msk.u32 vm1, v19  }
0x19a: {  	v27 =	vpop (erf)  }
0x19b: {  	v53 =	vpop (erf)  }
0x19c: {  	v54 =	vpop (erf)  }
0x19d: {  	v51 =	vadd.f32 v26, v18;
	v26 =	vpop (erf)  }
0x19e: {  	v56 =	vpop (erf)  }
0x19f: {  	v49 =	vld [tilespmem:$0x1FFF0];
	v42 =	vcvt.s32.f32 v32;
	vm5 =	vgt.s32 v39, $0x1;
	v57 =	vpop (erf)  }
0x1a0: {  	vm2 =	vgt.s32 v32, $0x1;
	vm4 =	vgt.s32 v37, $0x1;
	[tilespmem:$0x1FF20] =	vst v40;
	v32 =	vadd.f32 $0.0e+00, v57  }
0x1a1: {  	vm11 =	vgt.s32 v34, $0x1;
	vm5 =	vmand vm6, vm5;
	vm4 =	vmand vm10, vm4;
	v60 =	vld [tilespmem:$0x1FF20]  }
0x1a2: {  	vm3 =	vgt.s32 v31, $0x1;
	v31 =	vnsel vm4, $0x0, v56;
	v32 =	vnsel vm5, $0x0, v32  }
0x1a3: {  	vm8 =	vgt.s32 v35, $0x1;
	vm4 =	vmand vm7, vm11;
	v31 =	vadd.f32 v31, v32  }
0x1a4: {  	vm0 =	vnez.u8 v49;
	vm13 =	vgt.s32 v25, $0x0;
	v61 =	vld [tilespmem:$0x1FF30];
	v29 =	vnsel vm4, $0x0, v54  }
0x1a5: {  	(erf) = vrcp.f32 v42;
	vm4 =	vmand vm9, vm8;
	v29 =	vadd.f32 v29, v31  }
0x1a6: {  	vm13 =	vmand vm0, vm13;
	vm0 =	vnez.u8 v60;
	v26 =	vnsel vm4, $0x0, v26  }
0x1a7: {  	v26 =	vadd.f32 v26, v29;
	v29 =	vnsel vm0, $0x0, v24;
	_, v24, vm11 =	vpop (xrf1);
	_ =	sdelay $0x1  }
0x1a8: {  	v62 =	vor.u32 v6, v23;
	vm0 =	vnez.u8 v61  }
0x1a9: {  	vm0 =	vmand vm12, vm0;
	v26 =	vadd.f32 v29, v26  }
0x1aa: {  	[tilespmem:$0x1FF10] =	vst v45;
	v28 =	vnsel vm0, $0x0, v53  }
0x1ab: {  	v59 =	vld [tilespmem:$0x1FF10];
	vm0 =	vmand vm14, vm3;
	v26 =	vadd.f32 v28, v26  }
0x1ac: {  	v27 =	vnsel vm0, $0x0, v27;
	[tilespmem:v19+s14+$0x0] =	vst.idx.add.s32.msk vm11, v24  }
0x1ad: {  	p0 =	sne.s32 s18, $0xF;
	v58 =	vpop (erf);
	vm0 =	vmand vm15, vm2;
	v27 =	vadd.f32 v27, v26;
	v26 =	vld.idx.msk [tilespmem:v62+s12+$0x0], $0xffff  }
.Ltmp1:
0x1ae: {  	v63 =	vnsel vm0, $0x0, v58;
	(pc) =	sbr.rel @p0 .LBB2_4-.Ltmp1, $4  }
0x1af: {  	v50 =	vmov s19;
	v27 =	vadd.f32 v63, v27  }
0x1b0: {  	v52 =	vsel vm13, $0x3F800000, v9;
	vm13 =	veq.s32 v50, v3;
	v55 =	vadd.f32 $9.999999820e-14, v51  }
0x1b1: {  	v21 =	vsel vm13, v52, v21;
	vm12 =	vgt.s32 v25, v6;
	(xrf2) =	vadd.scan.msk.f32 $0xffff, v27  }
0x1b2: {  	s18 =	sadd.s32 $0x1, s18;
	vm9 =	vnez.u8 v59;
	(erf) = vrcp.f32 v22;
	v22 =	vmovc v55;
	vm4 =	vmmov vm1;
	(xrf1) =	vunique.msk.u32 vm12, v26  }
0x1b3: {  	_ =	sdelay $0xc  }
0x1b4: {  	_, v18, vm8 =	vpop (xrf1);
	_ =	sdelay $0x1  }
0x1b5: {  	v27 =	vor.u32 v7, v23;
	_ =	sdelay $0x3  }
0x1b6: {  	[tilespmem:v26+s14+$0x0] =	vst.idx.add.s32.msk vm8, v18  }
0x1b7: {  	v27 =	vld.idx.msk [tilespmem:v27+s12+$0x0], $0xffff;
	_ =	sdelay $0x3  }
0x1b8: {  	vm1 =	vgt.s32 v25, v7  }
0x1b9: {  	(xrf1) =	vunique.msk.u32 vm1, v27;
	_ =	sdelay $0xd  }
0x1ba: {  	_, v28, vm0 =	vpop (xrf1);
	_ =	sdelay $0x1  }
0x1bb: {  	v23 =	vor.u32 v8, v23;
	_ =	sdelay $0x3  }
0x1bc: {  	[tilespmem:v27+s14+$0x0] =	vst.idx.add.s32.msk vm0, v28  }
0x1bd: {  	v23 =	vld.idx.msk [tilespmem:v23+s12+$0x0], $0xffff;
	_ =	sdelay $0x3  }
0x1be: {  	vm2 =	vgt.s32 v25, v8  }
0x1bf: {  	(xrf1) =	vunique.msk.u32 vm2, v23;
	_ =	sdelay $0xd  }
0x1c0: {  	v32 =	vld [tilespmem:$0x1FFD0];
	_, v25, vm14 =	vpop (xrf1)  }
0x1c1: {  	v33 =	vld [tilespmem:$0x1FFE0]  }
0x1c2: {  	v34 =	vld [tilespmem:$0x1FFC0]  }
0x1c3: {  	v36 =	vld [tilespmem:$0x1FFB0];
	_ =	sdelay $0x1  }
0x1c4: {  	vm6 =	vnez.u8 v32  }
0x1c5: {  	vm7 =	vnez.u8 v33;
	[tilespmem:v23+s14+$0x0] =	vst.idx.add.s32.msk vm14, v25  }
0x1c6: {  	vm10 =	vmmov vm4;
	v29 =	vld.idx.msk [tilespmem:v19+s14+$0x0], vm4;
	vm4 =	vnez.u8 v34  }
0x1c7: {  	vm5 =	vnez.u8 v36  }
0x1c8: {  	v30 =	vld.idx.msk [tilespmem:v27+s14+$0x0], vm1  }
0x1c9: {  	v31 =	vld.idx.msk [tilespmem:v26+s14+$0x0], vm12  }
0x1ca: {  	v32 =	vld.idx.msk [tilespmem:v13+s14+$0x0], vm6  }
0x1cb: {  	v33 =	vld.idx.msk [tilespmem:v15+s14+$0x0], vm7  }
0x1cc: {  	v35 =	vcvt.s32.f32 v29;
	v34 =	vld.idx.msk [tilespmem:v11+s14+$0x0], vm4  }
0x1cd: {  	v36 =	vld.idx.msk [tilespmem:v10+s14+$0x0], vm5;
	v37 =	vcvt.s32.f32 v30  }
0x1ce: {  	v44 =	vcvt.s32.f32 v31;
	(erf) = vrcp.f32 v35  }
0x1cf: {  	v45 =	vcvt.s32.f32 v32;
	(erf) = vrcp.f32 v37  }
0x1d0: {  	v38 =	vcvt.s32.f32 v33;
	(erf) = vrcp.f32 v44  }
0x1d1: {  	(erf) = vrcp.f32 v45;
	v46 =	vcvt.s32.f32 v34  }
0x1d2: {  	v47 =	vcvt.s32.f32 v36;
	(erf) = vrcp.f32 v38  }
0x1d3: {  	(erf) = vrcp.f32 v46  }
0x1d4: {  	(erf) = vrcp.f32 v47;
	_ =	sdelay $0x1  }
0x1d5: {  	v48 =	vpop (erf)  }
0x1d6: {  	v49 =	vpop (erf)  }
0x1d7: {  	v50 =	vpop (erf)  }
0x1d8: {  	v39 =	vpop (erf)  }
0x1d9: {  	v41 =	vld.idx.msk [tilespmem:v23+s14+$0x0], vm2;
	v40 =	vpop (erf)  }
0x1da: {  	v42 =	vpop (erf)  }
0x1db: {  	v43 =	vpop (erf)  }
0x1dc: {  	vm3 =	vgt.s32 v34, $0x1;
	v44 =	vpop (erf)  }
0x1dd: {  	vm3 =	vmand vm4, vm3;
	vm4 =	vgt.s32 v36, $0x1;
	v51 =	vadd.f32 $0.0e+00, v44  }
0x1de: {  	v53 =	vcvt.s32.f32 v41;
	vm4 =	vmand vm5, vm4  }
0x1df: {  	v52 =	vnsel vm3, $0x0, v43;
	vm3 =	vgt.s32 v32, $0x1;
	v34 =	vnsel vm4, $0x0, v51  }
0x1e0: {  	vm3 =	vmand vm6, vm3;
	v54 =	vadd.f32 v52, v34  }
0x1e1: {  	(erf) = vrcp.f32 v53;
	vm6 =	vgt.s32 v33, $0x1;
	v55 =	vnsel vm3, $0x0, v40  }
0x1e2: {  	vm3 =	vmand vm7, vm6;
	v32 =	vadd.f32 v55, v54  }
0x1e3: {  	vm4 =	vgt.s32 v29, $0x1;
	v29 =	vnsel vm3, $0x0, v42  }
0x1e4: {  	vm3 =	vmand vm10, vm4;
	v29 =	vadd.f32 v29, v32  }
0x1e5: {  	vm4 =	vgt.s32 v31, $0x1;
	v31 =	vnsel vm3, $0x0, v49  }
0x1e6: {  	vm3 =	vmand vm12, vm4;
	v29 =	vadd.f32 v31, v29  }
0x1e7: {  	vm4 =	vgt.s32 v30, $0x1;
	v30 =	vnsel vm3, $0x0, v39  }
0x1e8: {  	vm1 =	vmand vm1, vm4;
	v29 =	vadd.f32 v30, v29  }
0x1e9: {  	vm7 =	vgt.s32 v41, $0x1;
	v30 =	vnsel vm1, $0x0, v50  }
0x1ea: {  	vm4 =	vmand vm2, vm7;
	v31 =	vpop (erf);
	v29 =	vadd.f32 v30, v29  }
0x1eb: {  	v30 =	vnsel vm4, $0x0, v31  }
0x1ec: {  	v29 =	vadd.f32 v30, v29;
	_ =	sdelay $0x1  }
0x1ed: {  	(xrf2) =	vadd.scan.msk.f32 $0xffff, v29;
	_ =	sdelay $0x2  }
0x1ee: {  	(erf) = vrcp.f32 v22;
	_ =	sdelay $0x5  }
0x1ef: {  	v22, _, _ =	vpop (xrf2)  }
0x1f0: {  	v22 =	vbroadcast v22, $0xF;
	v29, _, _ =	vpop (xrf2)  }
0x1f1: {  	v24 =	vsub.s32 $0x0, v24;
	v29 =	vbroadcast v29, $0xF  }
0x1f2: {  	v18 =	vsub.s32 $0x0, v18;
	[tilespmem:v19+s14+$0x0] =	vst.idx.add.s32.msk vm11, v24;
	v22 =	vmul.f32 v22, v48;
	v19 =	vpop (erf)  }
0x1f3: {  	v24 =	vsub.s32 $0x0, v28;
	[tilespmem:v26+s14+$0x0] =	vst.idx.add.s32.msk vm8, v18;
	v18 =	vmul.f32 v29, v19  }
0x1f4: {  	[tilespmem:v27+s14+$0x0] =	vst.idx.add.s32.msk vm0, v24;
	vm5 =	vmmov vm13;
	v19 =	vsel vm9, v22, v20;
	v20 =	vsub.s32 $0x0, v25  }
0x1f5: {  	[tilespmem:v23+s14+$0x0] =	vst.idx.add.s32.msk vm14, v20;
	v18 =	vsel vm5, v18, v19  }
0x1f6: {  	[tilespmem:$0x4690] =	vst v18;
	v18 =	vld [tilespmem:$0x1FF70];
	_ =	sdelay $0x4  }
0x1f7: {  	vm6 =	vnez.u8 v18;
	_ =	sdelay $0x4  }
0x1f8: {  	v12 =	vsub.s32 $0x0, v12;
	[tilespmem:$0x4890] =	vst v21  }
0x1f9: {  	[tilespmem:v10+s14+$0x0] =	vst.idx.add.s32.msk vm6, v12  }
0x1fa: {  	v12 =	vld [tilespmem:$0x1FF80];
	_ =	sdelay $0x4  }
0x1fb: {  	vm7 =	vnez.u8 v12;
	_ =	sdelay $0x4  }
0x1fc: {  	v10 =	vsub.s32 $0x0, v14  }
0x1fd: {  	[tilespmem:v11+s14+$0x0] =	vst.idx.add.s32.msk vm7, v10  }
0x1fe: {  	v11 =	vld [tilespmem:$0x1FF90];
	_ =	sdelay $0x4  }
0x1ff: {  	vm4 =	vnez.u8 v11;
	v11 =	vld [tilespmem:$0x1FFA0];
	_ =	sdelay $0x4  }
0x200: {  	vm5 =	vnez.u8 v11;
	_ =	sdelay $0x3  }
0x201: {  	v10 =	vsub.s32 $0x0, v16  }
0x202: {  	[tilespmem:v13+s14+$0x0] =	vst.idx.add.s32.msk vm4, v10;
	v10 =	vsub.s32 $0x0, v17  }
0x203: {  	[tilespmem:v15+s14+$0x0] =	vst.idx.add.s32.msk vm5, v10  }
0x204: {  	v25 =	vld.idx.msk [tilespmem:v1+s11+$0x0], $0xffff  }
0x205: {  	v10 =	vld [tilespmem:$0x80];
	_ =	sdelay $0x3  }
0x206: {  	vm5 =	vgt.s32 v25, v3  }
0x207: {  	(xrf1) =	vunique.msk.u32 vm5, v10;
	_ =	sdelay $0xd  }
0x208: {  	_, v12, vm6 =	vpop (xrf1);
	_ =	sdelay $0x4  }
0x209: {  	v11 =	vimm.s32 $0x0  }
0x20a: {  	v11 =	vsel vm6, $0xFFFFFFFF, v11;
	[tilespmem:v10+s14+$0x0] =	vst.idx.add.s32.msk vm6, v12  }
0x20b: {  	[tilespmem:$0x1FE80] =	vst v11;
	v11 =	vld [tilespmem:$0x90];
	_ =	sdelay $0x3  }
0x20c: {  	vm6 =	vgt.s32 v25, v6  }
0x20d: {  	(xrf1) =	vunique.msk.u32 vm6, v11;
	_ =	sdelay $0xd  }
0x20e: {  	_, v14, vm7 =	vpop (xrf1);
	_ =	sdelay $0x4  }
0x20f: {  	v13 =	vimm.s32 $0x0  }
0x210: {  	v13 =	vsel vm7, $0xFFFFFFFF, v13;
	[tilespmem:v11+s14+$0x0] =	vst.idx.add.s32.msk vm7, v14  }
0x211: {  	[tilespmem:$0x1FE90] =	vst v13;
	v13 =	vld [tilespmem:$0xA0];
	_ =	sdelay $0x3  }
0x212: {  	vm7 =	vgt.s32 v25, v7  }
0x213: {  	(xrf1) =	vunique.msk.u32 vm7, v13;
	_ =	sdelay $0xd  }
0x214: {  	_, v16, vm4 =	vpop (xrf1);
	_ =	sdelay $0x4  }
0x215: {  	v15 =	vimm.s32 $0x0  }
0x216: {  	v15 =	vsel vm4, $0xFFFFFFFF, v15;
	[tilespmem:v13+s14+$0x0] =	vst.idx.add.s32.msk vm4, v16  }
0x217: {  	[tilespmem:$0x1FEA0] =	vst v15;
	v15 =	vld [tilespmem:$0xB0];
	_ =	sdelay $0x3  }
0x218: {  	vm12 =	vgt.s32 v25, v8  }
0x219: {  	(xrf1) =	vunique.msk.u32 vm12, v15;
	_ =	sdelay $0xd  }
0x21a: {  	s18 =	simm.s32 $0x0;
	_, v17, vm4 =	vpop (xrf1)  }
0x21b: {  	v26 =	vmov s18  }
0x21c: {  	v22 =	vshll.u32 v26, $0x7;
	v19 =	vor.u32 $0x80, v26;
	v18 =	vor.u32 $0x1000, v3  }
0x21d: {  	v20 =	vor.u32 v18, v22;
	_ =	sdelay $0x2  }
0x21e: {  	[tilespmem:v15+s14+$0x0] =	vst.idx.add.s32.msk vm4, v17  }
0x21f: {  	v30 =	vld.idx.msk [tilespmem:v19+s13+$0x0], $0xffff  }
0x220: {  	v23 =	vld.idx.msk [tilespmem:v20+s12+$0x0], $0xffff;
	_ =	sdelay $0x3  }
0x221: {  	vm11 =	vgt.s32 v30, v3  }
0x222: {  	(xrf1) =	vunique.msk.u32 vm11, v23;
	_ =	sdelay $0xd  }
0x223: {  	_, v24, vm1 =	vpop (xrf1)  }
0x224: {  	v19 =	vor.u32 $0x1010, v3  }
0x225: {  	v20 =	vor.u32 v19, v22;
	_ =	sdelay $0x3  }
0x226: {  	[tilespmem:v23+s14+$0x0] =	vst.idx.add.s32.msk vm1, v24  }
0x227: {  	v28 =	vld.idx.msk [tilespmem:v20+s12+$0x0], $0xffff;
	_ =	sdelay $0x3  }
0x228: {  	vm8 =	vgt.s32 v30, v6  }
0x229: {  	(xrf1) =	vunique.msk.u32 vm8, v28;
	_ =	sdelay $0xd  }
0x22a: {  	v21 =	vimm.s32 $0x0;
	_, v29, vm2 =	vpop (xrf1)  }
0x22b: {  	v21 =	vsel vm4, $0xFFFFFFFF, v21;
	v20 =	vor.u32 $0x1020, v3  }
0x22c: {  	[tilespmem:$0x1FEB0] =	vst v21;
	v21 =	vor.u32 v20, v22;
	_ =	sdelay $0x3  }
0x22d: {  	[tilespmem:v28+s14+$0x0] =	vst.idx.add.s32.msk vm2, v29  }
0x22e: {  	v31 =	vld.idx.msk [tilespmem:v21+s12+$0x0], $0xffff;
	_ =	sdelay $0x3  }
0x22f: {  	vm10 =	vgt.s32 v30, v7  }
0x230: {  	(xrf1) =	vunique.msk.u32 vm10, v31;
	_ =	sdelay $0xd  }
0x231: {  	_, v56, vm3 =	vpop (xrf1)  }
0x232: {  	v21 =	vor.u32 $0x1030, v3  }
0x233: {  	v22 =	vor.u32 v21, v22;
	_ =	sdelay $0x3  }
0x234: {  	[tilespmem:v31+s14+$0x0] =	vst.idx.add.s32.msk vm3, v56  }
0x235: {  	v22 =	vld.idx.msk [tilespmem:v22+s12+$0x0], $0xffff;
	_ =	sdelay $0x3  }
0x236: {  	vm0 =	vgt.s32 v30, v8  }
0x237: {  	(xrf1) =	vunique.msk.u32 vm0, v22;
	_ =	sdelay $0xd  }
0x238: {  	_, v57, vm4 =	vpop (xrf1);
	_ =	sdelay $0x5  }
0x239: {  	[tilespmem:v22+s14+$0x0] =	vst.idx.add.s32.msk vm4, v57  }
0x23a: {  	v34 =	vld.idx.msk [tilespmem:v22+s14+$0x0], vm0  }
0x23b: {  	v35 =	vld.idx.msk [tilespmem:v31+s14+$0x0], vm10  }
0x23c: {  	v58 =	vld.idx.msk [tilespmem:v23+s14+$0x0], vm11  }
0x23d: {  	v59 =	vld.idx.msk [tilespmem:v28+s14+$0x0], vm8  }
0x23e: {  	v60 =	vld.idx.msk [tilespmem:v13+s14+$0x0], vm7  }
0x23f: {  	v61 =	vld.idx.msk [tilespmem:v11+s14+$0x0], vm6  }
0x240: {  	s31 =	simm.s32 $0x1;
	v62 =	vld.idx.msk [tilespmem:v10+s14+$0x0], vm5  }
0x241: {  	v40 =	vmov s31;
	v24 =	vsub.s32 $0x0, v24;
	v48 =	vld.idx.msk [tilespmem:v15+s14+$0x0], vm12  }
0x242: {  	v63 =	vor.u32 $0x80, v40;
	v27 =	vshll.u32 v40, $0x7;
	[tilespmem:v23+s14+$0x0] =	vst.idx.add.s32.msk vm1, v24;
	v24 =	vcvt.s32.f32 v34  }
0x243: {  	v49 =	vor.u32 v18, v27;
	v23 =	vsub.s32 $0x0, v29;
	v50 =	vcvt.s32.f32 v35  }
0x244: {  	v29 =	vsub.s32 $0x0, v56;
	[tilespmem:v28+s14+$0x0] =	vst.idx.add.s32.msk vm2, v23;
	v23 =	vcvt.s32.f32 v58;
	(erf) = vrcp.f32 v24  }
0x245: {  	[tilespmem:v31+s14+$0x0] =	vst.idx.add.s32.msk vm3, v29;
	v28 =	vcvt.s32.f32 v59;
	v24 =	vsub.s32 $0x0, v57;
	(erf) = vrcp.f32 v50  }
0x246: {  	[tilespmem:v22+s14+$0x0] =	vst.idx.add.s32.msk vm4, v24;
	v22 =	vcvt.s32.f32 v60;
	(erf) = vrcp.f32 v23  }
0x247: {  	v24 =	vcvt.s32.f32 v61;
	(erf) = vrcp.f32 v28  }
0x248: {  	v28 =	vcvt.s32.f32 v62;
	(erf) = vrcp.f32 v22  }
0x249: {  	v29 =	vld.idx.msk [tilespmem:v63+s13+$0x0], $0xffff;
	(erf) = vrcp.f32 v24  }
0x24a: {  	v23 =	vld.idx.msk [tilespmem:v49+s12+$0x0], $0xffff;
	(erf) = vrcp.f32 v28;
	_ =	sdelay $0x2  }
0x24b: {  	v22 =	vcvt.s32.f32 v48;
	v31 =	vpop (erf)  }
0x24c: {  	vm9 =	vgt.s32 v29, v3;
	v32 =	vpop (erf)  }
0x24d: {  	(xrf1) =	vunique.msk.u32 vm9, v23;
	v51 =	vpop (erf)  }
0x24e: {  	v52 =	vpop (erf)  }
0x24f: {  	(erf) = vrcp.f32 v22;
	v22 =	vpop (erf)  }
0x250: {  	v24 =	vpop (erf)  }
0x251: {  	v28 =	vpop (erf)  }
0x252: {  	vm1 =	vgt.s32 v61, $0x1;
	vm4 =	vgt.s32 v62, $0x1;
	v28 =	vadd.f32 $0.0e+00, v28  }
0x253: {  	vm1 =	vmand vm6, vm1;
	vm2 =	vmand vm5, vm4  }
0x254: {  	v53 =	vimm.s32 $0x0;
	v24 =	vnsel vm1, $0x0, v24;
	v28 =	vnsel vm2, $0x0, v28  }
0x255: {  	v54 =	vimm.s32 $0x0;
	v24 =	vadd.f32 v24, v28;
	v28 =	vimm.s32 $0x0  }
0x256: {  	v39 =	vsel vm5, $0xFFFFFFFF, v53;
	vm5 =	vgt.s32 v60, $0x1;
	v28 =	vsel vm7, $0xFFFFFFFF, v28  }
0x257: {  	vm13 =	veq.s32 v40, v3;
	[tilespmem:$0x1FEC0] =	vst v39;
	v39 =	vsel vm6, $0xFFFFFFFF, v54;
	vm6 =	vmand vm7, vm5  }
0x258: {  	vm3 =	vgt.s32 v25, $0x0;
	vm4 =	vgt.s32 v48, $0x1;
	v22 =	vnsel vm6, $0x0, v22  }
0x259: {  	v57 =	vcvt.s32.f32 v30;
	vm1 =	vmand vm12, vm4;
	[tilespmem:$0x1FEE0] =	vst v28;
	v55 =	vadd.f32 v22, v24;
	v28 =	vpop (erf)  }
0x25a: {  	vm5 =	vgt.s32 v59, $0x1;
	vm7 =	vgt.s32 v58, $0x1;
	v56 =	vnsel vm1, $0x0, v28  }
0x25b: {  	v62 =	vcvt.s32.f32 v29;
	vm2 =	vmand vm11, vm7;
	_, v28, vm11 =	vpop (xrf1);
	v36 =	vadd.f32 v56, v55  }
0x25c: {  	vm6 =	vgt.s32 v35, $0x1;
	v58 =	vor.u32 v19, v27;
	v33 =	vnsel vm2, $0x0, v51  }
0x25d: {  	v22 =	vimm.s32 $0x0;
	vm1 =	vmand vm8, vm5;
	v33 =	vadd.f32 v33, v36  }
0x25e: {  	vm4 =	vgt.s32 v30, $0x0;
	v22 =	vsel vm12, $0xFFFFFFFF, v22;
	v59 =	vnsel vm1, $0x0, v52  }
0x25f: {  	vm7 =	vmand vm10, vm6;
	[tilespmem:$0x1FEF0] =	vst v22;
	v22 =	vcvt.s32.f32 v25;
	v30 =	vadd.f32 v59, v33  }
0x260: {  	vm6 =	veq.s32 v26, v3;
	v32 =	vnsel vm7, $0x0, v32;
	vm5 =	vgt.s32 v34, $0x1  }
0x261: {  	v25 =	vadd.f32 v57, v22;
	vm0 =	vmand vm0, vm5;
	[tilespmem:v23+s14+$0x0] =	vst.idx.add.s32.msk vm11, v28;
	v26 =	vadd.f32 v32, v30  }
0x262: {  	v24 =	vimm.f32 $0.0e+00;
	vm2 =	vmand vm3, vm4;
	v31 =	vnsel vm0, $0x0, v31;
	v30 =	vld.idx.msk [tilespmem:v58+s12+$0x0], $0xffff  }
0x263: {  	v63 =	vadd.f32 $9.999999820e-14, v25;
	v25 =	vadd.f32 v31, v26;
	v26 =	vimm.s32 $0x0  }
0x264: {  	[tilespmem:$0x1FED0] =	vst v39;
	vm7 =	vgt.s32 v29, $0x0;
	vm10 =	vmmov vm6;
	v26 =	vsel vm3, $0xFFFFFFFF, v26  }
0x265: {  	v60 =	vsel vm2, $0x3F800000, v9;
	vm0 =	vmand vm3, vm7;
	[tilespmem:$0x1FF00] =	vst v26;
	v26 =	vadd.f32 v62, v22  }
0x266: {  	vm12 =	vgt.s32 v29, v6;
	v61 =	vsel vm6, v60, v24;
	v31 =	vsel vm0, $0x3F800000, v9;
	(xrf2) =	vadd.scan.msk.f32 $0xffff, v25  }
0x267: {  	s18 =	simm.s32 $0x2;
	(erf) = vrcp.f32 v63;
	v25 =	vsel vm13, v31, v61;
	v26 =	vadd.f32 $9.999999820e-14, v26;
	(xrf1) =	vunique.msk.u32 vm12, v30  }
.LBB2_6:
0x268: {  	_ =	sdelay $0x7  }
0x269: {  	v31, _, _ =	vpop (xrf2)  }
0x26a: {  	v31 =	vbroadcast v31, $0xF  }
0x26b: {  	v32 =	vpop (erf)  }
0x26c: {  	v31 =	vmul.f32 v31, v32;
	_ =	sdelay $0x1  }
0x26d: {  	vm0 =	vmmov vm13;
	v24 =	vsel vm10, v31, v24;
	v31 =	vimm.s32 $0x0  }
0x26e: {  	v31 =	vsel vm0, $0xFFFFFFFF, v31;
	_ =	sdelay $0x3  }
0x26f: {  	[tilespmem:$0x1FE50] =	vst v31;
	_, v31, vm13 =	vpop (xrf1);
	_ =	sdelay $0x1  }
0x270: {  	v46 =	vor.u32 v20, v27;
	_ =	sdelay $0x3  }
0x271: {  	[tilespmem:v30+s14+$0x0] =	vst.idx.add.s32.msk vm13, v31  }
0x272: {  	v32 =	vld.idx.msk [tilespmem:v46+s12+$0x0], $0xffff;
	_ =	sdelay $0x3  }
0x273: {  	vm4 =	vgt.s32 v29, v7  }
0x274: {  	(xrf1) =	vunique.msk.u32 vm4, v32;
	_ =	sdelay $0xd  }
0x275: {  	_, v47, vm1 =	vpop (xrf1);
	_ =	sdelay $0x1  }
0x276: {  	v27 =	vor.u32 v21, v27;
	_ =	sdelay $0x3  }
0x277: {  	[tilespmem:v32+s14+$0x0] =	vst.idx.add.s32.msk vm1, v47  }
0x278: {  	v34 =	vld.idx.msk [tilespmem:v27+s12+$0x0], $0xffff;
	_ =	sdelay $0x3  }
0x279: {  	vm15 =	vgt.s32 v29, v8  }
0x27a: {  	(xrf1) =	vunique.msk.u32 vm15, v34;
	_ =	sdelay $0xd  }
0x27b: {  	v38 =	vld [tilespmem:$0x1FEE0];
	_, v29, vm2 =	vpop (xrf1)  }
0x27c: {  	v39 =	vld [tilespmem:$0x1FED0]  }
0x27d: {  	v41 =	vld [tilespmem:$0x1FEC0]  }
0x27e: {  	v44 =	vld [tilespmem:$0x1FEF0];
	_ =	sdelay $0x1  }
0x27f: {  	vm10 =	vnez.u8 v38  }
0x280: {  	vm7 =	vnez.u8 v39;
	[tilespmem:v34+s14+$0x0] =	vst.idx.add.s32.msk vm2, v29  }
0x281: {  	vm6 =	vnez.u8 v41;
	v27 =	vld.idx.msk [tilespmem:v34+s14+$0x0], vm15  }
0x282: {  	vm0 =	vnez.u8 v44;
	v35 =	vld.idx.msk [tilespmem:v32+s14+$0x0], vm4  }
0x283: {  	v36 =	vld.idx.msk [tilespmem:v23+s14+$0x0], vm9  }
0x284: {  	s19 =	smov.u32 s18;
	v33 =	vimm.s32 $0x0;
	v37 =	vld.idx.msk [tilespmem:v30+s14+$0x0], vm12  }
0x285: {  	v28 =	vsub.s32 $0x0, v28;
	v33 =	vsel vm4, $0xFFFFFFFF, v33;
	v40 =	vmov s19;
	v38 =	vld.idx.msk [tilespmem:v13+s14+$0x0], vm10  }
0x286: {  	v39 =	vld.idx.msk [tilespmem:v11+s14+$0x0], vm7;
	v42 =	vcvt.s32.f32 v27;
	vm5 =	vgt.s32 v27, $0x1;
	v27 =	vimm.s32 $0x0  }
0x287: {  	[tilespmem:$0x1FE60] =	vst v33;
	v43 =	vor.u32 $0x80, v40;
	v31 =	vsub.s32 $0x0, v31;
	v41 =	vld.idx.msk [tilespmem:v10+s14+$0x0], vm6;
	v27 =	vsel vm5, $0xFFFFFFFF, v27  }
0x288: {  	v33 =	vsub.s32 $0x0, v47;
	v44 =	vld.idx.msk [tilespmem:v15+s14+$0x0], vm0;
	v45 =	vcvt.s32.f32 v35;
	[tilespmem:$0x1FE70] =	vst v27;
	v27 =	vshll.u32 v40, $0x7  }
0x289: {  	[tilespmem:v23+s14+$0x0] =	vst.idx.add.s32.msk vm11, v28;
	v47 =	vcvt.s32.f32 v36;
	(erf) = vrcp.f32 v42;
	v46 =	vor.u32 v18, v27  }
0x28a: {  	[tilespmem:v30+s14+$0x0] =	vst.idx.add.s32.msk vm13, v31;
	v23 =	vcvt.s32.f32 v37;
	(erf) = vrcp.f32 v45  }
0x28b: {  	v29 =	vsub.s32 $0x0, v29;
	[tilespmem:v32+s14+$0x0] =	vst.idx.add.s32.msk vm1, v33;
	v28 =	vcvt.s32.f32 v38;
	(erf) = vrcp.f32 v47  }
0x28c: {  	[tilespmem:v34+s14+$0x0] =	vst.idx.add.s32.msk vm2, v29;
	v30 =	vcvt.s32.f32 v39;
	(erf) = vrcp.f32 v23  }
0x28d: {  	v29 =	vld.idx.msk [tilespmem:v43+s13+$0x0], $0xffff;
	v31 =	vcvt.s32.f32 v41;
	(erf) = vrcp.f32 v28  }
0x28e: {  	(erf) = vrcp.f32 v30;
	v23 =	vld.idx.msk [tilespmem:v46+s12+$0x0], $0xffff  }
0x28f: {  	(erf) = vrcp.f32 v31;
	_ =	sdelay $0x1  }
0x290: {  	v28 =	vcvt.s32.f32 v44  }
0x291: {  	vm1 =	vmmov vm12;
	vm12 =	vgt.s32 v29, v3;
	v30 =	vpop (erf)  }
0x292: {  	(erf) = vrcp.f32 v28;
	v28 =	vcvt.s32.f32 v29;
	v31 =	vpop (erf);
	(xrf1) =	vunique.msk.u32 vm12, v23  }
0x293: {  	v49 =	vpop (erf)  }
0x294: {  	v52 =	vpop (erf)  }
0x295: {  	v53 =	vpop (erf)  }
0x296: {  	v50 =	vadd.f32 v28, v22;
	v28 =	vpop (erf)  }
0x297: {  	vm3 =	vgt.s32 v36, $0x1;
	v55 =	vpop (erf)  }
0x298: {  	vm8 =	vgt.s32 v39, $0x1;
	vm4 =	vgt.s32 v41, $0x1;
	v36 =	vadd.f32 $0.0e+00, v55  }
0x299: {  	vm4 =	vmand vm6, vm4;
	vm8 =	vmand vm7, vm8  }
0x29a: {  	vm5 =	vgt.s32 v38, $0x1;
	v28 =	vnsel vm8, $0x0, v28;
	v36 =	vnsel vm4, $0x0, v36  }
0x29b: {  	vm4 =	vmand vm10, vm5;
	v28 =	vadd.f32 v28, v36  }
0x29c: {  	vm11 =	vgt.s32 v44, $0x1;
	v33 =	vnsel vm4, $0x0, v53  }
0x29d: {  	v62 =	vld [tilespmem:$0x1FE60];
	vm0 =	vmand vm0, vm11;
	v56 =	vpop (erf);
	v58 =	vadd.f32 v33, v28  }
0x29e: {  	v59 =	vnsel vm0, $0x0, v56  }
0x29f: {  	vm3 =	vmand vm9, vm3;
	v63 =	vld [tilespmem:$0x1FE70];
	v33 =	vadd.f32 v59, v58  }
0x2a0: {  	vm2 =	vgt.s32 v37, $0x1;
	v32 =	vnsel vm3, $0x0, v49;
	_, v28, vm11 =	vpop (xrf1)  }
0x2a1: {  	vm14 =	vgt.s32 v35, $0x1;
	vm2 =	vmand vm1, vm2;
	v32 =	vadd.f32 v32, v33  }
0x2a2: {  	v61 =	vor.u32 v19, v27;
	v60 =	vnsel vm2, $0x0, v52;
	vm5 =	vnez.u8 v62  }
0x2a3: {  	vm6 =	vmand vm5, vm14;
	v32 =	vadd.f32 v60, v32  }
0x2a4: {  	v48 =	vld [tilespmem:$0x1FF00];
	vm7 =	vnez.u8 v63;
	v31 =	vnsel vm6, $0x0, v31  }
0x2a5: {  	v57 =	vld [tilespmem:$0x1FE50];
	vm0 =	vmand vm15, vm7;
	v31 =	vadd.f32 v31, v32  }
0x2a6: {  	v30 =	vnsel vm0, $0x0, v30;
	[tilespmem:v23+s14+$0x0] =	vst.idx.add.s32.msk vm11, v28  }
0x2a7: {  	p0 =	sne.s32 s18, $0xF;
	v31 =	vadd.f32 v30, v31;
	v30 =	vld.idx.msk [tilespmem:v61+s12+$0x0], $0xffff  }
.Ltmp2:
0x2a8: {  	_ = 	snop;
	(pc) =	sbr.rel @p0 .LBB2_6-.Ltmp2, $4  }
0x2a9: {  	vm9 =	vnez.u8 v48;
	vm13 =	vgt.s32 v29, $0x0  }
0x2aa: {  	vm13 =	vmand vm9, vm13;
	vm9 =	vmmov vm12;
	v54 =	vadd.f32 $9.999999820e-14, v50  }
0x2ab: {  	v51 =	vsel vm13, $0x3F800000, v9;
	vm13 =	veq.s32 v40, v3;
	vm12 =	vgt.s32 v29, v6;
	(xrf2) =	vadd.scan.msk.f32 $0xffff, v31  }
0x2ac: {  	s18 =	sadd.s32 $0x1, s18;
	v25 =	vsel vm13, v51, v25;
	(erf) = vrcp.f32 v26;
	v26 =	vmovc v54;
	vm10 =	vnez.u8 v57;
	(xrf1) =	vunique.msk.u32 vm12, v30  }
0x2ad: {  	_ =	sdelay $0xc  }
0x2ae: {  	_, v31, vm0 =	vpop (xrf1);
	_ =	sdelay $0x1  }
0x2af: {  	v32 =	vor.u32 v20, v27;
	_ =	sdelay $0x3  }
0x2b0: {  	[tilespmem:v30+s14+$0x0] =	vst.idx.add.s32.msk vm0, v31  }
0x2b1: {  	v32 =	vld.idx.msk [tilespmem:v32+s12+$0x0], $0xffff;
	_ =	sdelay $0x3  }
0x2b2: {  	vm1 =	vgt.s32 v29, v7  }
0x2b3: {  	(xrf1) =	vunique.msk.u32 vm1, v32;
	_ =	sdelay $0xd  }
0x2b4: {  	_, v33, vm14 =	vpop (xrf1);
	_ =	sdelay $0x1  }
0x2b5: {  	v27 =	vor.u32 v21, v27;
	_ =	sdelay $0x3  }
0x2b6: {  	[tilespmem:v32+s14+$0x0] =	vst.idx.add.s32.msk vm14, v33  }
0x2b7: {  	v27 =	vld.idx.msk [tilespmem:v27+s12+$0x0], $0xffff;
	_ =	sdelay $0x3  }
0x2b8: {  	vm2 =	vgt.s32 v29, v8  }
0x2b9: {  	(xrf1) =	vunique.msk.u32 vm2, v27;
	_ =	sdelay $0xd  }
0x2ba: {  	v38 =	vld [tilespmem:$0x1FEE0];
	_, v29, vm15 =	vpop (xrf1)  }
0x2bb: {  	v39 =	vld [tilespmem:$0x1FED0]  }
0x2bc: {  	v41 =	vld [tilespmem:$0x1FEC0];
	_ =	sdelay $0x2  }
0x2bd: {  	v58 =	vld [tilespmem:$0x1FEF0];
	vm7 =	vnez.u8 v38  }
0x2be: {  	vm6 =	vnez.u8 v39;
	[tilespmem:v27+s14+$0x0] =	vst.idx.add.s32.msk vm15, v29  }
0x2bf: {  	vm5 =	vnez.u8 v41;
	v34 =	vld.idx.msk [tilespmem:v27+s14+$0x0], vm2  }
0x2c0: {  	v35 =	vld.idx.msk [tilespmem:v32+s14+$0x0], vm1  }
0x2c1: {  	v36 =	vld.idx.msk [tilespmem:v23+s14+$0x0], vm9  }
0x2c2: {  	v37 =	vld.idx.msk [tilespmem:v30+s14+$0x0], vm12  }
0x2c3: {  	v38 =	vld.idx.msk [tilespmem:v13+s14+$0x0], vm7  }
0x2c4: {  	v39 =	vld.idx.msk [tilespmem:v11+s14+$0x0], vm6;
	v40 =	vcvt.s32.f32 v34  }
0x2c5: {  	vm8 =	vnez.u8 v58;
	v41 =	vld.idx.msk [tilespmem:v10+s14+$0x0], vm5;
	v42 =	vcvt.s32.f32 v35  }
0x2c6: {  	v43 =	vcvt.s32.f32 v36;
	(erf) = vrcp.f32 v40  }
0x2c7: {  	v54 =	vcvt.s32.f32 v37;
	(erf) = vrcp.f32 v42  }
0x2c8: {  	v55 =	vcvt.s32.f32 v38;
	(erf) = vrcp.f32 v43  }
0x2c9: {  	v56 =	vcvt.s32.f32 v39;
	(erf) = vrcp.f32 v54  }
0x2ca: {  	v57 =	vcvt.s32.f32 v41;
	(erf) = vrcp.f32 v55  }
0x2cb: {  	v42 =	vld.idx.msk [tilespmem:v15+s14+$0x0], vm8;
	(erf) = vrcp.f32 v56  }
0x2cc: {  	(erf) = vrcp.f32 v57;
	_ =	sdelay $0x1  }
0x2cd: {  	v59 =	vpop (erf)  }
0x2ce: {  	v60 =	vpop (erf)  }
0x2cf: {  	v44 =	vcvt.s32.f32 v42;
	v45 =	vpop (erf)  }
0x2d0: {  	v46 =	vpop (erf)  }
0x2d1: {  	(erf) = vrcp.f32 v44;
	v61 =	vpop (erf)  }
0x2d2: {  	v47 =	vpop (erf)  }
0x2d3: {  	v48 =	vpop (erf)  }
0x2d4: {  	v49 =	vpop (erf)  }
0x2d5: {  	vm3 =	vgt.s32 v39, $0x1;
	vm4 =	vgt.s32 v41, $0x1;
	v62 =	vadd.f32 $0.0e+00, v49  }
0x2d6: {  	vm4 =	vmand vm5, vm4;
	vm3 =	vmand vm6, vm3  }
0x2d7: {  	v63 =	vnsel vm3, $0x0, v48;
	vm3 =	vgt.s32 v38, $0x1;
	v39 =	vnsel vm4, $0x0, v62  }
0x2d8: {  	vm3 =	vmand vm7, vm3;
	v48 =	vadd.f32 v63, v39  }
0x2d9: {  	v49 =	vnsel vm3, $0x0, v47;
	vm3 =	vgt.s32 v42, $0x1  }
0x2da: {  	vm3 =	vmand vm8, vm3;
	v50 =	vpop (erf);
	v38 =	vadd.f32 v49, v48  }
0x2db: {  	v51 =	vnsel vm3, $0x0, v50;
	vm3 =	vgt.s32 v36, $0x1  }
0x2dc: {  	vm3 =	vmand vm9, vm3;
	v52 =	vadd.f32 v51, v38  }
0x2dd: {  	v53 =	vnsel vm3, $0x0, v46;
	vm3 =	vgt.s32 v37, $0x1  }
0x2de: {  	vm3 =	vmand vm12, vm3;
	v36 =	vadd.f32 v53, v52  }
0x2df: {  	v54 =	vnsel vm3, $0x0, v61;
	vm3 =	vgt.s32 v35, $0x1  }
0x2e0: {  	vm1 =	vmand vm1, vm3;
	v55 =	vadd.f32 v54, v36  }
0x2e1: {  	v56 =	vnsel vm1, $0x0, v45;
	vm1 =	vgt.s32 v34, $0x1  }
0x2e2: {  	vm1 =	vmand vm2, vm1;
	v57 =	vadd.f32 v56, v55  }
0x2e3: {  	v58 =	vnsel vm1, $0x0, v60  }
0x2e4: {  	v34 =	vadd.f32 v58, v57;
	_ =	sdelay $0x1  }
0x2e5: {  	(xrf2) =	vadd.scan.msk.f32 $0xffff, v34;
	_ =	sdelay $0x2  }
0x2e6: {  	(erf) = vrcp.f32 v26;
	_ =	sdelay $0x2  }
0x2e7: {  	v26, _, _ =	vpop (xrf2)  }
0x2e8: {  	v26 =	vbroadcast v26, $0xF;
	_ =	sdelay $0x1  }
0x2e9: {  	v26 =	vmul.f32 v26, v59  }
0x2ea: {  	v34, _, _ =	vpop (xrf2)  }
0x2eb: {  	s18 =	simm.s32 $0x10;
	v24 =	vsel vm10, v26, v24;
	v26 =	vsub.s32 $0x0, v28;
	v28 =	vbroadcast v34, $0xF  }
0x2ec: {  	v31 =	vsub.s32 $0x0, v31;
	v33 =	vsub.s32 $0x0, v33;
	[tilespmem:v23+s14+$0x0] =	vst.idx.add.s32.msk vm11, v26;
	v26 =	vmov s18;
	v23 =	vpop (erf)  }
0x2ed: {  	[tilespmem:v30+s14+$0x0] =	vst.idx.add.s32.msk vm0, v31;
	v23 =	vmul.f32 v28, v23;
	v28 =	vor.u32 $0x80, v26;
	v26 =	vshll.u32 v26, $0x7  }
0x2ee: {  	v29 =	vsub.s32 $0x0, v29;
	[tilespmem:v32+s14+$0x0] =	vst.idx.add.s32.msk vm14, v33;
	v30 =	vor.u32 v18, v26  }
0x2ef: {  	vm0 =	vmmov vm13;
	[tilespmem:v27+s14+$0x0] =	vst.idx.add.s32.msk vm15, v29  }
0x2f0: {  	[tilespmem:$0x4900] =	vst v25;
	v23 =	vsel vm0, v23, v24  }
0x2f1: {  	[tilespmem:$0x4700] =	vst v23  }
0x2f2: {  	v25 =	vld.idx.msk [tilespmem:v28+s13+$0x0], $0xffff  }
0x2f3: {  	v23 =	vld.idx.msk [tilespmem:v30+s12+$0x0], $0xffff;
	_ =	sdelay $0x3  }
0x2f4: {  	vm12 =	vgt.s32 v25, v3  }
0x2f5: {  	(xrf1) =	vunique.msk.u32 vm12, v23;
	_ =	sdelay $0xd  }
0x2f6: {  	_, v24, vm2 =	vpop (xrf1);
	_ =	sdelay $0x1  }
0x2f7: {  	v27 =	vor.u32 v19, v26;
	_ =	sdelay $0x3  }
0x2f8: {  	[tilespmem:v23+s14+$0x0] =	vst.idx.add.s32.msk vm2, v24  }
0x2f9: {  	v28 =	vld.idx.msk [tilespmem:v27+s12+$0x0], $0xffff;
	_ =	sdelay $0x3  }
0x2fa: {  	vm13 =	vgt.s32 v25, v6  }
0x2fb: {  	(xrf1) =	vunique.msk.u32 vm13, v28;
	_ =	sdelay $0xd  }
0x2fc: {  	_, v29, vm1 =	vpop (xrf1);
	_ =	sdelay $0x1  }
0x2fd: {  	v27 =	vor.u32 v20, v26;
	_ =	sdelay $0x3  }
0x2fe: {  	[tilespmem:v28+s14+$0x0] =	vst.idx.add.s32.msk vm1, v29  }
0x2ff: {  	v30 =	vld.idx.msk [tilespmem:v27+s12+$0x0], $0xffff;
	_ =	sdelay $0x3  }
0x300: {  	vm10 =	vgt.s32 v25, v7  }
0x301: {  	(xrf1) =	vunique.msk.u32 vm10, v30;
	_ =	sdelay $0xd  }
0x302: {  	_, v31, vm3 =	vpop (xrf1);
	_ =	sdelay $0x1  }
0x303: {  	v26 =	vor.u32 v21, v26;
	_ =	sdelay $0x3  }
0x304: {  	[tilespmem:v30+s14+$0x0] =	vst.idx.add.s32.msk vm3, v31  }
0x305: {  	v26 =	vld.idx.msk [tilespmem:v26+s12+$0x0], $0xffff;
	_ =	sdelay $0x3  }
0x306: {  	vm0 =	vgt.s32 v25, v8  }
0x307: {  	(xrf1) =	vunique.msk.u32 vm0, v26;
	_ =	sdelay $0xd  }
0x308: {  	_, v59, vm4 =	vpop (xrf1);
	_ =	sdelay $0x5  }
0x309: {  	[tilespmem:v26+s14+$0x0] =	vst.idx.add.s32.msk vm4, v59  }
0x30a: {  	v33 =	vld.idx.msk [tilespmem:v30+s14+$0x0], vm10  }
0x30b: {  	v60 =	vld.idx.msk [tilespmem:v28+s14+$0x0], vm13  }
0x30c: {  	v35 =	vld.idx.msk [tilespmem:v26+s14+$0x0], vm0  }
0x30d: {  	v61 =	vld.idx.msk [tilespmem:v13+s14+$0x0], vm7  }
0x30e: {  	v62 =	vld.idx.msk [tilespmem:v23+s14+$0x0], vm12  }
0x30f: {  	s29 =	simm.s32 $0x11;
	v63 =	vld.idx.msk [tilespmem:v11+s14+$0x0], vm6  }
0x310: {  	v27 =	vmov s29;
	v45 =	vld.idx.msk [tilespmem:v15+s14+$0x0], vm8  }
0x311: {  	v24 =	vsub.s32 $0x0, v24;
	v47 =	vor.u32 $0x80, v27;
	v48 =	vld.idx.msk [tilespmem:v10+s14+$0x0], vm5;
	v46 =	vcvt.s32.f32 v33  }
0x312: {  	v27 =	vshll.u32 v27, $0x7;
	[tilespmem:v23+s14+$0x0] =	vst.idx.add.s32.msk vm2, v24;
	v23 =	vsub.s32 $0x0, v29;
	v24 =	vcvt.s32.f32 v60  }
0x313: {  	v29 =	vsub.s32 $0x0, v31;
	v31 =	vcvt.s32.f32 v35;
	(erf) = vrcp.f32 v46  }
0x314: {  	v49 =	vor.u32 v18, v27;
	[tilespmem:v28+s14+$0x0] =	vst.idx.add.s32.msk vm1, v23;
	v23 =	vcvt.s32.f32 v61;
	(erf) = vrcp.f32 v24  }
0x315: {  	[tilespmem:v30+s14+$0x0] =	vst.idx.add.s32.msk vm3, v29;
	v28 =	vcvt.s32.f32 v62;
	v24 =	vsub.s32 $0x0, v59;
	(erf) = vrcp.f32 v31  }
0x316: {  	[tilespmem:v26+s14+$0x0] =	vst.idx.add.s32.msk vm4, v24;
	v24 =	vcvt.s32.f32 v63;
	(erf) = vrcp.f32 v23  }
0x317: {  	v26 =	vcvt.s32.f32 v45;
	(erf) = vrcp.f32 v28  }
0x318: {  	v29 =	vld.idx.msk [tilespmem:v47+s13+$0x0], $0xffff;
	v28 =	vcvt.s32.f32 v48;
	(erf) = vrcp.f32 v24  }
0x319: {  	v23 =	vld.idx.msk [tilespmem:v49+s12+$0x0], $0xffff;
	(erf) = vrcp.f32 v26  }
0x31a: {  	(erf) = vrcp.f32 v28;
	_ =	sdelay $0x1  }
0x31b: {  	v26 =	vpop (erf)  }
0x31c: {  	vm4 =	vgt.s32 v29, v3;
	v30 =	vpop (erf)  }
0x31d: {  	(xrf1) =	vunique.msk.u32 vm4, v23;
	v31 =	vpop (erf)  }
0x31e: {  	v24 =	vpop (erf)  }
0x31f: {  	v50 =	vpop (erf)  }
0x320: {  	v28 =	vpop (erf)  }
0x321: {  	v51 =	vpop (erf)  }
0x322: {  	v52 =	vpop (erf)  }
0x323: {  	v55 =	vld [tilespmem:$0x1FF00];
	vm1 =	vgt.s32 v63, $0x1;
	vm2 =	vgt.s32 v48, $0x1;
	v53 =	vadd.f32 $0.0e+00, v52  }
0x324: {  	vm2 =	vmand vm5, vm2;
	vm1 =	vmand vm6, vm1  }
0x325: {  	v28 =	vnsel vm1, $0x0, v28;
	v54 =	vnsel vm2, $0x0, v53  }
0x326: {  	v28 =	vadd.f32 v28, v54  }
0x327: {  	vm1 =	vgt.s32 v61, $0x1  }
0x328: {  	vm3 =	vnez.u8 v55;
	vm1 =	vmand vm7, vm1  }
0x329: {  	v24 =	vnsel vm1, $0x0, v24;
	vm1 =	vgt.s32 v45, $0x1;
	vm2 =	vgt.s32 v25, $0x0  }
0x32a: {  	vm1 =	vmand vm8, vm1;
	vm2 =	vmand vm3, vm2;
	v24 =	vadd.f32 v24, v28  }
0x32b: {  	v57 =	vnsel vm1, $0x0, v51;
	v56 =	vsel vm2, $0x3F800000, v9;
	vm2 =	vgt.s32 v62, $0x1;
	_, v28, vm8 =	vpop (xrf1)  }
0x32c: {  	v25 =	vcvt.s32.f32 v25;
	vm1 =	vmand vm12, vm2;
	v58 =	vadd.f32 v57, v24  }
0x32d: {  	v59 =	vor.u32 v19, v27;
	vm2 =	vgt.s32 v60, $0x1;
	v32 =	vnsel vm1, $0x0, v50  }
0x32e: {  	s30 =	simm.s32 $0x0;
	v25 =	vadd.f32 v25, v22;
	vm1 =	vmand vm13, vm2;
	v32 =	vadd.f32 v32, v58  }
0x32f: {  	v60 =	vmov s30;
	v30 =	vnsel vm1, $0x0, v30;
	vm1 =	vgt.s32 v33, $0x1  }
0x330: {  	vm2 =	veq.s32 v60, v3;
	vm1 =	vmand vm10, vm1;
	v30 =	vadd.f32 v30, v32  }
0x331: {  	v62 =	vadd.f32 $9.999999820e-14, v25;
	v26 =	vnsel vm1, $0x0, v26;
	vm1 =	vgt.s32 v35, $0x1;
	[tilespmem:v23+s14+$0x0] =	vst.idx.add.s32.msk vm8, v28  }
0x332: {  	v25 =	vcvt.s32.f32 v29;
	vm0 =	vmand vm0, vm1;
	v26 =	vadd.f32 v26, v30;
	v30 =	vld.idx.msk [tilespmem:v59+s12+$0x0], $0xffff  }
0x333: {  	v24 =	vimm.f32 $0.0e+00;
	vm12 =	vmmov vm2;
	v31 =	vnsel vm0, $0x0, v31  }
0x334: {  	s31 =	simm.s32 $0x1;
	v61 =	vsel vm2, v56, v24;
	vm0 =	vgt.s32 v29, $0x0;
	v26 =	vadd.f32 v31, v26  }
0x335: {  	v63 =	vadd.f32 v25, v22;
	vm0 =	vmand vm3, vm0;
	v31 =	vmov s31  }
0x336: {  	vm3 =	vgt.s32 v29, v6;
	v25 =	vsel vm0, $0x3F800000, v9;
	vm13 =	veq.s32 v31, v3;
	(xrf2) =	vadd.scan.msk.f32 $0xffff, v26  }
0x337: {  	s18 =	simm.s32 $0x2;
	(erf) = vrcp.f32 v62;
	v25 =	vsel vm13, v25, v61;
	v26 =	vadd.f32 $9.999999820e-14, v63;
	(xrf1) =	vunique.msk.u32 vm3, v30  }
.LBB2_8:
0x338: {  	_ =	sdelay $0x7  }
0x339: {  	v31, _, _ =	vpop (xrf2)  }
0x33a: {  	v31 =	vbroadcast v31, $0xF  }
0x33b: {  	v32 =	vpop (erf)  }
0x33c: {  	v31 =	vmul.f32 v31, v32;
	_ =	sdelay $0x4  }
0x33d: {  	vm0 =	vmmov vm13;
	v24 =	vsel vm12, v31, v24;
	_, v31, vm13 =	vpop (xrf1);
	_ =	sdelay $0x1  }
0x33e: {  	v45 =	vor.u32 v20, v27;
	_ =	sdelay $0x3  }
0x33f: {  	[tilespmem:v30+s14+$0x0] =	vst.idx.add.s32.msk vm13, v31  }
0x340: {  	v32 =	vld.idx.msk [tilespmem:v45+s12+$0x0], $0xffff;
	_ =	sdelay $0x2  }
0x341: {  	v33 =	vimm.s32 $0x0  }
0x342: {  	v44 =	vsel vm0, $0xFFFFFFFF, v33;
	vm0 =	vgt.s32 v29, v7  }
0x343: {  	(xrf1) =	vunique.msk.u32 vm0, v32;
	_ =	sdelay $0xd  }
0x344: {  	_, v47, vm1 =	vpop (xrf1);
	_ =	sdelay $0x1  }
0x345: {  	v27 =	vor.u32 v21, v27;
	_ =	sdelay $0x3  }
0x346: {  	[tilespmem:v32+s14+$0x0] =	vst.idx.add.s32.msk vm1, v47  }
0x347: {  	v34 =	vld.idx.msk [tilespmem:v27+s12+$0x0], $0xffff;
	_ =	sdelay $0x3  }
0x348: {  	vm15 =	vgt.s32 v29, v8  }
0x349: {  	(xrf1) =	vunique.msk.u32 vm15, v34;
	_ =	sdelay $0xc  }
0x34a: {  	v37 =	vld [tilespmem:$0x1FEE0]  }
0x34b: {  	_, v29, vm2 =	vpop (xrf1)  }
0x34c: {  	v39 =	vld [tilespmem:$0x1FED0]  }
0x34d: {  	v41 =	vld [tilespmem:$0x1FEF0]  }
0x34e: {  	v48 =	vld [tilespmem:$0x1FEC0]  }
0x34f: {  	vm10 =	vnez.u8 v37;
	_ =	sdelay $0x1  }
0x350: {  	vm7 =	vnez.u8 v39;
	[tilespmem:v34+s14+$0x0] =	vst.idx.add.s32.msk vm2, v29  }
0x351: {  	vm9 =	vnez.u8 v41;
	v27 =	vld.idx.msk [tilespmem:v32+s14+$0x0], vm0  }
0x352: {  	vm6 =	vnez.u8 v48;
	v35 =	vld.idx.msk [tilespmem:v30+s14+$0x0], vm3  }
0x353: {  	s19 =	smov.u32 s18;
	v36 =	vld.idx.msk [tilespmem:v34+s14+$0x0], vm15  }
0x354: {  	v46 =	vimm.s32 $0x0;
	s20 =	sadd.s32 $0x10, s19;
	v37 =	vld.idx.msk [tilespmem:v13+s14+$0x0], vm10  }
0x355: {  	v28 =	vsub.s32 $0x0, v28;
	v33 =	vsel vm0, $0xFFFFFFFF, v46;
	v40 =	vmov s20;
	v38 =	vld.idx.msk [tilespmem:v23+s14+$0x0], vm4  }
0x356: {  	[tilespmem:$0x1FE20] =	vst v44;
	v39 =	vld.idx.msk [tilespmem:v11+s14+$0x0], vm7;
	v42 =	vcvt.s32.f32 v27;
	vm0 =	vgt.s32 v27, $0x1;
	v27 =	vimm.s32 $0x0  }
0x357: {  	[tilespmem:$0x1FE30] =	vst v33;
	v43 =	vor.u32 $0x80, v40;
	v41 =	vld.idx.msk [tilespmem:v15+s14+$0x0], vm9;
	v44 =	vcvt.s32.f32 v35;
	v27 =	vsel vm0, $0xFFFFFFFF, v27  }
0x358: {  	v46 =	vcvt.s32.f32 v36;
	[tilespmem:$0x1FE40] =	vst v27;
	v27 =	vshll.u32 v40, $0x7;
	v40 =	vld.idx.msk [tilespmem:v10+s14+$0x0], vm6;
	(erf) = vrcp.f32 v42  }
0x359: {  	v31 =	vsub.s32 $0x0, v31;
	[tilespmem:v23+s14+$0x0] =	vst.idx.add.s32.msk vm8, v28;
	v23 =	vcvt.s32.f32 v37;
	(erf) = vrcp.f32 v44  }
0x35a: {  	v33 =	vsub.s32 $0x0, v47;
	v28 =	vcvt.s32.f32 v38;
	[tilespmem:v30+s14+$0x0] =	vst.idx.add.s32.msk vm13, v31;
	(erf) = vrcp.f32 v46  }
0x35b: {  	v29 =	vsub.s32 $0x0, v29;
	v30 =	vcvt.s32.f32 v39;
	[tilespmem:v32+s14+$0x0] =	vst.idx.add.s32.msk vm1, v33;
	(erf) = vrcp.f32 v23  }
0x35c: {  	v31 =	vcvt.s32.f32 v41;
	[tilespmem:v34+s14+$0x0] =	vst.idx.add.s32.msk vm2, v29;
	(erf) = vrcp.f32 v28  }
0x35d: {  	v45 =	vor.u32 v18, v27;
	v29 =	vld.idx.msk [tilespmem:v43+s13+$0x0], $0xffff;
	v28 =	vcvt.s32.f32 v40;
	(erf) = vrcp.f32 v30  }
0x35e: {  	(erf) = vrcp.f32 v31  }
0x35f: {  	(erf) = vrcp.f32 v28;
	_ =	sdelay $0x1  }
0x360: {  	v30 =	vpop (erf)  }
0x361: {  	v23 =	vld.idx.msk [tilespmem:v45+s12+$0x0], $0xffff;
	v28 =	vcvt.s32.f32 v29;
	v31 =	vpop (erf)  }
0x362: {  	v51 =	vpop (erf)  }
0x363: {  	v54 =	vpop (erf)  }
0x364: {  	vm1 =	vgt.s32 v38, $0x1;
	v55 =	vpop (erf)  }
0x365: {  	vm12 =	vmand vm4, vm1;
	vm4 =	vgt.s32 v29, v3;
	v52 =	vadd.f32 v28, v22;
	v28 =	vpop (erf)  }
0x366: {  	(xrf1) =	vunique.msk.u32 vm4, v23;
	v57 =	vpop (erf)  }
0x367: {  	vm14 =	vgt.s32 v37, $0x1;
	v58 =	vpop (erf)  }
0x368: {  	vm8 =	vgt.s32 v39, $0x1;
	vm5 =	vgt.s32 v40, $0x1;
	v37 =	vadd.f32 $0.0e+00, v58  }
0x369: {  	vm8 =	vmand vm7, vm8;
	vm5 =	vmand vm6, vm5  }
0x36a: {  	v28 =	vnsel vm8, $0x0, v28;
	v37 =	vnsel vm5, $0x0, v37  }
0x36b: {  	vm5 =	vmand vm10, vm14;
	v28 =	vadd.f32 v28, v37  }
0x36c: {  	vm11 =	vmmov vm3;
	vm3 =	vgt.s32 v41, $0x1;
	v32 =	vnsel vm5, $0x0, v54  }
0x36d: {  	vm3 =	vmand vm9, vm3;
	v28 =	vadd.f32 v32, v28  }
0x36e: {  	v59 =	vnsel vm3, $0x0, v57  }
0x36f: {  	v32 =	vadd.f32 v59, v28;
	v28 =	vld [tilespmem:$0x1FE20]  }
0x370: {  	v49 =	vld [tilespmem:$0x1FF00];
	_ =	sdelay $0x1  }
0x371: {  	v61 =	vld [tilespmem:$0x1FE30]  }
0x372: {  	v62 =	vld [tilespmem:$0x1FE40]  }
0x373: {  	v34 =	vnsel vm12, $0x0, v55;
	vm12 =	vnez.u8 v28;
	_, v28, vm8 =	vpop (xrf1)  }
0x374: {  	vm0 =	vnez.u8 v49  }
0x375: {  	v60 =	vor.u32 v19, v27;
	vm2 =	vgt.s32 v35, $0x1;
	vm13 =	vgt.s32 v29, $0x0  }
0x376: {  	vm2 =	vmand vm11, vm2;
	vm13 =	vmand vm0, vm13;
	v32 =	vadd.f32 v34, v32  }
0x377: {  	vm0 =	vnez.u8 v61;
	v31 =	vnsel vm2, $0x0, v31;
	vm2 =	vnez.u8 v62  }
0x378: {  	vm0 =	vmand vm0, vm2;
	v31 =	vadd.f32 v31, v32  }
0x379: {  	vm1 =	vgt.s32 v36, $0x1;
	v30 =	vnsel vm0, $0x0, v30;
	[tilespmem:v23+s14+$0x0] =	vst.idx.add.s32.msk vm8, v28  }
0x37a: {  	p0 =	sne.s32 s18, $0xF;
	vm0 =	vmand vm15, vm1;
	v31 =	vadd.f32 v30, v31;
	v30 =	vld.idx.msk [tilespmem:v60+s12+$0x0], $0xffff  }
.Ltmp3:
0x37b: {  	v63 =	vnsel vm0, $0x0, v51;
	(pc) =	sbr.rel @p0 .LBB2_8-.Ltmp3, $4  }
0x37c: {  	v31 =	vadd.f32 v63, v31  }
0x37d: {  	v50 =	vmov s19;
	v56 =	vadd.f32 $9.999999820e-14, v52  }
0x37e: {  	v53 =	vsel vm13, $0x3F800000, v9;
	vm13 =	veq.s32 v50, v3;
	vm3 =	vgt.s32 v29, v6;
	(xrf2) =	vadd.scan.msk.f32 $0xffff, v31  }
0x37f: {  	s18 =	sadd.s32 $0x1, s18;
	v25 =	vsel vm13, v53, v25;
	(erf) = vrcp.f32 v26;
	v26 =	vmovc v56;
	(xrf1) =	vunique.msk.u32 vm3, v30  }
0x380: {  	_ =	sdelay $0xc  }
0x381: {  	_, v18, vm0 =	vpop (xrf1);
	_ =	sdelay $0x1  }
0x382: {  	v19 =	vor.u32 v20, v27;
	_ =	sdelay $0x3  }
0x383: {  	[tilespmem:v30+s14+$0x0] =	vst.idx.add.s32.msk vm0, v18  }
0x384: {  	v19 =	vld.idx.msk [tilespmem:v19+s12+$0x0], $0xffff;
	_ =	sdelay $0x3  }
0x385: {  	vm1 =	vgt.s32 v29, v7  }
0x386: {  	(xrf1) =	vunique.msk.u32 vm1, v19;
	_ =	sdelay $0xd  }
0x387: {  	_, v20, vm11 =	vpop (xrf1);
	_ =	sdelay $0x1  }
0x388: {  	v21 =	vor.u32 v21, v27;
	_ =	sdelay $0x3  }
0x389: {  	[tilespmem:v19+s14+$0x0] =	vst.idx.add.s32.msk vm11, v20  }
0x38a: {  	v21 =	vld.idx.msk [tilespmem:v21+s12+$0x0], $0xffff;
	_ =	sdelay $0x3  }
0x38b: {  	vm2 =	vgt.s32 v29, v8  }
0x38c: {  	(xrf1) =	vunique.msk.u32 vm2, v21;
	_ =	sdelay $0xc  }
0x38d: {  	v32 =	vld [tilespmem:$0x1FEE0]  }
0x38e: {  	_, v22, vm14 =	vpop (xrf1)  }
0x38f: {  	v34 =	vld [tilespmem:$0x1FED0]  }
0x390: {  	v36 =	vld [tilespmem:$0x1FEF0]  }
0x391: {  	v38 =	vld [tilespmem:$0x1FEC0]  }
0x392: {  	vm7 =	vnez.u8 v32;
	_ =	sdelay $0x1  }
0x393: {  	vm6 =	vnez.u8 v34;
	[tilespmem:v21+s14+$0x0] =	vst.idx.add.s32.msk vm14, v22  }
0x394: {  	vm9 =	vnez.u8 v36;
	v27 =	vld.idx.msk [tilespmem:v19+s14+$0x0], vm1  }
0x395: {  	vm5 =	vnez.u8 v38;
	v29 =	vld.idx.msk [tilespmem:v30+s14+$0x0], vm3  }
0x396: {  	v31 =	vld.idx.msk [tilespmem:v21+s14+$0x0], vm2  }
0x397: {  	v32 =	vld.idx.msk [tilespmem:v13+s14+$0x0], vm7  }
0x398: {  	v33 =	vld.idx.msk [tilespmem:v23+s14+$0x0], vm4  }
0x399: {  	v34 =	vld.idx.msk [tilespmem:v11+s14+$0x0], vm6;
	v35 =	vcvt.s32.f32 v27  }
0x39a: {  	v36 =	vld.idx.msk [tilespmem:v15+s14+$0x0], vm9;
	v37 =	vcvt.s32.f32 v29  }
0x39b: {  	v38 =	vld.idx.msk [tilespmem:v10+s14+$0x0], vm5;
	v39 =	vcvt.s32.f32 v31;
	(erf) = vrcp.f32 v35  }
0x39c: {  	v43 =	vcvt.s32.f32 v32;
	(erf) = vrcp.f32 v37  }
0x39d: {  	v44 =	vcvt.s32.f32 v33;
	(erf) = vrcp.f32 v39  }
0x39e: {  	v45 =	vcvt.s32.f32 v34;
	(erf) = vrcp.f32 v43  }
0x39f: {  	v46 =	vcvt.s32.f32 v36;
	(erf) = vrcp.f32 v44  }
0x3a0: {  	v47 =	vcvt.s32.f32 v38;
	(erf) = vrcp.f32 v45  }
0x3a1: {  	(erf) = vrcp.f32 v46  }
0x3a2: {  	(erf) = vrcp.f32 v47  }
0x3a3: {  	v48 =	vpop (erf)  }
0x3a4: {  	v49 =	vpop (erf)  }
0x3a5: {  	v50 =	vpop (erf)  }
0x3a6: {  	v40 =	vpop (erf)  }
0x3a7: {  	v41 =	vpop (erf)  }
0x3a8: {  	v42 =	vpop (erf)  }
0x3a9: {  	v43 =	vpop (erf)  }
0x3aa: {  	v44 =	vpop (erf)  }
0x3ab: {  	vm15 =	vmmov vm3;
	vm10 =	vmmov vm4;
	v45 =	vpop (erf)  }
0x3ac: {  	vm3 =	vgt.s32 v34, $0x1;
	vm4 =	vgt.s32 v38, $0x1;
	v45 =	vadd.f32 $0.0e+00, v45  }
0x3ad: {  	vm4 =	vmand vm5, vm4;
	vm3 =	vmand vm6, vm3  }
0x3ae: {  	vm6 =	vgt.s32 v32, $0x1;
	v51 =	vnsel vm3, $0x0, v43;
	v52 =	vnsel vm4, $0x0, v45  }
0x3af: {  	vm3 =	vmand vm7, vm6;
	v53 =	vadd.f32 v51, v52  }
0x3b0: {  	vm6 =	vgt.s32 v36, $0x1;
	v54 =	vnsel vm3, $0x0, v41  }
0x3b1: {  	vm3 =	vmand vm9, vm6;
	v32 =	vadd.f32 v54, v53  }
0x3b2: {  	v55 =	vnsel vm3, $0x0, v44;
	vm4 =	vgt.s32 v33, $0x1  }
0x3b3: {  	vm3 =	vmand vm10, vm4;
	v32 =	vadd.f32 v55, v32  }
0x3b4: {  	vm4 =	vgt.s32 v29, $0x1;
	v29 =	vnsel vm3, $0x0, v42  }
0x3b5: {  	vm3 =	vmand vm15, vm4;
	v29 =	vadd.f32 v29, v32  }
0x3b6: {  	vm4 =	vgt.s32 v27, $0x1;
	v27 =	vnsel vm3, $0x0, v50  }
0x3b7: {  	vm1 =	vmand vm1, vm4;
	v27 =	vadd.f32 v27, v29  }
0x3b8: {  	vm7 =	vgt.s32 v31, $0x1;
	v29 =	vnsel vm1, $0x0, v49  }
0x3b9: {  	vm4 =	vmand vm2, vm7;
	v27 =	vadd.f32 v29, v27  }
0x3ba: {  	v29 =	vnsel vm4, $0x0, v40  }
0x3bb: {  	v27 =	vadd.f32 v29, v27;
	_ =	sdelay $0x1  }
0x3bc: {  	(xrf2) =	vadd.scan.msk.f32 $0xffff, v27;
	_ =	sdelay $0x2  }
0x3bd: {  	(erf) = vrcp.f32 v26;
	_ =	sdelay $0x5  }
0x3be: {  	v26, _, _ =	vpop (xrf2)  }
0x3bf: {  	v26 =	vbroadcast v26, $0xF;
	v27, _, _ =	vpop (xrf2)  }
0x3c0: {  	v28 =	vsub.s32 $0x0, v28;
	v27 =	vbroadcast v27, $0xF  }
0x3c1: {  	v18 =	vsub.s32 $0x0, v18;
	[tilespmem:v23+s14+$0x0] =	vst.idx.add.s32.msk vm8, v28;
	v26 =	vmul.f32 v26, v48;
	v23 =	vpop (erf)  }
0x3c2: {  	v20 =	vsub.s32 $0x0, v20;
	[tilespmem:v30+s14+$0x0] =	vst.idx.add.s32.msk vm0, v18;
	v18 =	vmul.f32 v27, v23  }
0x3c3: {  	[tilespmem:v19+s14+$0x0] =	vst.idx.add.s32.msk vm11, v20;
	v19 =	vsub.s32 $0x0, v22;
	vm5 =	vmmov vm13;
	v23 =	vsel vm12, v26, v24  }
0x3c4: {  	[tilespmem:v21+s14+$0x0] =	vst.idx.add.s32.msk vm14, v19;
	v18 =	vsel vm5, v18, v23  }
0x3c5: {  	[tilespmem:$0x4710] =	vst v18;
	v18 =	vld [tilespmem:$0x1FE80];
	_ =	sdelay $0x4  }
0x3c6: {  	vm6 =	vnez.u8 v18;
	_ =	sdelay $0x4  }
0x3c7: {  	v12 =	vsub.s32 $0x0, v12;
	[tilespmem:$0x4910] =	vst v25  }
0x3c8: {  	[tilespmem:v10+s14+$0x0] =	vst.idx.add.s32.msk vm6, v12  }
0x3c9: {  	v12 =	vld [tilespmem:$0x1FE90];
	_ =	sdelay $0x4  }
0x3ca: {  	vm7 =	vnez.u8 v12;
	_ =	sdelay $0x4  }
0x3cb: {  	v10 =	vsub.s32 $0x0, v14  }
0x3cc: {  	[tilespmem:v11+s14+$0x0] =	vst.idx.add.s32.msk vm7, v10  }
0x3cd: {  	v11 =	vld [tilespmem:$0x1FEA0];
	_ =	sdelay $0x4  }
0x3ce: {  	vm4 =	vnez.u8 v11;
	v11 =	vld [tilespmem:$0x1FEB0];
	_ =	sdelay $0x4  }
0x3cf: {  	vm5 =	vnez.u8 v11;
	_ =	sdelay $0x3  }
0x3d0: {  	v10 =	vsub.s32 $0x0, v16  }
0x3d1: {  	[tilespmem:v13+s14+$0x0] =	vst.idx.add.s32.msk vm4, v10;
	v10 =	vsub.s32 $0x0, v17  }
0x3d2: {  	[tilespmem:v15+s14+$0x0] =	vst.idx.add.s32.msk vm5, v10  }
0x3d3: {  	v25 =	vld.idx.msk [tilespmem:v2+s11+$0x0], $0xffff  }
0x3d4: {  	v10 =	vld [tilespmem:$0x100];
	_ =	sdelay $0x3  }
0x3d5: {  	vm5 =	vgt.s32 v25, v3  }
0x3d6: {  	(xrf1) =	vunique.msk.u32 vm5, v10;
	_ =	sdelay $0xd  }
0x3d7: {  	_, v12, vm6 =	vpop (xrf1);
	_ =	sdelay $0x4  }
0x3d8: {  	v11 =	vimm.s32 $0x0  }
0x3d9: {  	v11 =	vsel vm6, $0xFFFFFFFF, v11;
	[tilespmem:v10+s14+$0x0] =	vst.idx.add.s32.msk vm6, v12  }
0x3da: {  	[tilespmem:$0x1FD90] =	vst v11;
	v11 =	vld [tilespmem:$0x110];
	_ =	sdelay $0x3  }
0x3db: {  	vm6 =	vgt.s32 v25, v6  }
0x3dc: {  	(xrf1) =	vunique.msk.u32 vm6, v11;
	_ =	sdelay $0xd  }
0x3dd: {  	_, v14, vm7 =	vpop (xrf1);
	_ =	sdelay $0x4  }
0x3de: {  	v13 =	vimm.s32 $0x0  }
0x3df: {  	v13 =	vsel vm7, $0xFFFFFFFF, v13;
	[tilespmem:v11+s14+$0x0] =	vst.idx.add.s32.msk vm7, v14  }
0x3e0: {  	[tilespmem:$0x1FDA0] =	vst v13;
	v13 =	vld [tilespmem:$0x120];
	_ =	sdelay $0x3  }
0x3e1: {  	vm7 =	vgt.s32 v25, v7  }
0x3e2: {  	(xrf1) =	vunique.msk.u32 vm7, v13;
	_ =	sdelay $0xd  }
0x3e3: {  	_, v16, vm4 =	vpop (xrf1);
	_ =	sdelay $0x4  }
0x3e4: {  	v15 =	vimm.s32 $0x0  }
0x3e5: {  	v15 =	vsel vm4, $0xFFFFFFFF, v15;
	[tilespmem:v13+s14+$0x0] =	vst.idx.add.s32.msk vm4, v16  }
0x3e6: {  	[tilespmem:$0x1FDB0] =	vst v15;
	v15 =	vld [tilespmem:$0x130];
	_ =	sdelay $0x3  }
0x3e7: {  	vm12 =	vgt.s32 v25, v8  }
0x3e8: {  	(xrf1) =	vunique.msk.u32 vm12, v15;
	_ =	sdelay $0xd  }
0x3e9: {  	s18 =	simm.s32 $0x0;
	_, v17, vm4 =	vpop (xrf1)  }
0x3ea: {  	v26 =	vmov s18  }
0x3eb: {  	v19 =	vor.u32 $0x100, v26;
	v22 =	vshll.u32 v26, $0x7;
	v18 =	vor.u32 $0x2000, v3  }
0x3ec: {  	v20 =	vor.u32 v18, v22;
	_ =	sdelay $0x2  }
0x3ed: {  	[tilespmem:v15+s14+$0x0] =	vst.idx.add.s32.msk vm4, v17  }
0x3ee: {  	v30 =	vld.idx.msk [tilespmem:v19+s13+$0x0], $0xffff  }
0x3ef: {  	v23 =	vld.idx.msk [tilespmem:v20+s12+$0x0], $0xffff;
	_ =	sdelay $0x3  }
0x3f0: {  	vm11 =	vgt.s32 v30, v3  }
0x3f1: {  	(xrf1) =	vunique.msk.u32 vm11, v23;
	_ =	sdelay $0xd  }
0x3f2: {  	_, v24, vm1 =	vpop (xrf1)  }
0x3f3: {  	v19 =	vor.u32 $0x2010, v3  }
0x3f4: {  	v20 =	vor.u32 v19, v22;
	_ =	sdelay $0x3  }
0x3f5: {  	[tilespmem:v23+s14+$0x0] =	vst.idx.add.s32.msk vm1, v24  }
0x3f6: {  	v28 =	vld.idx.msk [tilespmem:v20+s12+$0x0], $0xffff;
	_ =	sdelay $0x3  }
0x3f7: {  	vm8 =	vgt.s32 v30, v6  }
0x3f8: {  	(xrf1) =	vunique.msk.u32 vm8, v28;
	_ =	sdelay $0xd  }
0x3f9: {  	v21 =	vimm.s32 $0x0;
	_, v29, vm2 =	vpop (xrf1)  }
0x3fa: {  	v21 =	vsel vm4, $0xFFFFFFFF, v21;
	v20 =	vor.u32 $0x2020, v3  }
0x3fb: {  	[tilespmem:$0x1FDC0] =	vst v21;
	v21 =	vor.u32 v20, v22;
	_ =	sdelay $0x3  }
0x3fc: {  	[tilespmem:v28+s14+$0x0] =	vst.idx.add.s32.msk vm2, v29  }
0x3fd: {  	v31 =	vld.idx.msk [tilespmem:v21+s12+$0x0], $0xffff;
	_ =	sdelay $0x3  }
0x3fe: {  	vm10 =	vgt.s32 v30, v7  }
0x3ff: {  	(xrf1) =	vunique.msk.u32 vm10, v31;
	_ =	sdelay $0xd  }
0x400: {  	_, v56, vm3 =	vpop (xrf1)  }
0x401: {  	v21 =	vor.u32 $0x2030, v3  }
0x402: {  	v22 =	vor.u32 v21, v22;
	_ =	sdelay $0x3  }
0x403: {  	[tilespmem:v31+s14+$0x0] =	vst.idx.add.s32.msk vm3, v56  }
0x404: {  	v22 =	vld.idx.msk [tilespmem:v22+s12+$0x0], $0xffff;
	_ =	sdelay $0x3  }
0x405: {  	vm0 =	vgt.s32 v30, v8  }
0x406: {  	(xrf1) =	vunique.msk.u32 vm0, v22;
	_ =	sdelay $0xd  }
0x407: {  	_, v57, vm4 =	vpop (xrf1);
	_ =	sdelay $0x5  }
0x408: {  	[tilespmem:v22+s14+$0x0] =	vst.idx.add.s32.msk vm4, v57  }
0x409: {  	v34 =	vld.idx.msk [tilespmem:v22+s14+$0x0], vm0  }
0x40a: {  	v35 =	vld.idx.msk [tilespmem:v31+s14+$0x0], vm10  }
0x40b: {  	v58 =	vld.idx.msk [tilespmem:v23+s14+$0x0], vm11  }
0x40c: {  	v59 =	vld.idx.msk [tilespmem:v28+s14+$0x0], vm8  }
0x40d: {  	v60 =	vld.idx.msk [tilespmem:v13+s14+$0x0], vm7  }
0x40e: {  	v61 =	vld.idx.msk [tilespmem:v11+s14+$0x0], vm6  }
0x40f: {  	s31 =	simm.s32 $0x1;
	v62 =	vld.idx.msk [tilespmem:v10+s14+$0x0], vm5  }
0x410: {  	v40 =	vmov s31;
	v24 =	vsub.s32 $0x0, v24;
	v48 =	vld.idx.msk [tilespmem:v15+s14+$0x0], vm12  }
0x411: {  	v63 =	vor.u32 $0x100, v40;
	v27 =	vshll.u32 v40, $0x7;
	[tilespmem:v23+s14+$0x0] =	vst.idx.add.s32.msk vm1, v24;
	v24 =	vcvt.s32.f32 v34  }
0x412: {  	v49 =	vor.u32 v18, v27;
	v23 =	vsub.s32 $0x0, v29;
	v50 =	vcvt.s32.f32 v35  }
0x413: {  	v29 =	vsub.s32 $0x0, v56;
	[tilespmem:v28+s14+$0x0] =	vst.idx.add.s32.msk vm2, v23;
	v23 =	vcvt.s32.f32 v58;
	(erf) = vrcp.f32 v24  }
0x414: {  	[tilespmem:v31+s14+$0x0] =	vst.idx.add.s32.msk vm3, v29;
	v28 =	vcvt.s32.f32 v59;
	v24 =	vsub.s32 $0x0, v57;
	(erf) = vrcp.f32 v50  }
0x415: {  	[tilespmem:v22+s14+$0x0] =	vst.idx.add.s32.msk vm4, v24;
	v22 =	vcvt.s32.f32 v60;
	(erf) = vrcp.f32 v23  }
0x416: {  	v24 =	vcvt.s32.f32 v61;
	(erf) = vrcp.f32 v28  }
0x417: {  	v28 =	vcvt.s32.f32 v62;
	(erf) = vrcp.f32 v22  }
0x418: {  	v29 =	vld.idx.msk [tilespmem:v63+s13+$0x0], $0xffff;
	(erf) = vrcp.f32 v24  }
0x419: {  	v23 =	vld.idx.msk [tilespmem:v49+s12+$0x0], $0xffff;
	(erf) = vrcp.f32 v28;
	_ =	sdelay $0x2  }
0x41a: {  	v22 =	vcvt.s32.f32 v48;
	v31 =	vpop (erf)  }
0x41b: {  	vm9 =	vgt.s32 v29, v3;
	v32 =	vpop (erf)  }
0x41c: {  	(xrf1) =	vunique.msk.u32 vm9, v23;
	v51 =	vpop (erf)  }
0x41d: {  	v52 =	vpop (erf)  }
0x41e: {  	(erf) = vrcp.f32 v22;
	v22 =	vpop (erf)  }
0x41f: {  	v24 =	vpop (erf)  }
0x420: {  	v28 =	vpop (erf)  }
0x421: {  	vm1 =	vgt.s32 v61, $0x1;
	vm4 =	vgt.s32 v62, $0x1;
	v28 =	vadd.f32 $0.0e+00, v28  }
0x422: {  	vm1 =	vmand vm6, vm1;
	vm2 =	vmand vm5, vm4  }
0x423: {  	v53 =	vimm.s32 $0x0;
	v24 =	vnsel vm1, $0x0, v24;
	v28 =	vnsel vm2, $0x0, v28  }
0x424: {  	v54 =	vimm.s32 $0x0;
	v24 =	vadd.f32 v24, v28;
	v28 =	vimm.s32 $0x0  }
0x425: {  	v39 =	vsel vm5, $0xFFFFFFFF, v53;
	vm5 =	vgt.s32 v60, $0x1;
	v28 =	vsel vm7, $0xFFFFFFFF, v28  }
0x426: {  	vm13 =	veq.s32 v40, v3;
	[tilespmem:$0x1FDD0] =	vst v39;
	v39 =	vsel vm6, $0xFFFFFFFF, v54;
	vm6 =	vmand vm7, vm5  }
0x427: {  	vm3 =	vgt.s32 v25, $0x0;
	vm4 =	vgt.s32 v48, $0x1;
	v22 =	vnsel vm6, $0x0, v22  }
0x428: {  	v57 =	vcvt.s32.f32 v30;
	vm1 =	vmand vm12, vm4;
	[tilespmem:$0x1FDF0] =	vst v28;
	v55 =	vadd.f32 v22, v24;
	v28 =	vpop (erf)  }
0x429: {  	vm5 =	vgt.s32 v59, $0x1;
	vm7 =	vgt.s32 v58, $0x1;
	v56 =	vnsel vm1, $0x0, v28  }
0x42a: {  	v62 =	vcvt.s32.f32 v29;
	vm2 =	vmand vm11, vm7;
	_, v28, vm11 =	vpop (xrf1);
	v36 =	vadd.f32 v56, v55  }
0x42b: {  	vm6 =	vgt.s32 v35, $0x1;
	v58 =	vor.u32 v19, v27;
	v33 =	vnsel vm2, $0x0, v51  }
0x42c: {  	v22 =	vimm.s32 $0x0;
	vm1 =	vmand vm8, vm5;
	v33 =	vadd.f32 v33, v36  }
0x42d: {  	vm4 =	vgt.s32 v30, $0x0;
	v22 =	vsel vm12, $0xFFFFFFFF, v22;
	v59 =	vnsel vm1, $0x0, v52  }
0x42e: {  	vm7 =	vmand vm10, vm6;
	[tilespmem:$0x1FE00] =	vst v22;
	v22 =	vcvt.s32.f32 v25;
	v30 =	vadd.f32 v59, v33  }
0x42f: {  	vm6 =	veq.s32 v26, v3;
	v32 =	vnsel vm7, $0x0, v32;
	vm5 =	vgt.s32 v34, $0x1  }
0x430: {  	v25 =	vadd.f32 v57, v22;
	vm0 =	vmand vm0, vm5;
	[tilespmem:v23+s14+$0x0] =	vst.idx.add.s32.msk vm11, v28;
	v26 =	vadd.f32 v32, v30  }
0x431: {  	v24 =	vimm.f32 $0.0e+00;
	vm2 =	vmand vm3, vm4;
	v31 =	vnsel vm0, $0x0, v31;
	v30 =	vld.idx.msk [tilespmem:v58+s12+$0x0], $0xffff  }
0x432: {  	v63 =	vadd.f32 $9.999999820e-14, v25;
	v25 =	vadd.f32 v31, v26;
	v26 =	vimm.s32 $0x0  }
0x433: {  	[tilespmem:$0x1FDE0] =	vst v39;
	vm7 =	vgt.s32 v29, $0x0;
	vm10 =	vmmov vm6;
	v26 =	vsel vm3, $0xFFFFFFFF, v26  }
0x434: {  	v60 =	vsel vm2, $0x3F800000, v9;
	vm0 =	vmand vm3, vm7;
	[tilespmem:$0x1FE10] =	vst v26;
	v26 =	vadd.f32 v62, v22  }
0x435: {  	vm12 =	vgt.s32 v29, v6;
	v61 =	vsel vm6, v60, v24;
	v31 =	vsel vm0, $0x3F800000, v9;
	(xrf2) =	vadd.scan.msk.f32 $0xffff, v25  }
0x436: {  	s18 =	simm.s32 $0x2;
	(erf) = vrcp.f32 v63;
	v25 =	vsel vm13, v31, v61;
	v26 =	vadd.f32 $9.999999820e-14, v26;
	(xrf1) =	vunique.msk.u32 vm12, v30  }
.LBB2_10:
0x437: {  	_ =	sdelay $0x7  }
0x438: {  	v31, _, _ =	vpop (xrf2)  }
0x439: {  	v31 =	vbroadcast v31, $0xF  }
0x43a: {  	v32 =	vpop (erf)  }
0x43b: {  	v31 =	vmul.f32 v31, v32;
	_ =	sdelay $0x1  }
0x43c: {  	vm0 =	vmmov vm13;
	v24 =	vsel vm10, v31, v24;
	v31 =	vimm.s32 $0x0  }
0x43d: {  	v31 =	vsel vm0, $0xFFFFFFFF, v31;
	_ =	sdelay $0x3  }
0x43e: {  	[tilespmem:$0x1FD60] =	vst v31;
	_, v31, vm13 =	vpop (xrf1);
	_ =	sdelay $0x1  }
0x43f: {  	v46 =	vor.u32 v20, v27;
	_ =	sdelay $0x3  }
0x440: {  	[tilespmem:v30+s14+$0x0] =	vst.idx.add.s32.msk vm13, v31  }
0x441: {  	v32 =	vld.idx.msk [tilespmem:v46+s12+$0x0], $0xffff;
	_ =	sdelay $0x3  }
0x442: {  	vm4 =	vgt.s32 v29, v7  }
0x443: {  	(xrf1) =	vunique.msk.u32 vm4, v32;
	_ =	sdelay $0xd  }
0x444: {  	_, v47, vm1 =	vpop (xrf1);
	_ =	sdelay $0x1  }
0x445: {  	v27 =	vor.u32 v21, v27;
	_ =	sdelay $0x3  }
0x446: {  	[tilespmem:v32+s14+$0x0] =	vst.idx.add.s32.msk vm1, v47  }
0x447: {  	v34 =	vld.idx.msk [tilespmem:v27+s12+$0x0], $0xffff;
	_ =	sdelay $0x3  }
0x448: {  	vm15 =	vgt.s32 v29, v8  }
0x449: {  	(xrf1) =	vunique.msk.u32 vm15, v34;
	_ =	sdelay $0xd  }
0x44a: {  	v38 =	vld [tilespmem:$0x1FDF0];
	_, v29, vm2 =	vpop (xrf1)  }
0x44b: {  	v39 =	vld [tilespmem:$0x1FDE0]  }
0x44c: {  	v41 =	vld [tilespmem:$0x1FDD0]  }
0x44d: {  	v44 =	vld [tilespmem:$0x1FE00];
	_ =	sdelay $0x1  }
0x44e: {  	vm10 =	vnez.u8 v38  }
0x44f: {  	vm7 =	vnez.u8 v39;
	[tilespmem:v34+s14+$0x0] =	vst.idx.add.s32.msk vm2, v29  }
0x450: {  	vm6 =	vnez.u8 v41;
	v27 =	vld.idx.msk [tilespmem:v34+s14+$0x0], vm15  }
0x451: {  	vm0 =	vnez.u8 v44;
	v35 =	vld.idx.msk [tilespmem:v32+s14+$0x0], vm4  }
0x452: {  	v36 =	vld.idx.msk [tilespmem:v23+s14+$0x0], vm9  }
0x453: {  	s19 =	smov.u32 s18;
	v33 =	vimm.s32 $0x0;
	v37 =	vld.idx.msk [tilespmem:v30+s14+$0x0], vm12  }
0x454: {  	v28 =	vsub.s32 $0x0, v28;
	v33 =	vsel vm4, $0xFFFFFFFF, v33;
	v40 =	vmov s19;
	v38 =	vld.idx.msk [tilespmem:v13+s14+$0x0], vm10  }
0x455: {  	v39 =	vld.idx.msk [tilespmem:v11+s14+$0x0], vm7;
	v42 =	vcvt.s32.f32 v27;
	vm5 =	vgt.s32 v27, $0x1;
	v27 =	vimm.s32 $0x0  }
0x456: {  	[tilespmem:$0x1FD70] =	vst v33;
	v43 =	vor.u32 $0x100, v40;
	v31 =	vsub.s32 $0x0, v31;
	v41 =	vld.idx.msk [tilespmem:v10+s14+$0x0], vm6;
	v27 =	vsel vm5, $0xFFFFFFFF, v27  }
0x457: {  	v33 =	vsub.s32 $0x0, v47;
	v44 =	vld.idx.msk [tilespmem:v15+s14+$0x0], vm0;
	v45 =	vcvt.s32.f32 v35;
	[tilespmem:$0x1FD80] =	vst v27;
	v27 =	vshll.u32 v40, $0x7  }
0x458: {  	[tilespmem:v23+s14+$0x0] =	vst.idx.add.s32.msk vm11, v28;
	v47 =	vcvt.s32.f32 v36;
	(erf) = vrcp.f32 v42;
	v46 =	vor.u32 v18, v27  }
0x459: {  	[tilespmem:v30+s14+$0x0] =	vst.idx.add.s32.msk vm13, v31;
	v23 =	vcvt.s32.f32 v37;
	(erf) = vrcp.f32 v45  }
0x45a: {  	v29 =	vsub.s32 $0x0, v29;
	[tilespmem:v32+s14+$0x0] =	vst.idx.add.s32.msk vm1, v33;
	v28 =	vcvt.s32.f32 v38;
	(erf) = vrcp.f32 v47  }
0x45b: {  	[tilespmem:v34+s14+$0x0] =	vst.idx.add.s32.msk vm2, v29;
	v30 =	vcvt.s32.f32 v39;
	(erf) = vrcp.f32 v23  }
0x45c: {  	v29 =	vld.idx.msk [tilespmem:v43+s13+$0x0], $0xffff;
	v31 =	vcvt.s32.f32 v41;
	(erf) = vrcp.f32 v28  }
0x45d: {  	(erf) = vrcp.f32 v30;
	v23 =	vld.idx.msk [tilespmem:v46+s12+$0x0], $0xffff  }
0x45e: {  	(erf) = vrcp.f32 v31;
	_ =	sdelay $0x1  }
0x45f: {  	v28 =	vcvt.s32.f32 v44  }
0x460: {  	vm1 =	vmmov vm12;
	vm12 =	vgt.s32 v29, v3;
	v30 =	vpop (erf)  }
0x461: {  	(erf) = vrcp.f32 v28;
	v28 =	vcvt.s32.f32 v29;
	v31 =	vpop (erf);
	(xrf1) =	vunique.msk.u32 vm12, v23  }
0x462: {  	v49 =	vpop (erf)  }
0x463: {  	v52 =	vpop (erf)  }
0x464: {  	v53 =	vpop (erf)  }
0x465: {  	v50 =	vadd.f32 v28, v22;
	v28 =	vpop (erf)  }
0x466: {  	vm3 =	vgt.s32 v36, $0x1;
	v55 =	vpop (erf)  }
0x467: {  	vm8 =	vgt.s32 v39, $0x1;
	vm4 =	vgt.s32 v41, $0x1;
	v36 =	vadd.f32 $0.0e+00, v55  }
0x468: {  	vm4 =	vmand vm6, vm4;
	vm8 =	vmand vm7, vm8  }
0x469: {  	vm5 =	vgt.s32 v38, $0x1;
	v28 =	vnsel vm8, $0x0, v28;
	v36 =	vnsel vm4, $0x0, v36  }
0x46a: {  	vm4 =	vmand vm10, vm5;
	v28 =	vadd.f32 v28, v36  }
0x46b: {  	vm11 =	vgt.s32 v44, $0x1;
	v33 =	vnsel vm4, $0x0, v53  }
0x46c: {  	v62 =	vld [tilespmem:$0x1FD70];
	vm0 =	vmand vm0, vm11;
	v56 =	vpop (erf);
	v58 =	vadd.f32 v33, v28  }
0x46d: {  	v59 =	vnsel vm0, $0x0, v56  }
0x46e: {  	vm3 =	vmand vm9, vm3;
	v63 =	vld [tilespmem:$0x1FD80];
	v33 =	vadd.f32 v59, v58  }
0x46f: {  	vm2 =	vgt.s32 v37, $0x1;
	v32 =	vnsel vm3, $0x0, v49;
	_, v28, vm11 =	vpop (xrf1)  }
0x470: {  	vm14 =	vgt.s32 v35, $0x1;
	vm2 =	vmand vm1, vm2;
	v32 =	vadd.f32 v32, v33  }
0x471: {  	v61 =	vor.u32 v19, v27;
	v60 =	vnsel vm2, $0x0, v52;
	vm5 =	vnez.u8 v62  }
0x472: {  	vm6 =	vmand vm5, vm14;
	v32 =	vadd.f32 v60, v32  }
0x473: {  	v48 =	vld [tilespmem:$0x1FE10];
	vm7 =	vnez.u8 v63;
	v31 =	vnsel vm6, $0x0, v31  }
0x474: {  	v57 =	vld [tilespmem:$0x1FD60];
	vm0 =	vmand vm15, vm7;
	v31 =	vadd.f32 v31, v32  }
0x475: {  	v30 =	vnsel vm0, $0x0, v30;
	[tilespmem:v23+s14+$0x0] =	vst.idx.add.s32.msk vm11, v28  }
0x476: {  	p0 =	sne.s32 s18, $0xF;
	v31 =	vadd.f32 v30, v31;
	v30 =	vld.idx.msk [tilespmem:v61+s12+$0x0], $0xffff  }
.Ltmp4:
0x477: {  	_ = 	snop;
	(pc) =	sbr.rel @p0 .LBB2_10-.Ltmp4, $4  }
0x478: {  	vm9 =	vnez.u8 v48;
	vm13 =	vgt.s32 v29, $0x0  }
0x479: {  	vm13 =	vmand vm9, vm13;
	vm9 =	vmmov vm12;
	v54 =	vadd.f32 $9.999999820e-14, v50  }
0x47a: {  	v51 =	vsel vm13, $0x3F800000, v9;
	vm13 =	veq.s32 v40, v3;
	vm12 =	vgt.s32 v29, v6;
	(xrf2) =	vadd.scan.msk.f32 $0xffff, v31  }
0x47b: {  	s18 =	sadd.s32 $0x1, s18;
	v25 =	vsel vm13, v51, v25;
	(erf) = vrcp.f32 v26;
	v26 =	vmovc v54;
	vm10 =	vnez.u8 v57;
	(xrf1) =	vunique.msk.u32 vm12, v30  }
0x47c: {  	_ =	sdelay $0xc  }
0x47d: {  	_, v31, vm0 =	vpop (xrf1);
	_ =	sdelay $0x1  }
0x47e: {  	v32 =	vor.u32 v20, v27;
	_ =	sdelay $0x3  }
0x47f: {  	[tilespmem:v30+s14+$0x0] =	vst.idx.add.s32.msk vm0, v31  }
0x480: {  	v32 =	vld.idx.msk [tilespmem:v32+s12+$0x0], $0xffff;
	_ =	sdelay $0x3  }
0x481: {  	vm1 =	vgt.s32 v29, v7  }
0x482: {  	(xrf1) =	vunique.msk.u32 vm1, v32;
	_ =	sdelay $0xd  }
0x483: {  	_, v33, vm14 =	vpop (xrf1);
	_ =	sdelay $0x1  }
0x484: {  	v27 =	vor.u32 v21, v27;
	_ =	sdelay $0x3  }
0x485: {  	[tilespmem:v32+s14+$0x0] =	vst.idx.add.s32.msk vm14, v33  }
0x486: {  	v27 =	vld.idx.msk [tilespmem:v27+s12+$0x0], $0xffff;
	_ =	sdelay $0x3  }
0x487: {  	vm2 =	vgt.s32 v29, v8  }
0x488: {  	(xrf1) =	vunique.msk.u32 vm2, v27;
	_ =	sdelay $0xd  }
0x489: {  	v38 =	vld [tilespmem:$0x1FDF0];
	_, v29, vm15 =	vpop (xrf1)  }
0x48a: {  	v39 =	vld [tilespmem:$0x1FDE0]  }
0x48b: {  	v41 =	vld [tilespmem:$0x1FDD0];
	_ =	sdelay $0x2  }
0x48c: {  	v58 =	vld [tilespmem:$0x1FE00];
	vm7 =	vnez.u8 v38  }
0x48d: {  	vm6 =	vnez.u8 v39;
	[tilespmem:v27+s14+$0x0] =	vst.idx.add.s32.msk vm15, v29  }
0x48e: {  	vm5 =	vnez.u8 v41;
	v34 =	vld.idx.msk [tilespmem:v27+s14+$0x0], vm2  }
0x48f: {  	v35 =	vld.idx.msk [tilespmem:v32+s14+$0x0], vm1  }
0x490: {  	v36 =	vld.idx.msk [tilespmem:v23+s14+$0x0], vm9  }
0x491: {  	v37 =	vld.idx.msk [tilespmem:v30+s14+$0x0], vm12  }
0x492: {  	v38 =	vld.idx.msk [tilespmem:v13+s14+$0x0], vm7  }
0x493: {  	v39 =	vld.idx.msk [tilespmem:v11+s14+$0x0], vm6;
	v40 =	vcvt.s32.f32 v34  }
0x494: {  	vm8 =	vnez.u8 v58;
	v41 =	vld.idx.msk [tilespmem:v10+s14+$0x0], vm5;
	v42 =	vcvt.s32.f32 v35  }
0x495: {  	v43 =	vcvt.s32.f32 v36;
	(erf) = vrcp.f32 v40  }
0x496: {  	v54 =	vcvt.s32.f32 v37;
	(erf) = vrcp.f32 v42  }
0x497: {  	v55 =	vcvt.s32.f32 v38;
	(erf) = vrcp.f32 v43  }
0x498: {  	v56 =	vcvt.s32.f32 v39;
	(erf) = vrcp.f32 v54  }
0x499: {  	v57 =	vcvt.s32.f32 v41;
	(erf) = vrcp.f32 v55  }
0x49a: {  	v42 =	vld.idx.msk [tilespmem:v15+s14+$0x0], vm8;
	(erf) = vrcp.f32 v56  }
0x49b: {  	(erf) = vrcp.f32 v57;
	_ =	sdelay $0x1  }
0x49c: {  	v59 =	vpop (erf)  }
0x49d: {  	v60 =	vpop (erf)  }
0x49e: {  	v44 =	vcvt.s32.f32 v42;
	v45 =	vpop (erf)  }
0x49f: {  	v46 =	vpop (erf)  }
0x4a0: {  	(erf) = vrcp.f32 v44;
	v61 =	vpop (erf)  }
0x4a1: {  	v47 =	vpop (erf)  }
0x4a2: {  	v48 =	vpop (erf)  }
0x4a3: {  	v49 =	vpop (erf)  }
0x4a4: {  	vm3 =	vgt.s32 v39, $0x1;
	vm4 =	vgt.s32 v41, $0x1;
	v62 =	vadd.f32 $0.0e+00, v49  }
0x4a5: {  	vm4 =	vmand vm5, vm4;
	vm3 =	vmand vm6, vm3  }
0x4a6: {  	v63 =	vnsel vm3, $0x0, v48;
	vm3 =	vgt.s32 v38, $0x1;
	v39 =	vnsel vm4, $0x0, v62  }
0x4a7: {  	vm3 =	vmand vm7, vm3;
	v48 =	vadd.f32 v63, v39  }
0x4a8: {  	v49 =	vnsel vm3, $0x0, v47;
	vm3 =	vgt.s32 v42, $0x1  }
0x4a9: {  	vm3 =	vmand vm8, vm3;
	v50 =	vpop (erf);
	v38 =	vadd.f32 v49, v48  }
0x4aa: {  	v51 =	vnsel vm3, $0x0, v50;
	vm3 =	vgt.s32 v36, $0x1  }
0x4ab: {  	vm3 =	vmand vm9, vm3;
	v52 =	vadd.f32 v51, v38  }
0x4ac: {  	v53 =	vnsel vm3, $0x0, v46;
	vm3 =	vgt.s32 v37, $0x1  }
0x4ad: {  	vm3 =	vmand vm12, vm3;
	v36 =	vadd.f32 v53, v52  }
0x4ae: {  	v54 =	vnsel vm3, $0x0, v61;
	vm3 =	vgt.s32 v35, $0x1  }
0x4af: {  	vm1 =	vmand vm1, vm3;
	v55 =	vadd.f32 v54, v36  }
0x4b0: {  	v56 =	vnsel vm1, $0x0, v45;
	vm1 =	vgt.s32 v34, $0x1  }
0x4b1: {  	vm1 =	vmand vm2, vm1;
	v57 =	vadd.f32 v56, v55  }
0x4b2: {  	v58 =	vnsel vm1, $0x0, v60  }
0x4b3: {  	v34 =	vadd.f32 v58, v57;
	_ =	sdelay $0x1  }
0x4b4: {  	(xrf2) =	vadd.scan.msk.f32 $0xffff, v34;
	_ =	sdelay $0x2  }
0x4b5: {  	(erf) = vrcp.f32 v26;
	_ =	sdelay $0x2  }
0x4b6: {  	v26, _, _ =	vpop (xrf2)  }
0x4b7: {  	v26 =	vbroadcast v26, $0xF;
	_ =	sdelay $0x1  }
0x4b8: {  	v26 =	vmul.f32 v26, v59  }
0x4b9: {  	v34, _, _ =	vpop (xrf2)  }
0x4ba: {  	s18 =	simm.s32 $0x10;
	v24 =	vsel vm10, v26, v24;
	v26 =	vsub.s32 $0x0, v28;
	v28 =	vbroadcast v34, $0xF  }
0x4bb: {  	v31 =	vsub.s32 $0x0, v31;
	v33 =	vsub.s32 $0x0, v33;
	[tilespmem:v23+s14+$0x0] =	vst.idx.add.s32.msk vm11, v26;
	v26 =	vmov s18;
	v23 =	vpop (erf)  }
0x4bc: {  	[tilespmem:v30+s14+$0x0] =	vst.idx.add.s32.msk vm0, v31;
	v23 =	vmul.f32 v28, v23;
	v28 =	vor.u32 $0x100, v26;
	v26 =	vshll.u32 v26, $0x7  }
0x4bd: {  	v29 =	vsub.s32 $0x0, v29;
	[tilespmem:v32+s14+$0x0] =	vst.idx.add.s32.msk vm14, v33;
	v30 =	vor.u32 v18, v26  }
0x4be: {  	vm0 =	vmmov vm13;
	[tilespmem:v27+s14+$0x0] =	vst.idx.add.s32.msk vm15, v29  }
0x4bf: {  	[tilespmem:$0x4980] =	vst v25;
	v23 =	vsel vm0, v23, v24  }
0x4c0: {  	[tilespmem:$0x4780] =	vst v23  }
0x4c1: {  	v25 =	vld.idx.msk [tilespmem:v28+s13+$0x0], $0xffff  }
0x4c2: {  	v23 =	vld.idx.msk [tilespmem:v30+s12+$0x0], $0xffff;
	_ =	sdelay $0x3  }
0x4c3: {  	vm12 =	vgt.s32 v25, v3  }
0x4c4: {  	(xrf1) =	vunique.msk.u32 vm12, v23;
	_ =	sdelay $0xd  }
0x4c5: {  	_, v24, vm2 =	vpop (xrf1);
	_ =	sdelay $0x1  }
0x4c6: {  	v27 =	vor.u32 v19, v26;
	_ =	sdelay $0x3  }
0x4c7: {  	[tilespmem:v23+s14+$0x0] =	vst.idx.add.s32.msk vm2, v24  }
0x4c8: {  	v28 =	vld.idx.msk [tilespmem:v27+s12+$0x0], $0xffff;
	_ =	sdelay $0x3  }
0x4c9: {  	vm13 =	vgt.s32 v25, v6  }
0x4ca: {  	(xrf1) =	vunique.msk.u32 vm13, v28;
	_ =	sdelay $0xd  }
0x4cb: {  	_, v29, vm1 =	vpop (xrf1);
	_ =	sdelay $0x1  }
0x4cc: {  	v27 =	vor.u32 v20, v26;
	_ =	sdelay $0x3  }
0x4cd: {  	[tilespmem:v28+s14+$0x0] =	vst.idx.add.s32.msk vm1, v29  }
0x4ce: {  	v30 =	vld.idx.msk [tilespmem:v27+s12+$0x0], $0xffff;
	_ =	sdelay $0x3  }
0x4cf: {  	vm10 =	vgt.s32 v25, v7  }
0x4d0: {  	(xrf1) =	vunique.msk.u32 vm10, v30;
	_ =	sdelay $0xd  }
0x4d1: {  	_, v31, vm3 =	vpop (xrf1);
	_ =	sdelay $0x1  }
0x4d2: {  	v26 =	vor.u32 v21, v26;
	_ =	sdelay $0x3  }
0x4d3: {  	[tilespmem:v30+s14+$0x0] =	vst.idx.add.s32.msk vm3, v31  }
0x4d4: {  	v26 =	vld.idx.msk [tilespmem:v26+s12+$0x0], $0xffff;
	_ =	sdelay $0x3  }
0x4d5: {  	vm0 =	vgt.s32 v25, v8  }
0x4d6: {  	(xrf1) =	vunique.msk.u32 vm0, v26;
	_ =	sdelay $0xd  }
0x4d7: {  	_, v59, vm4 =	vpop (xrf1);
	_ =	sdelay $0x5  }
0x4d8: {  	[tilespmem:v26+s14+$0x0] =	vst.idx.add.s32.msk vm4, v59  }
0x4d9: {  	v33 =	vld.idx.msk [tilespmem:v30+s14+$0x0], vm10  }
0x4da: {  	v60 =	vld.idx.msk [tilespmem:v28+s14+$0x0], vm13  }
0x4db: {  	v35 =	vld.idx.msk [tilespmem:v26+s14+$0x0], vm0  }
0x4dc: {  	v61 =	vld.idx.msk [tilespmem:v13+s14+$0x0], vm7  }
0x4dd: {  	v62 =	vld.idx.msk [tilespmem:v23+s14+$0x0], vm12  }
0x4de: {  	s29 =	simm.s32 $0x11;
	v63 =	vld.idx.msk [tilespmem:v11+s14+$0x0], vm6  }
0x4df: {  	v27 =	vmov s29;
	v45 =	vld.idx.msk [tilespmem:v15+s14+$0x0], vm8  }
0x4e0: {  	v24 =	vsub.s32 $0x0, v24;
	v47 =	vor.u32 $0x100, v27;
	v48 =	vld.idx.msk [tilespmem:v10+s14+$0x0], vm5;
	v46 =	vcvt.s32.f32 v33  }
0x4e1: {  	v27 =	vshll.u32 v27, $0x7;
	[tilespmem:v23+s14+$0x0] =	vst.idx.add.s32.msk vm2, v24;
	v23 =	vsub.s32 $0x0, v29;
	v24 =	vcvt.s32.f32 v60  }
0x4e2: {  	v29 =	vsub.s32 $0x0, v31;
	v31 =	vcvt.s32.f32 v35;
	(erf) = vrcp.f32 v46  }
0x4e3: {  	v49 =	vor.u32 v18, v27;
	[tilespmem:v28+s14+$0x0] =	vst.idx.add.s32.msk vm1, v23;
	v23 =	vcvt.s32.f32 v61;
	(erf) = vrcp.f32 v24  }
0x4e4: {  	[tilespmem:v30+s14+$0x0] =	vst.idx.add.s32.msk vm3, v29;
	v28 =	vcvt.s32.f32 v62;
	v24 =	vsub.s32 $0x0, v59;
	(erf) = vrcp.f32 v31  }
0x4e5: {  	[tilespmem:v26+s14+$0x0] =	vst.idx.add.s32.msk vm4, v24;
	v24 =	vcvt.s32.f32 v63;
	(erf) = vrcp.f32 v23  }
0x4e6: {  	v26 =	vcvt.s32.f32 v45;
	(erf) = vrcp.f32 v28  }
0x4e7: {  	v29 =	vld.idx.msk [tilespmem:v47+s13+$0x0], $0xffff;
	v28 =	vcvt.s32.f32 v48;
	(erf) = vrcp.f32 v24  }
0x4e8: {  	v23 =	vld.idx.msk [tilespmem:v49+s12+$0x0], $0xffff;
	(erf) = vrcp.f32 v26  }
0x4e9: {  	(erf) = vrcp.f32 v28;
	_ =	sdelay $0x1  }
0x4ea: {  	v26 =	vpop (erf)  }
0x4eb: {  	vm4 =	vgt.s32 v29, v3;
	v30 =	vpop (erf)  }
0x4ec: {  	(xrf1) =	vunique.msk.u32 vm4, v23;
	v31 =	vpop (erf)  }
0x4ed: {  	v24 =	vpop (erf)  }
0x4ee: {  	v50 =	vpop (erf)  }
0x4ef: {  	v28 =	vpop (erf)  }
0x4f0: {  	v51 =	vpop (erf)  }
0x4f1: {  	v52 =	vpop (erf)  }
0x4f2: {  	v55 =	vld [tilespmem:$0x1FE10];
	vm1 =	vgt.s32 v63, $0x1;
	vm2 =	vgt.s32 v48, $0x1;
	v53 =	vadd.f32 $0.0e+00, v52  }
0x4f3: {  	vm2 =	vmand vm5, vm2;
	vm1 =	vmand vm6, vm1  }
0x4f4: {  	v28 =	vnsel vm1, $0x0, v28;
	v54 =	vnsel vm2, $0x0, v53  }
0x4f5: {  	v28 =	vadd.f32 v28, v54  }
0x4f6: {  	vm1 =	vgt.s32 v61, $0x1  }
0x4f7: {  	vm3 =	vnez.u8 v55;
	vm1 =	vmand vm7, vm1  }
0x4f8: {  	v24 =	vnsel vm1, $0x0, v24;
	vm1 =	vgt.s32 v45, $0x1;
	vm2 =	vgt.s32 v25, $0x0  }
0x4f9: {  	vm1 =	vmand vm8, vm1;
	vm2 =	vmand vm3, vm2;
	v24 =	vadd.f32 v24, v28  }
0x4fa: {  	v57 =	vnsel vm1, $0x0, v51;
	v56 =	vsel vm2, $0x3F800000, v9;
	vm2 =	vgt.s32 v62, $0x1;
	_, v28, vm8 =	vpop (xrf1)  }
0x4fb: {  	v25 =	vcvt.s32.f32 v25;
	vm1 =	vmand vm12, vm2;
	v58 =	vadd.f32 v57, v24  }
0x4fc: {  	v59 =	vor.u32 v19, v27;
	vm2 =	vgt.s32 v60, $0x1;
	v32 =	vnsel vm1, $0x0, v50  }
0x4fd: {  	s30 =	simm.s32 $0x0;
	v25 =	vadd.f32 v25, v22;
	vm1 =	vmand vm13, vm2;
	v32 =	vadd.f32 v32, v58  }
0x4fe: {  	v60 =	vmov s30;
	v30 =	vnsel vm1, $0x0, v30;
	vm1 =	vgt.s32 v33, $0x1  }
0x4ff: {  	vm2 =	veq.s32 v60, v3;
	vm1 =	vmand vm10, vm1;
	v30 =	vadd.f32 v30, v32  }
0x500: {  	v62 =	vadd.f32 $9.999999820e-14, v25;
	v26 =	vnsel vm1, $0x0, v26;
	vm1 =	vgt.s32 v35, $0x1;
	[tilespmem:v23+s14+$0x0] =	vst.idx.add.s32.msk vm8, v28  }
0x501: {  	v25 =	vcvt.s32.f32 v29;
	vm0 =	vmand vm0, vm1;
	v26 =	vadd.f32 v26, v30;
	v30 =	vld.idx.msk [tilespmem:v59+s12+$0x0], $0xffff  }
0x502: {  	v24 =	vimm.f32 $0.0e+00;
	vm12 =	vmmov vm2;
	v31 =	vnsel vm0, $0x0, v31  }
0x503: {  	s31 =	simm.s32 $0x1;
	v61 =	vsel vm2, v56, v24;
	vm0 =	vgt.s32 v29, $0x0;
	v26 =	vadd.f32 v31, v26  }
0x504: {  	v63 =	vadd.f32 v25, v22;
	vm0 =	vmand vm3, vm0;
	v31 =	vmov s31  }
0x505: {  	vm3 =	vgt.s32 v29, v6;
	v25 =	vsel vm0, $0x3F800000, v9;
	vm13 =	veq.s32 v31, v3;
	(xrf2) =	vadd.scan.msk.f32 $0xffff, v26  }
0x506: {  	s18 =	simm.s32 $0x2;
	(erf) = vrcp.f32 v62;
	v25 =	vsel vm13, v25, v61;
	v26 =	vadd.f32 $9.999999820e-14, v63;
	(xrf1) =	vunique.msk.u32 vm3, v30  }
.LBB2_12:
0x507: {  	_ =	sdelay $0x7  }
0x508: {  	v31, _, _ =	vpop (xrf2)  }
0x509: {  	v31 =	vbroadcast v31, $0xF  }
0x50a: {  	v32 =	vpop (erf)  }
0x50b: {  	v31 =	vmul.f32 v31, v32;
	_ =	sdelay $0x4  }
0x50c: {  	vm0 =	vmmov vm13;
	v24 =	vsel vm12, v31, v24;
	_, v31, vm13 =	vpop (xrf1);
	_ =	sdelay $0x1  }
0x50d: {  	v45 =	vor.u32 v20, v27;
	_ =	sdelay $0x3  }
0x50e: {  	[tilespmem:v30+s14+$0x0] =	vst.idx.add.s32.msk vm13, v31  }
0x50f: {  	v32 =	vld.idx.msk [tilespmem:v45+s12+$0x0], $0xffff;
	_ =	sdelay $0x2  }
0x510: {  	v33 =	vimm.s32 $0x0  }
0x511: {  	v44 =	vsel vm0, $0xFFFFFFFF, v33;
	vm0 =	vgt.s32 v29, v7  }
0x512: {  	(xrf1) =	vunique.msk.u32 vm0, v32;
	_ =	sdelay $0xd  }
0x513: {  	_, v47, vm1 =	vpop (xrf1);
	_ =	sdelay $0x1  }
0x514: {  	v27 =	vor.u32 v21, v27;
	_ =	sdelay $0x3  }
0x515: {  	[tilespmem:v32+s14+$0x0] =	vst.idx.add.s32.msk vm1, v47  }
0x516: {  	v34 =	vld.idx.msk [tilespmem:v27+s12+$0x0], $0xffff;
	_ =	sdelay $0x3  }
0x517: {  	vm15 =	vgt.s32 v29, v8  }
0x518: {  	(xrf1) =	vunique.msk.u32 vm15, v34;
	_ =	sdelay $0xc  }
0x519: {  	v37 =	vld [tilespmem:$0x1FDF0]  }
0x51a: {  	_, v29, vm2 =	vpop (xrf1)  }
0x51b: {  	v39 =	vld [tilespmem:$0x1FDE0]  }
0x51c: {  	v41 =	vld [tilespmem:$0x1FE00]  }
0x51d: {  	v48 =	vld [tilespmem:$0x1FDD0]  }
0x51e: {  	vm10 =	vnez.u8 v37;
	_ =	sdelay $0x1  }
0x51f: {  	vm7 =	vnez.u8 v39;
	[tilespmem:v34+s14+$0x0] =	vst.idx.add.s32.msk vm2, v29  }
0x520: {  	vm9 =	vnez.u8 v41;
	v27 =	vld.idx.msk [tilespmem:v32+s14+$0x0], vm0  }
0x521: {  	vm6 =	vnez.u8 v48;
	v35 =	vld.idx.msk [tilespmem:v30+s14+$0x0], vm3  }
0x522: {  	s19 =	smov.u32 s18;
	v36 =	vld.idx.msk [tilespmem:v34+s14+$0x0], vm15  }
0x523: {  	v46 =	vimm.s32 $0x0;
	s20 =	sadd.s32 $0x10, s19;
	v37 =	vld.idx.msk [tilespmem:v13+s14+$0x0], vm10  }
0x524: {  	v28 =	vsub.s32 $0x0, v28;
	v33 =	vsel vm0, $0xFFFFFFFF, v46;
	v40 =	vmov s20;
	v38 =	vld.idx.msk [tilespmem:v23+s14+$0x0], vm4  }
0x525: {  	[tilespmem:$0x1FD30] =	vst v44;
	v39 =	vld.idx.msk [tilespmem:v11+s14+$0x0], vm7;
	v42 =	vcvt.s32.f32 v27;
	vm0 =	vgt.s32 v27, $0x1;
	v27 =	vimm.s32 $0x0  }
0x526: {  	[tilespmem:$0x1FD40] =	vst v33;
	v43 =	vor.u32 $0x100, v40;
	v41 =	vld.idx.msk [tilespmem:v15+s14+$0x0], vm9;
	v44 =	vcvt.s32.f32 v35;
	v27 =	vsel vm0, $0xFFFFFFFF, v27  }
0x527: {  	v46 =	vcvt.s32.f32 v36;
	[tilespmem:$0x1FD50] =	vst v27;
	v27 =	vshll.u32 v40, $0x7;
	v40 =	vld.idx.msk [tilespmem:v10+s14+$0x0], vm6;
	(erf) = vrcp.f32 v42  }
0x528: {  	v31 =	vsub.s32 $0x0, v31;
	[tilespmem:v23+s14+$0x0] =	vst.idx.add.s32.msk vm8, v28;
	v23 =	vcvt.s32.f32 v37;
	(erf) = vrcp.f32 v44  }
0x529: {  	v33 =	vsub.s32 $0x0, v47;
	v28 =	vcvt.s32.f32 v38;
	[tilespmem:v30+s14+$0x0] =	vst.idx.add.s32.msk vm13, v31;
	(erf) = vrcp.f32 v46  }
0x52a: {  	v29 =	vsub.s32 $0x0, v29;
	v30 =	vcvt.s32.f32 v39;
	[tilespmem:v32+s14+$0x0] =	vst.idx.add.s32.msk vm1, v33;
	(erf) = vrcp.f32 v23  }
0x52b: {  	v31 =	vcvt.s32.f32 v41;
	[tilespmem:v34+s14+$0x0] =	vst.idx.add.s32.msk vm2, v29;
	(erf) = vrcp.f32 v28  }
0x52c: {  	v45 =	vor.u32 v18, v27;
	v29 =	vld.idx.msk [tilespmem:v43+s13+$0x0], $0xffff;
	v28 =	vcvt.s32.f32 v40;
	(erf) = vrcp.f32 v30  }
0x52d: {  	(erf) = vrcp.f32 v31  }
0x52e: {  	(erf) = vrcp.f32 v28;
	_ =	sdelay $0x1  }
0x52f: {  	v30 =	vpop (erf)  }
0x530: {  	v23 =	vld.idx.msk [tilespmem:v45+s12+$0x0], $0xffff;
	v28 =	vcvt.s32.f32 v29;
	v31 =	vpop (erf)  }
0x531: {  	v51 =	vpop (erf)  }
0x532: {  	v54 =	vpop (erf)  }
0x533: {  	vm1 =	vgt.s32 v38, $0x1;
	v55 =	vpop (erf)  }
0x534: {  	vm12 =	vmand vm4, vm1;
	vm4 =	vgt.s32 v29, v3;
	v52 =	vadd.f32 v28, v22;
	v28 =	vpop (erf)  }
0x535: {  	(xrf1) =	vunique.msk.u32 vm4, v23;
	v57 =	vpop (erf)  }
0x536: {  	vm14 =	vgt.s32 v37, $0x1;
	v58 =	vpop (erf)  }
0x537: {  	vm8 =	vgt.s32 v39, $0x1;
	vm5 =	vgt.s32 v40, $0x1;
	v37 =	vadd.f32 $0.0e+00, v58  }
0x538: {  	vm8 =	vmand vm7, vm8;
	vm5 =	vmand vm6, vm5  }
0x539: {  	v28 =	vnsel vm8, $0x0, v28;
	v37 =	vnsel vm5, $0x0, v37  }
0x53a: {  	vm5 =	vmand vm10, vm14;
	v28 =	vadd.f32 v28, v37  }
0x53b: {  	vm11 =	vmmov vm3;
	vm3 =	vgt.s32 v41, $0x1;
	v32 =	vnsel vm5, $0x0, v54  }
0x53c: {  	vm3 =	vmand vm9, vm3;
	v28 =	vadd.f32 v32, v28  }
0x53d: {  	v59 =	vnsel vm3, $0x0, v57  }
0x53e: {  	v32 =	vadd.f32 v59, v28;
	v28 =	vld [tilespmem:$0x1FD30]  }
0x53f: {  	v49 =	vld [tilespmem:$0x1FE10];
	_ =	sdelay $0x1  }
0x540: {  	v61 =	vld [tilespmem:$0x1FD40]  }
0x541: {  	v62 =	vld [tilespmem:$0x1FD50]  }
0x542: {  	v34 =	vnsel vm12, $0x0, v55;
	vm12 =	vnez.u8 v28;
	_, v28, vm8 =	vpop (xrf1)  }
0x543: {  	vm0 =	vnez.u8 v49  }
0x544: {  	v60 =	vor.u32 v19, v27;
	vm2 =	vgt.s32 v35, $0x1;
	vm13 =	vgt.s32 v29, $0x0  }
0x545: {  	vm2 =	vmand vm11, vm2;
	vm13 =	vmand vm0, vm13;
	v32 =	vadd.f32 v34, v32  }
0x546: {  	vm0 =	vnez.u8 v61;
	v31 =	vnsel vm2, $0x0, v31;
	vm2 =	vnez.u8 v62  }
0x547: {  	vm0 =	vmand vm0, vm2;
	v31 =	vadd.f32 v31, v32  }
0x548: {  	vm1 =	vgt.s32 v36, $0x1;
	v30 =	vnsel vm0, $0x0, v30;
	[tilespmem:v23+s14+$0x0] =	vst.idx.add.s32.msk vm8, v28  }
0x549: {  	p0 =	sne.s32 s18, $0xF;
	vm0 =	vmand vm15, vm1;
	v31 =	vadd.f32 v30, v31;
	v30 =	vld.idx.msk [tilespmem:v60+s12+$0x0], $0xffff  }
.Ltmp5:
0x54a: {  	v63 =	vnsel vm0, $0x0, v51;
	(pc) =	sbr.rel @p0 .LBB2_12-.Ltmp5, $4  }
0x54b: {  	v31 =	vadd.f32 v63, v31  }
0x54c: {  	v50 =	vmov s19;
	v56 =	vadd.f32 $9.999999820e-14, v52  }
0x54d: {  	v53 =	vsel vm13, $0x3F800000, v9;
	vm13 =	veq.s32 v50, v3;
	vm3 =	vgt.s32 v29, v6;
	(xrf2) =	vadd.scan.msk.f32 $0xffff, v31  }
0x54e: {  	s18 =	sadd.s32 $0x1, s18;
	v25 =	vsel vm13, v53, v25;
	(erf) = vrcp.f32 v26;
	v26 =	vmovc v56;
	(xrf1) =	vunique.msk.u32 vm3, v30  }
0x54f: {  	_ =	sdelay $0xc  }
0x550: {  	_, v18, vm0 =	vpop (xrf1);
	_ =	sdelay $0x1  }
0x551: {  	v19 =	vor.u32 v20, v27;
	_ =	sdelay $0x3  }
0x552: {  	[tilespmem:v30+s14+$0x0] =	vst.idx.add.s32.msk vm0, v18  }
0x553: {  	v19 =	vld.idx.msk [tilespmem:v19+s12+$0x0], $0xffff;
	_ =	sdelay $0x3  }
0x554: {  	vm1 =	vgt.s32 v29, v7  }
0x555: {  	(xrf1) =	vunique.msk.u32 vm1, v19;
	_ =	sdelay $0xd  }
0x556: {  	_, v20, vm11 =	vpop (xrf1);
	_ =	sdelay $0x1  }
0x557: {  	v21 =	vor.u32 v21, v27;
	_ =	sdelay $0x3  }
0x558: {  	[tilespmem:v19+s14+$0x0] =	vst.idx.add.s32.msk vm11, v20  }
0x559: {  	v21 =	vld.idx.msk [tilespmem:v21+s12+$0x0], $0xffff;
	_ =	sdelay $0x3  }
0x55a: {  	vm2 =	vgt.s32 v29, v8  }
0x55b: {  	(xrf1) =	vunique.msk.u32 vm2, v21;
	_ =	sdelay $0xc  }
0x55c: {  	v32 =	vld [tilespmem:$0x1FDF0]  }
0x55d: {  	_, v22, vm14 =	vpop (xrf1)  }
0x55e: {  	v34 =	vld [tilespmem:$0x1FDE0]  }
0x55f: {  	v36 =	vld [tilespmem:$0x1FE00]  }
0x560: {  	v38 =	vld [tilespmem:$0x1FDD0]  }
0x561: {  	vm7 =	vnez.u8 v32;
	_ =	sdelay $0x1  }
0x562: {  	vm6 =	vnez.u8 v34;
	[tilespmem:v21+s14+$0x0] =	vst.idx.add.s32.msk vm14, v22  }
0x563: {  	vm9 =	vnez.u8 v36;
	v27 =	vld.idx.msk [tilespmem:v19+s14+$0x0], vm1  }
0x564: {  	vm5 =	vnez.u8 v38;
	v29 =	vld.idx.msk [tilespmem:v30+s14+$0x0], vm3  }
0x565: {  	v31 =	vld.idx.msk [tilespmem:v21+s14+$0x0], vm2  }
0x566: {  	v32 =	vld.idx.msk [tilespmem:v13+s14+$0x0], vm7  }
0x567: {  	v33 =	vld.idx.msk [tilespmem:v23+s14+$0x0], vm4  }
0x568: {  	v34 =	vld.idx.msk [tilespmem:v11+s14+$0x0], vm6;
	v35 =	vcvt.s32.f32 v27  }
0x569: {  	v36 =	vld.idx.msk [tilespmem:v15+s14+$0x0], vm9;
	v37 =	vcvt.s32.f32 v29  }
0x56a: {  	v38 =	vld.idx.msk [tilespmem:v10+s14+$0x0], vm5;
	v39 =	vcvt.s32.f32 v31;
	(erf) = vrcp.f32 v35  }
0x56b: {  	v43 =	vcvt.s32.f32 v32;
	(erf) = vrcp.f32 v37  }
0x56c: {  	v44 =	vcvt.s32.f32 v33;
	(erf) = vrcp.f32 v39  }
0x56d: {  	v45 =	vcvt.s32.f32 v34;
	(erf) = vrcp.f32 v43  }
0x56e: {  	v46 =	vcvt.s32.f32 v36;
	(erf) = vrcp.f32 v44  }
0x56f: {  	v47 =	vcvt.s32.f32 v38;
	(erf) = vrcp.f32 v45  }
0x570: {  	(erf) = vrcp.f32 v46  }
0x571: {  	(erf) = vrcp.f32 v47  }
0x572: {  	v48 =	vpop (erf)  }
0x573: {  	v49 =	vpop (erf)  }
0x574: {  	v50 =	vpop (erf)  }
0x575: {  	v40 =	vpop (erf)  }
0x576: {  	v41 =	vpop (erf)  }
0x577: {  	v42 =	vpop (erf)  }
0x578: {  	v43 =	vpop (erf)  }
0x579: {  	v44 =	vpop (erf)  }
0x57a: {  	vm15 =	vmmov vm3;
	vm10 =	vmmov vm4;
	v45 =	vpop (erf)  }
0x57b: {  	vm3 =	vgt.s32 v34, $0x1;
	vm4 =	vgt.s32 v38, $0x1;
	v45 =	vadd.f32 $0.0e+00, v45  }
0x57c: {  	vm4 =	vmand vm5, vm4;
	vm3 =	vmand vm6, vm3  }
0x57d: {  	vm6 =	vgt.s32 v32, $0x1;
	v51 =	vnsel vm3, $0x0, v43;
	v52 =	vnsel vm4, $0x0, v45  }
0x57e: {  	vm3 =	vmand vm7, vm6;
	v53 =	vadd.f32 v51, v52  }
0x57f: {  	vm6 =	vgt.s32 v36, $0x1;
	v54 =	vnsel vm3, $0x0, v41  }
0x580: {  	vm3 =	vmand vm9, vm6;
	v32 =	vadd.f32 v54, v53  }
0x581: {  	v55 =	vnsel vm3, $0x0, v44;
	vm4 =	vgt.s32 v33, $0x1  }
0x582: {  	vm3 =	vmand vm10, vm4;
	v32 =	vadd.f32 v55, v32  }
0x583: {  	vm4 =	vgt.s32 v29, $0x1;
	v29 =	vnsel vm3, $0x0, v42  }
0x584: {  	vm3 =	vmand vm15, vm4;
	v29 =	vadd.f32 v29, v32  }
0x585: {  	vm4 =	vgt.s32 v27, $0x1;
	v27 =	vnsel vm3, $0x0, v50  }
0x586: {  	vm1 =	vmand vm1, vm4;
	v27 =	vadd.f32 v27, v29  }
0x587: {  	vm7 =	vgt.s32 v31, $0x1;
	v29 =	vnsel vm1, $0x0, v49  }
0x588: {  	vm4 =	vmand vm2, vm7;
	v27 =	vadd.f32 v29, v27  }
0x589: {  	v29 =	vnsel vm4, $0x0, v40  }
0x58a: {  	v27 =	vadd.f32 v29, v27;
	_ =	sdelay $0x1  }
0x58b: {  	(xrf2) =	vadd.scan.msk.f32 $0xffff, v27;
	_ =	sdelay $0x2  }
0x58c: {  	(erf) = vrcp.f32 v26;
	_ =	sdelay $0x5  }
0x58d: {  	v26, _, _ =	vpop (xrf2)  }
0x58e: {  	v26 =	vbroadcast v26, $0xF;
	v27, _, _ =	vpop (xrf2)  }
0x58f: {  	v28 =	vsub.s32 $0x0, v28;
	v27 =	vbroadcast v27, $0xF  }
0x590: {  	v18 =	vsub.s32 $0x0, v18;
	[tilespmem:v23+s14+$0x0] =	vst.idx.add.s32.msk vm8, v28;
	v26 =	vmul.f32 v26, v48;
	v23 =	vpop (erf)  }
0x591: {  	v20 =	vsub.s32 $0x0, v20;
	[tilespmem:v30+s14+$0x0] =	vst.idx.add.s32.msk vm0, v18;
	v18 =	vmul.f32 v27, v23  }
0x592: {  	[tilespmem:v19+s14+$0x0] =	vst.idx.add.s32.msk vm11, v20;
	v19 =	vsub.s32 $0x0, v22;
	vm5 =	vmmov vm13;
	v23 =	vsel vm12, v26, v24  }
0x593: {  	[tilespmem:v21+s14+$0x0] =	vst.idx.add.s32.msk vm14, v19;
	v18 =	vsel vm5, v18, v23  }
0x594: {  	[tilespmem:$0x4790] =	vst v18;
	v18 =	vld [tilespmem:$0x1FD90];
	_ =	sdelay $0x4  }
0x595: {  	vm6 =	vnez.u8 v18;
	_ =	sdelay $0x4  }
0x596: {  	v12 =	vsub.s32 $0x0, v12;
	[tilespmem:$0x4990] =	vst v25  }
0x597: {  	[tilespmem:v10+s14+$0x0] =	vst.idx.add.s32.msk vm6, v12  }
0x598: {  	v12 =	vld [tilespmem:$0x1FDA0];
	_ =	sdelay $0x4  }
0x599: {  	vm7 =	vnez.u8 v12;
	_ =	sdelay $0x4  }
0x59a: {  	v10 =	vsub.s32 $0x0, v14  }
0x59b: {  	[tilespmem:v11+s14+$0x0] =	vst.idx.add.s32.msk vm7, v10  }
0x59c: {  	v11 =	vld [tilespmem:$0x1FDB0];
	_ =	sdelay $0x4  }
0x59d: {  	vm4 =	vnez.u8 v11;
	v11 =	vld [tilespmem:$0x1FDC0];
	_ =	sdelay $0x4  }
0x59e: {  	vm5 =	vnez.u8 v11;
	_ =	sdelay $0x3  }
0x59f: {  	v10 =	vsub.s32 $0x0, v16  }
0x5a0: {  	[tilespmem:v13+s14+$0x0] =	vst.idx.add.s32.msk vm4, v10;
	v10 =	vsub.s32 $0x0, v17  }
0x5a1: {  	[tilespmem:v15+s14+$0x0] =	vst.idx.add.s32.msk vm5, v10  }
0x5a2: {  	v25 =	vld.idx.msk [tilespmem:v4+s11+$0x0], $0xffff  }
0x5a3: {  	v10 =	vld [tilespmem:$0x180];
	_ =	sdelay $0x3  }
0x5a4: {  	vm5 =	vgt.s32 v25, v3  }
0x5a5: {  	(xrf1) =	vunique.msk.u32 vm5, v10;
	_ =	sdelay $0xd  }
0x5a6: {  	_, v12, vm6 =	vpop (xrf1);
	_ =	sdelay $0x4  }
0x5a7: {  	v11 =	vimm.s32 $0x0  }
0x5a8: {  	v11 =	vsel vm6, $0xFFFFFFFF, v11;
	[tilespmem:v10+s14+$0x0] =	vst.idx.add.s32.msk vm6, v12  }
0x5a9: {  	[tilespmem:$0x1FCA0] =	vst v11;
	v11 =	vld [tilespmem:$0x190];
	_ =	sdelay $0x3  }
0x5aa: {  	vm6 =	vgt.s32 v25, v6  }
0x5ab: {  	(xrf1) =	vunique.msk.u32 vm6, v11;
	_ =	sdelay $0xd  }
0x5ac: {  	_, v14, vm7 =	vpop (xrf1);
	_ =	sdelay $0x4  }
0x5ad: {  	v13 =	vimm.s32 $0x0  }
0x5ae: {  	v13 =	vsel vm7, $0xFFFFFFFF, v13;
	[tilespmem:v11+s14+$0x0] =	vst.idx.add.s32.msk vm7, v14  }
0x5af: {  	[tilespmem:$0x1FCB0] =	vst v13;
	v13 =	vld [tilespmem:$0x1A0];
	_ =	sdelay $0x3  }
0x5b0: {  	vm7 =	vgt.s32 v25, v7  }
0x5b1: {  	(xrf1) =	vunique.msk.u32 vm7, v13;
	_ =	sdelay $0xd  }
0x5b2: {  	_, v16, vm4 =	vpop (xrf1);
	_ =	sdelay $0x4  }
0x5b3: {  	v15 =	vimm.s32 $0x0  }
0x5b4: {  	v15 =	vsel vm4, $0xFFFFFFFF, v15;
	[tilespmem:v13+s14+$0x0] =	vst.idx.add.s32.msk vm4, v16  }
0x5b5: {  	[tilespmem:$0x1FCC0] =	vst v15;
	v15 =	vld [tilespmem:$0x1B0];
	_ =	sdelay $0x3  }
0x5b6: {  	vm12 =	vgt.s32 v25, v8  }
0x5b7: {  	(xrf1) =	vunique.msk.u32 vm12, v15;
	_ =	sdelay $0xd  }
0x5b8: {  	s18 =	simm.s32 $0x0;
	_, v17, vm4 =	vpop (xrf1)  }
0x5b9: {  	v26 =	vmov s18  }
0x5ba: {  	v19 =	vor.u32 $0x180, v26;
	v22 =	vshll.u32 v26, $0x7;
	v18 =	vor.u32 $0x3000, v3  }
0x5bb: {  	v20 =	vor.u32 v18, v22;
	_ =	sdelay $0x2  }
0x5bc: {  	[tilespmem:v15+s14+$0x0] =	vst.idx.add.s32.msk vm4, v17  }
0x5bd: {  	v30 =	vld.idx.msk [tilespmem:v19+s13+$0x0], $0xffff  }
0x5be: {  	v23 =	vld.idx.msk [tilespmem:v20+s12+$0x0], $0xffff;
	_ =	sdelay $0x3  }
0x5bf: {  	vm11 =	vgt.s32 v30, v3  }
0x5c0: {  	(xrf1) =	vunique.msk.u32 vm11, v23;
	_ =	sdelay $0xd  }
0x5c1: {  	_, v24, vm1 =	vpop (xrf1)  }
0x5c2: {  	v19 =	vor.u32 $0x3010, v3  }
0x5c3: {  	v20 =	vor.u32 v19, v22;
	_ =	sdelay $0x3  }
0x5c4: {  	[tilespmem:v23+s14+$0x0] =	vst.idx.add.s32.msk vm1, v24  }
0x5c5: {  	v28 =	vld.idx.msk [tilespmem:v20+s12+$0x0], $0xffff;
	_ =	sdelay $0x3  }
0x5c6: {  	vm8 =	vgt.s32 v30, v6  }
0x5c7: {  	(xrf1) =	vunique.msk.u32 vm8, v28;
	_ =	sdelay $0xd  }
0x5c8: {  	v21 =	vimm.s32 $0x0;
	_, v29, vm2 =	vpop (xrf1)  }
0x5c9: {  	v21 =	vsel vm4, $0xFFFFFFFF, v21;
	v20 =	vor.u32 $0x3020, v3  }
0x5ca: {  	[tilespmem:$0x1FCD0] =	vst v21;
	v21 =	vor.u32 v20, v22;
	_ =	sdelay $0x3  }
0x5cb: {  	[tilespmem:v28+s14+$0x0] =	vst.idx.add.s32.msk vm2, v29  }
0x5cc: {  	v31 =	vld.idx.msk [tilespmem:v21+s12+$0x0], $0xffff;
	_ =	sdelay $0x3  }
0x5cd: {  	vm10 =	vgt.s32 v30, v7  }
0x5ce: {  	(xrf1) =	vunique.msk.u32 vm10, v31;
	_ =	sdelay $0xd  }
0x5cf: {  	_, v56, vm3 =	vpop (xrf1)  }
0x5d0: {  	v21 =	vor.u32 $0x3030, v3  }
0x5d1: {  	v22 =	vor.u32 v21, v22;
	_ =	sdelay $0x3  }
0x5d2: {  	[tilespmem:v31+s14+$0x0] =	vst.idx.add.s32.msk vm3, v56  }
0x5d3: {  	v22 =	vld.idx.msk [tilespmem:v22+s12+$0x0], $0xffff;
	_ =	sdelay $0x3  }
0x5d4: {  	vm0 =	vgt.s32 v30, v8  }
0x5d5: {  	(xrf1) =	vunique.msk.u32 vm0, v22;
	_ =	sdelay $0xd  }
0x5d6: {  	_, v57, vm4 =	vpop (xrf1);
	_ =	sdelay $0x5  }
0x5d7: {  	[tilespmem:v22+s14+$0x0] =	vst.idx.add.s32.msk vm4, v57  }
0x5d8: {  	v34 =	vld.idx.msk [tilespmem:v22+s14+$0x0], vm0  }
0x5d9: {  	v35 =	vld.idx.msk [tilespmem:v31+s14+$0x0], vm10  }
0x5da: {  	v58 =	vld.idx.msk [tilespmem:v23+s14+$0x0], vm11  }
0x5db: {  	v59 =	vld.idx.msk [tilespmem:v28+s14+$0x0], vm8  }
0x5dc: {  	v60 =	vld.idx.msk [tilespmem:v13+s14+$0x0], vm7  }
0x5dd: {  	v61 =	vld.idx.msk [tilespmem:v11+s14+$0x0], vm6  }
0x5de: {  	s31 =	simm.s32 $0x1;
	v62 =	vld.idx.msk [tilespmem:v10+s14+$0x0], vm5  }
0x5df: {  	v40 =	vmov s31;
	v24 =	vsub.s32 $0x0, v24;
	v48 =	vld.idx.msk [tilespmem:v15+s14+$0x0], vm12  }
0x5e0: {  	v63 =	vor.u32 $0x180, v40;
	v27 =	vshll.u32 v40, $0x7;
	[tilespmem:v23+s14+$0x0] =	vst.idx.add.s32.msk vm1, v24;
	v24 =	vcvt.s32.f32 v34  }
0x5e1: {  	v49 =	vor.u32 v18, v27;
	v23 =	vsub.s32 $0x0, v29;
	v50 =	vcvt.s32.f32 v35  }
0x5e2: {  	v29 =	vsub.s32 $0x0, v56;
	[tilespmem:v28+s14+$0x0] =	vst.idx.add.s32.msk vm2, v23;
	v23 =	vcvt.s32.f32 v58;
	(erf) = vrcp.f32 v24  }
0x5e3: {  	[tilespmem:v31+s14+$0x0] =	vst.idx.add.s32.msk vm3, v29;
	v28 =	vcvt.s32.f32 v59;
	v24 =	vsub.s32 $0x0, v57;
	(erf) = vrcp.f32 v50  }
0x5e4: {  	[tilespmem:v22+s14+$0x0] =	vst.idx.add.s32.msk vm4, v24;
	v22 =	vcvt.s32.f32 v60;
	(erf) = vrcp.f32 v23  }
0x5e5: {  	v24 =	vcvt.s32.f32 v61;
	(erf) = vrcp.f32 v28  }
0x5e6: {  	v28 =	vcvt.s32.f32 v62;
	(erf) = vrcp.f32 v22  }
0x5e7: {  	v29 =	vld.idx.msk [tilespmem:v63+s13+$0x0], $0xffff;
	(erf) = vrcp.f32 v24  }
0x5e8: {  	v23 =	vld.idx.msk [tilespmem:v49+s12+$0x0], $0xffff;
	(erf) = vrcp.f32 v28;
	_ =	sdelay $0x2  }
0x5e9: {  	v22 =	vcvt.s32.f32 v48;
	v31 =	vpop (erf)  }
0x5ea: {  	vm9 =	vgt.s32 v29, v3;
	v32 =	vpop (erf)  }
0x5eb: {  	(xrf1) =	vunique.msk.u32 vm9, v23;
	v51 =	vpop (erf)  }
0x5ec: {  	v52 =	vpop (erf)  }
0x5ed: {  	(erf) = vrcp.f32 v22;
	v22 =	vpop (erf)  }
0x5ee: {  	v24 =	vpop (erf)  }
0x5ef: {  	v28 =	vpop (erf)  }
0x5f0: {  	vm1 =	vgt.s32 v61, $0x1;
	vm4 =	vgt.s32 v62, $0x1;
	v28 =	vadd.f32 $0.0e+00, v28  }
0x5f1: {  	vm1 =	vmand vm6, vm1;
	vm2 =	vmand vm5, vm4  }
0x5f2: {  	v53 =	vimm.s32 $0x0;
	v24 =	vnsel vm1, $0x0, v24;
	v28 =	vnsel vm2, $0x0, v28  }
0x5f3: {  	v54 =	vimm.s32 $0x0;
	v24 =	vadd.f32 v24, v28;
	v28 =	vimm.s32 $0x0  }
0x5f4: {  	v39 =	vsel vm5, $0xFFFFFFFF, v53;
	vm5 =	vgt.s32 v60, $0x1;
	v28 =	vsel vm7, $0xFFFFFFFF, v28  }
0x5f5: {  	vm13 =	veq.s32 v40, v3;
	[tilespmem:$0x1FCE0] =	vst v39;
	v39 =	vsel vm6, $0xFFFFFFFF, v54;
	vm6 =	vmand vm7, vm5  }
0x5f6: {  	vm3 =	vgt.s32 v25, $0x0;
	vm4 =	vgt.s32 v48, $0x1;
	v22 =	vnsel vm6, $0x0, v22  }
0x5f7: {  	v57 =	vcvt.s32.f32 v30;
	vm1 =	vmand vm12, vm4;
	[tilespmem:$0x1FD00] =	vst v28;
	v55 =	vadd.f32 v22, v24;
	v28 =	vpop (erf)  }
0x5f8: {  	vm5 =	vgt.s32 v59, $0x1;
	vm7 =	vgt.s32 v58, $0x1;
	v56 =	vnsel vm1, $0x0, v28  }
0x5f9: {  	v62 =	vcvt.s32.f32 v29;
	vm2 =	vmand vm11, vm7;
	_, v28, vm11 =	vpop (xrf1);
	v36 =	vadd.f32 v56, v55  }
0x5fa: {  	vm6 =	vgt.s32 v35, $0x1;
	v58 =	vor.u32 v19, v27;
	v33 =	vnsel vm2, $0x0, v51  }
0x5fb: {  	v22 =	vimm.s32 $0x0;
	vm1 =	vmand vm8, vm5;
	v33 =	vadd.f32 v33, v36  }
0x5fc: {  	vm4 =	vgt.s32 v30, $0x0;
	v22 =	vsel vm12, $0xFFFFFFFF, v22;
	v59 =	vnsel vm1, $0x0, v52  }
0x5fd: {  	vm7 =	vmand vm10, vm6;
	[tilespmem:$0x1FD10] =	vst v22;
	v22 =	vcvt.s32.f32 v25;
	v30 =	vadd.f32 v59, v33  }
0x5fe: {  	vm6 =	veq.s32 v26, v3;
	v32 =	vnsel vm7, $0x0, v32;
	vm5 =	vgt.s32 v34, $0x1  }
0x5ff: {  	v25 =	vadd.f32 v57, v22;
	vm0 =	vmand vm0, vm5;
	[tilespmem:v23+s14+$0x0] =	vst.idx.add.s32.msk vm11, v28;
	v26 =	vadd.f32 v32, v30  }
0x600: {  	v24 =	vimm.f32 $0.0e+00;
	vm2 =	vmand vm3, vm4;
	v31 =	vnsel vm0, $0x0, v31;
	v30 =	vld.idx.msk [tilespmem:v58+s12+$0x0], $0xffff  }
0x601: {  	v63 =	vadd.f32 $9.999999820e-14, v25;
	v25 =	vadd.f32 v31, v26;
	v26 =	vimm.s32 $0x0  }
0x602: {  	[tilespmem:$0x1FCF0] =	vst v39;
	vm7 =	vgt.s32 v29, $0x0;
	vm10 =	vmmov vm6;
	v26 =	vsel vm3, $0xFFFFFFFF, v26  }
0x603: {  	v60 =	vsel vm2, $0x3F800000, v9;
	vm0 =	vmand vm3, vm7;
	[tilespmem:$0x1FD20] =	vst v26;
	v26 =	vadd.f32 v62, v22  }
0x604: {  	vm12 =	vgt.s32 v29, v6;
	v61 =	vsel vm6, v60, v24;
	v31 =	vsel vm0, $0x3F800000, v9;
	(xrf2) =	vadd.scan.msk.f32 $0xffff, v25  }
0x605: {  	s18 =	simm.s32 $0x2;
	(erf) = vrcp.f32 v63;
	v25 =	vsel vm13, v31, v61;
	v26 =	vadd.f32 $9.999999820e-14, v26;
	(xrf1) =	vunique.msk.u32 vm12, v30  }
.LBB2_14:
0x606: {  	_ =	sdelay $0x7  }
0x607: {  	v31, _, _ =	vpop (xrf2)  }
0x608: {  	v31 =	vbroadcast v31, $0xF  }
0x609: {  	v32 =	vpop (erf)  }
0x60a: {  	v31 =	vmul.f32 v31, v32;
	_ =	sdelay $0x1  }
0x60b: {  	vm0 =	vmmov vm13;
	v24 =	vsel vm10, v31, v24;
	v31 =	vimm.s32 $0x0  }
0x60c: {  	v31 =	vsel vm0, $0xFFFFFFFF, v31;
	_ =	sdelay $0x3  }
0x60d: {  	[tilespmem:$0x1FC70] =	vst v31;
	_, v31, vm13 =	vpop (xrf1);
	_ =	sdelay $0x1  }
0x60e: {  	v46 =	vor.u32 v20, v27;
	_ =	sdelay $0x3  }
0x60f: {  	[tilespmem:v30+s14+$0x0] =	vst.idx.add.s32.msk vm13, v31  }
0x610: {  	v32 =	vld.idx.msk [tilespmem:v46+s12+$0x0], $0xffff;
	_ =	sdelay $0x3  }
0x611: {  	vm4 =	vgt.s32 v29, v7  }
0x612: {  	(xrf1) =	vunique.msk.u32 vm4, v32;
	_ =	sdelay $0xd  }
0x613: {  	_, v47, vm1 =	vpop (xrf1);
	_ =	sdelay $0x1  }
0x614: {  	v27 =	vor.u32 v21, v27;
	_ =	sdelay $0x3  }
0x615: {  	[tilespmem:v32+s14+$0x0] =	vst.idx.add.s32.msk vm1, v47  }
0x616: {  	v34 =	vld.idx.msk [tilespmem:v27+s12+$0x0], $0xffff;
	_ =	sdelay $0x3  }
0x617: {  	vm15 =	vgt.s32 v29, v8  }
0x618: {  	(xrf1) =	vunique.msk.u32 vm15, v34;
	_ =	sdelay $0xd  }
0x619: {  	v38 =	vld [tilespmem:$0x1FD00];
	_, v29, vm2 =	vpop (xrf1)  }
0x61a: {  	v39 =	vld [tilespmem:$0x1FCF0]  }
0x61b: {  	v41 =	vld [tilespmem:$0x1FCE0]  }
0x61c: {  	v44 =	vld [tilespmem:$0x1FD10];
	_ =	sdelay $0x1  }
0x61d: {  	vm10 =	vnez.u8 v38  }
0x61e: {  	vm7 =	vnez.u8 v39;
	[tilespmem:v34+s14+$0x0] =	vst.idx.add.s32.msk vm2, v29  }
0x61f: {  	vm6 =	vnez.u8 v41;
	v27 =	vld.idx.msk [tilespmem:v34+s14+$0x0], vm15  }
0x620: {  	vm0 =	vnez.u8 v44;
	v35 =	vld.idx.msk [tilespmem:v32+s14+$0x0], vm4  }
0x621: {  	v36 =	vld.idx.msk [tilespmem:v23+s14+$0x0], vm9  }
0x622: {  	s19 =	smov.u32 s18;
	v33 =	vimm.s32 $0x0;
	v37 =	vld.idx.msk [tilespmem:v30+s14+$0x0], vm12  }
0x623: {  	v28 =	vsub.s32 $0x0, v28;
	v33 =	vsel vm4, $0xFFFFFFFF, v33;
	v40 =	vmov s19;
	v38 =	vld.idx.msk [tilespmem:v13+s14+$0x0], vm10  }
0x624: {  	v39 =	vld.idx.msk [tilespmem:v11+s14+$0x0], vm7;
	v42 =	vcvt.s32.f32 v27;
	vm5 =	vgt.s32 v27, $0x1;
	v27 =	vimm.s32 $0x0  }
0x625: {  	[tilespmem:$0x1FC80] =	vst v33;
	v43 =	vor.u32 $0x180, v40;
	v31 =	vsub.s32 $0x0, v31;
	v41 =	vld.idx.msk [tilespmem:v10+s14+$0x0], vm6;
	v27 =	vsel vm5, $0xFFFFFFFF, v27  }
0x626: {  	v33 =	vsub.s32 $0x0, v47;
	v44 =	vld.idx.msk [tilespmem:v15+s14+$0x0], vm0;
	v45 =	vcvt.s32.f32 v35;
	[tilespmem:$0x1FC90] =	vst v27;
	v27 =	vshll.u32 v40, $0x7  }
0x627: {  	[tilespmem:v23+s14+$0x0] =	vst.idx.add.s32.msk vm11, v28;
	v47 =	vcvt.s32.f32 v36;
	(erf) = vrcp.f32 v42;
	v46 =	vor.u32 v18, v27  }
0x628: {  	[tilespmem:v30+s14+$0x0] =	vst.idx.add.s32.msk vm13, v31;
	v23 =	vcvt.s32.f32 v37;
	(erf) = vrcp.f32 v45  }
0x629: {  	v29 =	vsub.s32 $0x0, v29;
	[tilespmem:v32+s14+$0x0] =	vst.idx.add.s32.msk vm1, v33;
	v28 =	vcvt.s32.f32 v38;
	(erf) = vrcp.f32 v47  }
0x62a: {  	[tilespmem:v34+s14+$0x0] =	vst.idx.add.s32.msk vm2, v29;
	v30 =	vcvt.s32.f32 v39;
	(erf) = vrcp.f32 v23  }
0x62b: {  	v29 =	vld.idx.msk [tilespmem:v43+s13+$0x0], $0xffff;
	v31 =	vcvt.s32.f32 v41;
	(erf) = vrcp.f32 v28  }
0x62c: {  	(erf) = vrcp.f32 v30;
	v23 =	vld.idx.msk [tilespmem:v46+s12+$0x0], $0xffff  }
0x62d: {  	(erf) = vrcp.f32 v31;
	_ =	sdelay $0x1  }
0x62e: {  	v28 =	vcvt.s32.f32 v44  }
0x62f: {  	vm1 =	vmmov vm12;
	vm12 =	vgt.s32 v29, v3;
	v30 =	vpop (erf)  }
0x630: {  	(erf) = vrcp.f32 v28;
	v28 =	vcvt.s32.f32 v29;
	v31 =	vpop (erf);
	(xrf1) =	vunique.msk.u32 vm12, v23  }
0x631: {  	v49 =	vpop (erf)  }
0x632: {  	v52 =	vpop (erf)  }
0x633: {  	v53 =	vpop (erf)  }
0x634: {  	v50 =	vadd.f32 v28, v22;
	v28 =	vpop (erf)  }
0x635: {  	vm3 =	vgt.s32 v36, $0x1;
	v55 =	vpop (erf)  }
0x636: {  	vm8 =	vgt.s32 v39, $0x1;
	vm4 =	vgt.s32 v41, $0x1;
	v36 =	vadd.f32 $0.0e+00, v55  }
0x637: {  	vm4 =	vmand vm6, vm4;
	vm8 =	vmand vm7, vm8  }
0x638: {  	vm5 =	vgt.s32 v38, $0x1;
	v28 =	vnsel vm8, $0x0, v28;
	v36 =	vnsel vm4, $0x0, v36  }
0x639: {  	vm4 =	vmand vm10, vm5;
	v28 =	vadd.f32 v28, v36  }
0x63a: {  	vm11 =	vgt.s32 v44, $0x1;
	v33 =	vnsel vm4, $0x0, v53  }
0x63b: {  	v62 =	vld [tilespmem:$0x1FC80];
	vm0 =	vmand vm0, vm11;
	v56 =	vpop (erf);
	v58 =	vadd.f32 v33, v28  }
0x63c: {  	v59 =	vnsel vm0, $0x0, v56  }
0x63d: {  	vm3 =	vmand vm9, vm3;
	v63 =	vld [tilespmem:$0x1FC90];
	v33 =	vadd.f32 v59, v58  }
0x63e: {  	vm2 =	vgt.s32 v37, $0x1;
	v32 =	vnsel vm3, $0x0, v49;
	_, v28, vm11 =	vpop (xrf1)  }
0x63f: {  	vm14 =	vgt.s32 v35, $0x1;
	vm2 =	vmand vm1, vm2;
	v32 =	vadd.f32 v32, v33  }
0x640: {  	v61 =	vor.u32 v19, v27;
	v60 =	vnsel vm2, $0x0, v52;
	vm5 =	vnez.u8 v62  }
0x641: {  	vm6 =	vmand vm5, vm14;
	v32 =	vadd.f32 v60, v32  }
0x642: {  	v48 =	vld [tilespmem:$0x1FD20];
	vm7 =	vnez.u8 v63;
	v31 =	vnsel vm6, $0x0, v31  }
0x643: {  	v57 =	vld [tilespmem:$0x1FC70];
	vm0 =	vmand vm15, vm7;
	v31 =	vadd.f32 v31, v32  }
0x644: {  	v30 =	vnsel vm0, $0x0, v30;
	[tilespmem:v23+s14+$0x0] =	vst.idx.add.s32.msk vm11, v28  }
0x645: {  	p0 =	sne.s32 s18, $0xF;
	v31 =	vadd.f32 v30, v31;
	v30 =	vld.idx.msk [tilespmem:v61+s12+$0x0], $0xffff  }
.Ltmp6:
0x646: {  	_ = 	snop;
	(pc) =	sbr.rel @p0 .LBB2_14-.Ltmp6, $4  }
0x647: {  	vm9 =	vnez.u8 v48;
	vm13 =	vgt.s32 v29, $0x0  }
0x648: {  	vm13 =	vmand vm9, vm13;
	vm9 =	vmmov vm12;
	v54 =	vadd.f32 $9.999999820e-14, v50  }
0x649: {  	v51 =	vsel vm13, $0x3F800000, v9;
	vm13 =	veq.s32 v40, v3;
	vm12 =	vgt.s32 v29, v6;
	(xrf2) =	vadd.scan.msk.f32 $0xffff, v31  }
0x64a: {  	s18 =	sadd.s32 $0x1, s18;
	v25 =	vsel vm13, v51, v25;
	(erf) = vrcp.f32 v26;
	v26 =	vmovc v54;
	vm10 =	vnez.u8 v57;
	(xrf1) =	vunique.msk.u32 vm12, v30  }
0x64b: {  	_ =	sdelay $0xc  }
0x64c: {  	_, v31, vm0 =	vpop (xrf1);
	_ =	sdelay $0x1  }
0x64d: {  	v32 =	vor.u32 v20, v27;
	_ =	sdelay $0x3  }
0x64e: {  	[tilespmem:v30+s14+$0x0] =	vst.idx.add.s32.msk vm0, v31  }
0x64f: {  	v32 =	vld.idx.msk [tilespmem:v32+s12+$0x0], $0xffff;
	_ =	sdelay $0x3  }
0x650: {  	vm1 =	vgt.s32 v29, v7  }
0x651: {  	(xrf1) =	vunique.msk.u32 vm1, v32;
	_ =	sdelay $0xd  }
0x652: {  	_, v33, vm14 =	vpop (xrf1);
	_ =	sdelay $0x1  }
0x653: {  	v27 =	vor.u32 v21, v27;
	_ =	sdelay $0x3  }
0x654: {  	[tilespmem:v32+s14+$0x0] =	vst.idx.add.s32.msk vm14, v33  }
0x655: {  	v27 =	vld.idx.msk [tilespmem:v27+s12+$0x0], $0xffff;
	_ =	sdelay $0x3  }
0x656: {  	vm2 =	vgt.s32 v29, v8  }
0x657: {  	(xrf1) =	vunique.msk.u32 vm2, v27;
	_ =	sdelay $0xd  }
0x658: {  	v38 =	vld [tilespmem:$0x1FD00];
	_, v29, vm15 =	vpop (xrf1)  }
0x659: {  	v39 =	vld [tilespmem:$0x1FCF0]  }
0x65a: {  	v41 =	vld [tilespmem:$0x1FCE0];
	_ =	sdelay $0x2  }
0x65b: {  	v58 =	vld [tilespmem:$0x1FD10];
	vm7 =	vnez.u8 v38  }
0x65c: {  	vm6 =	vnez.u8 v39;
	[tilespmem:v27+s14+$0x0] =	vst.idx.add.s32.msk vm15, v29  }
0x65d: {  	vm5 =	vnez.u8 v41;
	v34 =	vld.idx.msk [tilespmem:v27+s14+$0x0], vm2  }
0x65e: {  	v35 =	vld.idx.msk [tilespmem:v32+s14+$0x0], vm1  }
0x65f: {  	v36 =	vld.idx.msk [tilespmem:v23+s14+$0x0], vm9  }
0x660: {  	v37 =	vld.idx.msk [tilespmem:v30+s14+$0x0], vm12  }
0x661: {  	v38 =	vld.idx.msk [tilespmem:v13+s14+$0x0], vm7  }
0x662: {  	v39 =	vld.idx.msk [tilespmem:v11+s14+$0x0], vm6;
	v40 =	vcvt.s32.f32 v34  }
0x663: {  	vm8 =	vnez.u8 v58;
	v41 =	vld.idx.msk [tilespmem:v10+s14+$0x0], vm5;
	v42 =	vcvt.s32.f32 v35  }
0x664: {  	v43 =	vcvt.s32.f32 v36;
	(erf) = vrcp.f32 v40  }
0x665: {  	v54 =	vcvt.s32.f32 v37;
	(erf) = vrcp.f32 v42  }
0x666: {  	v55 =	vcvt.s32.f32 v38;
	(erf) = vrcp.f32 v43  }
0x667: {  	v56 =	vcvt.s32.f32 v39;
	(erf) = vrcp.f32 v54  }
0x668: {  	v57 =	vcvt.s32.f32 v41;
	(erf) = vrcp.f32 v55  }
0x669: {  	v42 =	vld.idx.msk [tilespmem:v15+s14+$0x0], vm8;
	(erf) = vrcp.f32 v56  }
0x66a: {  	(erf) = vrcp.f32 v57;
	_ =	sdelay $0x1  }
0x66b: {  	v59 =	vpop (erf)  }
0x66c: {  	v60 =	vpop (erf)  }
0x66d: {  	v44 =	vcvt.s32.f32 v42;
	v45 =	vpop (erf)  }
0x66e: {  	v46 =	vpop (erf)  }
0x66f: {  	(erf) = vrcp.f32 v44;
	v61 =	vpop (erf)  }
0x670: {  	v47 =	vpop (erf)  }
0x671: {  	v48 =	vpop (erf)  }
0x672: {  	v49 =	vpop (erf)  }
0x673: {  	vm3 =	vgt.s32 v39, $0x1;
	vm4 =	vgt.s32 v41, $0x1;
	v62 =	vadd.f32 $0.0e+00, v49  }
0x674: {  	vm4 =	vmand vm5, vm4;
	vm3 =	vmand vm6, vm3  }
0x675: {  	v63 =	vnsel vm3, $0x0, v48;
	vm3 =	vgt.s32 v38, $0x1;
	v39 =	vnsel vm4, $0x0, v62  }
0x676: {  	vm3 =	vmand vm7, vm3;
	v48 =	vadd.f32 v63, v39  }
0x677: {  	v49 =	vnsel vm3, $0x0, v47;
	vm3 =	vgt.s32 v42, $0x1  }
0x678: {  	vm3 =	vmand vm8, vm3;
	v50 =	vpop (erf);
	v38 =	vadd.f32 v49, v48  }
0x679: {  	v51 =	vnsel vm3, $0x0, v50;
	vm3 =	vgt.s32 v36, $0x1  }
0x67a: {  	vm3 =	vmand vm9, vm3;
	v52 =	vadd.f32 v51, v38  }
0x67b: {  	v53 =	vnsel vm3, $0x0, v46;
	vm3 =	vgt.s32 v37, $0x1  }
0x67c: {  	vm3 =	vmand vm12, vm3;
	v36 =	vadd.f32 v53, v52  }
0x67d: {  	v54 =	vnsel vm3, $0x0, v61;
	vm3 =	vgt.s32 v35, $0x1  }
0x67e: {  	vm1 =	vmand vm1, vm3;
	v55 =	vadd.f32 v54, v36  }
0x67f: {  	v56 =	vnsel vm1, $0x0, v45;
	vm1 =	vgt.s32 v34, $0x1  }
0x680: {  	vm1 =	vmand vm2, vm1;
	v57 =	vadd.f32 v56, v55  }
0x681: {  	v58 =	vnsel vm1, $0x0, v60  }
0x682: {  	v34 =	vadd.f32 v58, v57;
	_ =	sdelay $0x1  }
0x683: {  	(xrf2) =	vadd.scan.msk.f32 $0xffff, v34;
	_ =	sdelay $0x2  }
0x684: {  	(erf) = vrcp.f32 v26;
	_ =	sdelay $0x2  }
0x685: {  	v26, _, _ =	vpop (xrf2)  }
0x686: {  	v26 =	vbroadcast v26, $0xF;
	_ =	sdelay $0x1  }
0x687: {  	v26 =	vmul.f32 v26, v59  }
0x688: {  	v34, _, _ =	vpop (xrf2)  }
0x689: {  	s18 =	simm.s32 $0x10;
	v24 =	vsel vm10, v26, v24;
	v26 =	vsub.s32 $0x0, v28;
	v28 =	vbroadcast v34, $0xF  }
0x68a: {  	v31 =	vsub.s32 $0x0, v31;
	v33 =	vsub.s32 $0x0, v33;
	[tilespmem:v23+s14+$0x0] =	vst.idx.add.s32.msk vm11, v26;
	v26 =	vmov s18;
	v23 =	vpop (erf)  }
0x68b: {  	[tilespmem:v30+s14+$0x0] =	vst.idx.add.s32.msk vm0, v31;
	v23 =	vmul.f32 v28, v23;
	v28 =	vor.u32 $0x180, v26;
	v26 =	vshll.u32 v26, $0x7  }
0x68c: {  	v29 =	vsub.s32 $0x0, v29;
	[tilespmem:v32+s14+$0x0] =	vst.idx.add.s32.msk vm14, v33;
	v30 =	vor.u32 v18, v26  }
0x68d: {  	vm0 =	vmmov vm13;
	[tilespmem:v27+s14+$0x0] =	vst.idx.add.s32.msk vm15, v29  }
0x68e: {  	[tilespmem:$0x4A00] =	vst v25;
	v23 =	vsel vm0, v23, v24  }
0x68f: {  	[tilespmem:$0x4800] =	vst v23  }
0x690: {  	v25 =	vld.idx.msk [tilespmem:v28+s13+$0x0], $0xffff  }
0x691: {  	v23 =	vld.idx.msk [tilespmem:v30+s12+$0x0], $0xffff;
	_ =	sdelay $0x3  }
0x692: {  	vm11 =	vgt.s32 v25, v3  }
0x693: {  	(xrf1) =	vunique.msk.u32 vm11, v23;
	_ =	sdelay $0xd  }
0x694: {  	_, v24, vm2 =	vpop (xrf1);
	_ =	sdelay $0x1  }
0x695: {  	v27 =	vor.u32 v19, v26;
	_ =	sdelay $0x3  }
0x696: {  	[tilespmem:v23+s14+$0x0] =	vst.idx.add.s32.msk vm2, v24  }
0x697: {  	v28 =	vld.idx.msk [tilespmem:v27+s12+$0x0], $0xffff;
	_ =	sdelay $0x3  }
0x698: {  	vm13 =	vgt.s32 v25, v6  }
0x699: {  	(xrf1) =	vunique.msk.u32 vm13, v28;
	_ =	sdelay $0xd  }
0x69a: {  	_, v29, vm1 =	vpop (xrf1);
	_ =	sdelay $0x1  }
0x69b: {  	v27 =	vor.u32 v20, v26;
	_ =	sdelay $0x3  }
0x69c: {  	[tilespmem:v28+s14+$0x0] =	vst.idx.add.s32.msk vm1, v29  }
0x69d: {  	v30 =	vld.idx.msk [tilespmem:v27+s12+$0x0], $0xffff;
	_ =	sdelay $0x3  }
0x69e: {  	vm10 =	vgt.s32 v25, v7  }
0x69f: {  	(xrf1) =	vunique.msk.u32 vm10, v30;
	_ =	sdelay $0xd  }
0x6a0: {  	_, v31, vm3 =	vpop (xrf1);
	_ =	sdelay $0x1  }
0x6a1: {  	v26 =	vor.u32 v21, v26;
	_ =	sdelay $0x3  }
0x6a2: {  	[tilespmem:v30+s14+$0x0] =	vst.idx.add.s32.msk vm3, v31  }
0x6a3: {  	v26 =	vld.idx.msk [tilespmem:v26+s12+$0x0], $0xffff;
	_ =	sdelay $0x3  }
0x6a4: {  	vm0 =	vgt.s32 v25, v8  }
0x6a5: {  	(xrf1) =	vunique.msk.u32 vm0, v26;
	_ =	sdelay $0xd  }
0x6a6: {  	_, v59, vm4 =	vpop (xrf1);
	_ =	sdelay $0x5  }
0x6a7: {  	[tilespmem:v26+s14+$0x0] =	vst.idx.add.s32.msk vm4, v59  }
0x6a8: {  	v33 =	vld.idx.msk [tilespmem:v30+s14+$0x0], vm10  }
0x6a9: {  	v60 =	vld.idx.msk [tilespmem:v28+s14+$0x0], vm13  }
0x6aa: {  	v35 =	vld.idx.msk [tilespmem:v26+s14+$0x0], vm0  }
0x6ab: {  	v61 =	vld.idx.msk [tilespmem:v13+s14+$0x0], vm7  }
0x6ac: {  	v62 =	vld.idx.msk [tilespmem:v23+s14+$0x0], vm11  }
0x6ad: {  	s29 =	simm.s32 $0x11;
	v63 =	vld.idx.msk [tilespmem:v11+s14+$0x0], vm6  }
0x6ae: {  	v27 =	vmov s29;
	v45 =	vld.idx.msk [tilespmem:v15+s14+$0x0], vm8  }
0x6af: {  	v24 =	vsub.s32 $0x0, v24;
	v47 =	vor.u32 $0x180, v27;
	v48 =	vld.idx.msk [tilespmem:v10+s14+$0x0], vm5;
	v46 =	vcvt.s32.f32 v33  }
0x6b0: {  	v27 =	vshll.u32 v27, $0x7;
	[tilespmem:v23+s14+$0x0] =	vst.idx.add.s32.msk vm2, v24;
	v23 =	vsub.s32 $0x0, v29;
	v24 =	vcvt.s32.f32 v60  }
0x6b1: {  	v29 =	vsub.s32 $0x0, v31;
	v31 =	vcvt.s32.f32 v35;
	(erf) = vrcp.f32 v46  }
0x6b2: {  	v49 =	vor.u32 v18, v27;
	[tilespmem:v28+s14+$0x0] =	vst.idx.add.s32.msk vm1, v23;
	v23 =	vcvt.s32.f32 v61;
	(erf) = vrcp.f32 v24  }
0x6b3: {  	[tilespmem:v30+s14+$0x0] =	vst.idx.add.s32.msk vm3, v29;
	v28 =	vcvt.s32.f32 v62;
	v24 =	vsub.s32 $0x0, v59;
	(erf) = vrcp.f32 v31  }
0x6b4: {  	[tilespmem:v26+s14+$0x0] =	vst.idx.add.s32.msk vm4, v24;
	v24 =	vcvt.s32.f32 v63;
	(erf) = vrcp.f32 v23  }
0x6b5: {  	v26 =	vcvt.s32.f32 v45;
	(erf) = vrcp.f32 v28  }
0x6b6: {  	v29 =	vld.idx.msk [tilespmem:v47+s13+$0x0], $0xffff;
	v28 =	vcvt.s32.f32 v48;
	(erf) = vrcp.f32 v24  }
0x6b7: {  	v23 =	vld.idx.msk [tilespmem:v49+s12+$0x0], $0xffff;
	(erf) = vrcp.f32 v26  }
0x6b8: {  	(erf) = vrcp.f32 v28;
	_ =	sdelay $0x1  }
0x6b9: {  	v26 =	vpop (erf)  }
0x6ba: {  	vm4 =	vgt.s32 v29, v3;
	v30 =	vpop (erf)  }
0x6bb: {  	(xrf1) =	vunique.msk.u32 vm4, v23;
	v31 =	vpop (erf)  }
0x6bc: {  	v24 =	vpop (erf)  }
0x6bd: {  	v50 =	vpop (erf)  }
0x6be: {  	v28 =	vpop (erf)  }
0x6bf: {  	v51 =	vpop (erf)  }
0x6c0: {  	v52 =	vpop (erf)  }
0x6c1: {  	v55 =	vld [tilespmem:$0x1FD20];
	vm1 =	vgt.s32 v63, $0x1;
	vm2 =	vgt.s32 v48, $0x1;
	v53 =	vadd.f32 $0.0e+00, v52  }
0x6c2: {  	vm2 =	vmand vm5, vm2;
	vm1 =	vmand vm6, vm1  }
0x6c3: {  	v28 =	vnsel vm1, $0x0, v28;
	v54 =	vnsel vm2, $0x0, v53  }
0x6c4: {  	v28 =	vadd.f32 v28, v54  }
0x6c5: {  	vm1 =	vgt.s32 v61, $0x1  }
0x6c6: {  	vm3 =	vnez.u8 v55;
	vm1 =	vmand vm7, vm1  }
0x6c7: {  	v24 =	vnsel vm1, $0x0, v24;
	vm1 =	vgt.s32 v45, $0x1;
	vm2 =	vgt.s32 v25, $0x0  }
0x6c8: {  	vm1 =	vmand vm8, vm1;
	vm2 =	vmand vm3, vm2;
	v24 =	vadd.f32 v24, v28  }
0x6c9: {  	v57 =	vnsel vm1, $0x0, v51;
	v56 =	vsel vm2, $0x3F800000, v9;
	vm2 =	vgt.s32 v62, $0x1;
	_, v28, vm8 =	vpop (xrf1)  }
0x6ca: {  	v25 =	vcvt.s32.f32 v25;
	vm1 =	vmand vm11, vm2;
	v58 =	vadd.f32 v57, v24  }
0x6cb: {  	v59 =	vor.u32 v19, v27;
	vm2 =	vgt.s32 v60, $0x1;
	v32 =	vnsel vm1, $0x0, v50  }
0x6cc: {  	s30 =	simm.s32 $0x0;
	v25 =	vadd.f32 v25, v22;
	vm1 =	vmand vm13, vm2;
	v32 =	vadd.f32 v32, v58  }
0x6cd: {  	v60 =	vmov s30;
	v30 =	vnsel vm1, $0x0, v30;
	vm1 =	vgt.s32 v33, $0x1  }
0x6ce: {  	vm2 =	veq.s32 v60, v3;
	vm1 =	vmand vm10, vm1;
	v30 =	vadd.f32 v30, v32  }
0x6cf: {  	v62 =	vadd.f32 $9.999999820e-14, v25;
	v26 =	vnsel vm1, $0x0, v26;
	vm1 =	vgt.s32 v35, $0x1;
	[tilespmem:v23+s14+$0x0] =	vst.idx.add.s32.msk vm8, v28  }
0x6d0: {  	v25 =	vcvt.s32.f32 v29;
	vm0 =	vmand vm0, vm1;
	v26 =	vadd.f32 v26, v30;
	v30 =	vld.idx.msk [tilespmem:v59+s12+$0x0], $0xffff  }
0x6d1: {  	v24 =	vimm.f32 $0.0e+00;
	vm11 =	vmmov vm2;
	v31 =	vnsel vm0, $0x0, v31  }
0x6d2: {  	s31 =	simm.s32 $0x1;
	v61 =	vsel vm2, v56, v24;
	vm0 =	vgt.s32 v29, $0x0;
	v26 =	vadd.f32 v31, v26  }
0x6d3: {  	v63 =	vadd.f32 v25, v22;
	vm0 =	vmand vm3, vm0;
	v31 =	vmov s31  }
0x6d4: {  	vm3 =	vgt.s32 v29, v6;
	v25 =	vsel vm0, $0x3F800000, v9;
	vm13 =	veq.s32 v31, v3;
	(xrf2) =	vadd.scan.msk.f32 $0xffff, v26  }
0x6d5: {  	s18 =	simm.s32 $0x2;
	(erf) = vrcp.f32 v62;
	v25 =	vsel vm13, v25, v61;
	v26 =	vadd.f32 $9.999999820e-14, v63;
	(xrf1) =	vunique.msk.u32 vm3, v30  }
.LBB2_16:
0x6d6: {  	_ =	sdelay $0x7  }
0x6d7: {  	v31, _, _ =	vpop (xrf2)  }
0x6d8: {  	v31 =	vbroadcast v31, $0xF  }
0x6d9: {  	v32 =	vpop (erf)  }
0x6da: {  	v31 =	vmul.f32 v31, v32;
	_ =	sdelay $0x4  }
0x6db: {  	vm0 =	vmmov vm13;
	v24 =	vsel vm11, v31, v24;
	_, v31, vm13 =	vpop (xrf1);
	_ =	sdelay $0x1  }
0x6dc: {  	v45 =	vor.u32 v20, v27;
	_ =	sdelay $0x3  }
0x6dd: {  	[tilespmem:v30+s14+$0x0] =	vst.idx.add.s32.msk vm13, v31  }
0x6de: {  	v32 =	vld.idx.msk [tilespmem:v45+s12+$0x0], $0xffff;
	_ =	sdelay $0x2  }
0x6df: {  	v33 =	vimm.s32 $0x0  }
0x6e0: {  	v44 =	vsel vm0, $0xFFFFFFFF, v33;
	vm0 =	vgt.s32 v29, v7  }
0x6e1: {  	(xrf1) =	vunique.msk.u32 vm0, v32;
	_ =	sdelay $0xd  }
0x6e2: {  	_, v47, vm1 =	vpop (xrf1);
	_ =	sdelay $0x1  }
0x6e3: {  	v27 =	vor.u32 v21, v27;
	_ =	sdelay $0x3  }
0x6e4: {  	[tilespmem:v32+s14+$0x0] =	vst.idx.add.s32.msk vm1, v47  }
0x6e5: {  	v34 =	vld.idx.msk [tilespmem:v27+s12+$0x0], $0xffff;
	_ =	sdelay $0x3  }
0x6e6: {  	vm15 =	vgt.s32 v29, v8  }
0x6e7: {  	(xrf1) =	vunique.msk.u32 vm15, v34;
	_ =	sdelay $0xc  }
0x6e8: {  	v37 =	vld [tilespmem:$0x1FD00]  }
0x6e9: {  	_, v29, vm2 =	vpop (xrf1)  }
0x6ea: {  	v39 =	vld [tilespmem:$0x1FCF0]  }
0x6eb: {  	v41 =	vld [tilespmem:$0x1FD10]  }
0x6ec: {  	v48 =	vld [tilespmem:$0x1FCE0]  }
0x6ed: {  	vm10 =	vnez.u8 v37;
	_ =	sdelay $0x1  }
0x6ee: {  	vm7 =	vnez.u8 v39;
	[tilespmem:v34+s14+$0x0] =	vst.idx.add.s32.msk vm2, v29  }
0x6ef: {  	vm9 =	vnez.u8 v41;
	v27 =	vld.idx.msk [tilespmem:v32+s14+$0x0], vm0  }
0x6f0: {  	vm6 =	vnez.u8 v48;
	v35 =	vld.idx.msk [tilespmem:v30+s14+$0x0], vm3  }
0x6f1: {  	s19 =	smov.u32 s18;
	v36 =	vld.idx.msk [tilespmem:v34+s14+$0x0], vm15  }
0x6f2: {  	v46 =	vimm.s32 $0x0;
	s20 =	sadd.s32 $0x10, s19;
	v37 =	vld.idx.msk [tilespmem:v13+s14+$0x0], vm10  }
0x6f3: {  	v28 =	vsub.s32 $0x0, v28;
	v33 =	vsel vm0, $0xFFFFFFFF, v46;
	v40 =	vmov s20;
	v38 =	vld.idx.msk [tilespmem:v23+s14+$0x0], vm4  }
0x6f4: {  	[tilespmem:$0x1FC40] =	vst v44;
	v39 =	vld.idx.msk [tilespmem:v11+s14+$0x0], vm7;
	v42 =	vcvt.s32.f32 v27;
	vm0 =	vgt.s32 v27, $0x1;
	v27 =	vimm.s32 $0x0  }
0x6f5: {  	[tilespmem:$0x1FC50] =	vst v33;
	v43 =	vor.u32 $0x180, v40;
	v41 =	vld.idx.msk [tilespmem:v15+s14+$0x0], vm9;
	v44 =	vcvt.s32.f32 v35;
	v27 =	vsel vm0, $0xFFFFFFFF, v27  }
0x6f6: {  	v46 =	vcvt.s32.f32 v36;
	[tilespmem:$0x1FC60] =	vst v27;
	v27 =	vshll.u32 v40, $0x7;
	v40 =	vld.idx.msk [tilespmem:v10+s14+$0x0], vm6;
	(erf) = vrcp.f32 v42  }
0x6f7: {  	v31 =	vsub.s32 $0x0, v31;
	[tilespmem:v23+s14+$0x0] =	vst.idx.add.s32.msk vm8, v28;
	v23 =	vcvt.s32.f32 v37;
	(erf) = vrcp.f32 v44  }
0x6f8: {  	v33 =	vsub.s32 $0x0, v47;
	v28 =	vcvt.s32.f32 v38;
	[tilespmem:v30+s14+$0x0] =	vst.idx.add.s32.msk vm13, v31;
	(erf) = vrcp.f32 v46  }
0x6f9: {  	v29 =	vsub.s32 $0x0, v29;
	v30 =	vcvt.s32.f32 v39;
	[tilespmem:v32+s14+$0x0] =	vst.idx.add.s32.msk vm1, v33;
	(erf) = vrcp.f32 v23  }
0x6fa: {  	v31 =	vcvt.s32.f32 v41;
	[tilespmem:v34+s14+$0x0] =	vst.idx.add.s32.msk vm2, v29;
	(erf) = vrcp.f32 v28  }
0x6fb: {  	v45 =	vor.u32 v18, v27;
	v29 =	vld.idx.msk [tilespmem:v43+s13+$0x0], $0xffff;
	v28 =	vcvt.s32.f32 v40;
	(erf) = vrcp.f32 v30  }
0x6fc: {  	(erf) = vrcp.f32 v31  }
0x6fd: {  	(erf) = vrcp.f32 v28;
	_ =	sdelay $0x1  }
0x6fe: {  	v30 =	vpop (erf)  }
0x6ff: {  	v23 =	vld.idx.msk [tilespmem:v45+s12+$0x0], $0xffff;
	v28 =	vcvt.s32.f32 v29;
	v31 =	vpop (erf)  }
0x700: {  	v51 =	vpop (erf)  }
0x701: {  	v54 =	vpop (erf)  }
0x702: {  	vm1 =	vgt.s32 v38, $0x1;
	v55 =	vpop (erf)  }
0x703: {  	vm11 =	vmand vm4, vm1;
	vm4 =	vgt.s32 v29, v3;
	v52 =	vadd.f32 v28, v22;
	v28 =	vpop (erf)  }
0x704: {  	(xrf1) =	vunique.msk.u32 vm4, v23;
	v57 =	vpop (erf)  }
0x705: {  	vm14 =	vgt.s32 v37, $0x1;
	v58 =	vpop (erf)  }
0x706: {  	vm8 =	vgt.s32 v39, $0x1;
	vm5 =	vgt.s32 v40, $0x1;
	v37 =	vadd.f32 $0.0e+00, v58  }
0x707: {  	vm8 =	vmand vm7, vm8;
	vm5 =	vmand vm6, vm5  }
0x708: {  	v28 =	vnsel vm8, $0x0, v28;
	v37 =	vnsel vm5, $0x0, v37  }
0x709: {  	vm5 =	vmand vm10, vm14;
	v28 =	vadd.f32 v28, v37  }
0x70a: {  	vm12 =	vmmov vm3;
	vm3 =	vgt.s32 v41, $0x1;
	v32 =	vnsel vm5, $0x0, v54  }
0x70b: {  	vm3 =	vmand vm9, vm3;
	v28 =	vadd.f32 v32, v28  }
0x70c: {  	v59 =	vnsel vm3, $0x0, v57  }
0x70d: {  	v32 =	vadd.f32 v59, v28;
	v28 =	vld [tilespmem:$0x1FC40]  }
0x70e: {  	v49 =	vld [tilespmem:$0x1FD20];
	_ =	sdelay $0x1  }
0x70f: {  	v61 =	vld [tilespmem:$0x1FC50]  }
0x710: {  	v62 =	vld [tilespmem:$0x1FC60]  }
0x711: {  	v34 =	vnsel vm11, $0x0, v55;
	vm11 =	vnez.u8 v28;
	_, v28, vm8 =	vpop (xrf1)  }
0x712: {  	vm0 =	vnez.u8 v49  }
0x713: {  	v60 =	vor.u32 v19, v27;
	vm2 =	vgt.s32 v35, $0x1;
	vm13 =	vgt.s32 v29, $0x0  }
0x714: {  	vm2 =	vmand vm12, vm2;
	vm13 =	vmand vm0, vm13;
	v32 =	vadd.f32 v34, v32  }
0x715: {  	vm0 =	vnez.u8 v61;
	v31 =	vnsel vm2, $0x0, v31;
	vm2 =	vnez.u8 v62  }
0x716: {  	vm0 =	vmand vm0, vm2;
	v31 =	vadd.f32 v31, v32  }
0x717: {  	vm1 =	vgt.s32 v36, $0x1;
	v30 =	vnsel vm0, $0x0, v30;
	[tilespmem:v23+s14+$0x0] =	vst.idx.add.s32.msk vm8, v28  }
0x718: {  	p0 =	sne.s32 s18, $0xF;
	vm0 =	vmand vm15, vm1;
	v31 =	vadd.f32 v30, v31;
	v30 =	vld.idx.msk [tilespmem:v60+s12+$0x0], $0xffff  }
.Ltmp7:
0x719: {  	v63 =	vnsel vm0, $0x0, v51;
	(pc) =	sbr.rel @p0 .LBB2_16-.Ltmp7, $4  }
0x71a: {  	v31 =	vadd.f32 v63, v31  }
0x71b: {  	v50 =	vmov s19;
	v56 =	vadd.f32 $9.999999820e-14, v52  }
0x71c: {  	v53 =	vsel vm13, $0x3F800000, v9;
	vm13 =	veq.s32 v50, v3;
	vm3 =	vgt.s32 v29, v6;
	(xrf2) =	vadd.scan.msk.f32 $0xffff, v31  }
0x71d: {  	s18 =	sadd.s32 $0x1, s18;
	v25 =	vsel vm13, v53, v25;
	(erf) = vrcp.f32 v26;
	v26 =	vmovc v56;
	(xrf1) =	vunique.msk.u32 vm3, v30  }
0x71e: {  	_ =	sdelay $0xc  }
0x71f: {  	_, v18, vm0 =	vpop (xrf1);
	_ =	sdelay $0x1  }
0x720: {  	v19 =	vor.u32 v20, v27;
	_ =	sdelay $0x3  }
0x721: {  	[tilespmem:v30+s14+$0x0] =	vst.idx.add.s32.msk vm0, v18  }
0x722: {  	v19 =	vld.idx.msk [tilespmem:v19+s12+$0x0], $0xffff;
	_ =	sdelay $0x3  }
0x723: {  	vm1 =	vgt.s32 v29, v7  }
0x724: {  	(xrf1) =	vunique.msk.u32 vm1, v19;
	_ =	sdelay $0xd  }
0x725: {  	_, v20, vm12 =	vpop (xrf1);
	_ =	sdelay $0x1  }
0x726: {  	v21 =	vor.u32 v21, v27;
	_ =	sdelay $0x3  }
0x727: {  	[tilespmem:v19+s14+$0x0] =	vst.idx.add.s32.msk vm12, v20  }
0x728: {  	v21 =	vld.idx.msk [tilespmem:v21+s12+$0x0], $0xffff;
	_ =	sdelay $0x3  }
0x729: {  	vm2 =	vgt.s32 v29, v8  }
0x72a: {  	(xrf1) =	vunique.msk.u32 vm2, v21;
	_ =	sdelay $0xc  }
0x72b: {  	v32 =	vld [tilespmem:$0x1FD00]  }
0x72c: {  	_, v22, vm14 =	vpop (xrf1)  }
0x72d: {  	v34 =	vld [tilespmem:$0x1FCF0]  }
0x72e: {  	v36 =	vld [tilespmem:$0x1FD10]  }
0x72f: {  	v38 =	vld [tilespmem:$0x1FCE0]  }
0x730: {  	vm7 =	vnez.u8 v32;
	_ =	sdelay $0x1  }
0x731: {  	vm6 =	vnez.u8 v34;
	[tilespmem:v21+s14+$0x0] =	vst.idx.add.s32.msk vm14, v22  }
0x732: {  	vm9 =	vnez.u8 v36;
	v54 =	vld.idx.msk [tilespmem:v19+s14+$0x0], vm1  }
0x733: {  	vm5 =	vnez.u8 v38;
	v55 =	vld.idx.msk [tilespmem:v30+s14+$0x0], vm3  }
0x734: {  	v31 =	vld.idx.msk [tilespmem:v21+s14+$0x0], vm2  }
0x735: {  	v32 =	vld.idx.msk [tilespmem:v13+s14+$0x0], vm7  }
0x736: {  	v33 =	vld.idx.msk [tilespmem:v23+s14+$0x0], vm4  }
0x737: {  	v34 =	vld.idx.msk [tilespmem:v11+s14+$0x0], vm6;
	v35 =	vcvt.s32.f32 v54  }
0x738: {  	v36 =	vld.idx.msk [tilespmem:v15+s14+$0x0], vm9;
	v37 =	vcvt.s32.f32 v55  }
0x739: {  	v38 =	vld.idx.msk [tilespmem:v10+s14+$0x0], vm5;
	v39 =	vcvt.s32.f32 v31;
	(erf) = vrcp.f32 v35  }
0x73a: {  	v56 =	vcvt.s32.f32 v32;
	(erf) = vrcp.f32 v37  }
0x73b: {  	v57 =	vcvt.s32.f32 v33;
	(erf) = vrcp.f32 v39  }
0x73c: {  	v58 =	vcvt.s32.f32 v34;
	(erf) = vrcp.f32 v56  }
0x73d: {  	v59 =	vcvt.s32.f32 v36;
	(erf) = vrcp.f32 v57  }
0x73e: {  	v60 =	vcvt.s32.f32 v38;
	(erf) = vrcp.f32 v58  }
0x73f: {  	(erf) = vrcp.f32 v59  }
0x740: {  	(erf) = vrcp.f32 v60  }
0x741: {  	v61 =	vpop (erf)  }
0x742: {  	v62 =	vpop (erf)  }
0x743: {  	v63 =	vpop (erf)  }
0x744: {  	v40 =	vpop (erf)  }
0x745: {  	v41 =	vpop (erf)  }
0x746: {  	v42 =	vpop (erf)  }
0x747: {  	v43 =	vpop (erf)  }
0x748: {  	v44 =	vpop (erf)  }
0x749: {  	vm15 =	vmmov vm3;
	vm10 =	vmmov vm4;
	v45 =	vpop (erf)  }
0x74a: {  	vm3 =	vgt.s32 v34, $0x1;
	vm4 =	vgt.s32 v38, $0x1;
	v45 =	vadd.f32 $0.0e+00, v45  }
0x74b: {  	vm4 =	vmand vm5, vm4;
	vm3 =	vmand vm6, vm3  }
0x74c: {  	vm6 =	vgt.s32 v32, $0x1;
	v43 =	vnsel vm3, $0x0, v43;
	v45 =	vnsel vm4, $0x0, v45  }
0x74d: {  	vm3 =	vmand vm7, vm6;
	v46 =	vadd.f32 v43, v45  }
0x74e: {  	vm7 =	vgt.s32 v36, $0x1;
	v47 =	vnsel vm3, $0x0, v41  }
0x74f: {  	vm3 =	vmand vm9, vm7;
	v32 =	vadd.f32 v47, v46  }
0x750: {  	vm6 =	vgt.s32 v33, $0x1;
	v48 =	vnsel vm3, $0x0, v44  }
0x751: {  	vm3 =	vmand vm10, vm6;
	v32 =	vadd.f32 v48, v32  }
0x752: {  	vm7 =	vgt.s32 v55, $0x1;
	v49 =	vnsel vm3, $0x0, v42  }
0x753: {  	vm3 =	vmand vm15, vm7;
	v50 =	vadd.f32 v49, v32  }
0x754: {  	vm9 =	vgt.s32 v54, $0x1;
	v51 =	vnsel vm3, $0x0, v63  }
0x755: {  	vm1 =	vmand vm1, vm9;
	v52 =	vadd.f32 v51, v50  }
0x756: {  	vm10 =	vgt.s32 v31, $0x1;
	v53 =	vnsel vm1, $0x0, v62  }
0x757: {  	vm1 =	vmand vm2, vm10;
	v27 =	vadd.f32 v53, v52  }
0x758: {  	v54 =	vnsel vm1, $0x0, v40  }
0x759: {  	v27 =	vadd.f32 v54, v27;
	_ =	sdelay $0x1  }
0x75a: {  	(xrf2) =	vadd.scan.msk.f32 $0xffff, v27;
	_ =	sdelay $0x2  }
0x75b: {  	(erf) = vrcp.f32 v26;
	_ =	sdelay $0x2  }
0x75c: {  	v62 =	vld [tilespmem:$0x1FCA0]  }
0x75d: {  	v55, _, _ =	vpop (xrf2);
	v63 =	vld [tilespmem:$0x1FCB0]  }
0x75e: {  	v28 =	vsub.s32 $0x0, v28;
	v26 =	vbroadcast v55, $0xF  }
0x75f: {  	v18 =	vsub.s32 $0x0, v18;
	[tilespmem:v23+s14+$0x0] =	vst.idx.add.s32.msk vm8, v28  }
0x760: {  	[tilespmem:v30+s14+$0x0] =	vst.idx.add.s32.msk vm0, v18;
	v58 =	vsub.s32 $0x0, v20;
	v56 =	vmul.f32 v26, v61;
	v27, _, _ =	vpop (xrf2)  }
0x761: {  	[tilespmem:v19+s14+$0x0] =	vst.idx.add.s32.msk vm12, v58;
	vm12 =	vnez.u8 v62;
	v27 =	vbroadcast v27, $0xF  }
0x762: {  	v57 =	vpop (erf);
	v23 =	vsel vm11, v56, v24;
	vm11 =	vmmov vm13;
	vm13 =	vnez.u8 v63  }
0x763: {  	v60 =	vsub.s32 $0x0, v22;
	v59 =	vmul.f32 v27, v57  }
0x764: {  	[tilespmem:v21+s14+$0x0] =	vst.idx.add.s32.msk vm14, v60  }
0x765: {  	[tilespmem:$0x4A10] =	vst v25;
	v61 =	vsel vm11, v59, v23  }
0x766: {  	v12 =	vsub.s32 $0x0, v12;
	[tilespmem:$0x4810] =	vst v61  }
0x767: {  	[tilespmem:v10+s14+$0x0] =	vst.idx.add.s32.msk vm12, v12;
	v10 =	vsub.s32 $0x0, v14  }
0x768: {  	[tilespmem:v11+s14+$0x0] =	vst.idx.add.s32.msk vm13, v10  }
0x769: {  	v11 =	vld [tilespmem:$0x1FCC0];
	_ =	sdelay $0x4  }
0x76a: {  	vm14 =	vnez.u8 v11;
	v11 =	vld [tilespmem:$0x1FCD0];
	_ =	sdelay $0x4  }
0x76b: {  	vm15 =	vnez.u8 v11;
	_ =	sdelay $0x3  }
0x76c: {  	v10 =	vsub.s32 $0x0, v16  }
0x76d: {  	[tilespmem:v13+s14+$0x0] =	vst.idx.add.s32.msk vm14, v10;
	v10 =	vsub.s32 $0x0, v17  }
0x76e: {  	[tilespmem:v15+s14+$0x0] =	vst.idx.add.s32.msk vm15, v10  }
0x76f: {  	[hbm4b:s7+s3] =	stream.linear.scatter [tilespmem:s15], [sflag:$0x1], $0x200, $0x38;
	[tilespmem:$0x4A80] =	vst v63  }
0x770: {  	s17 =	sadd.s32 $0x1, s17;
	_ =	swait.ge [sflag:s10], $0x200  }
0x771: {  	p0 =	sne.s32 s17, s9;
	[sflag:s10] =	ssyncset.done $0x0  }
.Ltmp8:
0x772: {  	[sflag:s10] =	ssyncadd.s32 $0xFFFFFE00;
	(pc) =	sbr.rel @p0 .LBB2_1-.Ltmp8, $4  }
0x773: {  	[hbm4b:s8+s3] =	stream.linear.scatter [tilespmem:s16], [sflag:$0x1], $0x200, $0x38;
	[tilespmem:$0x4A80] =	vst v63  }
0x774: {  	_ =	swait.ge [sflag:s10], $0x200  }
0x775: {  	[sflag:s10] =	ssyncset.done $0x0  }
0x776: {  	[sflag:s10] =	ssyncadd.s32 $0xFFFFFE00  }
0x777: {  	_ =	sfence.sel $0x180000  }
0x778: {  	[bflag:$0x0] =	sbarrier.arrive $0xFFFF  }
0x779: {  	p0 =	sne.s32 s2, $0x0;
	_ =	strace $0x90000047  }
0x77a: {  	s0 =	sadd.s32 @!p0 $0x100000, s0;
	[bflag:$0x2] =	sbarrier.arrive $0xFFFF  }
0x77b: {  	[sflag:s0] =	ssyncadd.tile.s32 @!p0 $0x1;
	_ =	shalt  }
.Lfunc_end2:
_tile_overlayer_lowered:
.L_overlay_start_2:
0x77c: {  	(tag) =	ssettag $0x2  }
0x77d: {  	s0 =	rddreg [dreg:$0x0];
	s2 =	stileid.u32  }
0x77e: {  	s1 =	rddreg [dreg:$0x1];
	p0 =	sne.s32 s2, $0x0  }
0x77f: {  	s3 =	rddreg [dreg:$0x2];
	[bflag:$0x3] =	sbarrier.arrive $0xFFFF;
	s2 =	simm.s32 @!p0 $0x1C01  }
0x780: {  	[timem:s3], [sflag:s2] =	dma.local @!p0 [hbm:s0], s1  }
0x781: {  	s0 =	simm.s32 @!p0 $0x1  }
0x782: {  	_ =	swait.ge @!p0 [sflag:s0], s1  }
0x783: {  	s1 =	ssub.s32 @!p0 $0x0, s1;
	[sflag:s0] =	ssyncset.done @!p0 $0x0  }
0x784: {  	[sflag:s0] =	ssyncadd.s32 @!p0 s1  }
0x785: {  	[bflag:$0x3] =	sbarrier.arrive $0xFFFF  }
0x786: {  	_ =	shalt  }

</sc_bundles>
